<compile_context>
chip_gen: v7x
topology: tpu7x:2x2x1
jax: 0.10.2.dev20260603
libtpu: 0.0.44.dev20260713+nightly
codegen_flags: <defaults>
</compile_context>

<pallas_src>
import jax
import jax.numpy as jnp
from jax import lax
from jax.experimental import pallas as pl
from jax.experimental.pallas import tpu as pltpu
from jax.experimental.pallas import tpu_sc as plsc

B, V = 128, 100000
L = 16
NVEC = V // L
NB = 4096
CAP = 2048
NCV = CAP // L
INF_W = 12800
SROW = 128
NEG_INF = float("-inf")
XMASK = 0x7FFFFFFF


def _body(logits_hbm, k_hbm, p_hbm, out_hbm,
          row_v, ihist_v, whist_v, ckey_v, cidx_v, kv_v, pv_v,
          inf_v, sval_v, sidx_v, sem_pre, sem_sc):
  lane = lax.iota(jnp.int32, L)

  def spl_i(x):
    return jnp.full((L,), x, jnp.int32)

  def spl_f(x):
    return jnp.full((L,), x, jnp.float32)

  def lane_i(vec, l):
    return jnp.sum(jnp.where(lane == spl_i(l), vec, spl_i(0)))

  def lane_f(vec, l):
    return jnp.sum(jnp.where(lane == spl_i(l), vec, spl_f(0.0)))

  def keyify(v):
    b = plsc.bitcast(v, jnp.int32)
    return jnp.where(b >= spl_i(0), b, b ^ spl_i(XMASK))

  def unkey(kvec):
    b = jnp.where(kvec >= spl_i(0), kvec, kvec ^ spl_i(XMASK))
    return plsc.bitcast(b, jnp.float32)

  def memset_i(ref, nbins):
    @plsc.parallel_loop(0, nbins // L, unroll=8)
    def zb(i):
      ref[pl.ds(i * L, L)] = spl_i(0)

  def memset_f(ref, nbins):
    @plsc.parallel_loop(0, nbins // L, unroll=8)
    def zb(i):
      ref[pl.ds(i * L, L)] = spl_f(0.0)

  def scan_top(hist_ref, start_vec, rank):
    def cond(st):
      return jnp.logical_and(jnp.logical_not(st[2]), st[0] >= 0)

    def step(st):
      j, base, found, binv, rrem = st
      w = hist_ref[pl.ds(j * L, L)]
      rw = lax.rev(w, (0,))
      cum = plsc.cumsum(rw)
      crossed = (spl_i(base) + cum) >= spl_i(rank)
      anyc = jnp.sum(jnp.where(crossed, spl_i(1), spl_i(0))) > 0
      lanec = jnp.min(jnp.where(crossed, lane, spl_i(L)))
      nbin = j * L + (L - 1) - lanec
      nrrem = rank - (base + lane_i(cum, lanec) - lane_i(rw, lanec))
      tot = jnp.max(cum)
      return (j - 1, base + tot, anyc,
              jnp.where(anyc, nbin, binv), jnp.where(anyc, nrrem, rrem))

    st = lax.while_loop(cond, step, (start_vec, jnp.int32(0), False,
                                     jnp.int32(0), jnp.int32(0)))
    return st[3], st[4]

  def scan_bottom(hist_ref, start_vec, end_vec, base0, cvec):
    def cond(st):
      return jnp.logical_and(jnp.logical_not(st[2]), st[0] <= end_vec)

    def step(st):
      j, base, found, binv, wless = st
      w = hist_ref[pl.ds(j * L, L)]
      cum = plsc.cumsum(w)
      crossed = (spl_f(base) + cum) > cvec
      anyc = jnp.sum(jnp.where(crossed, spl_i(1), spl_i(0))) > 0
      lanec = jnp.min(jnp.where(crossed, lane, spl_i(L)))
      nbin = j * L + lanec
      nwless = base + lane_f(cum, lanec) - lane_f(w, lanec)
      tot = jnp.max(cum)
      return (j + 1, base + tot, anyc,
              jnp.where(anyc, nbin, binv), jnp.where(anyc, nwless, wless))

    st = lax.while_loop(cond, step, (start_vec, base0, False,
                                     jnp.int32(0), jnp.float32(0.0)))
    return st[2], st[3], st[4], st[1]

  ncores = 2
  wid = lax.axis_index("s") * ncores + lax.axis_index("c")
  rows_per = B // 32

  pltpu.sync_copy(k_hbm, kv_v)
  pltpu.sync_copy(p_hbm, pv_v)

  @plsc.parallel_loop(0, INF_W // L, unroll=8)
  def inf_fill(i):
    inf_v[pl.ds(i * L, L)] = spl_f(NEG_INF)

  def process_row(t, carry):
    r = wid * rows_per + t

    out_row = out_hbm.at[r]

    pltpu.sync_copy(logits_hbm.at[r], row_v)

    kvec = kv_v[pl.ds((r // L) * L, L)]
    pvec = pv_v[pl.ds((r // L) * L, L)]
    k_row = lane_i(kvec, r % L)
    p_row = lane_f(pvec, r % L)

    memset_i(ihist_v, NB)

    @plsc.parallel_loop(0, NVEC, unroll=12, carry=spl_i(-2147483647 - 1))
    def hist_body(i, gmax):
      key = keyify(row_v[pl.ds(i * L, L)])
      bkt = jnp.right_shift(key, 20) + spl_i(2048)
      cnt, last = plsc.scan_count(bkt)
      plsc.addupdate_scatter(ihist_v, [bkt], cnt, mask=last)
      return jnp.maximum(gmax, key)

    gmax_key = jnp.max(hist_body)
    gmax_bkt = jnp.right_shift(gmax_key, 20) + jnp.int32(2048)

    bstar, r1 = scan_top(ihist_v, gmax_bkt // L, k_row)
    pkey = lax.shift_left(bstar - jnp.int32(2048), jnp.int32(20))

    @plsc.parallel_loop(0, NVEC, unroll=8, carry=spl_i(0))
    def gath_body(i, offv):
      key = keyify(row_v[pl.ds(i * L, L)])
      m = key >= spl_i(pkey)
      mi = jnp.where(m, spl_i(1), spl_i(0))
      incl = plsc.cumsum(mi)
      tgt = offv + incl - mi
      m2 = jnp.logical_and(m, tgt < spl_i(CAP))
      plsc.store_scatter(ckey_v, [tgt], key, mask=m2)
      plsc.store_scatter(cidx_v, [tgt], spl_i(i * L) + lane, mask=m2)
      return offv + plsc.all_reduce_population_count(m)

    n = jnp.minimum(jnp.max(gath_body), jnp.int32(CAP))

    def valid_of(j):
      return (spl_i(j * L) + lane) < spl_i(n)

    memset_i(ihist_v, NB)

    @plsc.parallel_loop(0, NCV, unroll=4, carry=spl_i(0))
    def l2_body(j, maxs2):
      key = ckey_v[pl.ds(j * L, L)]
      inb = jnp.logical_and(
          valid_of(j), (jnp.right_shift(key, 20) + spl_i(2048)) == spl_i(bstar))
      s2 = jnp.right_shift(key, 8) & spl_i(4095)
      cnt, last = plsc.scan_count(s2, mask=inb)
      plsc.addupdate_scatter(ihist_v, [s2], cnt, mask=last)
      return jnp.maximum(maxs2, jnp.where(inb, s2, spl_i(0)))

    maxs2 = jnp.max(l2_body)
    b2, r2 = scan_top(ihist_v, maxs2 // L, r1)
    pref = jnp.right_shift(pkey, 8) + b2

    memset_i(ihist_v, 256)

    @plsc.parallel_loop(0, NCV, unroll=4)
    def l3_body(j):
      key = ckey_v[pl.ds(j * L, L)]
      inb = jnp.logical_and(valid_of(j),
                            jnp.right_shift(key, 8) == spl_i(pref))
      s3 = key & spl_i(255)
      cnt, last = plsc.scan_count(s3, mask=inb)
      plsc.addupdate_scatter(ihist_v, [s3], cnt, mask=last)

    b3, _ = scan_top(ihist_v, jnp.int32(15), r2)
    tkey = pkey + lax.shift_left(b2, jnp.int32(8)) + b3

    vmax_vec = unkey(spl_i(gmax_key))
    memset_f(whist_v, NB)

    def e_of(j, key):
      kept = jnp.logical_and(valid_of(j), key >= spl_i(tkey))
      return jnp.where(kept, jnp.exp(unkey(key) - vmax_vec), spl_f(0.0))

    @plsc.parallel_loop(0, NCV, unroll=4, carry=spl_f(0.0))
    def ce_body(j, zacc):
      key = ckey_v[pl.ds(j * L, L)]
      e = e_of(j, key)
      bkt = jnp.right_shift(key, 20) + spl_i(2048)
      plsc.addupdate_scatter(whist_v, [bkt], e, mask=valid_of(j))
      return zacc + e

    zsum = jnp.sum(ce_body)
    cvec = (spl_f(1.0) - spl_f(p_row)) * spl_f(zsum)

    found1, bb1, wless1, _ = scan_bottom(
        whist_v, bstar // L, gmax_bkt // L, jnp.float32(0.0), cvec)

    def topp_found(_):
      memset_f(whist_v, NB)

      @plsc.parallel_loop(0, NCV, unroll=4, carry=spl_i(0))
      def w2_body(j, maxs2w):
        key = ckey_v[pl.ds(j * L, L)]
        inb = jnp.logical_and(
            valid_of(j), (jnp.right_shift(key, 20) + spl_i(2048)) == spl_i(bb1))
        s2 = jnp.right_shift(key, 8) & spl_i(4095)
        e = e_of(j, key)
        plsc.addupdate_scatter(whist_v, [s2], e, mask=inb)
        hase = jnp.logical_and(inb, key >= spl_i(tkey))
        return jnp.maximum(maxs2w, jnp.where(hase, s2, spl_i(0)))

      maxs2w = jnp.max(w2_body)
      found2, bb2, wless2, base2 = scan_bottom(
          whist_v, jnp.int32(0), maxs2w // L, wless1, cvec)
      wtop2 = lane_f(whist_v[pl.ds((maxs2w // L) * L, L)], maxs2w % L)
      bb2 = jnp.where(found2, bb2, maxs2w)
      wless2 = jnp.where(found2, wless2, base2 - wtop2)

      prefw = lax.shift_left(bb1 - jnp.int32(2048), jnp.int32(12)) + bb2
      memset_f(whist_v, 256)

      @plsc.parallel_loop(0, NCV, unroll=4, carry=spl_i(0))
      def w3_body(j, maxs3w):
        key = ckey_v[pl.ds(j * L, L)]
        inb = jnp.logical_and(valid_of(j),
                              jnp.right_shift(key, 8) == spl_i(prefw))
        s3 = key & spl_i(255)
        e = e_of(j, key)
        plsc.addupdate_scatter(whist_v, [s3], e, mask=inb)
        hase = jnp.logical_and(inb, key >= spl_i(tkey))
        return jnp.maximum(maxs3w, jnp.where(hase, s3, spl_i(0)))

      maxs3w = jnp.max(w3_body)
      found3, bb3, wless3, base3 = scan_bottom(
          whist_v, jnp.int32(0), jnp.int32(15), wless2, cvec)
      wtop3 = lane_f(whist_v[pl.ds((maxs3w // L) * L, L)], maxs3w % L)
      bb3 = jnp.where(found3, bb3, maxs3w)
      wless3 = jnp.where(found3, wless3, base3 - wtop3)

      kstar = lax.shift_left(prefw, jnp.int32(8)) + bb3

      @plsc.parallel_loop(0, NCV, unroll=4, carry=spl_i(0))
      def d_body(j, acc):
        key = ckey_v[pl.ds(j * L, L)]
        ism = jnp.logical_and(valid_of(j), key == spl_i(kstar))
        return acc + jnp.where(ism, spl_i(1), spl_i(0))

      d = jnp.sum(d_body)
      estar_vec = jnp.exp(unkey(spl_i(kstar)) - vmax_vec)
      j0f = (cvec - spl_f(wless3)) / estar_vec
      j0v = j0f.astype(jnp.int32) + spl_i(1)
      j0 = jnp.clip(jnp.max(j0v), jnp.int32(1), d)

      def sel_cond(st):
        return st[0] < j0

      def sel_step(st):
        tsel, prev = st

        @plsc.parallel_loop(0, NCV, unroll=4, carry=spl_i(V))
        def m_body(j, acc):
          key = ckey_v[pl.ds(j * L, L)]
          idx = cidx_v[pl.ds(j * L, L)]
          ism = jnp.logical_and(
              jnp.logical_and(valid_of(j), key == spl_i(kstar)),
              idx > spl_i(prev))
          return jnp.minimum(acc, jnp.where(ism, idx, spl_i(V)))

        return (tsel + 1, jnp.min(m_body))

      _, idxstar = lax.while_loop(sel_cond, sel_step,
                                  (jnp.int32(0), jnp.int32(-1)))
      return kstar, idxstar

    def topp_notfound(_):
      @plsc.parallel_loop(0, NCV, unroll=4, carry=spl_i(-1))
      def mx_body(j, acc):
        key = ckey_v[pl.ds(j * L, L)]
        idx = cidx_v[pl.ds(j * L, L)]
        ism = jnp.logical_and(valid_of(j), key == spl_i(gmax_key))
        return jnp.maximum(acc, jnp.where(ism, idx, spl_i(-1)))

      return gmax_key, jnp.max(mx_body)

    kstar, idxstar = lax.cond(found1, topp_found, topp_notfound, 0)

    @plsc.parallel_loop(0, NCV, unroll=4, carry=spl_i(0))
    def comp_body(j, offv):
      key = ckey_v[pl.ds(j * L, L)]
      idx = cidx_v[pl.ds(j * L, L)]
      keep = jnp.logical_and(
          valid_of(j),
          jnp.logical_or(key > spl_i(kstar),
                         jnp.logical_and(key == spl_i(kstar),
                                         idx >= spl_i(idxstar))))
      mi = jnp.where(keep, spl_i(1), spl_i(0))
      incl = plsc.cumsum(mi)
      tgt = offv + incl - mi
      trow = jnp.right_shift(tgt, 7)
      tcol = tgt & spl_i(SROW - 1)
      plsc.store_scatter(sval_v, [trow, tcol], unkey(key), mask=keep)
      plsc.store_scatter(sidx_v, [trow, tcol], idx, mask=keep)
      return offv + plsc.all_reduce_population_count(keep)

    nkeepv = comp_body

    @plsc.parallel_loop(0, NCV, unroll=4)
    def tail_body(j):
      s = spl_i(j * L) + lane
      v = row_v[pl.ds(j * L, L)]
      key = keyify(v)
      keep = jnp.logical_or(
          key > spl_i(kstar),
          jnp.logical_and(key == spl_i(kstar), s >= spl_i(idxstar)))
      val = jnp.where(keep, v, spl_f(NEG_INF))
      sel = s >= nkeepv
      plsc.store_scatter(sval_v, [spl_i(j // (SROW // L)),
                                  s & spl_i(SROW - 1)], val, mask=sel)
      plsc.store_scatter(sidx_v, [spl_i(j // (SROW // L)),
                                  s & spl_i(SROW - 1)], s, mask=sel)

    for u in range(2):
      slot0 = CAP - 32 + u * L
      pos = spl_i(V - 32 + u * L) + lane
      v = row_v[pl.ds(V - 32 + u * L, L)]
      key = keyify(v)
      keep = jnp.logical_or(
          key > spl_i(kstar),
          jnp.logical_and(key == spl_i(kstar), pos >= spl_i(idxstar)))
      val = jnp.where(keep, v, spl_f(NEG_INF))
      plsc.store_scatter(sval_v, [spl_i(slot0 // SROW),
                                  spl_i(slot0 % SROW) + lane], val)
      plsc.store_scatter(sidx_v, [spl_i(slot0 // SROW),
                                  spl_i(slot0 % SROW) + lane], pos)

    @plsc.parallel_loop(0, NVEC, unroll=8)
    def out_body(i):
      v = row_v[pl.ds(i * L, L)]
      key = keyify(v)
      gidx = spl_i(i * L) + lane
      keep = jnp.logical_or(
          key > spl_i(kstar),
          jnp.logical_and(key == spl_i(kstar), gidx >= spl_i(idxstar)))
      row_v[pl.ds(i * L, L)] = jnp.where(keep, v, spl_f(NEG_INF))

    pltpu.sync_copy(row_v, out_row)
    return carry

  lax.fori_loop(0, rows_per, process_row, jnp.int32(0))


@jax.jit
def kernel(logits, k, p):
  assert logits.shape == (B, V) and logits.dtype == jnp.float32
  mesh = plsc.VectorSubcoreMesh(core_axis_name="c", subcore_axis_name="s")
  f = pl.kernel(
      _body,
      out_type=jax.ShapeDtypeStruct((B, V), jnp.float32),
      mesh=mesh,
      compiler_params=pltpu.CompilerParams(needs_layout_passes=False),
      scratch_types=[
          pltpu.VMEM((V,), jnp.float32),
          pltpu.VMEM((NB,), jnp.int32),
          pltpu.VMEM((NB,), jnp.float32),
          pltpu.VMEM((CAP,), jnp.int32),
          pltpu.VMEM((CAP,), jnp.int32),
          pltpu.VMEM((B,), jnp.int32),
          pltpu.VMEM((B,), jnp.float32),
          pltpu.VMEM((INF_W,), jnp.float32),
          pltpu.VMEM((CAP // SROW, SROW), jnp.float32),
          pltpu.VMEM((CAP // SROW, SROW), jnp.int32),
          pltpu.SemaphoreType.DMA,
          pltpu.SemaphoreType.DMA,
      ],
  )
  return f(logits, k.astype(jnp.int32), p)

# --- scband reference (transcript-rebuilt; emitter-appended) ---
"""Pipeline reference for scband-top-ktop-psampler-50483045597940 (READ-ONLY COPY).

The authoritative reference and input builder live on the scoring server;
editing this copy changes nothing except your own understanding.
"""

import jax, jax.numpy as jnp
import numpy as np

B, V = 128, 100000

def setup_inputs(seed: int = 0) -> dict:
    key = jax.random.key(seed)
    k1, k2, k3 = jax.random.split(key, 3)
    logits = jax.random.normal(k1, (B, V), dtype=jnp.float32)
    # k must be in [1, V]; randint in [1, 1024)
    k = jax.random.randint(k2, (B,), 1, 1024).astype(jnp.int32)
    p = jax.random.uniform(k3, (B,), dtype=jnp.float32)
    return {"logits": logits, "k": k, "p": p}


def reference(logits, k, p):
    # Faithful translation of apply_top_k_top_p (the p-is-not-None path used by
    # TopKTopPSampler.forward): full ascending sort, top-k threshold mask,
    # top-p cumulative-probability mask, scatter back to original order.
    vocab = logits.shape[1]
    order = jnp.argsort(logits, axis=-1)  # ascending
    logits_sort = jnp.take_along_axis(logits, order, axis=-1)
    # top-k: threshold is the k-th largest value = element at index (vocab - k)
    top_k_idx = (vocab - k.astype(jnp.int32))[:, None]
    top_k_thresh = jnp.take_along_axis(logits_sort, top_k_idx, axis=1)
    logits_sort = jnp.where(logits_sort < top_k_thresh, -jnp.inf, logits_sort)
    # top-p: cumulative softmax (ascending) mask
    probs_sort = jax.nn.softmax(logits_sort, axis=-1)
    probs_sum = jnp.cumsum(probs_sort, axis=-1)
    top_p_mask = probs_sum <= (1.0 - p)[:, None]
    top_p_mask = top_p_mask.at[:, -1].set(False)
    logits_sort = jnp.where(top_p_mask, -jnp.inf, logits_sort)
    # scatter back to original positions
    rows = jnp.arange(logits.shape[0])[:, None]
    out = jnp.zeros(logits.shape, logits.dtype).at[rows, order].set(logits_sort)
    return out

if __name__ == "__main__":
    import jax
    _d = setup_inputs()
    print(jax.jit(kernel)(*tuple(_d.values())))

</pallas_src>

<mosaic_0001>
#map = affine_map<(d0, d1) -> (0, 0)>
#map1 = affine_map<(d0, d1) -> (0)>
module attributes {stable_mosaic.version = 14 : i64} {
  func.func @_body(%arg0: i32, %arg1: i32, %arg2: memref<128x100000xf32, #tpu.memory_space<hbm>>, %arg3: memref<128xi32, #tpu.memory_space<hbm>>, %arg4: memref<128xf32, #tpu.memory_space<hbm>>, %arg5: memref<128x100000xf32, #tpu.memory_space<hbm>>, %arg6: memref<100000xf32, #tpu.memory_space<vmem>>, %arg7: memref<4096xi32, #tpu.memory_space<vmem>>, %arg8: memref<4096xf32, #tpu.memory_space<vmem>>, %arg9: memref<2048xi32, #tpu.memory_space<vmem>>, %arg10: memref<2048xi32, #tpu.memory_space<vmem>>, %arg11: memref<128xi32, #tpu.memory_space<vmem>>, %arg12: memref<128xf32, #tpu.memory_space<vmem>>, %arg13: memref<12800xf32, #tpu.memory_space<vmem>>, %arg14: memref<16x128xf32, #tpu.memory_space<vmem>>, %arg15: memref<16x128xi32, #tpu.memory_space<vmem>>, %arg16: memref<!tpu.dma_semaphore, #tpu.memory_space<semaphore_mem>>, %arg17: memref<!tpu.dma_semaphore, #tpu.memory_space<semaphore_mem>>) attributes {dimension_semantics = [#tpu.dimension_semantics<core_parallel>, #tpu.dimension_semantics<subcore_parallel>], iteration_bounds = array<i64: 2, 16>, scalar_prefetch = 0 : i64, scratch_operands = 12 : i64, tpu.core_type = #tpu.core_type<sc_vector_subcore>, window_params = [{transform_indices = #map}, {transform_indices = #map1}, {transform_indices = #map1}, {transform_indices = #map}]} {
    %iota3A = tpu.iota {dimensions = array<i32: 0>} : vector<16xi32>
    %mul3A = arith.constant 2 : i32
    %mul3A_0 = arith.muli %arg1, %mul3A : i32
    %add3A = arith.addi %mul3A_0, %arg0 : i32
    "tpu.region"() ({
      %run_scoped3A = tpu.sem_alloc : memref<!tpu.dma_semaphore, #tpu.memory_space<semaphore_mem>>
      tpu.enqueue_dma source(%arg3 : memref<128xi32, #tpu.memory_space<hbm>>) target(%arg11 : memref<128xi32, #tpu.memory_space<vmem>>) target_semaphore(%run_scoped3A : memref<!tpu.dma_semaphore, #tpu.memory_space<semaphore_mem>>)
      tpu.wait_dma2 semaphore(%run_scoped3A : memref<!tpu.dma_semaphore, #tpu.memory_space<semaphore_mem>>) src(%arg3 : memref<128xi32, #tpu.memory_space<hbm>>) dst(%arg11 : memref<128xi32, #tpu.memory_space<vmem>>)
      tpu.yield
    }) : () -> ()
    "tpu.region"() ({
      %run_scoped3A = tpu.sem_alloc : memref<!tpu.dma_semaphore, #tpu.memory_space<semaphore_mem>>
      tpu.enqueue_dma source(%arg4 : memref<128xf32, #tpu.memory_space<hbm>>) target(%arg12 : memref<128xf32, #tpu.memory_space<vmem>>) target_semaphore(%run_scoped3A : memref<!tpu.dma_semaphore, #tpu.memory_space<semaphore_mem>>)
      tpu.wait_dma2 semaphore(%run_scoped3A : memref<!tpu.dma_semaphore, #tpu.memory_space<semaphore_mem>>) src(%arg4 : memref<128xf32, #tpu.memory_space<hbm>>) dst(%arg12 : memref<128xf32, #tpu.memory_space<vmem>>)
      tpu.yield
    }) : () -> ()
    %parallel_loop3A = arith.constant 0 : i32
    %parallel_loop3A_1 = arith.constant 800 : i32
    %parallel_loop3A_2 = arith.constant 1 : i32
    scf.for %parallel_loop3A_8 = %parallel_loop3A to %parallel_loop3A_1 step %parallel_loop3A_2  : i32 {
      %parallel_loop3A_9 = arith.constant 0xFF800000 : f32
      %parallel_loop3A_10 = vector.broadcast %parallel_loop3A_9 : f32 to vector<16xf32>
      %parallel_loop3A_11 = arith.constant 16 : i32
      %parallel_loop3A_12 = arith.muli %parallel_loop3A_8, %parallel_loop3A_11 : i32
      %parallel_loop3A_13 = arith.index_cast %parallel_loop3A_12 : i32 to index
      %parallel_loop3A_14 = tpu.vector_load %arg13[%parallel_loop3A_13] {strides = array<i32>} : memref<12800xf32, #tpu.memory_space<vmem>>, vector<16xf32>,
      tpu.vector_store %arg13[%parallel_loop3A_13], %parallel_loop3A_10 {strides = array<i32>} : memref<12800xf32, #tpu.memory_space<vmem>>, vector<16xf32>,
    } {sc.loop_unroll_factor = 8 : i64, sc.parallel_access}
    %scan3A = arith.constant 0 : i32
    %scan3A_3 = arith.constant 0 : i32
    %scan3A_4 = arith.constant 4 : i32
    %scan3A_5 = arith.addi %scan3A_3, %scan3A_4 : i32
    %scan3A_6 = arith.constant 1 : i32
    scf.for %scan3A_8 = %scan3A_3 to %scan3A_5 step %scan3A_6  : i32 {
      %mul3A_9 = arith.constant 4 : i32
      %mul3A_10 = arith.muli %add3A, %mul3A_9 : i32
      %add3A_11 = arith.addi %mul3A_10, %scan3A_8 : i32
      "tpu.region"() ({
        %run_scoped3A = tpu.sem_alloc : memref<!tpu.dma_semaphore, #tpu.memory_space<semaphore_mem>>
        %dma_start3A = arith.constant 0 : i32
        %dma_start3A_394 = tpu.memref_slice %arg2[%add3A_11, %dma_start3A] : memref<128x100000xf32, #tpu.memory_space<hbm>> -> memref<1x100000xf32, #tpu.memory_space<hbm>>
        %dma_start3A_395 = tpu.memref_squeeze %dma_start3A_394 : memref<1x100000xf32, #tpu.memory_space<hbm>> -> memref<100000xf32, #tpu.memory_space<hbm>>
        %dma_start3A_396 = arith.constant 0 : i32
        %dma_start3A_397 = tpu.memref_slice %arg2[%add3A_11, %dma_start3A_396] : memref<128x100000xf32, #tpu.memory_space<hbm>> -> memref<1x100000xf32, #tpu.memory_space<hbm>>
        %dma_start3A_398 = tpu.memref_squeeze %dma_start3A_397 : memref<1x100000xf32, #tpu.memory_space<hbm>> -> memref<100000xf32, #tpu.memory_space<hbm>>
        tpu.enqueue_dma source(%dma_start3A_398 : memref<100000xf32, #tpu.memory_space<hbm>>) target(%arg6 : memref<100000xf32, #tpu.memory_space<vmem>>) target_semaphore(%run_scoped3A : memref<!tpu.dma_semaphore, #tpu.memory_space<semaphore_mem>>)
        %dma_wait3A = arith.constant 0 : i32
        %dma_wait3A_399 = tpu.memref_slice %arg2[%add3A_11, %dma_wait3A] : memref<128x100000xf32, #tpu.memory_space<hbm>> -> memref<1x100000xf32, #tpu.memory_space<hbm>>
        %dma_wait3A_400 = tpu.memref_squeeze %dma_wait3A_399 : memref<1x100000xf32, #tpu.memory_space<hbm>> -> memref<100000xf32, #tpu.memory_space<hbm>>
        %dma_wait3A_401 = arith.constant 0 : i32
        %dma_wait3A_402 = tpu.memref_slice %arg2[%add3A_11, %dma_wait3A_401] : memref<128x100000xf32, #tpu.memory_space<hbm>> -> memref<1x100000xf32, #tpu.memory_space<hbm>>
        %dma_wait3A_403 = tpu.memref_squeeze %dma_wait3A_402 : memref<1x100000xf32, #tpu.memory_space<hbm>> -> memref<100000xf32, #tpu.memory_space<hbm>>
        tpu.wait_dma2 semaphore(%run_scoped3A : memref<!tpu.dma_semaphore, #tpu.memory_space<semaphore_mem>>) src(%dma_wait3A_403 : memref<100000xf32, #tpu.memory_space<hbm>>) dst(%arg6 : memref<100000xf32, #tpu.memory_space<vmem>>)
        tpu.yield
      }) : () -> ()
      %jit3A = arith.constant 16 : i32
      %div3A = arith.divsi %add3A_11, %jit3A : i32
      %sign3A = arith.constant 0 : i32
      %sign3A_12 = arith.cmpi sgt, %add3A_11, %sign3A : i32
      %sign3A_13 = arith.extui %sign3A_12 : i1 to i32
      %sign3A_14 = arith.constant 0 : i32
      %sign3A_15 = arith.cmpi slt, %add3A_11, %sign3A_14 : i32
      %sign3A_16 = arith.extui %sign3A_15 : i1 to i32
      %sign3A_17 = arith.subi %sign3A_13, %sign3A_16 : i32
      %sign3A_18 = arith.constant 0 : i32
      %sign3A_19 = arith.cmpi sgt, %jit3A, %sign3A_18 : i32
      %sign3A_20 = arith.extui %sign3A_19 : i1 to i32
      %sign3A_21 = arith.constant 0 : i32
      %sign3A_22 = arith.cmpi slt, %jit3A, %sign3A_21 : i32
      %sign3A_23 = arith.extui %sign3A_22 : i1 to i32
      %sign3A_24 = arith.subi %sign3A_20, %sign3A_23 : i32
      %ne3A = arith.cmpi ne, %sign3A_17, %sign3A_24 : i32
      %rem3A = arith.remsi %add3A_11, %jit3A : i32
      %ne3A_25 = arith.constant 0 : i32
      %ne3A_26 = arith.cmpi ne, %rem3A, %ne3A_25 : i32
      %and3A = arith.andi %ne3A, %ne3A_26 : i1
      %sub3A = arith.constant 1 : i32
      %sub3A_27 = arith.subi %div3A, %sub3A : i32
      %select_n3A = arith.select %and3A, %sub3A_27, %div3A : i32
      %mul3A_28 = arith.constant 16 : i32
      %mul3A_29 = arith.muli %select_n3A, %mul3A_28 : i32
      %get3A = arith.index_cast %mul3A_29 : i32 to index
      %get3A_30 = tpu.vector_load %arg11[%get3A] {strides = array<i32>} : memref<128xi32, #tpu.memory_space<vmem>>, vector<16xi32>,
      %jit3A_31 = arith.constant 16 : i32
      %div3A_32 = arith.divsi %add3A_11, %jit3A_31 : i32
      %sign3A_33 = arith.constant 0 : i32
      %sign3A_34 = arith.cmpi sgt, %add3A_11, %sign3A_33 : i32
      %sign3A_35 = arith.extui %sign3A_34 : i1 to i32
      %sign3A_36 = arith.constant 0 : i32
      %sign3A_37 = arith.cmpi slt, %add3A_11, %sign3A_36 : i32
      %sign3A_38 = arith.extui %sign3A_37 : i1 to i32
      %sign3A_39 = arith.subi %sign3A_35, %sign3A_38 : i32
      %sign3A_40 = arith.constant 0 : i32
      %sign3A_41 = arith.cmpi sgt, %jit3A_31, %sign3A_40 : i32
      %sign3A_42 = arith.extui %sign3A_41 : i1 to i32
      %sign3A_43 = arith.constant 0 : i32
      %sign3A_44 = arith.cmpi slt, %jit3A_31, %sign3A_43 : i32
      %sign3A_45 = arith.extui %sign3A_44 : i1 to i32
      %sign3A_46 = arith.subi %sign3A_42, %sign3A_45 : i32
      %ne3A_47 = arith.cmpi ne, %sign3A_39, %sign3A_46 : i32
      %rem3A_48 = arith.remsi %add3A_11, %jit3A_31 : i32
      %ne3A_49 = arith.constant 0 : i32
      %ne3A_50 = arith.cmpi ne, %rem3A_48, %ne3A_49 : i32
      %and3A_51 = arith.andi %ne3A_47, %ne3A_50 : i1
      %sub3A_52 = arith.constant 1 : i32
      %sub3A_53 = arith.subi %div3A_32, %sub3A_52 : i32
      %select_n3A_54 = arith.select %and3A_51, %sub3A_53, %div3A_32 : i32
      %mul3A_55 = arith.constant 16 : i32
      %mul3A_56 = arith.muli %select_n3A_54, %mul3A_55 : i32
      %get3A_57 = arith.index_cast %mul3A_56 : i32 to index
      %get3A_58 = tpu.vector_load %arg12[%get3A_57] {strides = array<i32>} : memref<128xf32, #tpu.memory_space<vmem>>, vector<16xf32>,
      %jit3A_59 = arith.constant 16 : i32
      %eq3A = arith.constant 0 : i32
      %eq3A_60 = arith.cmpi eq, %jit3A_59, %eq3A : i32
      %jit3A_61 = arith.constant 1 : i32
      %select_n3A_62 = arith.select %eq3A_60, %jit3A_61, %jit3A_59 : i32
      %rem3A_63 = arith.remsi %add3A_11, %select_n3A_62 : i32
      %ne3A_64 = arith.constant 0 : i32
      %ne3A_65 = arith.cmpi ne, %rem3A_63, %ne3A_64 : i32
      %lt3A = arith.constant 0 : i32
      %lt3A_66 = arith.cmpi slt, %rem3A_63, %lt3A : i32
      %lt3A_67 = arith.constant 0 : i32
      %lt3A_68 = arith.cmpi slt, %select_n3A_62, %lt3A_67 : i32
      %ne3A_69 = arith.xori %lt3A_66, %lt3A_68 : i1
      %and3A_70 = arith.andi %ne3A_69, %ne3A_65 : i1
      %add3A_71 = arith.addi %rem3A_63, %select_n3A_62 : i32
      %select_n3A_72 = arith.select %and3A_70, %add3A_71, %rem3A_63 : i32
      %broadcast_in_dim3A = vector.broadcast %select_n3A_72 : i32 to vector<16xi32>
      %eq3A_73 = arith.cmpi eq, %iota3A, %broadcast_in_dim3A : vector<16xi32>
      %broadcast_in_dim3A_74 = arith.constant 0 : i32
      %broadcast_in_dim3A_75 = vector.broadcast %broadcast_in_dim3A_74 : i32 to vector<16xi32>
      %select_n3A_76 = arith.select %eq3A_73, %get3A_30, %broadcast_in_dim3A_75 : vector<16xi1>, vector<16xi32>
      %reduce_sum3A = arith.constant true
      %reduce_sum3A_77 = vector.broadcast %reduce_sum3A : i1 to vector<16xi1>
      %reduce_sum3A_78 = tpu.scan <sum>, %select_n3A_76 masked %reduce_sum3A_77 : vector<16xi32>, vector<16xi1> -> vector<16xi32>
      %reduce_sum3A_79 = vector.extract %reduce_sum3A_78[15] : i32 from vector<16xi32>
      %jit3A_80 = arith.constant 16 : i32
      %eq3A_81 = arith.constant 0 : i32
      %eq3A_82 = arith.cmpi eq, %jit3A_80, %eq3A_81 : i32
      %jit3A_83 = arith.constant 1 : i32
      %select_n3A_84 = arith.select %eq3A_82, %jit3A_83, %jit3A_80 : i32
      %rem3A_85 = arith.remsi %add3A_11, %select_n3A_84 : i32
      %ne3A_86 = arith.constant 0 : i32
      %ne3A_87 = arith.cmpi ne, %rem3A_85, %ne3A_86 : i32
      %lt3A_88 = arith.constant 0 : i32
      %lt3A_89 = arith.cmpi slt, %rem3A_85, %lt3A_88 : i32
      %lt3A_90 = arith.constant 0 : i32
      %lt3A_91 = arith.cmpi slt, %select_n3A_84, %lt3A_90 : i32
      %ne3A_92 = arith.xori %lt3A_89, %lt3A_91 : i1
      %and3A_93 = arith.andi %ne3A_92, %ne3A_87 : i1
      %add3A_94 = arith.addi %rem3A_85, %select_n3A_84 : i32
      %select_n3A_95 = arith.select %and3A_93, %add3A_94, %rem3A_85 : i32
      %broadcast_in_dim3A_96 = vector.broadcast %select_n3A_95 : i32 to vector<16xi32>
      %eq3A_97 = arith.cmpi eq, %iota3A, %broadcast_in_dim3A_96 : vector<16xi32>
      %broadcast_in_dim3A_98 = arith.constant 0.000000e+00 : f32
      %broadcast_in_dim3A_99 = vector.broadcast %broadcast_in_dim3A_98 : f32 to vector<16xf32>
      %select_n3A_100 = arith.select %eq3A_97, %get3A_58, %broadcast_in_dim3A_99 : vector<16xi1>, vector<16xf32>
      %reduce_sum3A_101 = arith.constant true
      %reduce_sum3A_102 = vector.broadcast %reduce_sum3A_101 : i1 to vector<16xi1>
      %reduce_sum3A_103 = tpu.scan <sum>, %select_n3A_100 masked %reduce_sum3A_102 : vector<16xf32>, vector<16xi1> -> vector<16xf32>
      %reduce_sum3A_104 = vector.extract %reduce_sum3A_103[15] : f32 from vector<16xf32>
      %parallel_loop3A_105 = arith.constant 0 : i32
      %parallel_loop3A_106 = arith.constant 256 : i32
      %parallel_loop3A_107 = arith.constant 1 : i32
      scf.for %parallel_loop3A_394 = %parallel_loop3A_105 to %parallel_loop3A_106 step %parallel_loop3A_107  : i32 {
        %parallel_loop3A_395 = arith.constant 0 : i32
        %parallel_loop3A_396 = vector.broadcast %parallel_loop3A_395 : i32 to vector<16xi32>
        %parallel_loop3A_397 = arith.constant 16 : i32
        %parallel_loop3A_398 = arith.muli %parallel_loop3A_394, %parallel_loop3A_397 : i32
        %parallel_loop3A_399 = arith.index_cast %parallel_loop3A_398 : i32 to index
        %parallel_loop3A_400 = tpu.vector_load %arg7[%parallel_loop3A_399] {strides = array<i32>} : memref<4096xi32, #tpu.memory_space<vmem>>, vector<16xi32>,
        tpu.vector_store %arg7[%parallel_loop3A_399], %parallel_loop3A_396 {strides = array<i32>} : memref<4096xi32, #tpu.memory_space<vmem>>, vector<16xi32>,
      } {sc.loop_unroll_factor = 8 : i64, sc.parallel_access}
      %broadcast_in_dim3A_108 = arith.constant -2147483648 : i32
      %broadcast_in_dim3A_109 = vector.broadcast %broadcast_in_dim3A_108 : i32 to vector<16xi32>
      %parallel_loop3A_110 = arith.constant 0 : i32
      %parallel_loop3A_111 = arith.constant 6250 : i32
      %parallel_loop3A_112 = arith.constant 1 : i32
      %parallel_loop3A_113 = scf.for %parallel_loop3A_394 = %parallel_loop3A_110 to %parallel_loop3A_111 step %parallel_loop3A_112 iter_args(%parallel_loop3A_395 = %broadcast_in_dim3A_109) -> (vector<16xi32>)  : i32 {
        %parallel_loop3A_396 = arith.constant 16 : i32
        %parallel_loop3A_397 = arith.muli %parallel_loop3A_394, %parallel_loop3A_396 : i32
        %parallel_loop3A_398 = arith.index_cast %parallel_loop3A_397 : i32 to index
        %parallel_loop3A_399 = tpu.vector_load %arg6[%parallel_loop3A_398] {strides = array<i32>} : memref<100000xf32, #tpu.memory_space<vmem>>, vector<16xf32>,
        %parallel_loop3A_400 = vector.bitcast %parallel_loop3A_399 : vector<16xf32> to vector<16xi32>
        %parallel_loop3A_401 = arith.constant 0 : i32
        %parallel_loop3A_402 = vector.broadcast %parallel_loop3A_401 : i32 to vector<16xi32>
        %parallel_loop3A_403 = arith.cmpi sge, %parallel_loop3A_400, %parallel_loop3A_402 : vector<16xi32>
        %parallel_loop3A_404 = arith.constant 2147483647 : i32
        %parallel_loop3A_405 = vector.broadcast %parallel_loop3A_404 : i32 to vector<16xi32>
        %parallel_loop3A_406 = arith.xori %parallel_loop3A_400, %parallel_loop3A_405 : vector<16xi32>
        %parallel_loop3A_407 = arith.select %parallel_loop3A_403, %parallel_loop3A_400, %parallel_loop3A_406 : vector<16xi1>, vector<16xi32>
        %parallel_loop3A_408 = arith.constant 20 : i32
        %parallel_loop3A_409 = vector.broadcast %parallel_loop3A_408 : i32 to vector<16xi32>
        %parallel_loop3A_410 = arith.shrsi %parallel_loop3A_407, %parallel_loop3A_409 : vector<16xi32>
        %parallel_loop3A_411 = arith.constant 2048 : i32
        %parallel_loop3A_412 = vector.broadcast %parallel_loop3A_411 : i32 to vector<16xi32>
        %parallel_loop3A_413 = arith.addi %parallel_loop3A_410, %parallel_loop3A_412 : vector<16xi32>
        %parallel_loop3A_414 = arith.constant true
        %parallel_loop3A_415 = vector.broadcast %parallel_loop3A_414 : i1 to vector<16xi1>
        %parallel_loop3A_416, %parallel_loop3A_417 = tpu.scan_count mask(%parallel_loop3A_415 : vector<16xi1>) value(%parallel_loop3A_413 : vector<16xi32>) : vector<16xi1>, vector<16xi32>
        tpu.vector_store_idx %arg7[%parallel_loop3A_413], %parallel_loop3A_417 masked %parallel_loop3A_416 {add = true} : memref<4096xi32, #tpu.memory_space<vmem>>[vector<16xi32>], vector<16xi32>, vector<16xi1>
        %parallel_loop3A_418 = arith.maxsi %parallel_loop3A_395, %parallel_loop3A_407 : vector<16xi32>
        scf.yield %parallel_loop3A_418 : vector<16xi32>
      } {sc.loop_unroll_factor = 12 : i64, sc.parallel_access}
      %reduce_max3A = arith.constant true
      %reduce_max3A_114 = vector.broadcast %reduce_max3A : i1 to vector<16xi1>
      %reduce_max3A_115 = arith.constant -2147483648 : i32
      %reduce_max3A_116 = vector.broadcast %reduce_max3A_115 : i32 to vector<16xi32>
      %reduce_max3A_117 = arith.xori %parallel_loop3A_113, %reduce_max3A_116 : vector<16xi32>
      %reduce_max3A_118 = tpu.scan <max>, %reduce_max3A_117 masked %reduce_max3A_114 : vector<16xi32>, vector<16xi1> -> vector<16xi32>
      %reduce_max3A_119 = arith.xori %reduce_max3A_118, %reduce_max3A_116 : vector<16xi32>
      %reduce_max3A_120 = vector.extract %reduce_max3A_119[15] : i32 from vector<16xi32>
      %shift_right_arithmetic3A = arith.constant 20 : i32
      %shift_right_arithmetic3A_121 = arith.shrsi %reduce_max3A_120, %shift_right_arithmetic3A : i32
      %add3A_122 = arith.constant 2048 : i32
      %add3A_123 = arith.addi %shift_right_arithmetic3A_121, %add3A_122 : i32
      %jit3A_124 = arith.constant 16 : i32
      %div3A_125 = arith.divsi %add3A_123, %jit3A_124 : i32
      %sign3A_126 = arith.constant 0 : i32
      %sign3A_127 = arith.cmpi sgt, %add3A_123, %sign3A_126 : i32
      %sign3A_128 = arith.extui %sign3A_127 : i1 to i32
      %sign3A_129 = arith.constant 0 : i32
      %sign3A_130 = arith.cmpi slt, %add3A_123, %sign3A_129 : i32
      %sign3A_131 = arith.extui %sign3A_130 : i1 to i32
      %sign3A_132 = arith.subi %sign3A_128, %sign3A_131 : i32
      %sign3A_133 = arith.constant 0 : i32
      %sign3A_134 = arith.cmpi sgt, %jit3A_124, %sign3A_133 : i32
      %sign3A_135 = arith.extui %sign3A_134 : i1 to i32
      %sign3A_136 = arith.constant 0 : i32
      %sign3A_137 = arith.cmpi slt, %jit3A_124, %sign3A_136 : i32
      %sign3A_138 = arith.extui %sign3A_137 : i1 to i32
      %sign3A_139 = arith.subi %sign3A_135, %sign3A_138 : i32
      %ne3A_140 = arith.cmpi ne, %sign3A_132, %sign3A_139 : i32
      %rem3A_141 = arith.remsi %add3A_123, %jit3A_124 : i32
      %ne3A_142 = arith.constant 0 : i32
      %ne3A_143 = arith.cmpi ne, %rem3A_141, %ne3A_142 : i32
      %and3A_144 = arith.andi %ne3A_140, %ne3A_143 : i1
      %sub3A_145 = arith.constant 1 : i32
      %sub3A_146 = arith.subi %div3A_125, %sub3A_145 : i32
      %select_n3A_147 = arith.select %and3A_144, %sub3A_146, %div3A_125 : i32
      %while3A = arith.constant 0 : i32
      %while3A_148 = arith.constant false
      %while3A_149 = arith.constant 0 : i32
      %while3A_150 = arith.constant 0 : i32
      %while3A_151:5 = scf.while (%while3A_394 = %select_n3A_147, %while3A_395 = %while3A, %while3A_396 = %while3A_148, %while3A_397 = %while3A_149, %while3A_398 = %while3A_150) : (i32, i32, i1, i32, i32) -> (i32, i32, i1, i32, i32) {
        %not3A = arith.constant true
        %not3A_399 = arith.xori %while3A_396, %not3A : i1
        %ge3A_400 = arith.constant 0 : i32
        %ge3A_401 = arith.cmpi sge, %while3A_394, %ge3A_400 : i32
        %and3A_402 = arith.andi %not3A_399, %ge3A_401 : i1
        scf.condition(%and3A_402) %while3A_394, %while3A_395, %while3A_396, %while3A_397, %while3A_398 : i32, i32, i1, i32, i32
      } do {
      ^bb0(%while3A_394: i32, %while3A_395: i32, %while3A_396: i1, %while3A_397: i32, %while3A_398: i32):
        %mul3A_399 = arith.constant 16 : i32
        %mul3A_400 = arith.muli %while3A_394, %mul3A_399 : i32
        %get3A_401 = arith.index_cast %mul3A_400 : i32 to index
        %get3A_402 = tpu.vector_load %arg7[%get3A_401] {strides = array<i32>} : memref<4096xi32, #tpu.memory_space<vmem>>, vector<16xi32>,
        %rev3A = arith.constant 15 : i32
        %rev3A_403 = vector.broadcast %rev3A : i32 to vector<16xi32>
        %rev3A_404 = tpu.iota {dimensions = array<i32: 0>} : vector<16xi32>
        %rev3A_405 = arith.subi %rev3A_403, %rev3A_404 : vector<16xi32>
        %rev3A_406 = tpu.dynamic_gather %get3A_402[%rev3A_405] in [0] : vector<16xi32>, vector<16xi32> -> vector<16xi32>
        %broadcast_in_dim3A_407 = arith.constant true
        %broadcast_in_dim3A_408 = vector.broadcast %broadcast_in_dim3A_407 : i1 to vector<16xi1>
        %masked_cumsum3A = tpu.scan <sum>, %rev3A_406 masked %broadcast_in_dim3A_408 : vector<16xi32>, vector<16xi1> -> vector<16xi32>
        %broadcast_in_dim3A_409 = vector.broadcast %while3A_395 : i32 to vector<16xi32>
        %add3A_410 = arith.addi %broadcast_in_dim3A_409, %masked_cumsum3A : vector<16xi32>
        %broadcast_in_dim3A_411 = vector.broadcast %reduce_sum3A_79 : i32 to vector<16xi32>
        %ge3A_412 = arith.cmpi sge, %add3A_410, %broadcast_in_dim3A_411 : vector<16xi32>
        %broadcast_in_dim3A_413 = arith.constant 1 : i32
        %broadcast_in_dim3A_414 = vector.broadcast %broadcast_in_dim3A_413 : i32 to vector<16xi32>
        %broadcast_in_dim3A_415 = arith.constant 0 : i32
        %broadcast_in_dim3A_416 = vector.broadcast %broadcast_in_dim3A_415 : i32 to vector<16xi32>
        %select_n3A_417 = arith.select %ge3A_412, %broadcast_in_dim3A_414, %broadcast_in_dim3A_416 : vector<16xi1>, vector<16xi32>
        %reduce_sum3A_418 = arith.constant true
        %reduce_sum3A_419 = vector.broadcast %reduce_sum3A_418 : i1 to vector<16xi1>
        %reduce_sum3A_420 = tpu.scan <sum>, %select_n3A_417 masked %reduce_sum3A_419 : vector<16xi32>, vector<16xi1> -> vector<16xi32>
        %reduce_sum3A_421 = vector.extract %reduce_sum3A_420[15] : i32 from vector<16xi32>
        %gt3A_422 = arith.constant 0 : i32
        %gt3A_423 = arith.cmpi sgt, %reduce_sum3A_421, %gt3A_422 : i32
        %broadcast_in_dim3A_424 = arith.constant 16 : i32
        %broadcast_in_dim3A_425 = vector.broadcast %broadcast_in_dim3A_424 : i32 to vector<16xi32>
        %select_n3A_426 = arith.select %ge3A_412, %iota3A, %broadcast_in_dim3A_425 : vector<16xi1>, vector<16xi32>
        %reduce_min3A = arith.constant true
        %reduce_min3A_427 = vector.broadcast %reduce_min3A : i1 to vector<16xi1>
        %reduce_min3A_428 = arith.constant -2147483648 : i32
        %reduce_min3A_429 = vector.broadcast %reduce_min3A_428 : i32 to vector<16xi32>
        %reduce_min3A_430 = arith.xori %select_n3A_426, %reduce_min3A_429 : vector<16xi32>
        %reduce_min3A_431 = tpu.scan <min>, %reduce_min3A_430 masked %reduce_min3A_427 : vector<16xi32>, vector<16xi1> -> vector<16xi32>
        %reduce_min3A_432 = arith.xori %reduce_min3A_431, %reduce_min3A_429 : vector<16xi32>
        %reduce_min3A_433 = vector.extract %reduce_min3A_432[15] : i32 from vector<16xi32>
        %mul3A_434 = arith.constant 16 : i32
        %mul3A_435 = arith.muli %while3A_394, %mul3A_434 : i32
        %add3A_436 = arith.constant 15 : i32
        %add3A_437 = arith.addi %mul3A_435, %add3A_436 : i32
        %sub3A_438 = arith.subi %add3A_437, %reduce_min3A_433 : i32
        %broadcast_in_dim3A_439 = vector.broadcast %reduce_min3A_433 : i32 to vector<16xi32>
        %eq3A_440 = arith.cmpi eq, %iota3A, %broadcast_in_dim3A_439 : vector<16xi32>
        %broadcast_in_dim3A_441 = arith.constant 0 : i32
        %broadcast_in_dim3A_442 = vector.broadcast %broadcast_in_dim3A_441 : i32 to vector<16xi32>
        %select_n3A_443 = arith.select %eq3A_440, %masked_cumsum3A, %broadcast_in_dim3A_442 : vector<16xi1>, vector<16xi32>
        %reduce_sum3A_444 = arith.constant true
        %reduce_sum3A_445 = vector.broadcast %reduce_sum3A_444 : i1 to vector<16xi1>
        %reduce_sum3A_446 = tpu.scan <sum>, %select_n3A_443 masked %reduce_sum3A_445 : vector<16xi32>, vector<16xi1> -> vector<16xi32>
        %reduce_sum3A_447 = vector.extract %reduce_sum3A_446[15] : i32 from vector<16xi32>
        %add3A_448 = arith.addi %while3A_395, %reduce_sum3A_447 : i32
        %broadcast_in_dim3A_449 = vector.broadcast %reduce_min3A_433 : i32 to vector<16xi32>
        %eq3A_450 = arith.cmpi eq, %iota3A, %broadcast_in_dim3A_449 : vector<16xi32>
        %broadcast_in_dim3A_451 = arith.constant 0 : i32
        %broadcast_in_dim3A_452 = vector.broadcast %broadcast_in_dim3A_451 : i32 to vector<16xi32>
        %select_n3A_453 = arith.select %eq3A_450, %rev3A_406, %broadcast_in_dim3A_452 : vector<16xi1>, vector<16xi32>
        %reduce_sum3A_454 = arith.constant true
        %reduce_sum3A_455 = vector.broadcast %reduce_sum3A_454 : i1 to vector<16xi1>
        %reduce_sum3A_456 = tpu.scan <sum>, %select_n3A_453 masked %reduce_sum3A_455 : vector<16xi32>, vector<16xi1> -> vector<16xi32>
        %reduce_sum3A_457 = vector.extract %reduce_sum3A_456[15] : i32 from vector<16xi32>
        %sub3A_458 = arith.subi %add3A_448, %reduce_sum3A_457 : i32
        %sub3A_459 = arith.subi %reduce_sum3A_79, %sub3A_458 : i32
        %reduce_max3A_460 = arith.constant true
        %reduce_max3A_461 = vector.broadcast %reduce_max3A_460 : i1 to vector<16xi1>
        %reduce_max3A_462 = arith.constant -2147483648 : i32
        %reduce_max3A_463 = vector.broadcast %reduce_max3A_462 : i32 to vector<16xi32>
        %reduce_max3A_464 = arith.xori %masked_cumsum3A, %reduce_max3A_463 : vector<16xi32>
        %reduce_max3A_465 = tpu.scan <max>, %reduce_max3A_464 masked %reduce_max3A_461 : vector<16xi32>, vector<16xi1> -> vector<16xi32>
        %reduce_max3A_466 = arith.xori %reduce_max3A_465, %reduce_max3A_463 : vector<16xi32>
        %reduce_max3A_467 = vector.extract %reduce_max3A_466[15] : i32 from vector<16xi32>
        %sub3A_468 = arith.constant 1 : i32
        %sub3A_469 = arith.subi %while3A_394, %sub3A_468 : i32
        %add3A_470 = arith.addi %while3A_395, %reduce_max3A_467 : i32
        %select_n3A_471 = arith.select %gt3A_423, %sub3A_438, %while3A_397 : i32
        %select_n3A_472 = arith.select %gt3A_423, %sub3A_459, %while3A_398 : i32
        scf.yield %sub3A_469, %add3A_470, %gt3A_423, %select_n3A_471, %select_n3A_472 : i32, i32, i1, i32, i32
      }
      %sub3A_152 = arith.constant 2048 : i32
      %sub3A_153 = arith.subi %while3A_151#3, %sub3A_152 : i32
      %shift_left3A = arith.constant 20 : i32
      %shift_left3A_154 = arith.shli %sub3A_153, %shift_left3A : i32
      %broadcast_in_dim3A_155 = arith.constant 0 : i32
      %broadcast_in_dim3A_156 = vector.broadcast %broadcast_in_dim3A_155 : i32 to vector<16xi32>
      %parallel_loop3A_157 = arith.constant 0 : i32
      %parallel_loop3A_158 = arith.constant 6250 : i32
      %parallel_loop3A_159 = arith.constant 1 : i32
      %parallel_loop3A_160 = scf.for %parallel_loop3A_394 = %parallel_loop3A_157 to %parallel_loop3A_158 step %parallel_loop3A_159 iter_args(%parallel_loop3A_395 = %broadcast_in_dim3A_156) -> (vector<16xi32>)  : i32 {
        %parallel_loop3A_396 = arith.constant 16 : i32
        %parallel_loop3A_397 = arith.muli %parallel_loop3A_394, %parallel_loop3A_396 : i32
        %parallel_loop3A_398 = arith.index_cast %parallel_loop3A_397 : i32 to index
        %parallel_loop3A_399 = tpu.vector_load %arg6[%parallel_loop3A_398] {strides = array<i32>} : memref<100000xf32, #tpu.memory_space<vmem>>, vector<16xf32>,
        %parallel_loop3A_400 = vector.bitcast %parallel_loop3A_399 : vector<16xf32> to vector<16xi32>
        %parallel_loop3A_401 = arith.constant 0 : i32
        %parallel_loop3A_402 = vector.broadcast %parallel_loop3A_401 : i32 to vector<16xi32>
        %parallel_loop3A_403 = arith.cmpi sge, %parallel_loop3A_400, %parallel_loop3A_402 : vector<16xi32>
        %parallel_loop3A_404 = arith.constant 2147483647 : i32
        %parallel_loop3A_405 = vector.broadcast %parallel_loop3A_404 : i32 to vector<16xi32>
        %parallel_loop3A_406 = arith.xori %parallel_loop3A_400, %parallel_loop3A_405 : vector<16xi32>
        %parallel_loop3A_407 = arith.select %parallel_loop3A_403, %parallel_loop3A_400, %parallel_loop3A_406 : vector<16xi1>, vector<16xi32>
        %parallel_loop3A_408 = vector.broadcast %shift_left3A_154 : i32 to vector<16xi32>
        %parallel_loop3A_409 = arith.cmpi sge, %parallel_loop3A_407, %parallel_loop3A_408 : vector<16xi32>
        %parallel_loop3A_410 = arith.constant 1 : i32
        %parallel_loop3A_411 = vector.broadcast %parallel_loop3A_410 : i32 to vector<16xi32>
        %parallel_loop3A_412 = arith.constant 0 : i32
        %parallel_loop3A_413 = vector.broadcast %parallel_loop3A_412 : i32 to vector<16xi32>
        %parallel_loop3A_414 = arith.select %parallel_loop3A_409, %parallel_loop3A_411, %parallel_loop3A_413 : vector<16xi1>, vector<16xi32>
        %parallel_loop3A_415 = arith.constant true
        %parallel_loop3A_416 = vector.broadcast %parallel_loop3A_415 : i1 to vector<16xi1>
        %parallel_loop3A_417 = tpu.scan <sum>, %parallel_loop3A_414 masked %parallel_loop3A_416 : vector<16xi32>, vector<16xi1> -> vector<16xi32>
        %parallel_loop3A_418 = arith.addi %parallel_loop3A_395, %parallel_loop3A_417 : vector<16xi32>
        %parallel_loop3A_419 = arith.subi %parallel_loop3A_418, %parallel_loop3A_414 : vector<16xi32>
        %parallel_loop3A_420 = arith.constant 2048 : i32
        %parallel_loop3A_421 = vector.broadcast %parallel_loop3A_420 : i32 to vector<16xi32>
        %parallel_loop3A_422 = arith.cmpi slt, %parallel_loop3A_419, %parallel_loop3A_421 : vector<16xi32>
        %parallel_loop3A_423 = arith.andi %parallel_loop3A_409, %parallel_loop3A_422 : vector<16xi1>
        tpu.vector_store_idx %arg9[%parallel_loop3A_419], %parallel_loop3A_407 masked %parallel_loop3A_423 : memref<2048xi32, #tpu.memory_space<vmem>>[vector<16xi32>], vector<16xi32>, vector<16xi1>
        %parallel_loop3A_424 = arith.constant 16 : i32
        %parallel_loop3A_425 = arith.muli %parallel_loop3A_394, %parallel_loop3A_424 : i32
        %parallel_loop3A_426 = vector.broadcast %parallel_loop3A_425 : i32 to vector<16xi32>
        %parallel_loop3A_427 = arith.addi %parallel_loop3A_426, %iota3A : vector<16xi32>
        tpu.vector_store_idx %arg10[%parallel_loop3A_419], %parallel_loop3A_427 masked %parallel_loop3A_423 : memref<2048xi32, #tpu.memory_space<vmem>>[vector<16xi32>], vector<16xi32>, vector<16xi1>
        %parallel_loop3A_428 = tpu.all_reduce %parallel_loop3A_409 {dim = 0 : i64, kind = #tpu.reduction_kind<sum>} : vector<16xi1> -> vector<16xi32>
        %parallel_loop3A_429 = arith.addi %parallel_loop3A_395, %parallel_loop3A_428 : vector<16xi32>
        scf.yield %parallel_loop3A_429 : vector<16xi32>
      } {sc.loop_unroll_factor = 8 : i64, sc.parallel_access}
      %reduce_max3A_161 = arith.constant true
      %reduce_max3A_162 = vector.broadcast %reduce_max3A_161 : i1 to vector<16xi1>
      %reduce_max3A_163 = arith.constant -2147483648 : i32
      %reduce_max3A_164 = vector.broadcast %reduce_max3A_163 : i32 to vector<16xi32>
      %reduce_max3A_165 = arith.xori %parallel_loop3A_160, %reduce_max3A_164 : vector<16xi32>
      %reduce_max3A_166 = tpu.scan <max>, %reduce_max3A_165 masked %reduce_max3A_162 : vector<16xi32>, vector<16xi1> -> vector<16xi32>
      %reduce_max3A_167 = arith.xori %reduce_max3A_166, %reduce_max3A_164 : vector<16xi32>
      %reduce_max3A_168 = vector.extract %reduce_max3A_167[15] : i32 from vector<16xi32>
      %min3A = arith.constant 2048 : i32
      %min3A_169 = arith.minsi %reduce_max3A_168, %min3A : i32
      %parallel_loop3A_170 = arith.constant 0 : i32
      %parallel_loop3A_171 = arith.constant 256 : i32
      %parallel_loop3A_172 = arith.constant 1 : i32
      scf.for %parallel_loop3A_394 = %parallel_loop3A_170 to %parallel_loop3A_171 step %parallel_loop3A_172  : i32 {
        %parallel_loop3A_395 = arith.constant 0 : i32
        %parallel_loop3A_396 = vector.broadcast %parallel_loop3A_395 : i32 to vector<16xi32>
        %parallel_loop3A_397 = arith.constant 16 : i32
        %parallel_loop3A_398 = arith.muli %parallel_loop3A_394, %parallel_loop3A_397 : i32
        %parallel_loop3A_399 = arith.index_cast %parallel_loop3A_398 : i32 to index
        %parallel_loop3A_400 = tpu.vector_load %arg7[%parallel_loop3A_399] {strides = array<i32>} : memref<4096xi32, #tpu.memory_space<vmem>>, vector<16xi32>,
        tpu.vector_store %arg7[%parallel_loop3A_399], %parallel_loop3A_396 {strides = array<i32>} : memref<4096xi32, #tpu.memory_space<vmem>>, vector<16xi32>,
      } {sc.loop_unroll_factor = 8 : i64, sc.parallel_access}
      %broadcast_in_dim3A_173 = arith.constant 0 : i32
      %broadcast_in_dim3A_174 = vector.broadcast %broadcast_in_dim3A_173 : i32 to vector<16xi32>
      %parallel_loop3A_175 = arith.constant 0 : i32
      %parallel_loop3A_176 = arith.constant 128 : i32
      %parallel_loop3A_177 = arith.constant 1 : i32
      %parallel_loop3A_178 = scf.for %parallel_loop3A_394 = %parallel_loop3A_175 to %parallel_loop3A_176 step %parallel_loop3A_177 iter_args(%parallel_loop3A_395 = %broadcast_in_dim3A_174) -> (vector<16xi32>)  : i32 {
        %parallel_loop3A_396 = arith.constant 16 : i32
        %parallel_loop3A_397 = arith.muli %parallel_loop3A_394, %parallel_loop3A_396 : i32
        %parallel_loop3A_398 = arith.index_cast %parallel_loop3A_397 : i32 to index
        %parallel_loop3A_399 = tpu.vector_load %arg9[%parallel_loop3A_398] {strides = array<i32>} : memref<2048xi32, #tpu.memory_space<vmem>>, vector<16xi32>,
        %parallel_loop3A_400 = arith.constant 16 : i32
        %parallel_loop3A_401 = arith.muli %parallel_loop3A_394, %parallel_loop3A_400 : i32
        %parallel_loop3A_402 = vector.broadcast %parallel_loop3A_401 : i32 to vector<16xi32>
        %parallel_loop3A_403 = arith.addi %parallel_loop3A_402, %iota3A : vector<16xi32>
        %parallel_loop3A_404 = vector.broadcast %min3A_169 : i32 to vector<16xi32>
        %parallel_loop3A_405 = arith.cmpi slt, %parallel_loop3A_403, %parallel_loop3A_404 : vector<16xi32>
        %parallel_loop3A_406 = arith.constant 20 : i32
        %parallel_loop3A_407 = vector.broadcast %parallel_loop3A_406 : i32 to vector<16xi32>
        %parallel_loop3A_408 = arith.shrsi %parallel_loop3A_399, %parallel_loop3A_407 : vector<16xi32>
        %parallel_loop3A_409 = arith.constant 2048 : i32
        %parallel_loop3A_410 = vector.broadcast %parallel_loop3A_409 : i32 to vector<16xi32>
        %parallel_loop3A_411 = arith.addi %parallel_loop3A_408, %parallel_loop3A_410 : vector<16xi32>
        %parallel_loop3A_412 = vector.broadcast %while3A_151#3 : i32 to vector<16xi32>
        %parallel_loop3A_413 = arith.cmpi eq, %parallel_loop3A_411, %parallel_loop3A_412 : vector<16xi32>
        %parallel_loop3A_414 = arith.andi %parallel_loop3A_405, %parallel_loop3A_413 : vector<16xi1>
        %parallel_loop3A_415 = arith.constant 8 : i32
        %parallel_loop3A_416 = vector.broadcast %parallel_loop3A_415 : i32 to vector<16xi32>
        %parallel_loop3A_417 = arith.shrsi %parallel_loop3A_399, %parallel_loop3A_416 : vector<16xi32>
        %parallel_loop3A_418 = arith.constant 4095 : i32
        %parallel_loop3A_419 = vector.broadcast %parallel_loop3A_418 : i32 to vector<16xi32>
        %parallel_loop3A_420 = arith.andi %parallel_loop3A_417, %parallel_loop3A_419 : vector<16xi32>
        %parallel_loop3A_421, %parallel_loop3A_422 = tpu.scan_count mask(%parallel_loop3A_414 : vector<16xi1>) value(%parallel_loop3A_420 : vector<16xi32>) : vector<16xi1>, vector<16xi32>
        tpu.vector_store_idx %arg7[%parallel_loop3A_420], %parallel_loop3A_422 masked %parallel_loop3A_421 {add = true} : memref<4096xi32, #tpu.memory_space<vmem>>[vector<16xi32>], vector<16xi32>, vector<16xi1>
        %parallel_loop3A_423 = arith.constant 0 : i32
        %parallel_loop3A_424 = vector.broadcast %parallel_loop3A_423 : i32 to vector<16xi32>
        %parallel_loop3A_425 = arith.select %parallel_loop3A_414, %parallel_loop3A_420, %parallel_loop3A_424 : vector<16xi1>, vector<16xi32>
        %parallel_loop3A_426 = arith.maxsi %parallel_loop3A_395, %parallel_loop3A_425 : vector<16xi32>
        scf.yield %parallel_loop3A_426 : vector<16xi32>
      } {sc.loop_unroll_factor = 4 : i64, sc.parallel_access}
      %reduce_max3A_179 = arith.constant true
      %reduce_max3A_180 = vector.broadcast %reduce_max3A_179 : i1 to vector<16xi1>
      %reduce_max3A_181 = arith.constant -2147483648 : i32
      %reduce_max3A_182 = vector.broadcast %reduce_max3A_181 : i32 to vector<16xi32>
      %reduce_max3A_183 = arith.xori %parallel_loop3A_178, %reduce_max3A_182 : vector<16xi32>
      %reduce_max3A_184 = tpu.scan <max>, %reduce_max3A_183 masked %reduce_max3A_180 : vector<16xi32>, vector<16xi1> -> vector<16xi32>
      %reduce_max3A_185 = arith.xori %reduce_max3A_184, %reduce_max3A_182 : vector<16xi32>
      %reduce_max3A_186 = vector.extract %reduce_max3A_185[15] : i32 from vector<16xi32>
      %jit3A_187 = arith.constant 16 : i32
      %div3A_188 = arith.divsi %reduce_max3A_186, %jit3A_187 : i32
      %sign3A_189 = arith.constant 0 : i32
      %sign3A_190 = arith.cmpi sgt, %reduce_max3A_186, %sign3A_189 : i32
      %sign3A_191 = arith.extui %sign3A_190 : i1 to i32
      %sign3A_192 = arith.constant 0 : i32
      %sign3A_193 = arith.cmpi slt, %reduce_max3A_186, %sign3A_192 : i32
      %sign3A_194 = arith.extui %sign3A_193 : i1 to i32
      %sign3A_195 = arith.subi %sign3A_191, %sign3A_194 : i32
      %sign3A_196 = arith.constant 0 : i32
      %sign3A_197 = arith.cmpi sgt, %jit3A_187, %sign3A_196 : i32
      %sign3A_198 = arith.extui %sign3A_197 : i1 to i32
      %sign3A_199 = arith.constant 0 : i32
      %sign3A_200 = arith.cmpi slt, %jit3A_187, %sign3A_199 : i32
      %sign3A_201 = arith.extui %sign3A_200 : i1 to i32
      %sign3A_202 = arith.subi %sign3A_198, %sign3A_201 : i32
      %ne3A_203 = arith.cmpi ne, %sign3A_195, %sign3A_202 : i32
      %rem3A_204 = arith.remsi %reduce_max3A_186, %jit3A_187 : i32
      %ne3A_205 = arith.constant 0 : i32
      %ne3A_206 = arith.cmpi ne, %rem3A_204, %ne3A_205 : i32
      %and3A_207 = arith.andi %ne3A_203, %ne3A_206 : i1
      %sub3A_208 = arith.constant 1 : i32
      %sub3A_209 = arith.subi %div3A_188, %sub3A_208 : i32
      %select_n3A_210 = arith.select %and3A_207, %sub3A_209, %div3A_188 : i32
      %while3A_211 = arith.constant 0 : i32
      %while3A_212 = arith.constant false
      %while3A_213 = arith.constant 0 : i32
      %while3A_214 = arith.constant 0 : i32
      %while3A_215:5 = scf.while (%while3A_394 = %select_n3A_210, %while3A_395 = %while3A_211, %while3A_396 = %while3A_212, %while3A_397 = %while3A_213, %while3A_398 = %while3A_214) : (i32, i32, i1, i32, i32) -> (i32, i32, i1, i32, i32) {
        %not3A = arith.constant true
        %not3A_399 = arith.xori %while3A_396, %not3A : i1
        %ge3A_400 = arith.constant 0 : i32
        %ge3A_401 = arith.cmpi sge, %while3A_394, %ge3A_400 : i32
        %and3A_402 = arith.andi %not3A_399, %ge3A_401 : i1
        scf.condition(%and3A_402) %while3A_394, %while3A_395, %while3A_396, %while3A_397, %while3A_398 : i32, i32, i1, i32, i32
      } do {
      ^bb0(%while3A_394: i32, %while3A_395: i32, %while3A_396: i1, %while3A_397: i32, %while3A_398: i32):
        %mul3A_399 = arith.constant 16 : i32
        %mul3A_400 = arith.muli %while3A_394, %mul3A_399 : i32
        %get3A_401 = arith.index_cast %mul3A_400 : i32 to index
        %get3A_402 = tpu.vector_load %arg7[%get3A_401] {strides = array<i32>} : memref<4096xi32, #tpu.memory_space<vmem>>, vector<16xi32>,
        %rev3A = arith.constant 15 : i32
        %rev3A_403 = vector.broadcast %rev3A : i32 to vector<16xi32>
        %rev3A_404 = tpu.iota {dimensions = array<i32: 0>} : vector<16xi32>
        %rev3A_405 = arith.subi %rev3A_403, %rev3A_404 : vector<16xi32>
        %rev3A_406 = tpu.dynamic_gather %get3A_402[%rev3A_405] in [0] : vector<16xi32>, vector<16xi32> -> vector<16xi32>
        %broadcast_in_dim3A_407 = arith.constant true
        %broadcast_in_dim3A_408 = vector.broadcast %broadcast_in_dim3A_407 : i1 to vector<16xi1>
        %masked_cumsum3A = tpu.scan <sum>, %rev3A_406 masked %broadcast_in_dim3A_408 : vector<16xi32>, vector<16xi1> -> vector<16xi32>
        %broadcast_in_dim3A_409 = vector.broadcast %while3A_395 : i32 to vector<16xi32>
        %add3A_410 = arith.addi %broadcast_in_dim3A_409, %masked_cumsum3A : vector<16xi32>
        %broadcast_in_dim3A_411 = vector.broadcast %while3A_151#4 : i32 to vector<16xi32>
        %ge3A_412 = arith.cmpi sge, %add3A_410, %broadcast_in_dim3A_411 : vector<16xi32>
        %broadcast_in_dim3A_413 = arith.constant 1 : i32
        %broadcast_in_dim3A_414 = vector.broadcast %broadcast_in_dim3A_413 : i32 to vector<16xi32>
        %broadcast_in_dim3A_415 = arith.constant 0 : i32
        %broadcast_in_dim3A_416 = vector.broadcast %broadcast_in_dim3A_415 : i32 to vector<16xi32>
        %select_n3A_417 = arith.select %ge3A_412, %broadcast_in_dim3A_414, %broadcast_in_dim3A_416 : vector<16xi1>, vector<16xi32>
        %reduce_sum3A_418 = arith.constant true
        %reduce_sum3A_419 = vector.broadcast %reduce_sum3A_418 : i1 to vector<16xi1>
        %reduce_sum3A_420 = tpu.scan <sum>, %select_n3A_417 masked %reduce_sum3A_419 : vector<16xi32>, vector<16xi1> -> vector<16xi32>
        %reduce_sum3A_421 = vector.extract %reduce_sum3A_420[15] : i32 from vector<16xi32>
        %gt3A_422 = arith.constant 0 : i32
        %gt3A_423 = arith.cmpi sgt, %reduce_sum3A_421, %gt3A_422 : i32
        %broadcast_in_dim3A_424 = arith.constant 16 : i32
        %broadcast_in_dim3A_425 = vector.broadcast %broadcast_in_dim3A_424 : i32 to vector<16xi32>
        %select_n3A_426 = arith.select %ge3A_412, %iota3A, %broadcast_in_dim3A_425 : vector<16xi1>, vector<16xi32>
        %reduce_min3A = arith.constant true
        %reduce_min3A_427 = vector.broadcast %reduce_min3A : i1 to vector<16xi1>
        %reduce_min3A_428 = arith.constant -2147483648 : i32
        %reduce_min3A_429 = vector.broadcast %reduce_min3A_428 : i32 to vector<16xi32>
        %reduce_min3A_430 = arith.xori %select_n3A_426, %reduce_min3A_429 : vector<16xi32>
        %reduce_min3A_431 = tpu.scan <min>, %reduce_min3A_430 masked %reduce_min3A_427 : vector<16xi32>, vector<16xi1> -> vector<16xi32>
        %reduce_min3A_432 = arith.xori %reduce_min3A_431, %reduce_min3A_429 : vector<16xi32>
        %reduce_min3A_433 = vector.extract %reduce_min3A_432[15] : i32 from vector<16xi32>
        %mul3A_434 = arith.constant 16 : i32
        %mul3A_435 = arith.muli %while3A_394, %mul3A_434 : i32
        %add3A_436 = arith.constant 15 : i32
        %add3A_437 = arith.addi %mul3A_435, %add3A_436 : i32
        %sub3A_438 = arith.subi %add3A_437, %reduce_min3A_433 : i32
        %broadcast_in_dim3A_439 = vector.broadcast %reduce_min3A_433 : i32 to vector<16xi32>
        %eq3A_440 = arith.cmpi eq, %iota3A, %broadcast_in_dim3A_439 : vector<16xi32>
        %broadcast_in_dim3A_441 = arith.constant 0 : i32
        %broadcast_in_dim3A_442 = vector.broadcast %broadcast_in_dim3A_441 : i32 to vector<16xi32>
        %select_n3A_443 = arith.select %eq3A_440, %masked_cumsum3A, %broadcast_in_dim3A_442 : vector<16xi1>, vector<16xi32>
        %reduce_sum3A_444 = arith.constant true
        %reduce_sum3A_445 = vector.broadcast %reduce_sum3A_444 : i1 to vector<16xi1>
        %reduce_sum3A_446 = tpu.scan <sum>, %select_n3A_443 masked %reduce_sum3A_445 : vector<16xi32>, vector<16xi1> -> vector<16xi32>
        %reduce_sum3A_447 = vector.extract %reduce_sum3A_446[15] : i32 from vector<16xi32>
        %add3A_448 = arith.addi %while3A_395, %reduce_sum3A_447 : i32
        %broadcast_in_dim3A_449 = vector.broadcast %reduce_min3A_433 : i32 to vector<16xi32>
        %eq3A_450 = arith.cmpi eq, %iota3A, %broadcast_in_dim3A_449 : vector<16xi32>
        %broadcast_in_dim3A_451 = arith.constant 0 : i32
        %broadcast_in_dim3A_452 = vector.broadcast %broadcast_in_dim3A_451 : i32 to vector<16xi32>
        %select_n3A_453 = arith.select %eq3A_450, %rev3A_406, %broadcast_in_dim3A_452 : vector<16xi1>, vector<16xi32>
        %reduce_sum3A_454 = arith.constant true
        %reduce_sum3A_455 = vector.broadcast %reduce_sum3A_454 : i1 to vector<16xi1>
        %reduce_sum3A_456 = tpu.scan <sum>, %select_n3A_453 masked %reduce_sum3A_455 : vector<16xi32>, vector<16xi1> -> vector<16xi32>
        %reduce_sum3A_457 = vector.extract %reduce_sum3A_456[15] : i32 from vector<16xi32>
        %sub3A_458 = arith.subi %add3A_448, %reduce_sum3A_457 : i32
        %sub3A_459 = arith.subi %while3A_151#4, %sub3A_458 : i32
        %reduce_max3A_460 = arith.constant true
        %reduce_max3A_461 = vector.broadcast %reduce_max3A_460 : i1 to vector<16xi1>
        %reduce_max3A_462 = arith.constant -2147483648 : i32
        %reduce_max3A_463 = vector.broadcast %reduce_max3A_462 : i32 to vector<16xi32>
        %reduce_max3A_464 = arith.xori %masked_cumsum3A, %reduce_max3A_463 : vector<16xi32>
        %reduce_max3A_465 = tpu.scan <max>, %reduce_max3A_464 masked %reduce_max3A_461 : vector<16xi32>, vector<16xi1> -> vector<16xi32>
        %reduce_max3A_466 = arith.xori %reduce_max3A_465, %reduce_max3A_463 : vector<16xi32>
        %reduce_max3A_467 = vector.extract %reduce_max3A_466[15] : i32 from vector<16xi32>
        %sub3A_468 = arith.constant 1 : i32
        %sub3A_469 = arith.subi %while3A_394, %sub3A_468 : i32
        %add3A_470 = arith.addi %while3A_395, %reduce_max3A_467 : i32
        %select_n3A_471 = arith.select %gt3A_423, %sub3A_438, %while3A_397 : i32
        %select_n3A_472 = arith.select %gt3A_423, %sub3A_459, %while3A_398 : i32
        scf.yield %sub3A_469, %add3A_470, %gt3A_423, %select_n3A_471, %select_n3A_472 : i32, i32, i1, i32, i32
      }
      %shift_right_arithmetic3A_216 = arith.constant 8 : i32
      %shift_right_arithmetic3A_217 = arith.shrsi %shift_left3A_154, %shift_right_arithmetic3A_216 : i32
      %add3A_218 = arith.addi %shift_right_arithmetic3A_217, %while3A_215#3 : i32
      %parallel_loop3A_219 = arith.constant 0 : i32
      %parallel_loop3A_220 = arith.constant 16 : i32
      %parallel_loop3A_221 = arith.constant 1 : i32
      scf.for %parallel_loop3A_394 = %parallel_loop3A_219 to %parallel_loop3A_220 step %parallel_loop3A_221  : i32 {
        %parallel_loop3A_395 = arith.constant 0 : i32
        %parallel_loop3A_396 = vector.broadcast %parallel_loop3A_395 : i32 to vector<16xi32>
        %parallel_loop3A_397 = arith.constant 16 : i32
        %parallel_loop3A_398 = arith.muli %parallel_loop3A_394, %parallel_loop3A_397 : i32
        %parallel_loop3A_399 = arith.index_cast %parallel_loop3A_398 : i32 to index
        %parallel_loop3A_400 = tpu.vector_load %arg7[%parallel_loop3A_399] {strides = array<i32>} : memref<4096xi32, #tpu.memory_space<vmem>>, vector<16xi32>,
        tpu.vector_store %arg7[%parallel_loop3A_399], %parallel_loop3A_396 {strides = array<i32>} : memref<4096xi32, #tpu.memory_space<vmem>>, vector<16xi32>,
      } {sc.loop_unroll_factor = 8 : i64, sc.parallel_access}
      %parallel_loop3A_222 = arith.constant 0 : i32
      %parallel_loop3A_223 = arith.constant 128 : i32
      %parallel_loop3A_224 = arith.constant 1 : i32
      scf.for %parallel_loop3A_394 = %parallel_loop3A_222 to %parallel_loop3A_223 step %parallel_loop3A_224  : i32 {
        %parallel_loop3A_395 = arith.constant 16 : i32
        %parallel_loop3A_396 = arith.muli %parallel_loop3A_394, %parallel_loop3A_395 : i32
        %parallel_loop3A_397 = arith.index_cast %parallel_loop3A_396 : i32 to index
        %parallel_loop3A_398 = tpu.vector_load %arg9[%parallel_loop3A_397] {strides = array<i32>} : memref<2048xi32, #tpu.memory_space<vmem>>, vector<16xi32>,
        %parallel_loop3A_399 = arith.constant 16 : i32
        %parallel_loop3A_400 = arith.muli %parallel_loop3A_394, %parallel_loop3A_399 : i32
        %parallel_loop3A_401 = vector.broadcast %parallel_loop3A_400 : i32 to vector<16xi32>
        %parallel_loop3A_402 = arith.addi %parallel_loop3A_401, %iota3A : vector<16xi32>
        %parallel_loop3A_403 = vector.broadcast %min3A_169 : i32 to vector<16xi32>
        %parallel_loop3A_404 = arith.cmpi slt, %parallel_loop3A_402, %parallel_loop3A_403 : vector<16xi32>
        %parallel_loop3A_405 = arith.constant 8 : i32
        %parallel_loop3A_406 = vector.broadcast %parallel_loop3A_405 : i32 to vector<16xi32>
        %parallel_loop3A_407 = arith.shrsi %parallel_loop3A_398, %parallel_loop3A_406 : vector<16xi32>
        %parallel_loop3A_408 = vector.broadcast %add3A_218 : i32 to vector<16xi32>
        %parallel_loop3A_409 = arith.cmpi eq, %parallel_loop3A_407, %parallel_loop3A_408 : vector<16xi32>
        %parallel_loop3A_410 = arith.andi %parallel_loop3A_404, %parallel_loop3A_409 : vector<16xi1>
        %parallel_loop3A_411 = arith.constant 255 : i32
        %parallel_loop3A_412 = vector.broadcast %parallel_loop3A_411 : i32 to vector<16xi32>
        %parallel_loop3A_413 = arith.andi %parallel_loop3A_398, %parallel_loop3A_412 : vector<16xi32>
        %parallel_loop3A_414, %parallel_loop3A_415 = tpu.scan_count mask(%parallel_loop3A_410 : vector<16xi1>) value(%parallel_loop3A_413 : vector<16xi32>) : vector<16xi1>, vector<16xi32>
        tpu.vector_store_idx %arg7[%parallel_loop3A_413], %parallel_loop3A_415 masked %parallel_loop3A_414 {add = true} : memref<4096xi32, #tpu.memory_space<vmem>>[vector<16xi32>], vector<16xi32>, vector<16xi1>
      } {sc.loop_unroll_factor = 4 : i64, sc.parallel_access}
      %while3A_225 = arith.constant 15 : i32
      %while3A_226 = arith.constant 0 : i32
      %while3A_227 = arith.constant false
      %while3A_228 = arith.constant 0 : i32
      %while3A_229 = arith.constant 0 : i32
      %while3A_230:5 = scf.while (%while3A_394 = %while3A_225, %while3A_395 = %while3A_226, %while3A_396 = %while3A_227, %while3A_397 = %while3A_228, %while3A_398 = %while3A_229) : (i32, i32, i1, i32, i32) -> (i32, i32, i1, i32, i32) {
        %not3A = arith.constant true
        %not3A_399 = arith.xori %while3A_396, %not3A : i1
        %ge3A_400 = arith.constant 0 : i32
        %ge3A_401 = arith.cmpi sge, %while3A_394, %ge3A_400 : i32
        %and3A_402 = arith.andi %not3A_399, %ge3A_401 : i1
        scf.condition(%and3A_402) %while3A_394, %while3A_395, %while3A_396, %while3A_397, %while3A_398 : i32, i32, i1, i32, i32
      } do {
      ^bb0(%while3A_394: i32, %while3A_395: i32, %while3A_396: i1, %while3A_397: i32, %while3A_398: i32):
        %mul3A_399 = arith.constant 16 : i32
        %mul3A_400 = arith.muli %while3A_394, %mul3A_399 : i32
        %get3A_401 = arith.index_cast %mul3A_400 : i32 to index
        %get3A_402 = tpu.vector_load %arg7[%get3A_401] {strides = array<i32>} : memref<4096xi32, #tpu.memory_space<vmem>>, vector<16xi32>,
        %rev3A = arith.constant 15 : i32
        %rev3A_403 = vector.broadcast %rev3A : i32 to vector<16xi32>
        %rev3A_404 = tpu.iota {dimensions = array<i32: 0>} : vector<16xi32>
        %rev3A_405 = arith.subi %rev3A_403, %rev3A_404 : vector<16xi32>
        %rev3A_406 = tpu.dynamic_gather %get3A_402[%rev3A_405] in [0] : vector<16xi32>, vector<16xi32> -> vector<16xi32>
        %broadcast_in_dim3A_407 = arith.constant true
        %broadcast_in_dim3A_408 = vector.broadcast %broadcast_in_dim3A_407 : i1 to vector<16xi1>
        %masked_cumsum3A = tpu.scan <sum>, %rev3A_406 masked %broadcast_in_dim3A_408 : vector<16xi32>, vector<16xi1> -> vector<16xi32>
        %broadcast_in_dim3A_409 = vector.broadcast %while3A_395 : i32 to vector<16xi32>
        %add3A_410 = arith.addi %broadcast_in_dim3A_409, %masked_cumsum3A : vector<16xi32>
        %broadcast_in_dim3A_411 = vector.broadcast %while3A_215#4 : i32 to vector<16xi32>
        %ge3A_412 = arith.cmpi sge, %add3A_410, %broadcast_in_dim3A_411 : vector<16xi32>
        %broadcast_in_dim3A_413 = arith.constant 1 : i32
        %broadcast_in_dim3A_414 = vector.broadcast %broadcast_in_dim3A_413 : i32 to vector<16xi32>
        %broadcast_in_dim3A_415 = arith.constant 0 : i32
        %broadcast_in_dim3A_416 = vector.broadcast %broadcast_in_dim3A_415 : i32 to vector<16xi32>
        %select_n3A_417 = arith.select %ge3A_412, %broadcast_in_dim3A_414, %broadcast_in_dim3A_416 : vector<16xi1>, vector<16xi32>
        %reduce_sum3A_418 = arith.constant true
        %reduce_sum3A_419 = vector.broadcast %reduce_sum3A_418 : i1 to vector<16xi1>
        %reduce_sum3A_420 = tpu.scan <sum>, %select_n3A_417 masked %reduce_sum3A_419 : vector<16xi32>, vector<16xi1> -> vector<16xi32>
        %reduce_sum3A_421 = vector.extract %reduce_sum3A_420[15] : i32 from vector<16xi32>
        %gt3A_422 = arith.constant 0 : i32
        %gt3A_423 = arith.cmpi sgt, %reduce_sum3A_421, %gt3A_422 : i32
        %broadcast_in_dim3A_424 = arith.constant 16 : i32
        %broadcast_in_dim3A_425 = vector.broadcast %broadcast_in_dim3A_424 : i32 to vector<16xi32>
        %select_n3A_426 = arith.select %ge3A_412, %iota3A, %broadcast_in_dim3A_425 : vector<16xi1>, vector<16xi32>
        %reduce_min3A = arith.constant true
        %reduce_min3A_427 = vector.broadcast %reduce_min3A : i1 to vector<16xi1>
        %reduce_min3A_428 = arith.constant -2147483648 : i32
        %reduce_min3A_429 = vector.broadcast %reduce_min3A_428 : i32 to vector<16xi32>
        %reduce_min3A_430 = arith.xori %select_n3A_426, %reduce_min3A_429 : vector<16xi32>
        %reduce_min3A_431 = tpu.scan <min>, %reduce_min3A_430 masked %reduce_min3A_427 : vector<16xi32>, vector<16xi1> -> vector<16xi32>
        %reduce_min3A_432 = arith.xori %reduce_min3A_431, %reduce_min3A_429 : vector<16xi32>
        %reduce_min3A_433 = vector.extract %reduce_min3A_432[15] : i32 from vector<16xi32>
        %mul3A_434 = arith.constant 16 : i32
        %mul3A_435 = arith.muli %while3A_394, %mul3A_434 : i32
        %add3A_436 = arith.constant 15 : i32
        %add3A_437 = arith.addi %mul3A_435, %add3A_436 : i32
        %sub3A_438 = arith.subi %add3A_437, %reduce_min3A_433 : i32
        %broadcast_in_dim3A_439 = vector.broadcast %reduce_min3A_433 : i32 to vector<16xi32>
        %eq3A_440 = arith.cmpi eq, %iota3A, %broadcast_in_dim3A_439 : vector<16xi32>
        %broadcast_in_dim3A_441 = arith.constant 0 : i32
        %broadcast_in_dim3A_442 = vector.broadcast %broadcast_in_dim3A_441 : i32 to vector<16xi32>
        %select_n3A_443 = arith.select %eq3A_440, %masked_cumsum3A, %broadcast_in_dim3A_442 : vector<16xi1>, vector<16xi32>
        %reduce_sum3A_444 = arith.constant true
        %reduce_sum3A_445 = vector.broadcast %reduce_sum3A_444 : i1 to vector<16xi1>
        %reduce_sum3A_446 = tpu.scan <sum>, %select_n3A_443 masked %reduce_sum3A_445 : vector<16xi32>, vector<16xi1> -> vector<16xi32>
        %reduce_sum3A_447 = vector.extract %reduce_sum3A_446[15] : i32 from vector<16xi32>
        %add3A_448 = arith.addi %while3A_395, %reduce_sum3A_447 : i32
        %broadcast_in_dim3A_449 = vector.broadcast %reduce_min3A_433 : i32 to vector<16xi32>
        %eq3A_450 = arith.cmpi eq, %iota3A, %broadcast_in_dim3A_449 : vector<16xi32>
        %broadcast_in_dim3A_451 = arith.constant 0 : i32
        %broadcast_in_dim3A_452 = vector.broadcast %broadcast_in_dim3A_451 : i32 to vector<16xi32>
        %select_n3A_453 = arith.select %eq3A_450, %rev3A_406, %broadcast_in_dim3A_452 : vector<16xi1>, vector<16xi32>
        %reduce_sum3A_454 = arith.constant true
        %reduce_sum3A_455 = vector.broadcast %reduce_sum3A_454 : i1 to vector<16xi1>
        %reduce_sum3A_456 = tpu.scan <sum>, %select_n3A_453 masked %reduce_sum3A_455 : vector<16xi32>, vector<16xi1> -> vector<16xi32>
        %reduce_sum3A_457 = vector.extract %reduce_sum3A_456[15] : i32 from vector<16xi32>
        %sub3A_458 = arith.subi %add3A_448, %reduce_sum3A_457 : i32
        %sub3A_459 = arith.subi %while3A_215#4, %sub3A_458 : i32
        %reduce_max3A_460 = arith.constant true
        %reduce_max3A_461 = vector.broadcast %reduce_max3A_460 : i1 to vector<16xi1>
        %reduce_max3A_462 = arith.constant -2147483648 : i32
        %reduce_max3A_463 = vector.broadcast %reduce_max3A_462 : i32 to vector<16xi32>
        %reduce_max3A_464 = arith.xori %masked_cumsum3A, %reduce_max3A_463 : vector<16xi32>
        %reduce_max3A_465 = tpu.scan <max>, %reduce_max3A_464 masked %reduce_max3A_461 : vector<16xi32>, vector<16xi1> -> vector<16xi32>
        %reduce_max3A_466 = arith.xori %reduce_max3A_465, %reduce_max3A_463 : vector<16xi32>
        %reduce_max3A_467 = vector.extract %reduce_max3A_466[15] : i32 from vector<16xi32>
        %sub3A_468 = arith.constant 1 : i32
        %sub3A_469 = arith.subi %while3A_394, %sub3A_468 : i32
        %add3A_470 = arith.addi %while3A_395, %reduce_max3A_467 : i32
        %select_n3A_471 = arith.select %gt3A_423, %sub3A_438, %while3A_397 : i32
        %select_n3A_472 = arith.select %gt3A_423, %sub3A_459, %while3A_398 : i32
        scf.yield %sub3A_469, %add3A_470, %gt3A_423, %select_n3A_471, %select_n3A_472 : i32, i32, i1, i32, i32
      }
      %shift_left3A_231 = arith.constant 8 : i32
      %shift_left3A_232 = arith.shli %while3A_215#3, %shift_left3A_231 : i32
      %add3A_233 = arith.addi %shift_left3A_154, %shift_left3A_232 : i32
      %add3A_234 = arith.addi %add3A_233, %while3A_230#3 : i32
      %broadcast_in_dim3A_235 = vector.broadcast %reduce_max3A_120 : i32 to vector<16xi32>
      %broadcast_in_dim3A_236 = arith.constant 0 : i32
      %broadcast_in_dim3A_237 = vector.broadcast %broadcast_in_dim3A_236 : i32 to vector<16xi32>
      %ge3A = arith.cmpi sge, %broadcast_in_dim3A_235, %broadcast_in_dim3A_237 : vector<16xi32>
      %broadcast_in_dim3A_238 = arith.constant 2147483647 : i32
      %broadcast_in_dim3A_239 = vector.broadcast %broadcast_in_dim3A_238 : i32 to vector<16xi32>
      %xor3A = arith.xori %broadcast_in_dim3A_235, %broadcast_in_dim3A_239 : vector<16xi32>
      %select_n3A_240 = arith.select %ge3A, %broadcast_in_dim3A_235, %xor3A : vector<16xi1>, vector<16xi32>
      %bitcast3A = vector.bitcast %select_n3A_240 : vector<16xi32> to vector<16xf32>
      %parallel_loop3A_241 = arith.constant 0 : i32
      %parallel_loop3A_242 = arith.constant 256 : i32
      %parallel_loop3A_243 = arith.constant 1 : i32
      scf.for %parallel_loop3A_394 = %parallel_loop3A_241 to %parallel_loop3A_242 step %parallel_loop3A_243  : i32 {
        %parallel_loop3A_395 = arith.constant 0.000000e+00 : f32
        %parallel_loop3A_396 = vector.broadcast %parallel_loop3A_395 : f32 to vector<16xf32>
        %parallel_loop3A_397 = arith.constant 16 : i32
        %parallel_loop3A_398 = arith.muli %parallel_loop3A_394, %parallel_loop3A_397 : i32
        %parallel_loop3A_399 = arith.index_cast %parallel_loop3A_398 : i32 to index
        %parallel_loop3A_400 = tpu.vector_load %arg8[%parallel_loop3A_399] {strides = array<i32>} : memref<4096xf32, #tpu.memory_space<vmem>>, vector<16xf32>,
        tpu.vector_store %arg8[%parallel_loop3A_399], %parallel_loop3A_396 {strides = array<i32>} : memref<4096xf32, #tpu.memory_space<vmem>>, vector<16xf32>,
      } {sc.loop_unroll_factor = 8 : i64, sc.parallel_access}
      %broadcast_in_dim3A_244 = arith.constant 0.000000e+00 : f32
      %broadcast_in_dim3A_245 = vector.broadcast %broadcast_in_dim3A_244 : f32 to vector<16xf32>
      %parallel_loop3A_246 = arith.constant 0 : i32
      %parallel_loop3A_247 = arith.constant 128 : i32
      %parallel_loop3A_248 = arith.constant 1 : i32
      %parallel_loop3A_249 = scf.for %parallel_loop3A_394 = %parallel_loop3A_246 to %parallel_loop3A_247 step %parallel_loop3A_248 iter_args(%parallel_loop3A_395 = %broadcast_in_dim3A_245) -> (vector<16xf32>)  : i32 {
        %parallel_loop3A_396 = arith.constant 16 : i32
        %parallel_loop3A_397 = arith.muli %parallel_loop3A_394, %parallel_loop3A_396 : i32
        %parallel_loop3A_398 = arith.index_cast %parallel_loop3A_397 : i32 to index
        %parallel_loop3A_399 = tpu.vector_load %arg9[%parallel_loop3A_398] {strides = array<i32>} : memref<2048xi32, #tpu.memory_space<vmem>>, vector<16xi32>,
        %parallel_loop3A_400 = arith.constant 16 : i32
        %parallel_loop3A_401 = arith.muli %parallel_loop3A_394, %parallel_loop3A_400 : i32
        %parallel_loop3A_402 = vector.broadcast %parallel_loop3A_401 : i32 to vector<16xi32>
        %parallel_loop3A_403 = arith.addi %parallel_loop3A_402, %iota3A : vector<16xi32>
        %parallel_loop3A_404 = vector.broadcast %min3A_169 : i32 to vector<16xi32>
        %parallel_loop3A_405 = arith.cmpi slt, %parallel_loop3A_403, %parallel_loop3A_404 : vector<16xi32>
        %parallel_loop3A_406 = vector.broadcast %add3A_234 : i32 to vector<16xi32>
        %parallel_loop3A_407 = arith.cmpi sge, %parallel_loop3A_399, %parallel_loop3A_406 : vector<16xi32>
        %parallel_loop3A_408 = arith.andi %parallel_loop3A_405, %parallel_loop3A_407 : vector<16xi1>
        %parallel_loop3A_409 = arith.constant 0 : i32
        %parallel_loop3A_410 = vector.broadcast %parallel_loop3A_409 : i32 to vector<16xi32>
        %parallel_loop3A_411 = arith.cmpi sge, %parallel_loop3A_399, %parallel_loop3A_410 : vector<16xi32>
        %parallel_loop3A_412 = arith.constant 2147483647 : i32
        %parallel_loop3A_413 = vector.broadcast %parallel_loop3A_412 : i32 to vector<16xi32>
        %parallel_loop3A_414 = arith.xori %parallel_loop3A_399, %parallel_loop3A_413 : vector<16xi32>
        %parallel_loop3A_415 = arith.select %parallel_loop3A_411, %parallel_loop3A_399, %parallel_loop3A_414 : vector<16xi1>, vector<16xi32>
        %parallel_loop3A_416 = vector.bitcast %parallel_loop3A_415 : vector<16xi32> to vector<16xf32>
        %parallel_loop3A_417 = arith.subf %parallel_loop3A_416, %bitcast3A : vector<16xf32>
        %parallel_loop3A_418 = math.exp %parallel_loop3A_417 : vector<16xf32>
        %parallel_loop3A_419 = arith.constant 0.000000e+00 : f32
        %parallel_loop3A_420 = vector.broadcast %parallel_loop3A_419 : f32 to vector<16xf32>
        %parallel_loop3A_421 = arith.select %parallel_loop3A_408, %parallel_loop3A_418, %parallel_loop3A_420 : vector<16xi1>, vector<16xf32>
        %parallel_loop3A_422 = arith.constant 20 : i32
        %parallel_loop3A_423 = vector.broadcast %parallel_loop3A_422 : i32 to vector<16xi32>
        %parallel_loop3A_424 = arith.shrsi %parallel_loop3A_399, %parallel_loop3A_423 : vector<16xi32>
        %parallel_loop3A_425 = arith.constant 2048 : i32
        %parallel_loop3A_426 = vector.broadcast %parallel_loop3A_425 : i32 to vector<16xi32>
        %parallel_loop3A_427 = arith.addi %parallel_loop3A_424, %parallel_loop3A_426 : vector<16xi32>
        %parallel_loop3A_428 = arith.constant 16 : i32
        %parallel_loop3A_429 = arith.muli %parallel_loop3A_394, %parallel_loop3A_428 : i32
        %parallel_loop3A_430 = vector.broadcast %parallel_loop3A_429 : i32 to vector<16xi32>
        %parallel_loop3A_431 = arith.addi %parallel_loop3A_430, %iota3A : vector<16xi32>
        %parallel_loop3A_432 = vector.broadcast %min3A_169 : i32 to vector<16xi32>
        %parallel_loop3A_433 = arith.cmpi slt, %parallel_loop3A_431, %parallel_loop3A_432 : vector<16xi32>
        tpu.vector_store_idx %arg8[%parallel_loop3A_427], %parallel_loop3A_421 masked %parallel_loop3A_433 {add = true} : memref<4096xf32, #tpu.memory_space<vmem>>[vector<16xi32>], vector<16xf32>, vector<16xi1>
        %parallel_loop3A_434 = arith.addf %parallel_loop3A_395, %parallel_loop3A_421 : vector<16xf32>
        scf.yield %parallel_loop3A_434 : vector<16xf32>
      } {sc.loop_unroll_factor = 4 : i64, sc.parallel_access}
      %reduce_sum3A_250 = arith.constant true
      %reduce_sum3A_251 = vector.broadcast %reduce_sum3A_250 : i1 to vector<16xi1>
      %reduce_sum3A_252 = tpu.scan <sum>, %parallel_loop3A_249 masked %reduce_sum3A_251 : vector<16xf32>, vector<16xi1> -> vector<16xf32>
      %reduce_sum3A_253 = vector.extract %reduce_sum3A_252[15] : f32 from vector<16xf32>
      %broadcast_in_dim3A_254 = arith.constant 1.000000e+00 : f32
      %broadcast_in_dim3A_255 = vector.broadcast %broadcast_in_dim3A_254 : f32 to vector<16xf32>
      %broadcast_in_dim3A_256 = vector.broadcast %reduce_sum3A_104 : f32 to vector<16xf32>
      %sub3A_257 = arith.subf %broadcast_in_dim3A_255, %broadcast_in_dim3A_256 : vector<16xf32>
      %broadcast_in_dim3A_258 = vector.broadcast %reduce_sum3A_253 : f32 to vector<16xf32>
      %mul3A_259 = arith.mulf %sub3A_257, %broadcast_in_dim3A_258 : vector<16xf32>
      %jit3A_260 = arith.constant 16 : i32
      %div3A_261 = arith.divsi %while3A_151#3, %jit3A_260 : i32
      %sign3A_262 = arith.constant 0 : i32
      %sign3A_263 = arith.cmpi sgt, %while3A_151#3, %sign3A_262 : i32
      %sign3A_264 = arith.extui %sign3A_263 : i1 to i32
      %sign3A_265 = arith.constant 0 : i32
      %sign3A_266 = arith.cmpi slt, %while3A_151#3, %sign3A_265 : i32
      %sign3A_267 = arith.extui %sign3A_266 : i1 to i32
      %sign3A_268 = arith.subi %sign3A_264, %sign3A_267 : i32
      %sign3A_269 = arith.constant 0 : i32
      %sign3A_270 = arith.cmpi sgt, %jit3A_260, %sign3A_269 : i32
      %sign3A_271 = arith.extui %sign3A_270 : i1 to i32
      %sign3A_272 = arith.constant 0 : i32
      %sign3A_273 = arith.cmpi slt, %jit3A_260, %sign3A_272 : i32
      %sign3A_274 = arith.extui %sign3A_273 : i1 to i32
      %sign3A_275 = arith.subi %sign3A_271, %sign3A_274 : i32
      %ne3A_276 = arith.cmpi ne, %sign3A_268, %sign3A_275 : i32
      %rem3A_277 = arith.remsi %while3A_151#3, %jit3A_260 : i32
      %ne3A_278 = arith.constant 0 : i32
      %ne3A_279 = arith.cmpi ne, %rem3A_277, %ne3A_278 : i32
      %and3A_280 = arith.andi %ne3A_276, %ne3A_279 : i1
      %sub3A_281 = arith.constant 1 : i32
      %sub3A_282 = arith.subi %div3A_261, %sub3A_281 : i32
      %select_n3A_283 = arith.select %and3A_280, %sub3A_282, %div3A_261 : i32
      %jit3A_284 = arith.constant 16 : i32
      %div3A_285 = arith.divsi %add3A_123, %jit3A_284 : i32
      %sign3A_286 = arith.constant 0 : i32
      %sign3A_287 = arith.cmpi sgt, %add3A_123, %sign3A_286 : i32
      %sign3A_288 = arith.extui %sign3A_287 : i1 to i32
      %sign3A_289 = arith.constant 0 : i32
      %sign3A_290 = arith.cmpi slt, %add3A_123, %sign3A_289 : i32
      %sign3A_291 = arith.extui %sign3A_290 : i1 to i32
      %sign3A_292 = arith.subi %sign3A_288, %sign3A_291 : i32
      %sign3A_293 = arith.constant 0 : i32
      %sign3A_294 = arith.cmpi sgt, %jit3A_284, %sign3A_293 : i32
      %sign3A_295 = arith.extui %sign3A_294 : i1 to i32
      %sign3A_296 = arith.constant 0 : i32
      %sign3A_297 = arith.cmpi slt, %jit3A_284, %sign3A_296 : i32
      %sign3A_298 = arith.extui %sign3A_297 : i1 to i32
      %sign3A_299 = arith.subi %sign3A_295, %sign3A_298 : i32
      %ne3A_300 = arith.cmpi ne, %sign3A_292, %sign3A_299 : i32
      %rem3A_301 = arith.remsi %add3A_123, %jit3A_284 : i32
      %ne3A_302 = arith.constant 0 : i32
      %ne3A_303 = arith.cmpi ne, %rem3A_301, %ne3A_302 : i32
      %and3A_304 = arith.andi %ne3A_300, %ne3A_303 : i1
      %sub3A_305 = arith.constant 1 : i32
      %sub3A_306 = arith.subi %div3A_285, %sub3A_305 : i32
      %select_n3A_307 = arith.select %and3A_304, %sub3A_306, %div3A_285 : i32
      %while3A_308 = arith.constant 0.000000e+00 : f32
      %while3A_309 = arith.constant false
      %while3A_310 = arith.constant 0 : i32
      %while3A_311 = arith.constant 0.000000e+00 : f32
      %while3A_312:5 = scf.while (%while3A_394 = %select_n3A_283, %while3A_395 = %while3A_308, %while3A_396 = %while3A_309, %while3A_397 = %while3A_310, %while3A_398 = %while3A_311) : (i32, f32, i1, i32, f32) -> (i32, f32, i1, i32, f32) {
        %not3A = arith.constant true
        %not3A_399 = arith.xori %while3A_396, %not3A : i1
        %le3A = arith.cmpi sle, %while3A_394, %select_n3A_307 : i32
        %and3A_400 = arith.andi %not3A_399, %le3A : i1
        scf.condition(%and3A_400) %while3A_394, %while3A_395, %while3A_396, %while3A_397, %while3A_398 : i32, f32, i1, i32, f32
      } do {
      ^bb0(%while3A_394: i32, %while3A_395: f32, %while3A_396: i1, %while3A_397: i32, %while3A_398: f32):
        %mul3A_399 = arith.constant 16 : i32
        %mul3A_400 = arith.muli %while3A_394, %mul3A_399 : i32
        %get3A_401 = arith.index_cast %mul3A_400 : i32 to index
        %get3A_402 = tpu.vector_load %arg8[%get3A_401] {strides = array<i32>} : memref<4096xf32, #tpu.memory_space<vmem>>, vector<16xf32>,
        %broadcast_in_dim3A_403 = arith.constant true
        %broadcast_in_dim3A_404 = vector.broadcast %broadcast_in_dim3A_403 : i1 to vector<16xi1>
        %masked_cumsum3A = tpu.scan <sum>, %get3A_402 masked %broadcast_in_dim3A_404 : vector<16xf32>, vector<16xi1> -> vector<16xf32>
        %broadcast_in_dim3A_405 = vector.broadcast %while3A_395 : f32 to vector<16xf32>
        %add3A_406 = arith.addf %broadcast_in_dim3A_405, %masked_cumsum3A : vector<16xf32>
        %gt3A_407 = arith.cmpf ogt, %add3A_406, %mul3A_259 : vector<16xf32>
        %broadcast_in_dim3A_408 = arith.constant 1 : i32
        %broadcast_in_dim3A_409 = vector.broadcast %broadcast_in_dim3A_408 : i32 to vector<16xi32>
        %broadcast_in_dim3A_410 = arith.constant 0 : i32
        %broadcast_in_dim3A_411 = vector.broadcast %broadcast_in_dim3A_410 : i32 to vector<16xi32>
        %select_n3A_412 = arith.select %gt3A_407, %broadcast_in_dim3A_409, %broadcast_in_dim3A_411 : vector<16xi1>, vector<16xi32>
        %reduce_sum3A_413 = arith.constant true
        %reduce_sum3A_414 = vector.broadcast %reduce_sum3A_413 : i1 to vector<16xi1>
        %reduce_sum3A_415 = tpu.scan <sum>, %select_n3A_412 masked %reduce_sum3A_414 : vector<16xi32>, vector<16xi1> -> vector<16xi32>
        %reduce_sum3A_416 = vector.extract %reduce_sum3A_415[15] : i32 from vector<16xi32>
        %gt3A_417 = arith.constant 0 : i32
        %gt3A_418 = arith.cmpi sgt, %reduce_sum3A_416, %gt3A_417 : i32
        %broadcast_in_dim3A_419 = arith.constant 16 : i32
        %broadcast_in_dim3A_420 = vector.broadcast %broadcast_in_dim3A_419 : i32 to vector<16xi32>
        %select_n3A_421 = arith.select %gt3A_407, %iota3A, %broadcast_in_dim3A_420 : vector<16xi1>, vector<16xi32>
        %reduce_min3A = arith.constant true
        %reduce_min3A_422 = vector.broadcast %reduce_min3A : i1 to vector<16xi1>
        %reduce_min3A_423 = arith.constant -2147483648 : i32
        %reduce_min3A_424 = vector.broadcast %reduce_min3A_423 : i32 to vector<16xi32>
        %reduce_min3A_425 = arith.xori %select_n3A_421, %reduce_min3A_424 : vector<16xi32>
        %reduce_min3A_426 = tpu.scan <min>, %reduce_min3A_425 masked %reduce_min3A_422 : vector<16xi32>, vector<16xi1> -> vector<16xi32>
        %reduce_min3A_427 = arith.xori %reduce_min3A_426, %reduce_min3A_424 : vector<16xi32>
        %reduce_min3A_428 = vector.extract %reduce_min3A_427[15] : i32 from vector<16xi32>
        %mul3A_429 = arith.constant 16 : i32
        %mul3A_430 = arith.muli %while3A_394, %mul3A_429 : i32
        %add3A_431 = arith.addi %mul3A_430, %reduce_min3A_428 : i32
        %broadcast_in_dim3A_432 = vector.broadcast %reduce_min3A_428 : i32 to vector<16xi32>
        %eq3A_433 = arith.cmpi eq, %iota3A, %broadcast_in_dim3A_432 : vector<16xi32>
        %broadcast_in_dim3A_434 = arith.constant 0.000000e+00 : f32
        %broadcast_in_dim3A_435 = vector.broadcast %broadcast_in_dim3A_434 : f32 to vector<16xf32>
        %select_n3A_436 = arith.select %eq3A_433, %masked_cumsum3A, %broadcast_in_dim3A_435 : vector<16xi1>, vector<16xf32>
        %reduce_sum3A_437 = arith.constant true
        %reduce_sum3A_438 = vector.broadcast %reduce_sum3A_437 : i1 to vector<16xi1>
        %reduce_sum3A_439 = tpu.scan <sum>, %select_n3A_436 masked %reduce_sum3A_438 : vector<16xf32>, vector<16xi1> -> vector<16xf32>
        %reduce_sum3A_440 = vector.extract %reduce_sum3A_439[15] : f32 from vector<16xf32>
        %add3A_441 = arith.addf %while3A_395, %reduce_sum3A_440 : f32
        %broadcast_in_dim3A_442 = vector.broadcast %reduce_min3A_428 : i32 to vector<16xi32>
        %eq3A_443 = arith.cmpi eq, %iota3A, %broadcast_in_dim3A_442 : vector<16xi32>
        %broadcast_in_dim3A_444 = arith.constant 0.000000e+00 : f32
        %broadcast_in_dim3A_445 = vector.broadcast %broadcast_in_dim3A_444 : f32 to vector<16xf32>
        %select_n3A_446 = arith.select %eq3A_443, %get3A_402, %broadcast_in_dim3A_445 : vector<16xi1>, vector<16xf32>
        %reduce_sum3A_447 = arith.constant true
        %reduce_sum3A_448 = vector.broadcast %reduce_sum3A_447 : i1 to vector<16xi1>
        %reduce_sum3A_449 = tpu.scan <sum>, %select_n3A_446 masked %reduce_sum3A_448 : vector<16xf32>, vector<16xi1> -> vector<16xf32>
        %reduce_sum3A_450 = vector.extract %reduce_sum3A_449[15] : f32 from vector<16xf32>
        %sub3A_451 = arith.subf %add3A_441, %reduce_sum3A_450 : f32
        %reduce_max3A_452 = arith.constant true
        %reduce_max3A_453 = vector.broadcast %reduce_max3A_452 : i1 to vector<16xi1>
        %reduce_max3A_454 = tpu.scan <max>, %masked_cumsum3A masked %reduce_max3A_453 : vector<16xf32>, vector<16xi1> -> vector<16xf32>
        %reduce_max3A_455 = vector.extract %reduce_max3A_454[15] : f32 from vector<16xf32>
        %add3A_456 = arith.constant 1 : i32
        %add3A_457 = arith.addi %while3A_394, %add3A_456 : i32
        %add3A_458 = arith.addf %while3A_395, %reduce_max3A_455 : f32
        %select_n3A_459 = arith.select %gt3A_418, %add3A_431, %while3A_397 : i32
        %select_n3A_460 = arith.select %gt3A_418, %sub3A_451, %while3A_398 : f32
        scf.yield %add3A_457, %add3A_458, %gt3A_418, %select_n3A_459, %select_n3A_460 : i32, f32, i1, i32, f32
      }
      %convert_element_type3A = arith.extui %while3A_312#2 : i1 to i32
      %cond3A = arith.constant 0 : i32
      %cond3A_313 = arith.constant 0 : i32
      %cond3A_314 = arith.cmpi ne, %convert_element_type3A, %cond3A_313 : i32
      %cond3A_315:2 = scf.if %cond3A_314 -> (i32, i32) {
        %parallel_loop3A_394 = arith.constant 0 : i32
        %parallel_loop3A_395 = arith.constant 256 : i32
        %parallel_loop3A_396 = arith.constant 1 : i32
        scf.for %parallel_loop3A_623 = %parallel_loop3A_394 to %parallel_loop3A_395 step %parallel_loop3A_396  : i32 {
          %parallel_loop3A_624 = arith.constant 0.000000e+00 : f32
          %parallel_loop3A_625 = vector.broadcast %parallel_loop3A_624 : f32 to vector<16xf32>
          %parallel_loop3A_626 = arith.constant 16 : i32
          %parallel_loop3A_627 = arith.muli %parallel_loop3A_623, %parallel_loop3A_626 : i32
          %parallel_loop3A_628 = arith.index_cast %parallel_loop3A_627 : i32 to index
          %parallel_loop3A_629 = tpu.vector_load %arg8[%parallel_loop3A_628] {strides = array<i32>} : memref<4096xf32, #tpu.memory_space<vmem>>, vector<16xf32>,
          tpu.vector_store %arg8[%parallel_loop3A_628], %parallel_loop3A_625 {strides = array<i32>} : memref<4096xf32, #tpu.memory_space<vmem>>, vector<16xf32>,
        } {sc.loop_unroll_factor = 8 : i64, sc.parallel_access}
        %broadcast_in_dim3A_397 = arith.constant 0 : i32
        %broadcast_in_dim3A_398 = vector.broadcast %broadcast_in_dim3A_397 : i32 to vector<16xi32>
        %parallel_loop3A_399 = arith.constant 0 : i32
        %parallel_loop3A_400 = arith.constant 128 : i32
        %parallel_loop3A_401 = arith.constant 1 : i32
        %parallel_loop3A_402 = scf.for %parallel_loop3A_623 = %parallel_loop3A_399 to %parallel_loop3A_400 step %parallel_loop3A_401 iter_args(%parallel_loop3A_624 = %broadcast_in_dim3A_398) -> (vector<16xi32>)  : i32 {
          %parallel_loop3A_625 = arith.constant 16 : i32
          %parallel_loop3A_626 = arith.muli %parallel_loop3A_623, %parallel_loop3A_625 : i32
          %parallel_loop3A_627 = arith.index_cast %parallel_loop3A_626 : i32 to index
          %parallel_loop3A_628 = tpu.vector_load %arg9[%parallel_loop3A_627] {strides = array<i32>} : memref<2048xi32, #tpu.memory_space<vmem>>, vector<16xi32>,
          %parallel_loop3A_629 = arith.constant 16 : i32
          %parallel_loop3A_630 = arith.muli %parallel_loop3A_623, %parallel_loop3A_629 : i32
          %parallel_loop3A_631 = vector.broadcast %parallel_loop3A_630 : i32 to vector<16xi32>
          %parallel_loop3A_632 = arith.addi %parallel_loop3A_631, %iota3A : vector<16xi32>
          %parallel_loop3A_633 = vector.broadcast %min3A_169 : i32 to vector<16xi32>
          %parallel_loop3A_634 = arith.cmpi slt, %parallel_loop3A_632, %parallel_loop3A_633 : vector<16xi32>
          %parallel_loop3A_635 = arith.constant 20 : i32
          %parallel_loop3A_636 = vector.broadcast %parallel_loop3A_635 : i32 to vector<16xi32>
          %parallel_loop3A_637 = arith.shrsi %parallel_loop3A_628, %parallel_loop3A_636 : vector<16xi32>
          %parallel_loop3A_638 = arith.constant 2048 : i32
          %parallel_loop3A_639 = vector.broadcast %parallel_loop3A_638 : i32 to vector<16xi32>
          %parallel_loop3A_640 = arith.addi %parallel_loop3A_637, %parallel_loop3A_639 : vector<16xi32>
          %parallel_loop3A_641 = vector.broadcast %while3A_312#3 : i32 to vector<16xi32>
          %parallel_loop3A_642 = arith.cmpi eq, %parallel_loop3A_640, %parallel_loop3A_641 : vector<16xi32>
          %parallel_loop3A_643 = arith.andi %parallel_loop3A_634, %parallel_loop3A_642 : vector<16xi1>
          %parallel_loop3A_644 = arith.constant 8 : i32
          %parallel_loop3A_645 = vector.broadcast %parallel_loop3A_644 : i32 to vector<16xi32>
          %parallel_loop3A_646 = arith.shrsi %parallel_loop3A_628, %parallel_loop3A_645 : vector<16xi32>
          %parallel_loop3A_647 = arith.constant 4095 : i32
          %parallel_loop3A_648 = vector.broadcast %parallel_loop3A_647 : i32 to vector<16xi32>
          %parallel_loop3A_649 = arith.andi %parallel_loop3A_646, %parallel_loop3A_648 : vector<16xi32>
          %parallel_loop3A_650 = arith.constant 16 : i32
          %parallel_loop3A_651 = arith.muli %parallel_loop3A_623, %parallel_loop3A_650 : i32
          %parallel_loop3A_652 = vector.broadcast %parallel_loop3A_651 : i32 to vector<16xi32>
          %parallel_loop3A_653 = arith.addi %parallel_loop3A_652, %iota3A : vector<16xi32>
          %parallel_loop3A_654 = vector.broadcast %min3A_169 : i32 to vector<16xi32>
          %parallel_loop3A_655 = arith.cmpi slt, %parallel_loop3A_653, %parallel_loop3A_654 : vector<16xi32>
          %parallel_loop3A_656 = vector.broadcast %add3A_234 : i32 to vector<16xi32>
          %parallel_loop3A_657 = arith.cmpi sge, %parallel_loop3A_628, %parallel_loop3A_656 : vector<16xi32>
          %parallel_loop3A_658 = arith.andi %parallel_loop3A_655, %parallel_loop3A_657 : vector<16xi1>
          %parallel_loop3A_659 = arith.constant 0 : i32
          %parallel_loop3A_660 = vector.broadcast %parallel_loop3A_659 : i32 to vector<16xi32>
          %parallel_loop3A_661 = arith.cmpi sge, %parallel_loop3A_628, %parallel_loop3A_660 : vector<16xi32>
          %parallel_loop3A_662 = arith.constant 2147483647 : i32
          %parallel_loop3A_663 = vector.broadcast %parallel_loop3A_662 : i32 to vector<16xi32>
          %parallel_loop3A_664 = arith.xori %parallel_loop3A_628, %parallel_loop3A_663 : vector<16xi32>
          %parallel_loop3A_665 = arith.select %parallel_loop3A_661, %parallel_loop3A_628, %parallel_loop3A_664 : vector<16xi1>, vector<16xi32>
          %parallel_loop3A_666 = vector.bitcast %parallel_loop3A_665 : vector<16xi32> to vector<16xf32>
          %parallel_loop3A_667 = arith.subf %parallel_loop3A_666, %bitcast3A : vector<16xf32>
          %parallel_loop3A_668 = math.exp %parallel_loop3A_667 : vector<16xf32>
          %parallel_loop3A_669 = arith.constant 0.000000e+00 : f32
          %parallel_loop3A_670 = vector.broadcast %parallel_loop3A_669 : f32 to vector<16xf32>
          %parallel_loop3A_671 = arith.select %parallel_loop3A_658, %parallel_loop3A_668, %parallel_loop3A_670 : vector<16xi1>, vector<16xf32>
          tpu.vector_store_idx %arg8[%parallel_loop3A_649], %parallel_loop3A_671 masked %parallel_loop3A_643 {add = true} : memref<4096xf32, #tpu.memory_space<vmem>>[vector<16xi32>], vector<16xf32>, vector<16xi1>
          %parallel_loop3A_672 = vector.broadcast %add3A_234 : i32 to vector<16xi32>
          %parallel_loop3A_673 = arith.cmpi sge, %parallel_loop3A_628, %parallel_loop3A_672 : vector<16xi32>
          %parallel_loop3A_674 = arith.andi %parallel_loop3A_643, %parallel_loop3A_673 : vector<16xi1>
          %parallel_loop3A_675 = arith.constant 0 : i32
          %parallel_loop3A_676 = vector.broadcast %parallel_loop3A_675 : i32 to vector<16xi32>
          %parallel_loop3A_677 = arith.select %parallel_loop3A_674, %parallel_loop3A_649, %parallel_loop3A_676 : vector<16xi1>, vector<16xi32>
          %parallel_loop3A_678 = arith.maxsi %parallel_loop3A_624, %parallel_loop3A_677 : vector<16xi32>
          scf.yield %parallel_loop3A_678 : vector<16xi32>
        } {sc.loop_unroll_factor = 4 : i64, sc.parallel_access}
        %reduce_max3A_403 = arith.constant true
        %reduce_max3A_404 = vector.broadcast %reduce_max3A_403 : i1 to vector<16xi1>
        %reduce_max3A_405 = arith.constant -2147483648 : i32
        %reduce_max3A_406 = vector.broadcast %reduce_max3A_405 : i32 to vector<16xi32>
        %reduce_max3A_407 = arith.xori %parallel_loop3A_402, %reduce_max3A_406 : vector<16xi32>
        %reduce_max3A_408 = tpu.scan <max>, %reduce_max3A_407 masked %reduce_max3A_404 : vector<16xi32>, vector<16xi1> -> vector<16xi32>
        %reduce_max3A_409 = arith.xori %reduce_max3A_408, %reduce_max3A_406 : vector<16xi32>
        %reduce_max3A_410 = vector.extract %reduce_max3A_409[15] : i32 from vector<16xi32>
        %jit3A_411 = arith.constant 16 : i32
        %div3A_412 = arith.divsi %reduce_max3A_410, %jit3A_411 : i32
        %sign3A_413 = arith.constant 0 : i32
        %sign3A_414 = arith.cmpi sgt, %reduce_max3A_410, %sign3A_413 : i32
        %sign3A_415 = arith.extui %sign3A_414 : i1 to i32
        %sign3A_416 = arith.constant 0 : i32
        %sign3A_417 = arith.cmpi slt, %reduce_max3A_410, %sign3A_416 : i32
        %sign3A_418 = arith.extui %sign3A_417 : i1 to i32
        %sign3A_419 = arith.subi %sign3A_415, %sign3A_418 : i32
        %sign3A_420 = arith.constant 0 : i32
        %sign3A_421 = arith.cmpi sgt, %jit3A_411, %sign3A_420 : i32
        %sign3A_422 = arith.extui %sign3A_421 : i1 to i32
        %sign3A_423 = arith.constant 0 : i32
        %sign3A_424 = arith.cmpi slt, %jit3A_411, %sign3A_423 : i32
        %sign3A_425 = arith.extui %sign3A_424 : i1 to i32
        %sign3A_426 = arith.subi %sign3A_422, %sign3A_425 : i32
        %ne3A_427 = arith.cmpi ne, %sign3A_419, %sign3A_426 : i32
        %rem3A_428 = arith.remsi %reduce_max3A_410, %jit3A_411 : i32
        %ne3A_429 = arith.constant 0 : i32
        %ne3A_430 = arith.cmpi ne, %rem3A_428, %ne3A_429 : i32
        %and3A_431 = arith.andi %ne3A_427, %ne3A_430 : i1
        %sub3A_432 = arith.constant 1 : i32
        %sub3A_433 = arith.subi %div3A_412, %sub3A_432 : i32
        %select_n3A_434 = arith.select %and3A_431, %sub3A_433, %div3A_412 : i32
        %while3A_435 = arith.constant 0 : i32
        %while3A_436 = arith.constant false
        %while3A_437 = arith.constant 0 : i32
        %while3A_438 = arith.constant 0.000000e+00 : f32
        %while3A_439:5 = scf.while (%while3A_623 = %while3A_435, %while3A_624 = %while3A_312#4, %while3A_625 = %while3A_436, %while3A_626 = %while3A_437, %while3A_627 = %while3A_438) : (i32, f32, i1, i32, f32) -> (i32, f32, i1, i32, f32) {
          %not3A = arith.constant true
          %not3A_628 = arith.xori %while3A_625, %not3A : i1
          %le3A = arith.cmpi sle, %while3A_623, %select_n3A_434 : i32
          %and3A_629 = arith.andi %not3A_628, %le3A : i1
          scf.condition(%and3A_629) %while3A_623, %while3A_624, %while3A_625, %while3A_626, %while3A_627 : i32, f32, i1, i32, f32
        } do {
        ^bb0(%while3A_623: i32, %while3A_624: f32, %while3A_625: i1, %while3A_626: i32, %while3A_627: f32):
          %mul3A_628 = arith.constant 16 : i32
          %mul3A_629 = arith.muli %while3A_623, %mul3A_628 : i32
          %get3A_630 = arith.index_cast %mul3A_629 : i32 to index
          %get3A_631 = tpu.vector_load %arg8[%get3A_630] {strides = array<i32>} : memref<4096xf32, #tpu.memory_space<vmem>>, vector<16xf32>,
          %broadcast_in_dim3A_632 = arith.constant true
          %broadcast_in_dim3A_633 = vector.broadcast %broadcast_in_dim3A_632 : i1 to vector<16xi1>
          %masked_cumsum3A = tpu.scan <sum>, %get3A_631 masked %broadcast_in_dim3A_633 : vector<16xf32>, vector<16xi1> -> vector<16xf32>
          %broadcast_in_dim3A_634 = vector.broadcast %while3A_624 : f32 to vector<16xf32>
          %add3A_635 = arith.addf %broadcast_in_dim3A_634, %masked_cumsum3A : vector<16xf32>
          %gt3A_636 = arith.cmpf ogt, %add3A_635, %mul3A_259 : vector<16xf32>
          %broadcast_in_dim3A_637 = arith.constant 1 : i32
          %broadcast_in_dim3A_638 = vector.broadcast %broadcast_in_dim3A_637 : i32 to vector<16xi32>
          %broadcast_in_dim3A_639 = arith.constant 0 : i32
          %broadcast_in_dim3A_640 = vector.broadcast %broadcast_in_dim3A_639 : i32 to vector<16xi32>
          %select_n3A_641 = arith.select %gt3A_636, %broadcast_in_dim3A_638, %broadcast_in_dim3A_640 : vector<16xi1>, vector<16xi32>
          %reduce_sum3A_642 = arith.constant true
          %reduce_sum3A_643 = vector.broadcast %reduce_sum3A_642 : i1 to vector<16xi1>
          %reduce_sum3A_644 = tpu.scan <sum>, %select_n3A_641 masked %reduce_sum3A_643 : vector<16xi32>, vector<16xi1> -> vector<16xi32>
          %reduce_sum3A_645 = vector.extract %reduce_sum3A_644[15] : i32 from vector<16xi32>
          %gt3A_646 = arith.constant 0 : i32
          %gt3A_647 = arith.cmpi sgt, %reduce_sum3A_645, %gt3A_646 : i32
          %broadcast_in_dim3A_648 = arith.constant 16 : i32
          %broadcast_in_dim3A_649 = vector.broadcast %broadcast_in_dim3A_648 : i32 to vector<16xi32>
          %select_n3A_650 = arith.select %gt3A_636, %iota3A, %broadcast_in_dim3A_649 : vector<16xi1>, vector<16xi32>
          %reduce_min3A = arith.constant true
          %reduce_min3A_651 = vector.broadcast %reduce_min3A : i1 to vector<16xi1>
          %reduce_min3A_652 = arith.constant -2147483648 : i32
          %reduce_min3A_653 = vector.broadcast %reduce_min3A_652 : i32 to vector<16xi32>
          %reduce_min3A_654 = arith.xori %select_n3A_650, %reduce_min3A_653 : vector<16xi32>
          %reduce_min3A_655 = tpu.scan <min>, %reduce_min3A_654 masked %reduce_min3A_651 : vector<16xi32>, vector<16xi1> -> vector<16xi32>
          %reduce_min3A_656 = arith.xori %reduce_min3A_655, %reduce_min3A_653 : vector<16xi32>
          %reduce_min3A_657 = vector.extract %reduce_min3A_656[15] : i32 from vector<16xi32>
          %mul3A_658 = arith.constant 16 : i32
          %mul3A_659 = arith.muli %while3A_623, %mul3A_658 : i32
          %add3A_660 = arith.addi %mul3A_659, %reduce_min3A_657 : i32
          %broadcast_in_dim3A_661 = vector.broadcast %reduce_min3A_657 : i32 to vector<16xi32>
          %eq3A_662 = arith.cmpi eq, %iota3A, %broadcast_in_dim3A_661 : vector<16xi32>
          %broadcast_in_dim3A_663 = arith.constant 0.000000e+00 : f32
          %broadcast_in_dim3A_664 = vector.broadcast %broadcast_in_dim3A_663 : f32 to vector<16xf32>
          %select_n3A_665 = arith.select %eq3A_662, %masked_cumsum3A, %broadcast_in_dim3A_664 : vector<16xi1>, vector<16xf32>
          %reduce_sum3A_666 = arith.constant true
          %reduce_sum3A_667 = vector.broadcast %reduce_sum3A_666 : i1 to vector<16xi1>
          %reduce_sum3A_668 = tpu.scan <sum>, %select_n3A_665 masked %reduce_sum3A_667 : vector<16xf32>, vector<16xi1> -> vector<16xf32>
          %reduce_sum3A_669 = vector.extract %reduce_sum3A_668[15] : f32 from vector<16xf32>
          %add3A_670 = arith.addf %while3A_624, %reduce_sum3A_669 : f32
          %broadcast_in_dim3A_671 = vector.broadcast %reduce_min3A_657 : i32 to vector<16xi32>
          %eq3A_672 = arith.cmpi eq, %iota3A, %broadcast_in_dim3A_671 : vector<16xi32>
          %broadcast_in_dim3A_673 = arith.constant 0.000000e+00 : f32
          %broadcast_in_dim3A_674 = vector.broadcast %broadcast_in_dim3A_673 : f32 to vector<16xf32>
          %select_n3A_675 = arith.select %eq3A_672, %get3A_631, %broadcast_in_dim3A_674 : vector<16xi1>, vector<16xf32>
          %reduce_sum3A_676 = arith.constant true
          %reduce_sum3A_677 = vector.broadcast %reduce_sum3A_676 : i1 to vector<16xi1>
          %reduce_sum3A_678 = tpu.scan <sum>, %select_n3A_675 masked %reduce_sum3A_677 : vector<16xf32>, vector<16xi1> -> vector<16xf32>
          %reduce_sum3A_679 = vector.extract %reduce_sum3A_678[15] : f32 from vector<16xf32>
          %sub3A_680 = arith.subf %add3A_670, %reduce_sum3A_679 : f32
          %reduce_max3A_681 = arith.constant true
          %reduce_max3A_682 = vector.broadcast %reduce_max3A_681 : i1 to vector<16xi1>
          %reduce_max3A_683 = tpu.scan <max>, %masked_cumsum3A masked %reduce_max3A_682 : vector<16xf32>, vector<16xi1> -> vector<16xf32>
          %reduce_max3A_684 = vector.extract %reduce_max3A_683[15] : f32 from vector<16xf32>
          %add3A_685 = arith.constant 1 : i32
          %add3A_686 = arith.addi %while3A_623, %add3A_685 : i32
          %add3A_687 = arith.addf %while3A_624, %reduce_max3A_684 : f32
          %select_n3A_688 = arith.select %gt3A_647, %add3A_660, %while3A_626 : i32
          %select_n3A_689 = arith.select %gt3A_647, %sub3A_680, %while3A_627 : f32
          scf.yield %add3A_686, %add3A_687, %gt3A_647, %select_n3A_688, %select_n3A_689 : i32, f32, i1, i32, f32
        }
        %jit3A_440 = arith.constant 16 : i32
        %div3A_441 = arith.divsi %reduce_max3A_410, %jit3A_440 : i32
        %sign3A_442 = arith.constant 0 : i32
        %sign3A_443 = arith.cmpi sgt, %reduce_max3A_410, %sign3A_442 : i32
        %sign3A_444 = arith.extui %sign3A_443 : i1 to i32
        %sign3A_445 = arith.constant 0 : i32
        %sign3A_446 = arith.cmpi slt, %reduce_max3A_410, %sign3A_445 : i32
        %sign3A_447 = arith.extui %sign3A_446 : i1 to i32
        %sign3A_448 = arith.subi %sign3A_444, %sign3A_447 : i32
        %sign3A_449 = arith.constant 0 : i32
        %sign3A_450 = arith.cmpi sgt, %jit3A_440, %sign3A_449 : i32
        %sign3A_451 = arith.extui %sign3A_450 : i1 to i32
        %sign3A_452 = arith.constant 0 : i32
        %sign3A_453 = arith.cmpi slt, %jit3A_440, %sign3A_452 : i32
        %sign3A_454 = arith.extui %sign3A_453 : i1 to i32
        %sign3A_455 = arith.subi %sign3A_451, %sign3A_454 : i32
        %ne3A_456 = arith.cmpi ne, %sign3A_448, %sign3A_455 : i32
        %rem3A_457 = arith.remsi %reduce_max3A_410, %jit3A_440 : i32
        %ne3A_458 = arith.constant 0 : i32
        %ne3A_459 = arith.cmpi ne, %rem3A_457, %ne3A_458 : i32
        %and3A_460 = arith.andi %ne3A_456, %ne3A_459 : i1
        %sub3A_461 = arith.constant 1 : i32
        %sub3A_462 = arith.subi %div3A_441, %sub3A_461 : i32
        %select_n3A_463 = arith.select %and3A_460, %sub3A_462, %div3A_441 : i32
        %mul3A_464 = arith.constant 16 : i32
        %mul3A_465 = arith.muli %select_n3A_463, %mul3A_464 : i32
        %get3A_466 = arith.index_cast %mul3A_465 : i32 to index
        %get3A_467 = tpu.vector_load %arg8[%get3A_466] {strides = array<i32>} : memref<4096xf32, #tpu.memory_space<vmem>>, vector<16xf32>,
        %jit3A_468 = arith.constant 16 : i32
        %eq3A_469 = arith.constant 0 : i32
        %eq3A_470 = arith.cmpi eq, %jit3A_468, %eq3A_469 : i32
        %jit3A_471 = arith.constant 1 : i32
        %select_n3A_472 = arith.select %eq3A_470, %jit3A_471, %jit3A_468 : i32
        %rem3A_473 = arith.remsi %reduce_max3A_410, %select_n3A_472 : i32
        %ne3A_474 = arith.constant 0 : i32
        %ne3A_475 = arith.cmpi ne, %rem3A_473, %ne3A_474 : i32
        %lt3A_476 = arith.constant 0 : i32
        %lt3A_477 = arith.cmpi slt, %rem3A_473, %lt3A_476 : i32
        %lt3A_478 = arith.constant 0 : i32
        %lt3A_479 = arith.cmpi slt, %select_n3A_472, %lt3A_478 : i32
        %ne3A_480 = arith.xori %lt3A_477, %lt3A_479 : i1
        %and3A_481 = arith.andi %ne3A_480, %ne3A_475 : i1
        %add3A_482 = arith.addi %rem3A_473, %select_n3A_472 : i32
        %select_n3A_483 = arith.select %and3A_481, %add3A_482, %rem3A_473 : i32
        %broadcast_in_dim3A_484 = vector.broadcast %select_n3A_483 : i32 to vector<16xi32>
        %eq3A_485 = arith.cmpi eq, %iota3A, %broadcast_in_dim3A_484 : vector<16xi32>
        %broadcast_in_dim3A_486 = arith.constant 0.000000e+00 : f32
        %broadcast_in_dim3A_487 = vector.broadcast %broadcast_in_dim3A_486 : f32 to vector<16xf32>
        %select_n3A_488 = arith.select %eq3A_485, %get3A_467, %broadcast_in_dim3A_487 : vector<16xi1>, vector<16xf32>
        %reduce_sum3A_489 = arith.constant true
        %reduce_sum3A_490 = vector.broadcast %reduce_sum3A_489 : i1 to vector<16xi1>
        %reduce_sum3A_491 = tpu.scan <sum>, %select_n3A_488 masked %reduce_sum3A_490 : vector<16xf32>, vector<16xi1> -> vector<16xf32>
        %reduce_sum3A_492 = vector.extract %reduce_sum3A_491[15] : f32 from vector<16xf32>
        %select_n3A_493 = arith.select %while3A_439#2, %while3A_439#3, %reduce_max3A_410 : i32
        %sub3A_494 = arith.subf %while3A_439#1, %reduce_sum3A_492 : f32
        %select_n3A_495 = arith.select %while3A_439#2, %while3A_439#4, %sub3A_494 : f32
        %sub3A_496 = arith.constant 2048 : i32
        %sub3A_497 = arith.subi %while3A_312#3, %sub3A_496 : i32
        %shift_left3A_498 = arith.constant 12 : i32
        %shift_left3A_499 = arith.shli %sub3A_497, %shift_left3A_498 : i32
        %add3A_500 = arith.addi %shift_left3A_499, %select_n3A_493 : i32
        %parallel_loop3A_501 = arith.constant 0 : i32
        %parallel_loop3A_502 = arith.constant 16 : i32
        %parallel_loop3A_503 = arith.constant 1 : i32
        scf.for %parallel_loop3A_623 = %parallel_loop3A_501 to %parallel_loop3A_502 step %parallel_loop3A_503  : i32 {
          %parallel_loop3A_624 = arith.constant 0.000000e+00 : f32
          %parallel_loop3A_625 = vector.broadcast %parallel_loop3A_624 : f32 to vector<16xf32>
          %parallel_loop3A_626 = arith.constant 16 : i32
          %parallel_loop3A_627 = arith.muli %parallel_loop3A_623, %parallel_loop3A_626 : i32
          %parallel_loop3A_628 = arith.index_cast %parallel_loop3A_627 : i32 to index
          %parallel_loop3A_629 = tpu.vector_load %arg8[%parallel_loop3A_628] {strides = array<i32>} : memref<4096xf32, #tpu.memory_space<vmem>>, vector<16xf32>,
          tpu.vector_store %arg8[%parallel_loop3A_628], %parallel_loop3A_625 {strides = array<i32>} : memref<4096xf32, #tpu.memory_space<vmem>>, vector<16xf32>,
        } {sc.loop_unroll_factor = 8 : i64, sc.parallel_access}
        %broadcast_in_dim3A_504 = arith.constant 0 : i32
        %broadcast_in_dim3A_505 = vector.broadcast %broadcast_in_dim3A_504 : i32 to vector<16xi32>
        %parallel_loop3A_506 = arith.constant 0 : i32
        %parallel_loop3A_507 = arith.constant 128 : i32
        %parallel_loop3A_508 = arith.constant 1 : i32
        %parallel_loop3A_509 = scf.for %parallel_loop3A_623 = %parallel_loop3A_506 to %parallel_loop3A_507 step %parallel_loop3A_508 iter_args(%parallel_loop3A_624 = %broadcast_in_dim3A_505) -> (vector<16xi32>)  : i32 {
          %parallel_loop3A_625 = arith.constant 16 : i32
          %parallel_loop3A_626 = arith.muli %parallel_loop3A_623, %parallel_loop3A_625 : i32
          %parallel_loop3A_627 = arith.index_cast %parallel_loop3A_626 : i32 to index
          %parallel_loop3A_628 = tpu.vector_load %arg9[%parallel_loop3A_627] {strides = array<i32>} : memref<2048xi32, #tpu.memory_space<vmem>>, vector<16xi32>,
          %parallel_loop3A_629 = arith.constant 16 : i32
          %parallel_loop3A_630 = arith.muli %parallel_loop3A_623, %parallel_loop3A_629 : i32
          %parallel_loop3A_631 = vector.broadcast %parallel_loop3A_630 : i32 to vector<16xi32>
          %parallel_loop3A_632 = arith.addi %parallel_loop3A_631, %iota3A : vector<16xi32>
          %parallel_loop3A_633 = vector.broadcast %min3A_169 : i32 to vector<16xi32>
          %parallel_loop3A_634 = arith.cmpi slt, %parallel_loop3A_632, %parallel_loop3A_633 : vector<16xi32>
          %parallel_loop3A_635 = arith.constant 8 : i32
          %parallel_loop3A_636 = vector.broadcast %parallel_loop3A_635 : i32 to vector<16xi32>
          %parallel_loop3A_637 = arith.shrsi %parallel_loop3A_628, %parallel_loop3A_636 : vector<16xi32>
          %parallel_loop3A_638 = vector.broadcast %add3A_500 : i32 to vector<16xi32>
          %parallel_loop3A_639 = arith.cmpi eq, %parallel_loop3A_637, %parallel_loop3A_638 : vector<16xi32>
          %parallel_loop3A_640 = arith.andi %parallel_loop3A_634, %parallel_loop3A_639 : vector<16xi1>
          %parallel_loop3A_641 = arith.constant 255 : i32
          %parallel_loop3A_642 = vector.broadcast %parallel_loop3A_641 : i32 to vector<16xi32>
          %parallel_loop3A_643 = arith.andi %parallel_loop3A_628, %parallel_loop3A_642 : vector<16xi32>
          %parallel_loop3A_644 = arith.constant 16 : i32
          %parallel_loop3A_645 = arith.muli %parallel_loop3A_623, %parallel_loop3A_644 : i32
          %parallel_loop3A_646 = vector.broadcast %parallel_loop3A_645 : i32 to vector<16xi32>
          %parallel_loop3A_647 = arith.addi %parallel_loop3A_646, %iota3A : vector<16xi32>
          %parallel_loop3A_648 = vector.broadcast %min3A_169 : i32 to vector<16xi32>
          %parallel_loop3A_649 = arith.cmpi slt, %parallel_loop3A_647, %parallel_loop3A_648 : vector<16xi32>
          %parallel_loop3A_650 = vector.broadcast %add3A_234 : i32 to vector<16xi32>
          %parallel_loop3A_651 = arith.cmpi sge, %parallel_loop3A_628, %parallel_loop3A_650 : vector<16xi32>
          %parallel_loop3A_652 = arith.andi %parallel_loop3A_649, %parallel_loop3A_651 : vector<16xi1>
          %parallel_loop3A_653 = arith.constant 0 : i32
          %parallel_loop3A_654 = vector.broadcast %parallel_loop3A_653 : i32 to vector<16xi32>
          %parallel_loop3A_655 = arith.cmpi sge, %parallel_loop3A_628, %parallel_loop3A_654 : vector<16xi32>
          %parallel_loop3A_656 = arith.constant 2147483647 : i32
          %parallel_loop3A_657 = vector.broadcast %parallel_loop3A_656 : i32 to vector<16xi32>
          %parallel_loop3A_658 = arith.xori %parallel_loop3A_628, %parallel_loop3A_657 : vector<16xi32>
          %parallel_loop3A_659 = arith.select %parallel_loop3A_655, %parallel_loop3A_628, %parallel_loop3A_658 : vector<16xi1>, vector<16xi32>
          %parallel_loop3A_660 = vector.bitcast %parallel_loop3A_659 : vector<16xi32> to vector<16xf32>
          %parallel_loop3A_661 = arith.subf %parallel_loop3A_660, %bitcast3A : vector<16xf32>
          %parallel_loop3A_662 = math.exp %parallel_loop3A_661 : vector<16xf32>
          %parallel_loop3A_663 = arith.constant 0.000000e+00 : f32
          %parallel_loop3A_664 = vector.broadcast %parallel_loop3A_663 : f32 to vector<16xf32>
          %parallel_loop3A_665 = arith.select %parallel_loop3A_652, %parallel_loop3A_662, %parallel_loop3A_664 : vector<16xi1>, vector<16xf32>
          tpu.vector_store_idx %arg8[%parallel_loop3A_643], %parallel_loop3A_665 masked %parallel_loop3A_640 {add = true} : memref<4096xf32, #tpu.memory_space<vmem>>[vector<16xi32>], vector<16xf32>, vector<16xi1>
          %parallel_loop3A_666 = vector.broadcast %add3A_234 : i32 to vector<16xi32>
          %parallel_loop3A_667 = arith.cmpi sge, %parallel_loop3A_628, %parallel_loop3A_666 : vector<16xi32>
          %parallel_loop3A_668 = arith.andi %parallel_loop3A_640, %parallel_loop3A_667 : vector<16xi1>
          %parallel_loop3A_669 = arith.constant 0 : i32
          %parallel_loop3A_670 = vector.broadcast %parallel_loop3A_669 : i32 to vector<16xi32>
          %parallel_loop3A_671 = arith.select %parallel_loop3A_668, %parallel_loop3A_643, %parallel_loop3A_670 : vector<16xi1>, vector<16xi32>
          %parallel_loop3A_672 = arith.maxsi %parallel_loop3A_624, %parallel_loop3A_671 : vector<16xi32>
          scf.yield %parallel_loop3A_672 : vector<16xi32>
        } {sc.loop_unroll_factor = 4 : i64, sc.parallel_access}
        %reduce_max3A_510 = arith.constant true
        %reduce_max3A_511 = vector.broadcast %reduce_max3A_510 : i1 to vector<16xi1>
        %reduce_max3A_512 = arith.constant -2147483648 : i32
        %reduce_max3A_513 = vector.broadcast %reduce_max3A_512 : i32 to vector<16xi32>
        %reduce_max3A_514 = arith.xori %parallel_loop3A_509, %reduce_max3A_513 : vector<16xi32>
        %reduce_max3A_515 = tpu.scan <max>, %reduce_max3A_514 masked %reduce_max3A_511 : vector<16xi32>, vector<16xi1> -> vector<16xi32>
        %reduce_max3A_516 = arith.xori %reduce_max3A_515, %reduce_max3A_513 : vector<16xi32>
        %reduce_max3A_517 = vector.extract %reduce_max3A_516[15] : i32 from vector<16xi32>
        %while3A_518 = arith.constant 15 : i32
        %while3A_519 = arith.constant 0 : i32
        %while3A_520 = arith.constant false
        %while3A_521 = arith.constant 0 : i32
        %while3A_522 = arith.constant 0.000000e+00 : f32
        %while3A_523:5 = scf.while (%while3A_623 = %while3A_519, %while3A_624 = %select_n3A_495, %while3A_625 = %while3A_520, %while3A_626 = %while3A_521, %while3A_627 = %while3A_522) : (i32, f32, i1, i32, f32) -> (i32, f32, i1, i32, f32) {
          %not3A = arith.constant true
          %not3A_628 = arith.xori %while3A_625, %not3A : i1
          %le3A = arith.cmpi sle, %while3A_623, %while3A_518 : i32
          %and3A_629 = arith.andi %not3A_628, %le3A : i1
          scf.condition(%and3A_629) %while3A_623, %while3A_624, %while3A_625, %while3A_626, %while3A_627 : i32, f32, i1, i32, f32
        } do {
        ^bb0(%while3A_623: i32, %while3A_624: f32, %while3A_625: i1, %while3A_626: i32, %while3A_627: f32):
          %mul3A_628 = arith.constant 16 : i32
          %mul3A_629 = arith.muli %while3A_623, %mul3A_628 : i32
          %get3A_630 = arith.index_cast %mul3A_629 : i32 to index
          %get3A_631 = tpu.vector_load %arg8[%get3A_630] {strides = array<i32>} : memref<4096xf32, #tpu.memory_space<vmem>>, vector<16xf32>,
          %broadcast_in_dim3A_632 = arith.constant true
          %broadcast_in_dim3A_633 = vector.broadcast %broadcast_in_dim3A_632 : i1 to vector<16xi1>
          %masked_cumsum3A = tpu.scan <sum>, %get3A_631 masked %broadcast_in_dim3A_633 : vector<16xf32>, vector<16xi1> -> vector<16xf32>
          %broadcast_in_dim3A_634 = vector.broadcast %while3A_624 : f32 to vector<16xf32>
          %add3A_635 = arith.addf %broadcast_in_dim3A_634, %masked_cumsum3A : vector<16xf32>
          %gt3A_636 = arith.cmpf ogt, %add3A_635, %mul3A_259 : vector<16xf32>
          %broadcast_in_dim3A_637 = arith.constant 1 : i32
          %broadcast_in_dim3A_638 = vector.broadcast %broadcast_in_dim3A_637 : i32 to vector<16xi32>
          %broadcast_in_dim3A_639 = arith.constant 0 : i32
          %broadcast_in_dim3A_640 = vector.broadcast %broadcast_in_dim3A_639 : i32 to vector<16xi32>
          %select_n3A_641 = arith.select %gt3A_636, %broadcast_in_dim3A_638, %broadcast_in_dim3A_640 : vector<16xi1>, vector<16xi32>
          %reduce_sum3A_642 = arith.constant true
          %reduce_sum3A_643 = vector.broadcast %reduce_sum3A_642 : i1 to vector<16xi1>
          %reduce_sum3A_644 = tpu.scan <sum>, %select_n3A_641 masked %reduce_sum3A_643 : vector<16xi32>, vector<16xi1> -> vector<16xi32>
          %reduce_sum3A_645 = vector.extract %reduce_sum3A_644[15] : i32 from vector<16xi32>
          %gt3A_646 = arith.constant 0 : i32
          %gt3A_647 = arith.cmpi sgt, %reduce_sum3A_645, %gt3A_646 : i32
          %broadcast_in_dim3A_648 = arith.constant 16 : i32
          %broadcast_in_dim3A_649 = vector.broadcast %broadcast_in_dim3A_648 : i32 to vector<16xi32>
          %select_n3A_650 = arith.select %gt3A_636, %iota3A, %broadcast_in_dim3A_649 : vector<16xi1>, vector<16xi32>
          %reduce_min3A = arith.constant true
          %reduce_min3A_651 = vector.broadcast %reduce_min3A : i1 to vector<16xi1>
          %reduce_min3A_652 = arith.constant -2147483648 : i32
          %reduce_min3A_653 = vector.broadcast %reduce_min3A_652 : i32 to vector<16xi32>
          %reduce_min3A_654 = arith.xori %select_n3A_650, %reduce_min3A_653 : vector<16xi32>
          %reduce_min3A_655 = tpu.scan <min>, %reduce_min3A_654 masked %reduce_min3A_651 : vector<16xi32>, vector<16xi1> -> vector<16xi32>
          %reduce_min3A_656 = arith.xori %reduce_min3A_655, %reduce_min3A_653 : vector<16xi32>
          %reduce_min3A_657 = vector.extract %reduce_min3A_656[15] : i32 from vector<16xi32>
          %mul3A_658 = arith.constant 16 : i32
          %mul3A_659 = arith.muli %while3A_623, %mul3A_658 : i32
          %add3A_660 = arith.addi %mul3A_659, %reduce_min3A_657 : i32
          %broadcast_in_dim3A_661 = vector.broadcast %reduce_min3A_657 : i32 to vector<16xi32>
          %eq3A_662 = arith.cmpi eq, %iota3A, %broadcast_in_dim3A_661 : vector<16xi32>
          %broadcast_in_dim3A_663 = arith.constant 0.000000e+00 : f32
          %broadcast_in_dim3A_664 = vector.broadcast %broadcast_in_dim3A_663 : f32 to vector<16xf32>
          %select_n3A_665 = arith.select %eq3A_662, %masked_cumsum3A, %broadcast_in_dim3A_664 : vector<16xi1>, vector<16xf32>
          %reduce_sum3A_666 = arith.constant true
          %reduce_sum3A_667 = vector.broadcast %reduce_sum3A_666 : i1 to vector<16xi1>
          %reduce_sum3A_668 = tpu.scan <sum>, %select_n3A_665 masked %reduce_sum3A_667 : vector<16xf32>, vector<16xi1> -> vector<16xf32>
          %reduce_sum3A_669 = vector.extract %reduce_sum3A_668[15] : f32 from vector<16xf32>
          %add3A_670 = arith.addf %while3A_624, %reduce_sum3A_669 : f32
          %broadcast_in_dim3A_671 = vector.broadcast %reduce_min3A_657 : i32 to vector<16xi32>
          %eq3A_672 = arith.cmpi eq, %iota3A, %broadcast_in_dim3A_671 : vector<16xi32>
          %broadcast_in_dim3A_673 = arith.constant 0.000000e+00 : f32
          %broadcast_in_dim3A_674 = vector.broadcast %broadcast_in_dim3A_673 : f32 to vector<16xf32>
          %select_n3A_675 = arith.select %eq3A_672, %get3A_631, %broadcast_in_dim3A_674 : vector<16xi1>, vector<16xf32>
          %reduce_sum3A_676 = arith.constant true
          %reduce_sum3A_677 = vector.broadcast %reduce_sum3A_676 : i1 to vector<16xi1>
          %reduce_sum3A_678 = tpu.scan <sum>, %select_n3A_675 masked %reduce_sum3A_677 : vector<16xf32>, vector<16xi1> -> vector<16xf32>
          %reduce_sum3A_679 = vector.extract %reduce_sum3A_678[15] : f32 from vector<16xf32>
          %sub3A_680 = arith.subf %add3A_670, %reduce_sum3A_679 : f32
          %reduce_max3A_681 = arith.constant true
          %reduce_max3A_682 = vector.broadcast %reduce_max3A_681 : i1 to vector<16xi1>
          %reduce_max3A_683 = tpu.scan <max>, %masked_cumsum3A masked %reduce_max3A_682 : vector<16xf32>, vector<16xi1> -> vector<16xf32>
          %reduce_max3A_684 = vector.extract %reduce_max3A_683[15] : f32 from vector<16xf32>
          %add3A_685 = arith.constant 1 : i32
          %add3A_686 = arith.addi %while3A_623, %add3A_685 : i32
          %add3A_687 = arith.addf %while3A_624, %reduce_max3A_684 : f32
          %select_n3A_688 = arith.select %gt3A_647, %add3A_660, %while3A_626 : i32
          %select_n3A_689 = arith.select %gt3A_647, %sub3A_680, %while3A_627 : f32
          scf.yield %add3A_686, %add3A_687, %gt3A_647, %select_n3A_688, %select_n3A_689 : i32, f32, i1, i32, f32
        }
        %jit3A_524 = arith.constant 16 : i32
        %div3A_525 = arith.divsi %reduce_max3A_517, %jit3A_524 : i32
        %sign3A_526 = arith.constant 0 : i32
        %sign3A_527 = arith.cmpi sgt, %reduce_max3A_517, %sign3A_526 : i32
        %sign3A_528 = arith.extui %sign3A_527 : i1 to i32
        %sign3A_529 = arith.constant 0 : i32
        %sign3A_530 = arith.cmpi slt, %reduce_max3A_517, %sign3A_529 : i32
        %sign3A_531 = arith.extui %sign3A_530 : i1 to i32
        %sign3A_532 = arith.subi %sign3A_528, %sign3A_531 : i32
        %sign3A_533 = arith.constant 0 : i32
        %sign3A_534 = arith.cmpi sgt, %jit3A_524, %sign3A_533 : i32
        %sign3A_535 = arith.extui %sign3A_534 : i1 to i32
        %sign3A_536 = arith.constant 0 : i32
        %sign3A_537 = arith.cmpi slt, %jit3A_524, %sign3A_536 : i32
        %sign3A_538 = arith.extui %sign3A_537 : i1 to i32
        %sign3A_539 = arith.subi %sign3A_535, %sign3A_538 : i32
        %ne3A_540 = arith.cmpi ne, %sign3A_532, %sign3A_539 : i32
        %rem3A_541 = arith.remsi %reduce_max3A_517, %jit3A_524 : i32
        %ne3A_542 = arith.constant 0 : i32
        %ne3A_543 = arith.cmpi ne, %rem3A_541, %ne3A_542 : i32
        %and3A_544 = arith.andi %ne3A_540, %ne3A_543 : i1
        %sub3A_545 = arith.constant 1 : i32
        %sub3A_546 = arith.subi %div3A_525, %sub3A_545 : i32
        %select_n3A_547 = arith.select %and3A_544, %sub3A_546, %div3A_525 : i32
        %mul3A_548 = arith.constant 16 : i32
        %mul3A_549 = arith.muli %select_n3A_547, %mul3A_548 : i32
        %get3A_550 = arith.index_cast %mul3A_549 : i32 to index
        %get3A_551 = tpu.vector_load %arg8[%get3A_550] {strides = array<i32>} : memref<4096xf32, #tpu.memory_space<vmem>>, vector<16xf32>,
        %jit3A_552 = arith.constant 16 : i32
        %eq3A_553 = arith.constant 0 : i32
        %eq3A_554 = arith.cmpi eq, %jit3A_552, %eq3A_553 : i32
        %jit3A_555 = arith.constant 1 : i32
        %select_n3A_556 = arith.select %eq3A_554, %jit3A_555, %jit3A_552 : i32
        %rem3A_557 = arith.remsi %reduce_max3A_517, %select_n3A_556 : i32
        %ne3A_558 = arith.constant 0 : i32
        %ne3A_559 = arith.cmpi ne, %rem3A_557, %ne3A_558 : i32
        %lt3A_560 = arith.constant 0 : i32
        %lt3A_561 = arith.cmpi slt, %rem3A_557, %lt3A_560 : i32
        %lt3A_562 = arith.constant 0 : i32
        %lt3A_563 = arith.cmpi slt, %select_n3A_556, %lt3A_562 : i32
        %ne3A_564 = arith.xori %lt3A_561, %lt3A_563 : i1
        %and3A_565 = arith.andi %ne3A_564, %ne3A_559 : i1
        %add3A_566 = arith.addi %rem3A_557, %select_n3A_556 : i32
        %select_n3A_567 = arith.select %and3A_565, %add3A_566, %rem3A_557 : i32
        %broadcast_in_dim3A_568 = vector.broadcast %select_n3A_567 : i32 to vector<16xi32>
        %eq3A_569 = arith.cmpi eq, %iota3A, %broadcast_in_dim3A_568 : vector<16xi32>
        %broadcast_in_dim3A_570 = arith.constant 0.000000e+00 : f32
        %broadcast_in_dim3A_571 = vector.broadcast %broadcast_in_dim3A_570 : f32 to vector<16xf32>
        %select_n3A_572 = arith.select %eq3A_569, %get3A_551, %broadcast_in_dim3A_571 : vector<16xi1>, vector<16xf32>
        %reduce_sum3A_573 = arith.constant true
        %reduce_sum3A_574 = vector.broadcast %reduce_sum3A_573 : i1 to vector<16xi1>
        %reduce_sum3A_575 = tpu.scan <sum>, %select_n3A_572 masked %reduce_sum3A_574 : vector<16xf32>, vector<16xi1> -> vector<16xf32>
        %reduce_sum3A_576 = vector.extract %reduce_sum3A_575[15] : f32 from vector<16xf32>
        %select_n3A_577 = arith.select %while3A_523#2, %while3A_523#3, %reduce_max3A_517 : i32
        %sub3A_578 = arith.subf %while3A_523#1, %reduce_sum3A_576 : f32
        %select_n3A_579 = arith.select %while3A_523#2, %while3A_523#4, %sub3A_578 : f32
        %shift_left3A_580 = arith.constant 8 : i32
        %shift_left3A_581 = arith.shli %add3A_500, %shift_left3A_580 : i32
        %add3A_582 = arith.addi %shift_left3A_581, %select_n3A_577 : i32
        %broadcast_in_dim3A_583 = arith.constant 0 : i32
        %broadcast_in_dim3A_584 = vector.broadcast %broadcast_in_dim3A_583 : i32 to vector<16xi32>
        %parallel_loop3A_585 = arith.constant 0 : i32
        %parallel_loop3A_586 = arith.constant 128 : i32
        %parallel_loop3A_587 = arith.constant 1 : i32
        %parallel_loop3A_588 = scf.for %parallel_loop3A_623 = %parallel_loop3A_585 to %parallel_loop3A_586 step %parallel_loop3A_587 iter_args(%parallel_loop3A_624 = %broadcast_in_dim3A_584) -> (vector<16xi32>)  : i32 {
          %parallel_loop3A_625 = arith.constant 16 : i32
          %parallel_loop3A_626 = arith.muli %parallel_loop3A_623, %parallel_loop3A_625 : i32
          %parallel_loop3A_627 = arith.index_cast %parallel_loop3A_626 : i32 to index
          %parallel_loop3A_628 = tpu.vector_load %arg9[%parallel_loop3A_627] {strides = array<i32>} : memref<2048xi32, #tpu.memory_space<vmem>>, vector<16xi32>,
          %parallel_loop3A_629 = arith.constant 16 : i32
          %parallel_loop3A_630 = arith.muli %parallel_loop3A_623, %parallel_loop3A_629 : i32
          %parallel_loop3A_631 = vector.broadcast %parallel_loop3A_630 : i32 to vector<16xi32>
          %parallel_loop3A_632 = arith.addi %parallel_loop3A_631, %iota3A : vector<16xi32>
          %parallel_loop3A_633 = vector.broadcast %min3A_169 : i32 to vector<16xi32>
          %parallel_loop3A_634 = arith.cmpi slt, %parallel_loop3A_632, %parallel_loop3A_633 : vector<16xi32>
          %parallel_loop3A_635 = vector.broadcast %add3A_582 : i32 to vector<16xi32>
          %parallel_loop3A_636 = arith.cmpi eq, %parallel_loop3A_628, %parallel_loop3A_635 : vector<16xi32>
          %parallel_loop3A_637 = arith.andi %parallel_loop3A_634, %parallel_loop3A_636 : vector<16xi1>
          %parallel_loop3A_638 = arith.constant 1 : i32
          %parallel_loop3A_639 = vector.broadcast %parallel_loop3A_638 : i32 to vector<16xi32>
          %parallel_loop3A_640 = arith.constant 0 : i32
          %parallel_loop3A_641 = vector.broadcast %parallel_loop3A_640 : i32 to vector<16xi32>
          %parallel_loop3A_642 = arith.select %parallel_loop3A_637, %parallel_loop3A_639, %parallel_loop3A_641 : vector<16xi1>, vector<16xi32>
          %parallel_loop3A_643 = arith.addi %parallel_loop3A_624, %parallel_loop3A_642 : vector<16xi32>
          scf.yield %parallel_loop3A_643 : vector<16xi32>
        } {sc.loop_unroll_factor = 4 : i64, sc.parallel_access}
        %reduce_sum3A_589 = arith.constant true
        %reduce_sum3A_590 = vector.broadcast %reduce_sum3A_589 : i1 to vector<16xi1>
        %reduce_sum3A_591 = tpu.scan <sum>, %parallel_loop3A_588 masked %reduce_sum3A_590 : vector<16xi32>, vector<16xi1> -> vector<16xi32>
        %reduce_sum3A_592 = vector.extract %reduce_sum3A_591[15] : i32 from vector<16xi32>
        %broadcast_in_dim3A_593 = vector.broadcast %add3A_582 : i32 to vector<16xi32>
        %broadcast_in_dim3A_594 = arith.constant 0 : i32
        %broadcast_in_dim3A_595 = vector.broadcast %broadcast_in_dim3A_594 : i32 to vector<16xi32>
        %ge3A_596 = arith.cmpi sge, %broadcast_in_dim3A_593, %broadcast_in_dim3A_595 : vector<16xi32>
        %broadcast_in_dim3A_597 = arith.constant 2147483647 : i32
        %broadcast_in_dim3A_598 = vector.broadcast %broadcast_in_dim3A_597 : i32 to vector<16xi32>
        %xor3A_599 = arith.xori %broadcast_in_dim3A_593, %broadcast_in_dim3A_598 : vector<16xi32>
        %select_n3A_600 = arith.select %ge3A_596, %broadcast_in_dim3A_593, %xor3A_599 : vector<16xi1>, vector<16xi32>
        %bitcast3A_601 = vector.bitcast %select_n3A_600 : vector<16xi32> to vector<16xf32>
        %sub3A_602 = arith.subf %bitcast3A_601, %bitcast3A : vector<16xf32>
        %exp3A = math.exp %sub3A_602 : vector<16xf32>
        %broadcast_in_dim3A_603 = vector.broadcast %select_n3A_579 : f32 to vector<16xf32>
        %sub3A_604 = arith.subf %mul3A_259, %broadcast_in_dim3A_603 : vector<16xf32>
        %div3A_605 = arith.divf %sub3A_604, %exp3A : vector<16xf32>
        %convert_element_type3A_606 = arith.fptosi %div3A_605 : vector<16xf32> to vector<16xi32>
        %broadcast_in_dim3A_607 = arith.constant 1 : i32
        %broadcast_in_dim3A_608 = vector.broadcast %broadcast_in_dim3A_607 : i32 to vector<16xi32>
        %add3A_609 = arith.addi %convert_element_type3A_606, %broadcast_in_dim3A_608 : vector<16xi32>
        %reduce_max3A_610 = arith.constant true
        %reduce_max3A_611 = vector.broadcast %reduce_max3A_610 : i1 to vector<16xi1>
        %reduce_max3A_612 = arith.constant -2147483648 : i32
        %reduce_max3A_613 = vector.broadcast %reduce_max3A_612 : i32 to vector<16xi32>
        %reduce_max3A_614 = arith.xori %add3A_609, %reduce_max3A_613 : vector<16xi32>
        %reduce_max3A_615 = tpu.scan <max>, %reduce_max3A_614 masked %reduce_max3A_611 : vector<16xi32>, vector<16xi1> -> vector<16xi32>
        %reduce_max3A_616 = arith.xori %reduce_max3A_615, %reduce_max3A_613 : vector<16xi32>
        %reduce_max3A_617 = vector.extract %reduce_max3A_616[15] : i32 from vector<16xi32>
        %jit3A_618 = arith.constant 1 : i32
        %max3A = arith.maxsi %jit3A_618, %reduce_max3A_617 : i32
        %min3A_619 = arith.minsi %reduce_sum3A_592, %max3A : i32
        %while3A_620 = arith.constant 0 : i32
        %while3A_621 = arith.constant -1 : i32
        %while3A_622:2 = scf.while (%while3A_623 = %while3A_620, %while3A_624 = %while3A_621) : (i32, i32) -> (i32, i32) {
          %lt3A_625 = arith.cmpi slt, %while3A_623, %min3A_619 : i32
          scf.condition(%lt3A_625) %while3A_623, %while3A_624 : i32, i32
        } do {
        ^bb0(%while3A_623: i32, %while3A_624: i32):
          %broadcast_in_dim3A_625 = arith.constant 100000 : i32
          %broadcast_in_dim3A_626 = vector.broadcast %broadcast_in_dim3A_625 : i32 to vector<16xi32>
          %parallel_loop3A_627 = arith.constant 0 : i32
          %parallel_loop3A_628 = arith.constant 128 : i32
          %parallel_loop3A_629 = arith.constant 1 : i32
          %parallel_loop3A_630 = scf.for %parallel_loop3A_640 = %parallel_loop3A_627 to %parallel_loop3A_628 step %parallel_loop3A_629 iter_args(%parallel_loop3A_641 = %broadcast_in_dim3A_626) -> (vector<16xi32>)  : i32 {
            %parallel_loop3A_642 = arith.constant 16 : i32
            %parallel_loop3A_643 = arith.muli %parallel_loop3A_640, %parallel_loop3A_642 : i32
            %parallel_loop3A_644 = arith.index_cast %parallel_loop3A_643 : i32 to index
            %parallel_loop3A_645 = tpu.vector_load %arg9[%parallel_loop3A_644] {strides = array<i32>} : memref<2048xi32, #tpu.memory_space<vmem>>, vector<16xi32>,
            %parallel_loop3A_646 = arith.constant 16 : i32
            %parallel_loop3A_647 = arith.muli %parallel_loop3A_640, %parallel_loop3A_646 : i32
            %parallel_loop3A_648 = arith.index_cast %parallel_loop3A_647 : i32 to index
            %parallel_loop3A_649 = tpu.vector_load %arg10[%parallel_loop3A_648] {strides = array<i32>} : memref<2048xi32, #tpu.memory_space<vmem>>, vector<16xi32>,
            %parallel_loop3A_650 = arith.constant 16 : i32
            %parallel_loop3A_651 = arith.muli %parallel_loop3A_640, %parallel_loop3A_650 : i32
            %parallel_loop3A_652 = vector.broadcast %parallel_loop3A_651 : i32 to vector<16xi32>
            %parallel_loop3A_653 = arith.addi %parallel_loop3A_652, %iota3A : vector<16xi32>
            %parallel_loop3A_654 = vector.broadcast %min3A_169 : i32 to vector<16xi32>
            %parallel_loop3A_655 = arith.cmpi slt, %parallel_loop3A_653, %parallel_loop3A_654 : vector<16xi32>
            %parallel_loop3A_656 = vector.broadcast %add3A_582 : i32 to vector<16xi32>
            %parallel_loop3A_657 = arith.cmpi eq, %parallel_loop3A_645, %parallel_loop3A_656 : vector<16xi32>
            %parallel_loop3A_658 = arith.andi %parallel_loop3A_655, %parallel_loop3A_657 : vector<16xi1>
            %parallel_loop3A_659 = vector.broadcast %while3A_624 : i32 to vector<16xi32>
            %parallel_loop3A_660 = arith.cmpi sgt, %parallel_loop3A_649, %parallel_loop3A_659 : vector<16xi32>
            %parallel_loop3A_661 = arith.andi %parallel_loop3A_658, %parallel_loop3A_660 : vector<16xi1>
            %parallel_loop3A_662 = arith.constant 100000 : i32
            %parallel_loop3A_663 = vector.broadcast %parallel_loop3A_662 : i32 to vector<16xi32>
            %parallel_loop3A_664 = arith.select %parallel_loop3A_661, %parallel_loop3A_649, %parallel_loop3A_663 : vector<16xi1>, vector<16xi32>
            %parallel_loop3A_665 = arith.minsi %parallel_loop3A_641, %parallel_loop3A_664 : vector<16xi32>
            scf.yield %parallel_loop3A_665 : vector<16xi32>
          } {sc.loop_unroll_factor = 4 : i64, sc.parallel_access}
          %add3A_631 = arith.constant 1 : i32
          %add3A_632 = arith.addi %while3A_623, %add3A_631 : i32
          %reduce_min3A = arith.constant true
          %reduce_min3A_633 = vector.broadcast %reduce_min3A : i1 to vector<16xi1>
          %reduce_min3A_634 = arith.constant -2147483648 : i32
          %reduce_min3A_635 = vector.broadcast %reduce_min3A_634 : i32 to vector<16xi32>
          %reduce_min3A_636 = arith.xori %parallel_loop3A_630, %reduce_min3A_635 : vector<16xi32>
          %reduce_min3A_637 = tpu.scan <min>, %reduce_min3A_636 masked %reduce_min3A_633 : vector<16xi32>, vector<16xi1> -> vector<16xi32>
          %reduce_min3A_638 = arith.xori %reduce_min3A_637, %reduce_min3A_635 : vector<16xi32>
          %reduce_min3A_639 = vector.extract %reduce_min3A_638[15] : i32 from vector<16xi32>
          scf.yield %add3A_632, %reduce_min3A_639 : i32, i32
        }
        scf.yield %add3A_582, %while3A_622#1 : i32, i32
      } else {
        %broadcast_in_dim3A_394 = arith.constant -1 : i32
        %broadcast_in_dim3A_395 = vector.broadcast %broadcast_in_dim3A_394 : i32 to vector<16xi32>
        %parallel_loop3A_396 = arith.constant 0 : i32
        %parallel_loop3A_397 = arith.constant 128 : i32
        %parallel_loop3A_398 = arith.constant 1 : i32
        %parallel_loop3A_399 = scf.for %parallel_loop3A_408 = %parallel_loop3A_396 to %parallel_loop3A_397 step %parallel_loop3A_398 iter_args(%parallel_loop3A_409 = %broadcast_in_dim3A_395) -> (vector<16xi32>)  : i32 {
          %parallel_loop3A_410 = arith.constant 16 : i32
          %parallel_loop3A_411 = arith.muli %parallel_loop3A_408, %parallel_loop3A_410 : i32
          %parallel_loop3A_412 = arith.index_cast %parallel_loop3A_411 : i32 to index
          %parallel_loop3A_413 = tpu.vector_load %arg9[%parallel_loop3A_412] {strides = array<i32>} : memref<2048xi32, #tpu.memory_space<vmem>>, vector<16xi32>,
          %parallel_loop3A_414 = arith.constant 16 : i32
          %parallel_loop3A_415 = arith.muli %parallel_loop3A_408, %parallel_loop3A_414 : i32
          %parallel_loop3A_416 = arith.index_cast %parallel_loop3A_415 : i32 to index
          %parallel_loop3A_417 = tpu.vector_load %arg10[%parallel_loop3A_416] {strides = array<i32>} : memref<2048xi32, #tpu.memory_space<vmem>>, vector<16xi32>,
          %parallel_loop3A_418 = arith.constant 16 : i32
          %parallel_loop3A_419 = arith.muli %parallel_loop3A_408, %parallel_loop3A_418 : i32
          %parallel_loop3A_420 = vector.broadcast %parallel_loop3A_419 : i32 to vector<16xi32>
          %parallel_loop3A_421 = arith.addi %parallel_loop3A_420, %iota3A : vector<16xi32>
          %parallel_loop3A_422 = vector.broadcast %min3A_169 : i32 to vector<16xi32>
          %parallel_loop3A_423 = arith.cmpi slt, %parallel_loop3A_421, %parallel_loop3A_422 : vector<16xi32>
          %parallel_loop3A_424 = vector.broadcast %reduce_max3A_120 : i32 to vector<16xi32>
          %parallel_loop3A_425 = arith.cmpi eq, %parallel_loop3A_413, %parallel_loop3A_424 : vector<16xi32>
          %parallel_loop3A_426 = arith.andi %parallel_loop3A_423, %parallel_loop3A_425 : vector<16xi1>
          %parallel_loop3A_427 = arith.constant -1 : i32
          %parallel_loop3A_428 = vector.broadcast %parallel_loop3A_427 : i32 to vector<16xi32>
          %parallel_loop3A_429 = arith.select %parallel_loop3A_426, %parallel_loop3A_417, %parallel_loop3A_428 : vector<16xi1>, vector<16xi32>
          %parallel_loop3A_430 = arith.maxsi %parallel_loop3A_409, %parallel_loop3A_429 : vector<16xi32>
          scf.yield %parallel_loop3A_430 : vector<16xi32>
        } {sc.loop_unroll_factor = 4 : i64, sc.parallel_access}
        %reduce_max3A_400 = arith.constant true
        %reduce_max3A_401 = vector.broadcast %reduce_max3A_400 : i1 to vector<16xi1>
        %reduce_max3A_402 = arith.constant -2147483648 : i32
        %reduce_max3A_403 = vector.broadcast %reduce_max3A_402 : i32 to vector<16xi32>
        %reduce_max3A_404 = arith.xori %parallel_loop3A_399, %reduce_max3A_403 : vector<16xi32>
        %reduce_max3A_405 = tpu.scan <max>, %reduce_max3A_404 masked %reduce_max3A_401 : vector<16xi32>, vector<16xi1> -> vector<16xi32>
        %reduce_max3A_406 = arith.xori %reduce_max3A_405, %reduce_max3A_403 : vector<16xi32>
        %reduce_max3A_407 = vector.extract %reduce_max3A_406[15] : i32 from vector<16xi32>
        scf.yield %reduce_max3A_120, %reduce_max3A_407 : i32, i32
      }
      %broadcast_in_dim3A_316 = arith.constant 0 : i32
      %broadcast_in_dim3A_317 = vector.broadcast %broadcast_in_dim3A_316 : i32 to vector<16xi32>
      %parallel_loop3A_318 = arith.constant 0 : i32
      %parallel_loop3A_319 = arith.constant 128 : i32
      %parallel_loop3A_320 = arith.constant 1 : i32
      %parallel_loop3A_321 = scf.for %parallel_loop3A_394 = %parallel_loop3A_318 to %parallel_loop3A_319 step %parallel_loop3A_320 iter_args(%parallel_loop3A_395 = %broadcast_in_dim3A_317) -> (vector<16xi32>)  : i32 {
        %parallel_loop3A_396 = arith.constant 16 : i32
        %parallel_loop3A_397 = arith.muli %parallel_loop3A_394, %parallel_loop3A_396 : i32
        %parallel_loop3A_398 = arith.index_cast %parallel_loop3A_397 : i32 to index
        %parallel_loop3A_399 = tpu.vector_load %arg9[%parallel_loop3A_398] {strides = array<i32>} : memref<2048xi32, #tpu.memory_space<vmem>>, vector<16xi32>,
        %parallel_loop3A_400 = arith.constant 16 : i32
        %parallel_loop3A_401 = arith.muli %parallel_loop3A_394, %parallel_loop3A_400 : i32
        %parallel_loop3A_402 = arith.index_cast %parallel_loop3A_401 : i32 to index
        %parallel_loop3A_403 = tpu.vector_load %arg10[%parallel_loop3A_402] {strides = array<i32>} : memref<2048xi32, #tpu.memory_space<vmem>>, vector<16xi32>,
        %parallel_loop3A_404 = arith.constant 16 : i32
        %parallel_loop3A_405 = arith.muli %parallel_loop3A_394, %parallel_loop3A_404 : i32
        %parallel_loop3A_406 = vector.broadcast %parallel_loop3A_405 : i32 to vector<16xi32>
        %parallel_loop3A_407 = arith.addi %parallel_loop3A_406, %iota3A : vector<16xi32>
        %parallel_loop3A_408 = vector.broadcast %min3A_169 : i32 to vector<16xi32>
        %parallel_loop3A_409 = arith.cmpi slt, %parallel_loop3A_407, %parallel_loop3A_408 : vector<16xi32>
        %parallel_loop3A_410 = vector.broadcast %cond3A_315#0 : i32 to vector<16xi32>
        %parallel_loop3A_411 = arith.cmpi sgt, %parallel_loop3A_399, %parallel_loop3A_410 : vector<16xi32>
        %parallel_loop3A_412 = vector.broadcast %cond3A_315#0 : i32 to vector<16xi32>
        %parallel_loop3A_413 = arith.cmpi eq, %parallel_loop3A_399, %parallel_loop3A_412 : vector<16xi32>
        %parallel_loop3A_414 = vector.broadcast %cond3A_315#1 : i32 to vector<16xi32>
        %parallel_loop3A_415 = arith.cmpi sge, %parallel_loop3A_403, %parallel_loop3A_414 : vector<16xi32>
        %parallel_loop3A_416 = arith.andi %parallel_loop3A_413, %parallel_loop3A_415 : vector<16xi1>
        %parallel_loop3A_417 = arith.ori %parallel_loop3A_411, %parallel_loop3A_416 : vector<16xi1>
        %parallel_loop3A_418 = arith.andi %parallel_loop3A_409, %parallel_loop3A_417 : vector<16xi1>
        %parallel_loop3A_419 = arith.constant 1 : i32
        %parallel_loop3A_420 = vector.broadcast %parallel_loop3A_419 : i32 to vector<16xi32>
        %parallel_loop3A_421 = arith.constant 0 : i32
        %parallel_loop3A_422 = vector.broadcast %parallel_loop3A_421 : i32 to vector<16xi32>
        %parallel_loop3A_423 = arith.select %parallel_loop3A_418, %parallel_loop3A_420, %parallel_loop3A_422 : vector<16xi1>, vector<16xi32>
        %parallel_loop3A_424 = arith.constant true
        %parallel_loop3A_425 = vector.broadcast %parallel_loop3A_424 : i1 to vector<16xi1>
        %parallel_loop3A_426 = tpu.scan <sum>, %parallel_loop3A_423 masked %parallel_loop3A_425 : vector<16xi32>, vector<16xi1> -> vector<16xi32>
        %parallel_loop3A_427 = arith.addi %parallel_loop3A_395, %parallel_loop3A_426 : vector<16xi32>
        %parallel_loop3A_428 = arith.subi %parallel_loop3A_427, %parallel_loop3A_423 : vector<16xi32>
        %parallel_loop3A_429 = arith.constant 7 : i32
        %parallel_loop3A_430 = vector.broadcast %parallel_loop3A_429 : i32 to vector<16xi32>
        %parallel_loop3A_431 = arith.shrsi %parallel_loop3A_428, %parallel_loop3A_430 : vector<16xi32>
        %parallel_loop3A_432 = arith.constant 127 : i32
        %parallel_loop3A_433 = vector.broadcast %parallel_loop3A_432 : i32 to vector<16xi32>
        %parallel_loop3A_434 = arith.andi %parallel_loop3A_428, %parallel_loop3A_433 : vector<16xi32>
        %parallel_loop3A_435 = arith.constant 0 : i32
        %parallel_loop3A_436 = vector.broadcast %parallel_loop3A_435 : i32 to vector<16xi32>
        %parallel_loop3A_437 = arith.cmpi sge, %parallel_loop3A_399, %parallel_loop3A_436 : vector<16xi32>
        %parallel_loop3A_438 = arith.constant 2147483647 : i32
        %parallel_loop3A_439 = vector.broadcast %parallel_loop3A_438 : i32 to vector<16xi32>
        %parallel_loop3A_440 = arith.xori %parallel_loop3A_399, %parallel_loop3A_439 : vector<16xi32>
        %parallel_loop3A_441 = arith.select %parallel_loop3A_437, %parallel_loop3A_399, %parallel_loop3A_440 : vector<16xi1>, vector<16xi32>
        %parallel_loop3A_442 = vector.bitcast %parallel_loop3A_441 : vector<16xi32> to vector<16xf32>
        tpu.vector_store_idx %arg14[%parallel_loop3A_431, %parallel_loop3A_434], %parallel_loop3A_442 masked %parallel_loop3A_418 : memref<16x128xf32, #tpu.memory_space<vmem>>[vector<16xi32>, vector<16xi32>], vector<16xf32>, vector<16xi1>
        tpu.vector_store_idx %arg15[%parallel_loop3A_431, %parallel_loop3A_434], %parallel_loop3A_403 masked %parallel_loop3A_418 : memref<16x128xi32, #tpu.memory_space<vmem>>[vector<16xi32>, vector<16xi32>], vector<16xi32>, vector<16xi1>
        %parallel_loop3A_443 = tpu.all_reduce %parallel_loop3A_418 {dim = 0 : i64, kind = #tpu.reduction_kind<sum>} : vector<16xi1> -> vector<16xi32>
        %parallel_loop3A_444 = arith.addi %parallel_loop3A_395, %parallel_loop3A_443 : vector<16xi32>
        scf.yield %parallel_loop3A_444 : vector<16xi32>
      } {sc.loop_unroll_factor = 4 : i64, sc.parallel_access}
      %parallel_loop3A_322 = arith.constant 0 : i32
      %parallel_loop3A_323 = arith.constant 128 : i32
      %parallel_loop3A_324 = arith.constant 1 : i32
      scf.for %parallel_loop3A_394 = %parallel_loop3A_322 to %parallel_loop3A_323 step %parallel_loop3A_324  : i32 {
        %parallel_loop3A_395 = arith.constant 16 : i32
        %parallel_loop3A_396 = arith.muli %parallel_loop3A_394, %parallel_loop3A_395 : i32
        %parallel_loop3A_397 = vector.broadcast %parallel_loop3A_396 : i32 to vector<16xi32>
        %parallel_loop3A_398 = arith.addi %parallel_loop3A_397, %iota3A : vector<16xi32>
        %parallel_loop3A_399 = arith.constant 16 : i32
        %parallel_loop3A_400 = arith.muli %parallel_loop3A_394, %parallel_loop3A_399 : i32
        %parallel_loop3A_401 = arith.index_cast %parallel_loop3A_400 : i32 to index
        %parallel_loop3A_402 = tpu.vector_load %arg6[%parallel_loop3A_401] {strides = array<i32>} : memref<100000xf32, #tpu.memory_space<vmem>>, vector<16xf32>,
        %parallel_loop3A_403 = vector.bitcast %parallel_loop3A_402 : vector<16xf32> to vector<16xi32>
        %parallel_loop3A_404 = arith.constant 0 : i32
        %parallel_loop3A_405 = vector.broadcast %parallel_loop3A_404 : i32 to vector<16xi32>
        %parallel_loop3A_406 = arith.cmpi sge, %parallel_loop3A_403, %parallel_loop3A_405 : vector<16xi32>
        %parallel_loop3A_407 = arith.constant 2147483647 : i32
        %parallel_loop3A_408 = vector.broadcast %parallel_loop3A_407 : i32 to vector<16xi32>
        %parallel_loop3A_409 = arith.xori %parallel_loop3A_403, %parallel_loop3A_408 : vector<16xi32>
        %parallel_loop3A_410 = arith.select %parallel_loop3A_406, %parallel_loop3A_403, %parallel_loop3A_409 : vector<16xi1>, vector<16xi32>
        %parallel_loop3A_411 = vector.broadcast %cond3A_315#0 : i32 to vector<16xi32>
        %parallel_loop3A_412 = arith.cmpi sgt, %parallel_loop3A_410, %parallel_loop3A_411 : vector<16xi32>
        %parallel_loop3A_413 = vector.broadcast %cond3A_315#0 : i32 to vector<16xi32>
        %parallel_loop3A_414 = arith.cmpi eq, %parallel_loop3A_410, %parallel_loop3A_413 : vector<16xi32>
        %parallel_loop3A_415 = vector.broadcast %cond3A_315#1 : i32 to vector<16xi32>
        %parallel_loop3A_416 = arith.cmpi sge, %parallel_loop3A_398, %parallel_loop3A_415 : vector<16xi32>
        %parallel_loop3A_417 = arith.andi %parallel_loop3A_414, %parallel_loop3A_416 : vector<16xi1>
        %parallel_loop3A_418 = arith.ori %parallel_loop3A_412, %parallel_loop3A_417 : vector<16xi1>
        %parallel_loop3A_419 = arith.constant 0xFF800000 : f32
        %parallel_loop3A_420 = vector.broadcast %parallel_loop3A_419 : f32 to vector<16xf32>
        %parallel_loop3A_421 = arith.select %parallel_loop3A_418, %parallel_loop3A_402, %parallel_loop3A_420 : vector<16xi1>, vector<16xf32>
        %parallel_loop3A_422 = arith.cmpi sge, %parallel_loop3A_398, %parallel_loop3A_321 : vector<16xi32>
        %parallel_loop3A_423 = arith.constant 8 : i32
        %parallel_loop3A_424 = arith.divsi %parallel_loop3A_394, %parallel_loop3A_423 : i32
        %parallel_loop3A_425 = arith.constant 0 : i32
        %parallel_loop3A_426 = arith.cmpi sgt, %parallel_loop3A_394, %parallel_loop3A_425 : i32
        %parallel_loop3A_427 = arith.extui %parallel_loop3A_426 : i1 to i32
        %parallel_loop3A_428 = arith.constant 0 : i32
        %parallel_loop3A_429 = arith.cmpi slt, %parallel_loop3A_394, %parallel_loop3A_428 : i32
        %parallel_loop3A_430 = arith.extui %parallel_loop3A_429 : i1 to i32
        %parallel_loop3A_431 = arith.subi %parallel_loop3A_427, %parallel_loop3A_430 : i32
        %parallel_loop3A_432 = arith.constant 0 : i32
        %parallel_loop3A_433 = arith.cmpi sgt, %parallel_loop3A_423, %parallel_loop3A_432 : i32
        %parallel_loop3A_434 = arith.extui %parallel_loop3A_433 : i1 to i32
        %parallel_loop3A_435 = arith.constant 0 : i32
        %parallel_loop3A_436 = arith.cmpi slt, %parallel_loop3A_423, %parallel_loop3A_435 : i32
        %parallel_loop3A_437 = arith.extui %parallel_loop3A_436 : i1 to i32
        %parallel_loop3A_438 = arith.subi %parallel_loop3A_434, %parallel_loop3A_437 : i32
        %parallel_loop3A_439 = arith.cmpi ne, %parallel_loop3A_431, %parallel_loop3A_438 : i32
        %parallel_loop3A_440 = arith.remsi %parallel_loop3A_394, %parallel_loop3A_423 : i32
        %parallel_loop3A_441 = arith.constant 0 : i32
        %parallel_loop3A_442 = arith.cmpi ne, %parallel_loop3A_440, %parallel_loop3A_441 : i32
        %parallel_loop3A_443 = arith.andi %parallel_loop3A_439, %parallel_loop3A_442 : i1
        %parallel_loop3A_444 = arith.constant 1 : i32
        %parallel_loop3A_445 = arith.subi %parallel_loop3A_424, %parallel_loop3A_444 : i32
        %parallel_loop3A_446 = arith.select %parallel_loop3A_443, %parallel_loop3A_445, %parallel_loop3A_424 : i32
        %parallel_loop3A_447 = vector.broadcast %parallel_loop3A_446 : i32 to vector<16xi32>
        %parallel_loop3A_448 = arith.constant 127 : i32
        %parallel_loop3A_449 = vector.broadcast %parallel_loop3A_448 : i32 to vector<16xi32>
        %parallel_loop3A_450 = arith.andi %parallel_loop3A_398, %parallel_loop3A_449 : vector<16xi32>
        tpu.vector_store_idx %arg14[%parallel_loop3A_447, %parallel_loop3A_450], %parallel_loop3A_421 masked %parallel_loop3A_422 : memref<16x128xf32, #tpu.memory_space<vmem>>[vector<16xi32>, vector<16xi32>], vector<16xf32>, vector<16xi1>
        %parallel_loop3A_451 = arith.constant 8 : i32
        %parallel_loop3A_452 = arith.divsi %parallel_loop3A_394, %parallel_loop3A_451 : i32
        %parallel_loop3A_453 = arith.constant 0 : i32
        %parallel_loop3A_454 = arith.cmpi sgt, %parallel_loop3A_394, %parallel_loop3A_453 : i32
        %parallel_loop3A_455 = arith.extui %parallel_loop3A_454 : i1 to i32
        %parallel_loop3A_456 = arith.constant 0 : i32
        %parallel_loop3A_457 = arith.cmpi slt, %parallel_loop3A_394, %parallel_loop3A_456 : i32
        %parallel_loop3A_458 = arith.extui %parallel_loop3A_457 : i1 to i32
        %parallel_loop3A_459 = arith.subi %parallel_loop3A_455, %parallel_loop3A_458 : i32
        %parallel_loop3A_460 = arith.constant 0 : i32
        %parallel_loop3A_461 = arith.cmpi sgt, %parallel_loop3A_451, %parallel_loop3A_460 : i32
        %parallel_loop3A_462 = arith.extui %parallel_loop3A_461 : i1 to i32
        %parallel_loop3A_463 = arith.constant 0 : i32
        %parallel_loop3A_464 = arith.cmpi slt, %parallel_loop3A_451, %parallel_loop3A_463 : i32
        %parallel_loop3A_465 = arith.extui %parallel_loop3A_464 : i1 to i32
        %parallel_loop3A_466 = arith.subi %parallel_loop3A_462, %parallel_loop3A_465 : i32
        %parallel_loop3A_467 = arith.cmpi ne, %parallel_loop3A_459, %parallel_loop3A_466 : i32
        %parallel_loop3A_468 = arith.remsi %parallel_loop3A_394, %parallel_loop3A_451 : i32
        %parallel_loop3A_469 = arith.constant 0 : i32
        %parallel_loop3A_470 = arith.cmpi ne, %parallel_loop3A_468, %parallel_loop3A_469 : i32
        %parallel_loop3A_471 = arith.andi %parallel_loop3A_467, %parallel_loop3A_470 : i1
        %parallel_loop3A_472 = arith.constant 1 : i32
        %parallel_loop3A_473 = arith.subi %parallel_loop3A_452, %parallel_loop3A_472 : i32
        %parallel_loop3A_474 = arith.select %parallel_loop3A_471, %parallel_loop3A_473, %parallel_loop3A_452 : i32
        %parallel_loop3A_475 = vector.broadcast %parallel_loop3A_474 : i32 to vector<16xi32>
        %parallel_loop3A_476 = arith.constant 127 : i32
        %parallel_loop3A_477 = vector.broadcast %parallel_loop3A_476 : i32 to vector<16xi32>
        %parallel_loop3A_478 = arith.andi %parallel_loop3A_398, %parallel_loop3A_477 : vector<16xi32>
        tpu.vector_store_idx %arg15[%parallel_loop3A_475, %parallel_loop3A_478], %parallel_loop3A_398 masked %parallel_loop3A_422 : memref<16x128xi32, #tpu.memory_space<vmem>>[vector<16xi32>, vector<16xi32>], vector<16xi32>, vector<16xi1>
      } {sc.loop_unroll_factor = 4 : i64, sc.parallel_access}
      %broadcast_in_dim3A_325 = arith.constant 99968 : i32
      %broadcast_in_dim3A_326 = vector.broadcast %broadcast_in_dim3A_325 : i32 to vector<16xi32>
      %add3A_327 = arith.addi %broadcast_in_dim3A_326, %iota3A : vector<16xi32>
      %get3A_328 = arith.constant 99968 : index
      %get3A_329 = tpu.vector_load %arg6[%get3A_328] {strides = array<i32>} : memref<100000xf32, #tpu.memory_space<vmem>>, vector<16xf32>,
      %bitcast3A_330 = vector.bitcast %get3A_329 : vector<16xf32> to vector<16xi32>
      %broadcast_in_dim3A_331 = arith.constant 0 : i32
      %broadcast_in_dim3A_332 = vector.broadcast %broadcast_in_dim3A_331 : i32 to vector<16xi32>
      %ge3A_333 = arith.cmpi sge, %bitcast3A_330, %broadcast_in_dim3A_332 : vector<16xi32>
      %broadcast_in_dim3A_334 = arith.constant 2147483647 : i32
      %broadcast_in_dim3A_335 = vector.broadcast %broadcast_in_dim3A_334 : i32 to vector<16xi32>
      %xor3A_336 = arith.xori %bitcast3A_330, %broadcast_in_dim3A_335 : vector<16xi32>
      %select_n3A_337 = arith.select %ge3A_333, %bitcast3A_330, %xor3A_336 : vector<16xi1>, vector<16xi32>
      %broadcast_in_dim3A_338 = vector.broadcast %cond3A_315#0 : i32 to vector<16xi32>
      %gt3A = arith.cmpi sgt, %select_n3A_337, %broadcast_in_dim3A_338 : vector<16xi32>
      %broadcast_in_dim3A_339 = vector.broadcast %cond3A_315#0 : i32 to vector<16xi32>
      %eq3A_340 = arith.cmpi eq, %select_n3A_337, %broadcast_in_dim3A_339 : vector<16xi32>
      %broadcast_in_dim3A_341 = vector.broadcast %cond3A_315#1 : i32 to vector<16xi32>
      %ge3A_342 = arith.cmpi sge, %add3A_327, %broadcast_in_dim3A_341 : vector<16xi32>
      %and3A_343 = arith.andi %eq3A_340, %ge3A_342 : vector<16xi1>
      %or3A = arith.ori %gt3A, %and3A_343 : vector<16xi1>
      %broadcast_in_dim3A_344 = arith.constant 0xFF800000 : f32
      %broadcast_in_dim3A_345 = vector.broadcast %broadcast_in_dim3A_344 : f32 to vector<16xf32>
      %select_n3A_346 = arith.select %or3A, %get3A_329, %broadcast_in_dim3A_345 : vector<16xi1>, vector<16xf32>
      %broadcast_in_dim3A_347 = arith.constant 15 : i32
      %broadcast_in_dim3A_348 = vector.broadcast %broadcast_in_dim3A_347 : i32 to vector<16xi32>
      %broadcast_in_dim3A_349 = arith.constant 96 : i32
      %broadcast_in_dim3A_350 = vector.broadcast %broadcast_in_dim3A_349 : i32 to vector<16xi32>
      %add3A_351 = arith.addi %broadcast_in_dim3A_350, %iota3A : vector<16xi32>
      tpu.vector_store_idx %arg14[%broadcast_in_dim3A_348, %add3A_351], %select_n3A_346 : memref<16x128xf32, #tpu.memory_space<vmem>>[vector<16xi32>, vector<16xi32>], vector<16xf32>,
      %broadcast_in_dim3A_352 = arith.constant 15 : i32
      %broadcast_in_dim3A_353 = vector.broadcast %broadcast_in_dim3A_352 : i32 to vector<16xi32>
      %broadcast_in_dim3A_354 = arith.constant 96 : i32
      %broadcast_in_dim3A_355 = vector.broadcast %broadcast_in_dim3A_354 : i32 to vector<16xi32>
      %add3A_356 = arith.addi %broadcast_in_dim3A_355, %iota3A : vector<16xi32>
      tpu.vector_store_idx %arg15[%broadcast_in_dim3A_353, %add3A_356], %add3A_327 : memref<16x128xi32, #tpu.memory_space<vmem>>[vector<16xi32>, vector<16xi32>], vector<16xi32>,
      %broadcast_in_dim3A_357 = arith.constant 99984 : i32
      %broadcast_in_dim3A_358 = vector.broadcast %broadcast_in_dim3A_357 : i32 to vector<16xi32>
      %add3A_359 = arith.addi %broadcast_in_dim3A_358, %iota3A : vector<16xi32>
      %get3A_360 = arith.constant 99984 : index
      %get3A_361 = tpu.vector_load %arg6[%get3A_360] {strides = array<i32>} : memref<100000xf32, #tpu.memory_space<vmem>>, vector<16xf32>,
      %bitcast3A_362 = vector.bitcast %get3A_361 : vector<16xf32> to vector<16xi32>
      %broadcast_in_dim3A_363 = arith.constant 0 : i32
      %broadcast_in_dim3A_364 = vector.broadcast %broadcast_in_dim3A_363 : i32 to vector<16xi32>
      %ge3A_365 = arith.cmpi sge, %bitcast3A_362, %broadcast_in_dim3A_364 : vector<16xi32>
      %broadcast_in_dim3A_366 = arith.constant 2147483647 : i32
      %broadcast_in_dim3A_367 = vector.broadcast %broadcast_in_dim3A_366 : i32 to vector<16xi32>
      %xor3A_368 = arith.xori %bitcast3A_362, %broadcast_in_dim3A_367 : vector<16xi32>
      %select_n3A_369 = arith.select %ge3A_365, %bitcast3A_362, %xor3A_368 : vector<16xi1>, vector<16xi32>
      %broadcast_in_dim3A_370 = vector.broadcast %cond3A_315#0 : i32 to vector<16xi32>
      %gt3A_371 = arith.cmpi sgt, %select_n3A_369, %broadcast_in_dim3A_370 : vector<16xi32>
      %broadcast_in_dim3A_372 = vector.broadcast %cond3A_315#0 : i32 to vector<16xi32>
      %eq3A_373 = arith.cmpi eq, %select_n3A_369, %broadcast_in_dim3A_372 : vector<16xi32>
      %broadcast_in_dim3A_374 = vector.broadcast %cond3A_315#1 : i32 to vector<16xi32>
      %ge3A_375 = arith.cmpi sge, %add3A_359, %broadcast_in_dim3A_374 : vector<16xi32>
      %and3A_376 = arith.andi %eq3A_373, %ge3A_375 : vector<16xi1>
      %or3A_377 = arith.ori %gt3A_371, %and3A_376 : vector<16xi1>
      %broadcast_in_dim3A_378 = arith.constant 0xFF800000 : f32
      %broadcast_in_dim3A_379 = vector.broadcast %broadcast_in_dim3A_378 : f32 to vector<16xf32>
      %select_n3A_380 = arith.select %or3A_377, %get3A_361, %broadcast_in_dim3A_379 : vector<16xi1>, vector<16xf32>
      %broadcast_in_dim3A_381 = arith.constant 15 : i32
      %broadcast_in_dim3A_382 = vector.broadcast %broadcast_in_dim3A_381 : i32 to vector<16xi32>
      %broadcast_in_dim3A_383 = arith.constant 112 : i32
      %broadcast_in_dim3A_384 = vector.broadcast %broadcast_in_dim3A_383 : i32 to vector<16xi32>
      %add3A_385 = arith.addi %broadcast_in_dim3A_384, %iota3A : vector<16xi32>
      tpu.vector_store_idx %arg14[%broadcast_in_dim3A_382, %add3A_385], %select_n3A_380 : memref<16x128xf32, #tpu.memory_space<vmem>>[vector<16xi32>, vector<16xi32>], vector<16xf32>,
      %broadcast_in_dim3A_386 = arith.constant 15 : i32
      %broadcast_in_dim3A_387 = vector.broadcast %broadcast_in_dim3A_386 : i32 to vector<16xi32>
      %broadcast_in_dim3A_388 = arith.constant 112 : i32
      %broadcast_in_dim3A_389 = vector.broadcast %broadcast_in_dim3A_388 : i32 to vector<16xi32>
      %add3A_390 = arith.addi %broadcast_in_dim3A_389, %iota3A : vector<16xi32>
      tpu.vector_store_idx %arg15[%broadcast_in_dim3A_387, %add3A_390], %add3A_359 : memref<16x128xi32, #tpu.memory_space<vmem>>[vector<16xi32>, vector<16xi32>], vector<16xi32>,
      %parallel_loop3A_391 = arith.constant 0 : i32
      %parallel_loop3A_392 = arith.constant 6250 : i32
      %parallel_loop3A_393 = arith.constant 1 : i32
      scf.for %parallel_loop3A_394 = %parallel_loop3A_391 to %parallel_loop3A_392 step %parallel_loop3A_393  : i32 {
        %parallel_loop3A_395 = arith.constant 16 : i32
        %parallel_loop3A_396 = arith.muli %parallel_loop3A_394, %parallel_loop3A_395 : i32
        %parallel_loop3A_397 = arith.index_cast %parallel_loop3A_396 : i32 to index
        %parallel_loop3A_398 = tpu.vector_load %arg6[%parallel_loop3A_397] {strides = array<i32>} : memref<100000xf32, #tpu.memory_space<vmem>>, vector<16xf32>,
        %parallel_loop3A_399 = vector.bitcast %parallel_loop3A_398 : vector<16xf32> to vector<16xi32>
        %parallel_loop3A_400 = arith.constant 0 : i32
        %parallel_loop3A_401 = vector.broadcast %parallel_loop3A_400 : i32 to vector<16xi32>
        %parallel_loop3A_402 = arith.cmpi sge, %parallel_loop3A_399, %parallel_loop3A_401 : vector<16xi32>
        %parallel_loop3A_403 = arith.constant 2147483647 : i32
        %parallel_loop3A_404 = vector.broadcast %parallel_loop3A_403 : i32 to vector<16xi32>
        %parallel_loop3A_405 = arith.xori %parallel_loop3A_399, %parallel_loop3A_404 : vector<16xi32>
        %parallel_loop3A_406 = arith.select %parallel_loop3A_402, %parallel_loop3A_399, %parallel_loop3A_405 : vector<16xi1>, vector<16xi32>
        %parallel_loop3A_407 = arith.constant 16 : i32
        %parallel_loop3A_408 = arith.muli %parallel_loop3A_394, %parallel_loop3A_407 : i32
        %parallel_loop3A_409 = vector.broadcast %parallel_loop3A_408 : i32 to vector<16xi32>
        %parallel_loop3A_410 = arith.addi %parallel_loop3A_409, %iota3A : vector<16xi32>
        %parallel_loop3A_411 = vector.broadcast %cond3A_315#0 : i32 to vector<16xi32>
        %parallel_loop3A_412 = arith.cmpi sgt, %parallel_loop3A_406, %parallel_loop3A_411 : vector<16xi32>
        %parallel_loop3A_413 = vector.broadcast %cond3A_315#0 : i32 to vector<16xi32>
        %parallel_loop3A_414 = arith.cmpi eq, %parallel_loop3A_406, %parallel_loop3A_413 : vector<16xi32>
        %parallel_loop3A_415 = vector.broadcast %cond3A_315#1 : i32 to vector<16xi32>
        %parallel_loop3A_416 = arith.cmpi sge, %parallel_loop3A_410, %parallel_loop3A_415 : vector<16xi32>
        %parallel_loop3A_417 = arith.andi %parallel_loop3A_414, %parallel_loop3A_416 : vector<16xi1>
        %parallel_loop3A_418 = arith.ori %parallel_loop3A_412, %parallel_loop3A_417 : vector<16xi1>
        %parallel_loop3A_419 = arith.constant 0xFF800000 : f32
        %parallel_loop3A_420 = vector.broadcast %parallel_loop3A_419 : f32 to vector<16xf32>
        %parallel_loop3A_421 = arith.select %parallel_loop3A_418, %parallel_loop3A_398, %parallel_loop3A_420 : vector<16xi1>, vector<16xf32>
        %parallel_loop3A_422 = arith.constant 16 : i32
        %parallel_loop3A_423 = arith.muli %parallel_loop3A_394, %parallel_loop3A_422 : i32
        %parallel_loop3A_424 = arith.index_cast %parallel_loop3A_423 : i32 to index
        %parallel_loop3A_425 = tpu.vector_load %arg6[%parallel_loop3A_424] {strides = array<i32>} : memref<100000xf32, #tpu.memory_space<vmem>>, vector<16xf32>,
        tpu.vector_store %arg6[%parallel_loop3A_424], %parallel_loop3A_421 {strides = array<i32>} : memref<100000xf32, #tpu.memory_space<vmem>>, vector<16xf32>,
      } {sc.loop_unroll_factor = 8 : i64, sc.parallel_access}
      "tpu.region"() ({
        %run_scoped3A = tpu.sem_alloc : memref<!tpu.dma_semaphore, #tpu.memory_space<semaphore_mem>>
        %dma_start3A = arith.constant 0 : i32
        %dma_start3A_394 = tpu.memref_slice %arg5[%add3A_11, %dma_start3A] : memref<128x100000xf32, #tpu.memory_space<hbm>> -> memref<1x100000xf32, #tpu.memory_space<hbm>>
        %dma_start3A_395 = tpu.memref_squeeze %dma_start3A_394 : memref<1x100000xf32, #tpu.memory_space<hbm>> -> memref<100000xf32, #tpu.memory_space<hbm>>
        %dma_start3A_396 = arith.constant 0 : i32
        %dma_start3A_397 = tpu.memref_slice %arg5[%add3A_11, %dma_start3A_396] : memref<128x100000xf32, #tpu.memory_space<hbm>> -> memref<1x100000xf32, #tpu.memory_space<hbm>>
        %dma_start3A_398 = tpu.memref_squeeze %dma_start3A_397 : memref<1x100000xf32, #tpu.memory_space<hbm>> -> memref<100000xf32, #tpu.memory_space<hbm>>
        tpu.enqueue_dma source(%arg6 : memref<100000xf32, #tpu.memory_space<vmem>>) target(%dma_start3A_398 : memref<100000xf32, #tpu.memory_space<hbm>>) target_semaphore(%run_scoped3A : memref<!tpu.dma_semaphore, #tpu.memory_space<semaphore_mem>>)
        %dma_wait3A = arith.constant 0 : i32
        %dma_wait3A_399 = tpu.memref_slice %arg5[%add3A_11, %dma_wait3A] : memref<128x100000xf32, #tpu.memory_space<hbm>> -> memref<1x100000xf32, #tpu.memory_space<hbm>>
        %dma_wait3A_400 = tpu.memref_squeeze %dma_wait3A_399 : memref<1x100000xf32, #tpu.memory_space<hbm>> -> memref<100000xf32, #tpu.memory_space<hbm>>
        %dma_wait3A_401 = arith.constant 0 : i32
        %dma_wait3A_402 = tpu.memref_slice %arg5[%add3A_11, %dma_wait3A_401] : memref<128x100000xf32, #tpu.memory_space<hbm>> -> memref<1x100000xf32, #tpu.memory_space<hbm>>
        %dma_wait3A_403 = tpu.memref_squeeze %dma_wait3A_402 : memref<1x100000xf32, #tpu.memory_space<hbm>> -> memref<100000xf32, #tpu.memory_space<hbm>>
        tpu.wait_dma2 semaphore(%run_scoped3A : memref<!tpu.dma_semaphore, #tpu.memory_space<semaphore_mem>>) src(%arg6 : memref<100000xf32, #tpu.memory_space<vmem>>) dst(%dma_wait3A_403 : memref<100000xf32, #tpu.memory_space<hbm>>)
        tpu.yield
      }) : () -> ()
    }
    %scan3A_7 = arith.constant 4 : i32
    return
  }
}

</mosaic_0001>

<sc_bundles>
// kernel: kernel.3.cloned.1.call-start
scs
__scs_entry_jumppad:
0x0: {  	(pc) =	sbr.rel $0x88, $3  }
0x1: {  	(tag) =	ssettag $0x0;
	lr =	simm.s32 $0x1  }
0x2: {  	[smem:$0x3F9E] =	sst lr;
	_ =	strace $0xD0000000  }
0x3: {  	_ = 	snop  }
0x4: {  	_ = 	snop  }
0x5: {  	_ = 	snop  }
0x6: {  	_ = 	snop  }
0x7: {  	_ = 	snop  }
__scs_overlays_trampoline_lowered:
0x8: {  	[smem:$0x3FAD] =	sst s0  }
0x9: {  	[smem:$0x3FAE] =	sst s1  }
0xa: {  	[smem:$0x3FAF] =	sst s2  }
0xb: {  	[smem:$0x3FB0] =	sst s3  }
0xc: {  	[smem:$0x3FB1] =	sst s4  }
0xd: {  	[smem:$0x3FB2] =	sst s5  }
0xe: {  	[smem:$0x3FB3] =	sst s6  }
0xf: {  	[smem:$0x3FB4] =	sst s7  }
0x10: {  	[smem:$0x3FB5] =	sst s8  }
0x11: {  	[smem:$0x3FB6] =	sst s9;
	s0 =	simm.s32 @!p0 $0x0  }
0x12: {  	s1 =	sld [smem:$0x3F9C];
	s0 =	simm.s32 @p0 $0x1  }
0x13: {  	[smem:$0x3FB7] =	sst s0;
	s0 =	simm.s32 @!p1 $0x0  }
0x14: {  	s2 =	sld [smem:$0x3F9B];
	s0 =	simm.s32 @p1 $0x1  }
0x15: {  	[smem:$0x3FB8] =	sst s0;
	s0 =	simm.s32 @!p2 $0x0  }
0x16: {  	s3 =	sld [smem:$0x3FDB];
	s0 =	simm.s32 @p2 $0x1  }
0x17: {  	s4 =	simm.s32 $0x1BF5;
	[smem:$0x3FBA] =	sst s0  }
0x18: {  	s0 =	sld [smem:$0x3F9D];
	_ =	swait.ge [sflag:s4], $0x0  }
0x19: {  	s7 =	sld [smem:$0x3F9E]  }
0x1a: {  	s8 =	sadd.s32 $0xFFFFE003, lr  }
0x1b: {  	s9 =	sadd.s32 $0xFFFFFEF7, lr;
	s5 =	simm.s32 $0xFFFFFFFF;
	p2 =	slt.u32 s8, $0xFFFFF086  }
0x1c: {  	p1 =	slt.u32 s9, $0xF7A;
	s5 =	simm.s32 @!p2 $0x0  }
0x1d: {  	s5 =	simm.s32 @p1 $0x1;
	p0 =	seq.s32 s7, s2  }
0x1e: {  	s7 =	smul.u32 @!p0 $0xF7A, s2;
	p2 =	seq.s32 @!p0 s5, $0x0  }
0x1f: {  	s9 =	smul.u32 $0xF7A, s1;
	s8 =	simm.s32 @!p0 $0x1BF5;
	p2 =	por !p2, p0  }
0x20: {  	[sflag:s8] =	ssyncset.s32 @!p0 $0xFFFFF086;
	s6 =	sadd.s32 @!p0 s3, s7;
	s7 =	simm.s32 @!p0 $0x108  }
0x21: {  	s3 =	sadd.s32 s3, s9;
	s6 =	sadd.s32 @!p0 $0x88, s6;
	s7 =	simm.s32 @p2 $0x1082  }
0x22: {  	[simem:s7], [sflag:s8] =	dma.local @!p0 [hbm:s6], $0xF7A  }
0x23: {  	s9 =	sor.u32 $0xD0000000, s2;
	s6 =	simm.s32 $0x108;
	_ =	swait.ge @!p0 [sflag:s8], $0x0  }
0x24: {  	s3 =	sadd.s32 $0x88, s3;
	s6 =	simm.s32 @!p1 $0x1082;
	[sflag:s4] =	ssyncset.s32 $0xFFFFF086  }
0x25: {  	[simem:s6], [sflag:s4] =	dma.local [hbm:s3], $0xF7A  }
0x26: {  	[smem:$0x3F9E] =	sst s1;
	(tag) =	ssettag s2;
	_ =	strace s9  }
0x27: {  	s1 =	sld [smem:$0x3FAE]  }
0x28: {  	s2 =	sld [smem:$0x3FAF]  }
0x29: {  	s4 =	sld [smem:$0x3FB1]  }
0x2a: {  	p0 =	seq.s32 s5, $0x0;
	s5 =	sld [smem:$0x3FB2]  }
0x2b: {  	s6 =	sld [smem:$0x3FB3]  }
0x2c: {  	s7 =	sld [smem:$0x3FB4]  }
0x2d: {  	s3 =	simm.s32 $0x108;
	s8 =	sld [smem:$0x3FB5]  }
0x2e: {  	s3 =	simm.s32 @!p0 $0x1082;
	s9 =	sld [smem:$0x3FB6]  }
0x2f: {  	lr =	sadd.s32 s0, s3;
	s0 =	sld [smem:$0x3FAD]  }
0x30: {  	s3 =	sld [smem:$0x3FB0]  }
0x31: {  	[smem:$0x3FB9] =	sst s10  }
0x32: {  	s10 =	sld [smem:$0x3FB7];
	_ =	sdelay $0x3  }
0x33: {  	p0 =	seq.s32 s10, $0x1;
	s10 =	sld [smem:$0x3FB9];
	_ =	sdelay $0x3  }
0x34: {  	[smem:$0x3FB9] =	sst s10  }
0x35: {  	s10 =	sld [smem:$0x3FB8];
	_ =	sdelay $0x3  }
0x36: {  	p1 =	seq.s32 s10, $0x1;
	s10 =	sld [smem:$0x3FB9];
	_ =	sdelay $0x3  }
0x37: {  	[smem:$0x3FB9] =	sst s10  }
0x38: {  	s10 =	sld [smem:$0x3FBA]  }
0x39: {  	_ = 	snop;
	(pc) =	sbr.ind lr, $3  }
0x3a: {  	_ = 	snop  }
0x3b: {  	_ = 	snop  }
0x3c: {  	p2 =	seq.s32 s10, $0x1;
	s10 =	sld [smem:$0x3FB9]  }
0x3d: {  	_ =	shalt  }
0x3e: {  	_ =	shalt  }
0x3f: {  	_ =	shalt  }
0x40: {  	_ =	shalt  }
0x41: {  	_ =	shalt  }
0x42: {  	_ =	shalt  }
0x43: {  	_ =	shalt  }
0x44: {  	_ =	shalt  }
0x45: {  	_ =	shalt  }
0x46: {  	_ =	shalt  }
0x47: {  	_ =	shalt  }
0x48: {  	_ =	shalt  }
0x49: {  	_ =	shalt  }
0x4a: {  	_ =	shalt  }
0x4b: {  	_ =	shalt  }
0x4c: {  	_ =	shalt  }
0x4d: {  	_ =	shalt  }
0x4e: {  	_ =	shalt  }
0x4f: {  	_ =	shalt  }
0x50: {  	_ =	shalt  }
0x51: {  	_ =	shalt  }
0x52: {  	_ =	shalt  }
0x53: {  	_ =	shalt  }
0x54: {  	_ =	shalt  }
0x55: {  	_ =	shalt  }
0x56: {  	_ =	shalt  }
0x57: {  	_ =	shalt  }
0x58: {  	_ =	shalt  }
0x59: {  	_ =	shalt  }
0x5a: {  	_ =	shalt  }
0x5b: {  	_ =	shalt  }
0x5c: {  	_ =	shalt  }
0x5d: {  	_ =	shalt  }
0x5e: {  	_ =	shalt  }
0x5f: {  	_ =	shalt  }
0x60: {  	_ =	shalt  }
0x61: {  	_ =	shalt  }
0x62: {  	_ =	shalt  }
0x63: {  	_ =	shalt  }
0x64: {  	_ =	shalt  }
0x65: {  	_ =	shalt  }
0x66: {  	_ =	shalt  }
0x67: {  	_ =	shalt  }
0x68: {  	_ =	shalt  }
0x69: {  	_ =	shalt  }
0x6a: {  	_ =	shalt  }
0x6b: {  	_ =	shalt  }
0x6c: {  	_ =	shalt  }
0x6d: {  	_ =	shalt  }
0x6e: {  	_ =	shalt  }
0x6f: {  	_ =	shalt  }
0x70: {  	_ =	shalt  }
0x71: {  	_ =	shalt  }
0x72: {  	_ =	shalt  }
0x73: {  	_ =	shalt  }
0x74: {  	_ =	shalt  }
0x75: {  	_ =	shalt  }
0x76: {  	_ =	shalt  }
0x77: {  	_ =	shalt  }
0x78: {  	_ =	shalt  }
0x79: {  	_ =	shalt  }
0x7a: {  	_ =	shalt  }
0x7b: {  	_ =	shalt  }
0x7c: {  	_ =	shalt  }
0x7d: {  	_ =	shalt  }
0x7e: {  	_ =	shalt  }
0x7f: {  	_ =	shalt  }
0x80: {  	_ =	shalt  }
0x81: {  	_ =	shalt  }
0x82: {  	_ =	shalt  }
0x83: {  	_ =	shalt  }
0x84: {  	_ =	shalt  }
0x85: {  	_ =	shalt  }
0x86: {  	_ =	shalt  }
0x87: {  	_ =	shalt  }
.Lfunc_end0:
.L_simem_size_0:
called_computation_lowered:
.L_overlay_start_0:
0x88: {  	s2 =	sld [smem:$0x3FD9]  }
0x89: {  	s3 =	sld [smem:$0x3FFE];
	_ =	sdelay $0x1  }
0x8a: {  	s1 =	srdreg.scid  }
0x8b: {  	s0 =	sand.u32 $0x1, s1  }
0x8c: {  	s17 =	sshll.u32 s0, $0xA;
	s2 =	sadd.s32 s3, s2  }
0x8d: {  	s2 =	sadd.s32 s2, s17  }
0x8e: {  	[smem:$0x3FC5] =	sst s2  }
0x8f: {  	_ = 	snop  }
0x90: {  	s2 =	sld [smem:$0x3FC8]  }
0x91: {  	s18 =	sld [smem:$0x3FC7];
	(tm) =	ssettm $0x1  }
0x92: {  	s4 =	sld [smem:$0x3FFB];
	_ =	sdelay $0x3  }
0x93: {  	_ =	strace s4  }
0x94: {  	s4 =	sld [smem:$0x3FFC];
	_ =	sdelay $0x3  }
0x95: {  	_ =	strace s4  }
0x96: {  	s4 =	sld [smem:$0x3FFD];
	_ =	sdelay $0x3  }
0x97: {  	_ =	strace s4  }
0x98: {  	_ =	strace $0x8FFFFFFF  }
0x99: {  	s19 =	sld [smem:$0x3FDB];
	_ =	sdelay $0x1  }
0x9a: {  	s5 =	simm.s32 $_scs_section_size  }
0x9b: {  	s6 =	simm.s32 $_size__tile_overlayer_lowered;
	s7 =	simm.s32 $_tile_overlayer_lowered  }
0x9c: {  	s22 =	simm.s32 $0x1BFF;
	s21 =	sshll.u32 s7, $0x1;
	s4 =	sadd.s32 s5, s19  }
0x9d: {  	s8 =	simm.s32 $0x0;
	s20 =	sshll.u32 s6, $0x1;
	s6 =	sadd.s32 s21, s4  }
0x9e: {  	[timem:s8], [sflag:s22] =	dma.local [hbm:s6], s20  }
0x9f: {  	_ =	swait.ge [sflag:s22], s20  }
0xa0: {  	s5 =	ssub.s32 $0x0, s20;
	[sflag:s22] =	ssyncset.done $0x0  }
0xa1: {  	[sflag:s22] =	ssyncadd.s32 s5;
	_ =	sdelay $0x1  }
0xa2: {  	s23 =	simm.s32 $0x1B8B  }
0xa3: {  	_ =	swait.ge [sflag:s23], $0x1  }
0xa4: {  	[sflag:s23] =	ssyncset.done $0x0  }
0xa5: {  	s25 =	simm.s32 $0x1B8E;
	s24 =	sld [smem:$0x3FFE];
	[sflag:s23] =	ssyncadd.s32 $0xFFFFFFFF  }
0xa6: {  	s26 =	simm.s32 $execute0_lowered;
	[smem:$0x3FD2] =	sst s25  }
0xa7: {  	s6 =	sshll.u32 s26, $0x1;
	_ =	strace $0x80000046;
	[dreg:$0x1] =	wrdreg $0xFFFFFFFF  }
0xa8: {  	s28 =	simm.s32 $_size_execute0_lowered;
	s4 =	sadd.s32 s4, s6;
	[dreg:$0x0] =	wrdreg $0x0  }
0xa9: {  	s6 =	sshll.u32 s28, $0x1;
	[dreg:$0x2] =	wrdreg s4  }
0xaa: {  	[dreg:$0x3] =	wrdreg s6  }
0xab: {  	[dreg:$0x4] =	wrdreg $0xC0  }
0xac: {  	_ =	task [dreg:s8], $0x5FFFF  }
0xad: {  	[dreg:$0x1] =	wrdreg $0xFFFFFFFF  }
0xae: {  	[dreg:$0x0] =	wrdreg $0x60  }
0xaf: {  	[dreg:$0x2] =	wrdreg s24  }
0xb0: {  	[dreg:$0x3] =	wrdreg s2  }
0xb1: {  	[dreg:$0x4] =	wrdreg s18  }
0xb2: {  	[dreg:$0x5] =	wrdreg $0x9  }
0xb3: {  	_ =	task.clear_ibuf [dreg:s8], $0x6FFFF;
	_ =	strace $0x90000046  }
0xb4: {  	s29 =	simm.s32 $0x9;
	_ =	strace $0x80000048  }
0xb5: {  	_ =	swait.ge [sflag:s29], $0x1  }
0xb6: {  	[sflag:s29] =	ssyncadd.s32 $0xFFFFFFFF  }
0xb7: {  	_ =	strace $0x90000048  }
0xb8: {  	_ =	sfence  }
0xb9: {  	s30 =	sld [smem:$0x0];
	_ =	sdelay $0x2  }
0xba: {  	s31 =	sshll.u32 s1, $0xD;
	s1 =	sshrl.u32 s1, $0x2  }
0xbb: {  	s3 =	sand.u32 $0x4000, s31;
	s1 =	sadd.s32 s1, s30  }
0xbc: {  	s0 =	sor.u32 s3, s0;
	s1 =	sshll.u32 s1, $0x11  }
0xbd: {  	s0 =	sor.u32 s1, s0  }
0xbe: {  	s0 =	sadd.s32 $0x8F2B, s0  }
0xbf: {  	[sflag:s0] =	ssyncadd.remote.s32 $0x1  }
0xc0: {  	_ =	sfence.sel $0xFFFF  }
0xc1: {  	[dreg:$0x0] =	wrdreg $0xFFFFFFFF;
	(pc) =	sbr.abs _section_cstart, $3  }
0xc2: {  	[dreg:$0x1] =	wrdreg $0xFFFFFFFF  }
0xc3: {  	_ =	task.clear_ibuf [dreg:s8], $0x2FFFF;
	_ =	strace $0x9FFFFFFF  }
0xc4: {  	(tm) =	ssettm $0x7FFFFFFF  }
0xc5: {  	_ =	shalt  }
tec
execute0_lowered:
.L_overlay_start_1:
0x0: {  	(tag) =	ssettag $0x1  }
0x1: {  	s0 =	rddreg [dreg:$0x0]  }
0x2: {  	s1 =	srdreg.scid;
	s3 =	simm.s32 $0x0;
	s5 =	stileid.u32  }
0x3: {  	s12 =	simm.s32 $0x1;
	s14 =	simm.s32 $0x80;
	s15 =	simm.s32 $0x400  }
0x4: {  	s16 =	simm.s32 $0x18700;
	s17 =	simm.s32 $0x1A700;
	s18 =	simm.s32 $0x1AF00  }
0x5: {  	s19 =	simm.s32 $0x19700;
	s20 =	simm.s32 $0x1EA00;
	s21 =	simm.s32 $0x1F200  }
0x6: {  	s1 =	sand.u32 $0x1, s1;
	[smem:$0x7FF] =	sst s3;
	s4 =	sadd.s32 $0x400, s0  }
0x7: {  	s0 =	sadd.s32 $0x187400, s0;
	s7 =	smul.u32 $0xC3800, s5;
	s2 =	ssub.s32 $0x2, s1  }
0x8: {  	_ =	strace $0x80000047;
	[dreg:$0x4] =	wrdreg s4;
	s29 =	sshrl.u32 s2, $0x1  }
0x9: {  	s31 =	sshll.u32 s5, $0x3;
	[dreg:$0x5] =	wrdreg s0;
	s30 =	ssub.s32 s2, s29  }
0xa: {  	v0 =	vimm.f32 $-Inf;
	s1 =	sshll.u32 s1, $0x2;
	s9 =	sand.u32 $0x70, s31;
	s0 =	smax.u32 s30, $0x1  }
0xb: {  	v1 =	vimm.s32 $0x0;
	v2 =	vlaneseq.u32;
	v3 =	vimm.f32 $0.0e+00;
	s8 =	sor.u32 s1, s31;
	s1 =	simm.s32 $0x0;
	[dreg:$0x6] =	wrdreg s0  }
.LBB2_1:
0xc: {  	[dreg:$0x7] =	wrdreg s1  }
0xd: {  	s0 =	rddreg [dreg:$0x1];
	s29 =	simm.s32 $0x1B700  }
0xe: {  	[tilespmem:s29], [sflag:$0x1] =	stream.linear.gather [hbm4b:s0+s3], $0x80, $0x38;
	[tilespmem:$0x1FA00] =	vst v63  }
0xf: {  	_ =	swait.ge [sflag:s12], $0x80  }
0x10: {  	[sflag:s12] =	ssyncset.done $0x0  }
0x11: {  	[sflag:s12] =	ssyncadd.s32 $0xFFFFFF80  }
0x12: {  	s31 =	simm.s32 $0x1B780;
	s30 =	rddreg [dreg:$0x2]  }
0x13: {  	[tilespmem:s31], [sflag:$0x1] =	stream.linear.gather [hbm4b:s30+s3], $0x80, $0x38;
	[tilespmem:$0x1FA00] =	vst v63  }
0x14: {  	_ =	swait.ge [sflag:s12], $0x80  }
0x15: {  	[sflag:s12] =	ssyncset.done $0x0  }
0x16: {  	s0 =	simm.s32 $0x1B840;
	[sflag:s12] =	ssyncadd.s32 $0xFFFFFF80  }
0x17: {  	[tilespmem:s0+$0xFFFFFFC0] =	vst v0  }
0x18: {  	[tilespmem:s0+$0x30] =	vst v0  }
0x19: {  	[tilespmem:s0+$0x20] =	vst v0  }
0x1a: {  	[tilespmem:s0+$0x10] =	vst v0  }
0x1b: {  	[tilespmem:s0+$0x0] =	vst v0  }
0x1c: {  	[tilespmem:s0+$0xFFFFFFF0] =	vst v0  }
0x1d: {  	s1 =	simm.s32 $0x0;
	[tilespmem:s0+$0xFFFFFFE0] =	vst v0  }
.LBB2_2:
0x1e: {  	s1 =	sadd.s32 $0x8, s1;
	[tilespmem:s0+$0xFFFFFFD0] =	vst v0;
	s0 =	sadd.s32 $0x80, s0  }
0x1f: {  	[tilespmem:s0+$0xFFFFFFC0] =	vst v0;
	p0 =	slt.u32 s1, $0x318  }
0x20: {  	[tilespmem:s0+$0x30] =	vst v0  }
.Ltmp0:
0x21: {  	[tilespmem:s0+$0x20] =	vst v0;
	(pc) =	sbr.rel @p0 .LBB2_2-.Ltmp0, $4  }
0x22: {  	[tilespmem:s0+$0x10] =	vst v0  }
0x23: {  	[tilespmem:s0+$0x0] =	vst v0  }
0x24: {  	[tilespmem:s0+$0xFFFFFFF0] =	vst v0  }
0x25: {  	[tilespmem:s0+$0xFFFFFFE0] =	vst v0  }
0x26: {  	[tilespmem:s0+$0xFFFFFFD0] =	vst v0;
	s23 =	simm.s32 $0x0  }
.LBB2_4:
0x27: {  	s25 =	sadd.s32 s8, s23  }
0x28: {  	s0 =	sshll.u32 s25, $0x7  }
0x29: {  	s0 =	sand.u32 $0x380, s0  }
0x2a: {  	s0 =	sor.u32 s7, s0  }
0x2b: {  	s31 =	rddreg [dreg:$0x4];
	s24 =	sshrl.u32 s0, $0x3  }
0x2c: {  	s0 =	sadd.s32 s31, s24  }
0x2d: {  	[tilespmem:s3], [sflag:$0x1] =	stream.strided.gather [hbm4b:s0+s14], $0x18700, s15, s14, $0x38;
	[tilespmem:$0x1FA00] =	vst v63  }
0x2e: {  	_ =	swait.ge [sflag:s12], $0x18700  }
0x2f: {  	[sflag:s12] =	ssyncset.done $0x0  }
0x30: {  	[sflag:s12] =	ssyncadd.s32 $0xFFFE7900  }
0x31: {  	s1 =	simm.s32 $0x18740;
	v5 =	vld [tilespmem:s9+$0x1B700]  }
0x32: {  	v4 =	vld [tilespmem:s9+$0x1B780];
	[tilespmem:s1+$0xFFFFFFC0] =	vst v1  }
0x33: {  	[tilespmem:s1+$0x30] =	vst v1  }
0x34: {  	[tilespmem:s1+$0x20] =	vst v1  }
0x35: {  	[tilespmem:s1+$0x10] =	vst v1  }
0x36: {  	[tilespmem:s1+$0x0] =	vst v1  }
0x37: {  	[tilespmem:s1+$0xFFFFFFF0] =	vst v1  }
0x38: {  	s2 =	simm.s32 $0x0;
	s0 =	simm.s32 $0x60;
	[tilespmem:s1+$0xFFFFFFE0] =	vst v1  }
.LBB2_5:
0x39: {  	s2 =	sadd.s32 $0x8, s2;
	[tilespmem:s1+$0xFFFFFFD0] =	vst v1;
	s1 =	sadd.s32 $0x80, s1;
	v21 =	vimm.s32 $0x80000000  }
0x3a: {  	[tilespmem:s1+$0xFFFFFFC0] =	vst v1;
	p0 =	slt.u32 s2, $0xF8  }
0x3b: {  	[tilespmem:s1+$0x30] =	vst v1  }
.Ltmp1:
0x3c: {  	[tilespmem:s1+$0x20] =	vst v1;
	(pc) =	sbr.rel @p0 .LBB2_5-.Ltmp1, $4  }
0x3d: {  	[tilespmem:s1+$0x10] =	vst v1  }
0x3e: {  	[tilespmem:s1+$0x0] =	vst v1  }
0x3f: {  	[tilespmem:s1+$0xFFFFFFF0] =	vst v1  }
0x40: {  	s26 =	simm.s32 $0x0;
	[tilespmem:s1+$0xFFFFFFE0] =	vst v1  }
0x41: {  	[tilespmem:s1+$0xFFFFFFD0] =	vst v1  }
0x42: {  	v6 =	vld [tilespmem:s0+$0xFFFFFFA0]  }
0x43: {  	v9 =	vld [tilespmem:s0+$0xFFFFFFB0]  }
0x44: {  	v14 =	vld [tilespmem:s0+$0xFFFFFFF0]  }
0x45: {  	v7 =	vld [tilespmem:s0+$0x50]  }
0x46: {  	v8 =	vld [tilespmem:s0+$0x40]  }
0x47: {  	v10 =	vld [tilespmem:s0+$0x30]  }
0x48: {  	v12 =	vld [tilespmem:s0+$0xFFFFFFC0];
	v11 =	vxor.u32 $0x7FFFFFFF, v6;
	vm0 =	vlt.s32 v6, $0x0  }
0x49: {  	s31 =	simm.s32 $0x120;
	v16 =	vld [tilespmem:s0+$0x0];
	vm1 =	vlt.s32 v9, $0x0;
	v18 =	vxor.u32 $0x7FFFFFFF, v9;
	v20 =	vxor.u32 $0x7FFFFFFF, v14  }
0x4a: {  	v24 =	vld [tilespmem:s31+$0xFFFFFFB0];
	v27 =	vsel vm0, v11, v6;
	v6 =	vxor.u32 $0x7FFFFFFF, v7;
	vm0 =	vlt.s32 v7, $0x0  }
0x4b: {  	v35 =	vld [tilespmem:s31+$0x40];
	v11 =	vxor.u32 $0x7FFFFFFF, v8;
	v13 =	vshra.s32 v27, $0x14;
	v6 =	vsel vm0, v6, v7  }
0x4c: {  	s30 =	sand.u32 $0x1FFC0, s26;
	vm0 =	vlt.s32 v8, $0x0;
	v28 =	vadd.s32 $0x800, v13;
	v7 =	vshra.s32 v6, $0x14  }
0x4d: {  	vm2 =	vlt.s32 v12, $0x0;
	(xrf1) =	vunique.msk.u32 $0xffff, v28;
	v29 =	vadd.s32 $0x800, v7;
	v7 =	vsel vm0, v11, v8;
	v8 =	vld [tilespmem:s30+$0x80]  }
0x4e: {  	v23 =	vxor.u32 $0x7FFFFFFF, v10;
	v25 =	vxor.u32 $0x7FFFFFFF, v16;
	v13 =	vld [tilespmem:s0+$0xFFFFFFD0];
	(xrf1) =	vunique.msk.u32 $0xffff, v29;
	v11 =	vshra.s32 v7, $0x14  }
0x4f: {  	v15 =	vld [tilespmem:s0+$0xFFFFFFE0];
	vm3 =	vlt.s32 v16, $0x0;
	v33 =	vadd.s32 $0x800, v11;
	v11 =	vxor.u32 $0x7FFFFFFF, v12  }
0x50: {  	v32 =	vxor.u32 $0x7FFFFFFF, v24;
	v50 =	vxor.u32 $0x7FFFFFFF, v35;
	v17 =	vsel vm2, v11, v12  }
0x51: {  	vm6 =	vlt.s32 v35, $0x0;
	v26 =	vsel vm1, v18, v9;
	(xrf1) =	vunique.msk.u32 $0xffff, v33;
	v11 =	vshra.s32 v17, $0x14  }
0x52: {  	v42 =	vld [tilespmem:s31+$0x0];
	v43 =	vadd.s32 $0x800, v11;
	v11 =	vxor.u32 $0x7FFFFFFF, v8;
	vm2 =	vlt.s32 v8, $0x0  }
0x53: {  	v37 =	vld [tilespmem:s31+$0xFFFFFFE0];
	v19 =	vxor.u32 $0x7FFFFFFF, v13;
	vm4 =	vlt.s32 v13, $0x0;
	v11 =	vsel vm2, v11, v8  }
0x54: {  	v44 =	vld [tilespmem:s31+$0xFFFFFFC0];
	v12 =	vxor.u32 $0x7FFFFFFF, v15;
	v19 =	vsel vm4, v19, v13;
	(xrf1) =	vunique.msk.u32 $0xffff, v43;
	v8 =	vshra.s32 v11, $0x14  }
0x55: {  	v38 =	vld [tilespmem:s31+$0xFFFFFFD0];
	vm2 =	vlt.s32 v15, $0x0;
	v9 =	vshra.s32 v19, $0x14;
	v13 =	vadd.s32 $0x800, v8  }
0x56: {  	v30 =	vld [tilespmem:s0+$0x10];
	v22 =	vsel vm2, v12, v15;
	v15 =	vadd.s32 $0x800, v9;
	v8 =	vshra.s32 v26, $0x14;
	(xrf1) =	vunique.msk.u32 $0xffff, v13  }
0x57: {  	v34 =	vsel vm3, v25, v16;
	v9 =	vshra.s32 v22, $0x14;
	v12 =	vadd.s32 $0x800, v8;
	(xrf1) =	vunique.msk.u32 $0xffff, v15  }
0x58: {  	v51 =	vxor.u32 $0x7FFFFFFF, v42;
	v16 =	vld [tilespmem:s31+$0xFFFFFFF0];
	v8 =	vshra.s32 v34, $0x14;
	v9 =	vadd.s32 $0x800, v9;
	(xrf1) =	vunique.msk.u32 $0xffff, v12  }
0x59: {  	v48 =	vxor.u32 $0x7FFFFFFF, v37;
	v61 =	vxor.u32 $0x7FFFFFFF, v44;
	v18 =	vld [tilespmem:s31+$0xFFFFFFA0];
	v8 =	vadd.s32 $0x800, v8;
	(xrf1) =	vunique.msk.u32 $0xffff, v9  }
0x5a: {  	v49 =	vxor.u32 $0x7FFFFFFF, v38;
	vm1 =	vlt.s32 v10, $0x0;
	vm0 =	vlt.s32 v14, $0x0;
	(xrf1) =	vunique.msk.u32 $0xffff, v8  }
0x5b: {  	vm3 =	vlt.s32 v30, $0x0;
	v31 =	vsel vm0, v20, v14;
	v14 =	vld [tilespmem:s31+$0x30];
	v20 =	vxor.u32 $0x7FFFFFFF, v30;
	_, v36, vm2 =	vpop (xrf1)  }
0x5c: {  	vm0 =	vlt.s32 v24, $0x0;
	v30 =	vsel vm3, v20, v30;
	v20 =	vsel vm1, v23, v10;
	_, v40, vm4 =	vpop (xrf1)  }
0x5d: {  	v41 =	vld [tilespmem:s31+$0x50];
	v39 =	vshra.s32 v31, $0x14;
	v10 =	vxor.u32 $0x7FFFFFFF, v16;
	vm1 =	vlt.s32 v16, $0x0  }
0x5e: {  	vm5 =	vlt.s32 v18, $0x0;
	v10 =	vsel vm1, v10, v16;
	v16 =	vxor.u32 $0x7FFFFFFF, v18  }
0x5f: {  	v45 =	vshra.s32 v20, $0x14;
	v47 =	vshra.s32 v30, $0x14;
	v23 =	vsel vm5, v16, v18;
	_, v46, vm3 =	vpop (xrf1)  }
0x60: {  	v18 =	vadd.s32 $0x800, v47;
	v16 =	vshra.s32 v23, $0x14;
	v25 =	vxor.u32 $0x7FFFFFFF, v14  }
0x61: {  	vm1 =	vlt.s32 v14, $0x0;
	v16 =	vadd.s32 $0x800, v16;
	(xrf1) =	vunique.msk.u32 $0xffff, v18;
	[tilespmem:v28+s16+$0x0] =	vst.idx.add.s32.msk vm2, v36  }
0x62: {  	_, v52, vm7 =	vpop (xrf1);
	vm2 =	vlt.s32 v44, $0x0;
	[tilespmem:v29+s16+$0x0] =	vst.idx.add.s32.msk vm4, v40;
	v29 =	vxor.u32 $0x7FFFFFFF, v41;
	vm4 =	vlt.s32 v41, $0x0  }
0x63: {  	(xrf1) =	vunique.msk.u32 $0xffff, v16;
	v40 =	vsel vm2, v61, v44;
	vm2 =	vlt.s32 v42, $0x0;
	v36 =	vsel vm4, v29, v41  }
0x64: {  	v55 =	vshra.s32 v40, $0x14;
	v41 =	vsel vm6, v50, v35;
	v35 =	vld [tilespmem:s31+$0x10];
	v28 =	vshra.s32 v36, $0x14;
	_, v47, vm5 =	vpop (xrf1)  }
0x65: {  	s0 =	simm.s32 $0xC0;
	vm6 =	vgt.s32 v21, v27;
	v29 =	vsel vm2, v51, v42;
	[tilespmem:v33+s16+$0x0] =	vst.idx.add.s32.msk vm3, v46;
	v28 =	vadd.s32 $0x800, v28;
	_, v46, vm4 =	vpop (xrf1)  }
0x66: {  	s2 =	sand.u32 $0x1FFC0, s0;
	v62 =	vshra.s32 v41, $0x14;
	v54 =	vsel vm6, v21, v27;
	v63 =	vshra.s32 v29, $0x14;
	(xrf1) =	vunique.msk.u32 $0xffff, v28;
	_, v44, vm3 =	vpop (xrf1)  }
0x67: {  	v53 =	vld [tilespmem:s2+$0x80];
	v27 =	vadd.s32 $0x800, v45;
	v21 =	vadd.s32 $0x800, v55;
	v33 =	vadd.s32 $0x800, v62;
	_, v42, vm2 =	vpop (xrf1)  }
0x68: {  	s1 =	simm.s32 $0xC;
	s2 =	simm.s32 $0x1E0;
	vm8 =	vgt.s32 v54, v26;
	[tilespmem:v43+s16+$0x0] =	vst.idx.add.s32.msk vm7, v52;
	v52 =	vadd.s32 $0x800, v63;
	(xrf1) =	vunique.msk.u32 $0xffff, v33;
	_, v51, vm6 =	vpop (xrf1)  }
.LBB2_7:
0x69: {  	vm9 =	vlt.s32 v37, $0x0;
	vm7 =	vlt.s32 v35, $0x0;
	v43 =	vadd.s32 $0x800, v39;
	v45 =	vmovc v6  }
0x6a: {  	s1 =	sadd.s32 $0xC, s1;
	[tilespmem:v13+s16+$0x0] =	vst.idx.add.s32.msk vm5, v47;
	v6 =	vmovc v36;
	v50 =	vmovc v7;
	v7 =	vmov v41;
	v13 =	vmov v8;
	v8 =	vmov v52  }
0x6b: {  	v26 =	vsel vm8, v54, v26;
	p0 =	slt.u32 s1, $0x1854;
	v36 =	vsel vm9, v48, v37;
	v37 =	vxor.u32 $0x7FFFFFFF, v35;
	[tilespmem:v15+s16+$0x0] =	vst.idx.add.s32.msk vm4, v46  }
0x6c: {  	vm5 =	vgt.s32 v26, v17;
	v39 =	vld [tilespmem:s2+$0xFFFFFFB0];
	v15 =	vxor.u32 $0x7FFFFFFF, v53;
	vm4 =	vlt.s32 v53, $0x0;
	(xrf1) =	vunique.msk.u32 $0xffff, v27  }
0x6d: {  	vm8 =	vlt.s32 v38, $0x0;
	s0 =	sadd.s32 $0xC0, s0;
	v41 =	vld [tilespmem:s2+$0x40];
	v46 =	vsel vm4, v15, v53;
	v15 =	vsel vm5, v26, v17;
	(xrf1) =	vunique.msk.u32 $0xffff, v43;
	v17 =	vmovc v40  }
0x6e: {  	s4 =	sand.u32 $0x1FFC0, s0;
	v26 =	vsel vm0, v32, v24;
	v24 =	vshra.s32 v46, $0x14;
	[tilespmem:v12+s16+$0x0] =	vst.idx.add.s32.msk vm3, v44;
	vm0 =	vgt.s32 v15, v19  }
0x6f: {  	v40 =	vshra.s32 v36, $0x14;
	v12 =	vsel vm0, v15, v19;
	v19 =	vsel vm8, v49, v38;
	[tilespmem:v13+s16+$0x0] =	vst.idx.add.s32.msk vm6, v51  }
0x70: {  	v13 =	vadd.s32 $0x800, v24;
	v38 =	vld [tilespmem:s2+$0x30];
	v15 =	vshra.s32 v19, $0x14;
	(xrf1) =	vunique.msk.u32 $0xffff, v21;
	vm5 =	vgt.s32 v12, v22;
	_, v44, vm4 =	vpop (xrf1)  }
0x71: {  	v51 =	vshra.s32 v26, $0x14;
	vm0 =	vlt.s32 v39, $0x0;
	v47 =	vld [tilespmem:s2+$0xFFFFFFF0];
	_, v49, vm3 =	vpop (xrf1);
	(xrf1) =	vunique.msk.u32 $0xffff, v13;
	v48 =	vsel vm5, v12, v22  }
0x72: {  	v32 =	vxor.u32 $0x7FFFFFFF, v39;
	v15 =	vadd.s32 $0x800, v15;
	v22 =	vmovc v36;
	[tilespmem:v9+s16+$0x0] =	vst.idx.add.s32.msk vm2, v42;
	vm2 =	vgt.s32 v48, v31  }
0x73: {  	v12 =	vadd.s32 $0x800, v51;
	v24 =	vmovc v39;
	v9 =	vadd.s32 $0x800, v40;
	v36 =	vld [tilespmem:s2+$0xFFFFFFA0];
	(xrf1) =	vunique.msk.u32 $0xffff, v15;
	v31 =	vsel vm2, v48, v31  }
0x74: {  	v51 =	vsel vm1, v25, v14;
	v42 =	vsel vm7, v37, v35;
	v40 =	vld [tilespmem:s2+$0xFFFFFFC0];
	(xrf1) =	vunique.msk.u32 $0xffff, v12;
	_, v52, vm5 =	vpop (xrf1);
	vm1 =	vgt.s32 v31, v34  }
0x75: {  	v39 =	vshra.s32 v10, $0x14;
	v55 =	vshra.s32 v51, $0x14;
	v53 =	vld [tilespmem:s2+$0x0];
	(xrf1) =	vunique.msk.u32 $0xffff, v9;
	v34 =	vsel vm1, v31, v34;
	v14 =	vmovc v38  }
0x76: {  	v37 =	vld [tilespmem:s2+$0xFFFFFFE0];
	v38 =	vxor.u32 $0x7FFFFFFF, v47;
	vm1 =	vlt.s32 v47, $0x0;
	(xrf1) =	vunique.msk.u32 $0xffff, v8;
	vm2 =	vgt.s32 v34, v30;
	v31 =	vmovc v10  }
0x77: {  	v54 =	vxor.u32 $0x7FFFFFFF, v41;
	v25 =	vxor.u32 $0x7FFFFFFF, v14;
	v35 =	vld [tilespmem:s2+$0x10];
	_, v56, vm6 =	vpop (xrf1);
	v34 =	vsel vm2, v34, v30  }
0x78: {  	v10 =	vsel vm1, v38, v47;
	vm1 =	vlt.s32 v14, $0x0;
	[tilespmem:v18+s16+$0x0] =	vst.idx.add.s32.msk vm4, v44;
	vm4 =	vgt.s32 v34, v11  }
0x79: {  	vm2 =	vlt.s32 v41, $0x0;
	v30 =	vmovc v42;
	v18 =	vxor.u32 $0x7FFFFFFF, v36;
	v44 =	vld [tilespmem:s2+$0x50];
	v47 =	vsel vm4, v34, v11;
	v11 =	vmovc v46  }
0x7a: {  	vm7 =	vlt.s32 v36, $0x0;
	v59 =	vshra.s32 v30, $0x14;
	v38 =	vld [tilespmem:s2+$0xFFFFFFD0];
	v42 =	vxor.u32 $0x7FFFFFFF, v53;
	_, v46, vm4 =	vpop (xrf1)  }
0x7b: {  	v57 =	vsel vm7, v18, v36;
	v18 =	vadd.s32 $0x800, v59;
	v48 =	vxor.u32 $0x7FFFFFFF, v37;
	[tilespmem:v28+s16+$0x0] =	vst.idx.add.s32.msk vm5, v52;
	_, v52, vm7 =	vpop (xrf1)  }
0x7c: {  	v58 =	vxor.u32 $0x7FFFFFFF, v40;
	v34 =	vmovc v29;
	v28 =	vshra.s32 v57, $0x14;
	[tilespmem:v16+s16+$0x0] =	vst.idx.add.s32.msk vm3, v49;
	vm3 =	vgt.s32 v47, v20  }
0x7d: {  	vm8 =	vlt.s32 v40, $0x0;
	v16 =	vadd.s32 $0x800, v28;
	[tilespmem:v33+s16+$0x0] =	vst.idx.add.s32.msk vm6, v56;
	v28 =	vsel vm3, v47, v20;
	v20 =	vmovc v51  }
0x7e: {  	v29 =	vxor.u32 $0x7FFFFFFF, v44;
	vm3 =	vlt.s32 v44, $0x0;
	_, v51, vm6 =	vpop (xrf1);
	(xrf1) =	vunique.msk.u32 $0xffff, v18;
	vm9 =	vgt.s32 v28, v50  }
0x7f: {  	v49 =	vxor.u32 $0x7FFFFFFF, v38;
	v36 =	vsel vm3, v29, v44;
	(xrf1) =	vunique.msk.u32 $0xffff, v16;
	_, v47, vm5 =	vpop (xrf1);
	v29 =	vsel vm9, v28, v50  }
0x80: {  	v40 =	vsel vm8, v58, v40;
	v28 =	vshra.s32 v36, $0x14;
	[tilespmem:v27+s16+$0x0] =	vst.idx.add.s32.msk vm4, v46;
	vm3 =	vgt.s32 v29, v45  }
.Ltmp2:
0x81: {  	v50 =	vshra.s32 v40, $0x14;
	v28 =	vadd.s32 $0x800, v28;
	_, v46, vm4 =	vpop (xrf1);
	[tilespmem:v43+s16+$0x0] =	vst.idx.add.s32.msk vm7, v52;
	v27 =	vsel vm3, v29, v45;
	(pc) =	sbr.rel @p0 .LBB2_7-.Ltmp2, $4  }
0x82: {  	v41 =	vsel vm2, v54, v41;
	vm7 =	vlt.s32 v53, $0x0;
	(xrf1) =	vunique.msk.u32 $0xffff, v28;
	vm2 =	vgt.s32 v27, v23;
	_, v44, vm3 =	vpop (xrf1)  }
0x83: {  	v33 =	vshra.s32 v41, $0x14;
	v29 =	vsel vm7, v42, v53;
	v53 =	vld [tilespmem:s4+$0x80];
	v54 =	vsel vm2, v27, v23;
	_, v42, vm2 =	vpop (xrf1)  }
0x84: {  	v33 =	vadd.s32 $0x800, v33;
	v43 =	vshra.s32 v29, $0x14;
	v27 =	vadd.s32 $0x800, v55;
	[tilespmem:v21+s16+$0x0] =	vst.idx.add.s32.msk vm6, v51;
	_, v51, vm6 =	vpop (xrf1)  }
0x85: {  	s2 =	sadd.s32 $0xC0, s2;
	v23 =	vmovc v57;
	v21 =	vadd.s32 $0x800, v50;
	v52 =	vadd.s32 $0x800, v43;
	vm8 =	vgt.s32 v54, v26;
	(xrf1) =	vunique.msk.u32 $0xffff, v33  }
0x86: {  	v26 =	vsel vm8, v54, v26  }
0x87: {  	vm7 =	vgt.s32 v26, v17  }
0x88: {  	v17 =	vsel vm7, v26, v17  }
0x89: {  	vm7 =	vgt.s32 v17, v19  }
0x8a: {  	v17 =	vsel vm7, v17, v19  }
0x8b: {  	vm7 =	vgt.s32 v17, v22  }
0x8c: {  	v17 =	vsel vm7, v17, v22  }
0x8d: {  	vm7 =	vgt.s32 v17, v31  }
0x8e: {  	v17 =	vsel vm7, v17, v31  }
0x8f: {  	vm9 =	vgt.s32 v17, v34  }
0x90: {  	vm13 =	vlt.s32 v37, $0x0;
	v63 =	vadd.s32 $0x800, v39;
	v17 =	vsel vm9, v17, v34  }
0x91: {  	vm12 =	vlt.s32 v38, $0x0;
	v24 =	vsel vm0, v32, v24;
	vm14 =	vgt.s32 v17, v30  }
0x92: {  	v50 =	vxor.u32 $0x7FFFFFFF, v35;
	v37 =	vsel vm13, v48, v37;
	v17 =	vsel vm14, v17, v30  }
0x93: {  	v39 =	vxor.u32 $0x7FFFFFFF, v53;
	vm15 =	vlt.s32 v53, $0x0;
	vm13 =	vgt.s32 v17, v11  }
0x94: {  	(xrf1) =	vunique.msk.u32 $0xffff, v27;
	v45 =	vsel vm12, v49, v38;
	v26 =	vsel vm15, v39, v53;
	v11 =	vsel vm13, v17, v11  }
0x95: {  	(xrf1) =	vunique.msk.u32 $0xffff, v63;
	v32 =	vshra.s32 v24, $0x14;
	v43 =	vshra.s32 v26, $0x14;
	vm0 =	vgt.s32 v11, v20  }
0x96: {  	v48 =	vshra.s32 v45, $0x14;
	(xrf1) =	vunique.msk.u32 $0xffff, v21;
	v30 =	vadd.s32 $0x800, v43;
	v11 =	vsel vm0, v11, v20  }
0x97: {  	v49 =	vshra.s32 v37, $0x14;
	(xrf1) =	vunique.msk.u32 $0xffff, v30;
	v17 =	vadd.s32 $0x800, v48;
	vm0 =	vgt.s32 v11, v7  }
0x98: {  	v32 =	vadd.s32 $0x800, v32;
	vm7 =	vlt.s32 v35, $0x0;
	(xrf1) =	vunique.msk.u32 $0xffff, v17;
	v7 =	vsel vm0, v11, v7  }
0x99: {  	v53 =	vsel vm7, v50, v35;
	v20 =	vadd.s32 $0x800, v49;
	(xrf1) =	vunique.msk.u32 $0xffff, v32;
	vm0 =	vgt.s32 v7, v6  }
0x9a: {  	v14 =	vsel vm1, v25, v14;
	v54 =	vshra.s32 v53, $0x14;
	(xrf1) =	vunique.msk.u32 $0xffff, v20;
	v6 =	vsel vm0, v7, v6  }
0x9b: {  	v25 =	vadd.s32 $0x800, v54;
	(xrf1) =	vunique.msk.u32 $0xffff, v52;
	v7 =	vshra.s32 v14, $0x14;
	vm0 =	vgt.s32 v6, v23  }
0x9c: {  	v55 =	vshra.s32 v10, $0x14;
	(xrf1) =	vunique.msk.u32 $0xffff, v25;
	v7 =	vadd.s32 $0x800, v7;
	v6 =	vsel vm0, v6, v23  }
0x9d: {  	v34 =	vadd.s32 $0x800, v55;
	_, v23, vm0 =	vpop (xrf1);
	(xrf1) =	vunique.msk.u32 $0xffff, v7;
	vm14 =	vgt.s32 v6, v24  }
0x9e: {  	_, v35, vm7 =	vpop (xrf1);
	(xrf1) =	vunique.msk.u32 $0xffff, v34;
	v6 =	vsel vm14, v6, v24  }
0x9f: {  	[tilespmem:v13+s16+$0x0] =	vst.idx.add.s32.msk vm5, v47;
	vm15 =	vgt.s32 v6, v40  }
0xa0: {  	[tilespmem:v15+s16+$0x0] =	vst.idx.add.s32.msk vm4, v46;
	_, v24, vm1 =	vpop (xrf1);
	v6 =	vsel vm15, v6, v40  }
0xa1: {  	[tilespmem:v12+s16+$0x0] =	vst.idx.add.s32.msk vm3, v44;
	_, v56, vm8 =	vpop (xrf1);
	vm10 =	vgt.s32 v6, v45  }
0xa2: {  	[tilespmem:v8+s16+$0x0] =	vst.idx.add.s32.msk vm6, v51;
	_, v15, vm4 =	vpop (xrf1);
	v6 =	vsel vm10, v6, v45  }
0xa3: {  	[tilespmem:v9+s16+$0x0] =	vst.idx.add.s32.msk vm2, v42;
	_, v57, vm11 =	vpop (xrf1);
	vm3 =	vgt.s32 v6, v37  }
0xa4: {  	_, v8, vm12 =	vpop (xrf1);
	[tilespmem:v18+s16+$0x0] =	vst.idx.add.s32.msk vm0, v23;
	v6 =	vsel vm3, v6, v37  }
0xa5: {  	_, v58, vm13 =	vpop (xrf1);
	[tilespmem:v16+s16+$0x0] =	vst.idx.add.s32.msk vm7, v35;
	vm3 =	vgt.s32 v6, v10  }
0xa6: {  	[tilespmem:v28+s16+$0x0] =	vst.idx.add.s32.msk vm1, v24;
	_, v59, vm14 =	vpop (xrf1);
	v6 =	vsel vm3, v6, v10  }
0xa7: {  	_, v60, vm15 =	vpop (xrf1);
	[tilespmem:v33+s16+$0x0] =	vst.idx.add.s32.msk vm8, v56;
	vm9 =	vgt.s32 v6, v29  }
0xa8: {  	_, v10, vm3 =	vpop (xrf1);
	[tilespmem:v27+s16+$0x0] =	vst.idx.add.s32.msk vm4, v15;
	v6 =	vsel vm9, v6, v29  }
0xa9: {  	_, v61, vm10 =	vpop (xrf1);
	[tilespmem:v63+s16+$0x0] =	vst.idx.add.s32.msk vm11, v57;
	vm11 =	vgt.s32 v6, v53  }
0xaa: {  	[tilespmem:v21+s16+$0x0] =	vst.idx.add.s32.msk vm12, v8;
	_, v8, vm2 =	vpop (xrf1);
	v6 =	vsel vm11, v6, v53  }
0xab: {  	[tilespmem:v30+s16+$0x0] =	vst.idx.add.s32.msk vm13, v58;
	_, v62, vm13 =	vpop (xrf1);
	vm12 =	vgt.s32 v6, v26  }
0xac: {  	[tilespmem:v17+s16+$0x0] =	vst.idx.add.s32.msk vm14, v59;
	_, v63, vm14 =	vpop (xrf1);
	v6 =	vsel vm12, v6, v26  }
0xad: {  	[tilespmem:v32+s16+$0x0] =	vst.idx.add.s32.msk vm15, v60;
	vm15 =	vgt.s32 v6, v14  }
0xae: {  	[tilespmem:v20+s16+$0x0] =	vst.idx.add.s32.msk vm3, v10;
	v6 =	vsel vm15, v6, v14  }
0xaf: {  	[tilespmem:v52+s16+$0x0] =	vst.idx.add.s32.msk vm10, v61;
	vm1 =	vgt.s32 v6, v41  }
0xb0: {  	[tilespmem:v25+s16+$0x0] =	vst.idx.add.s32.msk vm2, v8;
	v6 =	vsel vm1, v6, v41  }
0xb1: {  	[tilespmem:v7+s16+$0x0] =	vst.idx.add.s32.msk vm13, v62;
	vm1 =	vgt.s32 v6, v36  }
0xb2: {  	[tilespmem:v34+s16+$0x0] =	vst.idx.add.s32.msk vm14, v63;
	v6 =	vsel vm1, v6, v36  }
.LBB2_9:
0xb3: {  	s0 =	sshra.s32 s26, $0x2  }
0xb4: {  	v7 =	vld [tilespmem:s0+$0x18600];
	_ =	sdelay $0x4  }
0xb5: {  	v8 =	vxor.u32 $0x7FFFFFFF, v7;
	vm0 =	vlt.s32 v7, $0x0  }
0xb6: {  	v7 =	vsel vm0, v8, v7  }
0xb7: {  	v8 =	vshra.s32 v7, $0x14  }
0xb8: {  	v8 =	vadd.s32 $0x800, v8  }
0xb9: {  	(xrf1) =	vunique.msk.u32 $0xffff, v8;
	_ =	sdelay $0xd  }
0xba: {  	_, v9, vm15 =	vpop (xrf1)  }
0xbb: {  	p0 =	sne.s32 s26, $0x240  }
.Ltmp3:
0xbc: {  	_ = 	snop;
	(pc) =	sbr.rel @p0 .LBB2_9-.Ltmp3, $3  }
0xbd: {  	_ =	sdelay $0x1  }
0xbe: {  	vm1 =	vgt.s32 v6, v7  }
0xbf: {  	s26 =	sadd.s32 $0x40, s26;
	v6 =	vsel vm1, v6, v7;
	[tilespmem:v8+s16+$0x0] =	vst.idx.add.s32.msk vm15, v9  }
0xc0: {  	s0 =	sand.u32 $0xF, s25  }
0xc1: {  	v7 =	vmov s0  }
0xc2: {  	vm0 =	veq.s32 v7, v2  }
0xc3: {  	v5 =	vnsel vm0, $0x0, v5  }
0xc4: {  	(xrf0) =	vadd.scan.msk.s32 $0xffff, v5;
	v5 =	vxor.u32 $0x80000000, v6  }
0xc5: {  	(xrf0) =	vmax.scan.msk.u32 $0xffff, v5;
	_ =	sdelay $0x4  }
0xc6: {  	v5, _, _ =	vpop (xrf0)  }
0xc7: {  	(v2sf) =	vpush v5, $0xF;
	v6, _, _ =	vpop (xrf0)  }
0xc8: {  	(v2sf) =	vpush v6, $0xF;
	_ =	sdelay $0xd  }
0xc9: {  	s0 =	spop (v2sf)  }
0xca: {  	s1 =	spop (v2sf)  }
0xcb: {  	s28 =	sxor.u32 $0x80000000, s1  }
0xcc: {  	v4 =	vnsel vm0, $0x0, v4;
	s1 =	sand.u32 $0xF00000, s1;
	s2 =	sshra.s32 s28, $0x14  }
0xcd: {  	(xrf2) =	vadd.scan.msk.f32 $0xffff, v4;
	p1 =	sne.s32 s1, $0x0;
	p0 =	slt.s32 s2, $0xFFFFF801  }
0xce: {  	p0 =	por !p1, !p0  }
0xcf: {  	s31 =	sadd.s32 $0x800, s2;
	s2 =	simm.s32 $0x1;
	p0 =	por !p0, !p0  }
0xd0: {  	s1 =	sshrl.u32 s31, $0x4;
	s2 =	simm.s32 @!p0 $0x0  }
0xd1: {  	s25 =	ssub.s32 s1, s2  }
0xd2: {  	p0 =	slt.s32 s25, $0x0  }
.Ltmp4:
0xd3: {  	_ = 	snop;
	(pc) =	sbr.rel @p0 .LBB2_11-.Ltmp4, $2  }
0xd4: {  	_ =	sdelay $0x2  }
0xd5: {  	v6, _, _ =	vpop (xrf2)  }
0xd6: {  	s1 =	sshll.u32 s25, $0x6;
	s2 =	sshll.u32 s25, $0x4;
	s30 =	simm.s32 $0x0  }
0xd7: {  	s26 =	simm.s32 $0x0;
	s11 =	simm.s32 $0x0;
	s4 =	sshra.s32 s1, $0x2  }
0xd8: {  	v4 =	vbroadcast v5, $0xF;
	s1 =	ssub.s32 $0x0, s25;
	s2 =	sadd.s32 $0x8000000F, s2;
	s4 =	sadd.s32 $0x18700, s4  }
.LBB2_13:
0xd9: {  	v5 =	vld [tilespmem:s4+$0x0];
	_ =	sdelay $0x1  }
0xda: {  	v7 =	vmul.u32 $0xFFFFFFFF, v2;
	_ =	sdelay $0x1  }
0xdb: {  	v7 =	vadd.s32 $0xF, v7  }
0xdc: {  	v5 =	vperm.xlane v5, v7;
	_ =	sdelay $0x1  }
0xdd: {  	(xrf0) =	vadd.scan.msk.s32 $0xffff, v5;
	_ =	sdelay $0x5  }
0xde: {  	v7, _, _ =	vpop (xrf0)  }
0xdf: {  	v8 =	vadd.s32 s11, v7  }
0xe0: {  	vm0 =	vge.s32 v8, v4  }
0xe1: {  	v9 =	vor.u32 $0x80000000, v2;
	v8 =	vsel vm0, $0x1, v1  }
0xe2: {  	(xrf0) =	vadd.scan.msk.s32 $0xffff, v8;
	v8 =	vnsel vm0, $0x80000010, v9  }
0xe3: {  	(xrf0) =	vmin.scan.msk.u32 $0xffff, v8;
	_ =	sdelay $0x4  }
0xe4: {  	v8, _, _ =	vpop (xrf0)  }
0xe5: {  	(v2sf) =	vpush v8, $0xF;
	v8, _, _ =	vpop (xrf0)  }
0xe6: {  	(v2sf) =	vpush v8, $0xF;
	_ =	sdelay $0xd  }
0xe7: {  	s13 =	spop (v2sf)  }
0xe8: {  	s29 =	spop (v2sf)  }
0xe9: {  	s31 =	sxor.u32 $0x80000000, s29  }
0xea: {  	v8 =	vmov s31  }
0xeb: {  	vm15 =	veq.s32 v8, v2  }
0xec: {  	v8 =	vnsel vm15, $0x0, v7  }
0xed: {  	(xrf0) =	vadd.scan.msk.s32 $0xffff, v8  }
0xee: {  	v5 =	vnsel vm15, $0x0, v5  }
0xef: {  	(xrf0) =	vadd.scan.msk.s32 $0xffff, v5  }
0xf0: {  	v5 =	vxor.u32 $0x80000000, v7;
	_ =	sdelay $0x2  }
0xf1: {  	(xrf0) =	vmax.scan.msk.u32 $0xffff, v5;
	v5, _, _ =	vpop (xrf0)  }
0xf2: {  	(v2sf) =	vpush v5, $0xF  }
0xf3: {  	v7, _, _ =	vpop (xrf0)  }
0xf4: {  	(v2sf) =	vpush v7, $0xF;
	_ =	sdelay $0x3  }
0xf5: {  	v5, _, _ =	vpop (xrf0)  }
0xf6: {  	(v2sf) =	vpush v5, $0xF;
	_ =	sdelay $0x7  }
0xf7: {  	s6 =	spop (v2sf)  }
0xf8: {  	p0 =	seq.s32 s1, $0x0;
	s31 =	sadd.s32 s6, s11  }
0xf9: {  	p1 =	sgt.s32 s13, $0x0;
	s10 =	spop (v2sf);
	s31 =	ssub.s32 s0, s31  }
0xfa: {  	p2 =	slt.s32 @!p0 s13, $0x1;
	s29 =	ssub.s32 s2, s29;
	s10 =	sadd.s32 s10, s31  }
0xfb: {  	s26 =	smov.u32 @p1 s29;
	s30 =	smov.u32 @p1 s10;
	p1 =	por p0, !p2  }
.Ltmp5:
0xfc: {  	_ = 	snop;
	(pc) =	sbr.rel @!p1 .LBB2_13-.Ltmp5, $4  }
0xfd: {  	_ = 	snop  }
0xfe: {  	s22 =	spop (v2sf)  }
0xff: {  	s1 =	sadd.s32 $0x1, s1;
	s31 =	sadd.s32 s22, s11  }
0x100: {  	s4 =	sadd.s32 $0xFFFFFFF0, s4;
	s2 =	sadd.s32 $0xFFFFFFF0, s2;
	s11 =	sadd.s32 $0x80000000, s31  }
.Ltmp6:
0x101: {  	(pc) =	sbr.rel .LBB2_15-.Ltmp6, $2  }
0x102: {  	_ =	sdelay $0x2  }
0x103: {  	s26 =	smov.u32 @p0 s26;
	s30 =	smov.u32 @p0 s30  }
.LBB2_11:
0x104: {  	s26 =	simm.s32 $0x0;
	s30 =	simm.s32 $0x0  }
.LBB2_15:
0x105: {  	s0 =	simm.s32 $0x40  }
0x106: {  	v8 =	vld [tilespmem:s0+$0xFFFFFFC0]  }
0x107: {  	v10 =	vld [tilespmem:s0+$0x20]  }
0x108: {  	v14 =	vld [tilespmem:s0+$0xFFFFFFF0]  }
0x109: {  	v19 =	vld [tilespmem:s0+$0xFFFFFFE0]  }
0x10a: {  	v22 =	vld [tilespmem:s0+$0xFFFFFFD0]  }
0x10b: {  	s1 =	sshll.u32 s26, $0x14;
	s13 =	simm.s32 $0x10;
	s31 =	simm.s32 $0x70;
	v9 =	vld [tilespmem:s0+$0x0]  }
0x10c: {  	v11 =	vimm.s32 $0x0;
	s22 =	simm.s32 $0x0;
	s29 =	sxor.u32 $0x80000000, s1;
	v5 =	vor.u32 s13, v2;
	v7 =	vor.u32 s31, v2  }
0x10d: {  	v12 =	vld [tilespmem:s0+$0x30];
	v17 =	vor.u32 s22, v2;
	v4 =	vmov s29;
	v13 =	vxor.u32 $0x7FFFFFFF, v8  }
0x10e: {  	vm0 =	vlt.s32 v8, $0x0;
	vm1 =	vlt.s32 v10, $0x0;
	vm6 =	vlt.s32 v14, $0x0  }
0x10f: {  	v23 =	vxor.u32 $0x7FFFFFFF, v14;
	vm2 =	vlt.s32 v19, $0x0;
	vm7 =	vlt.s32 v22, $0x0  }
0x110: {  	v15 =	vld [tilespmem:s0+$0x10];
	v20 =	vsel vm0, v13, v8;
	v13 =	vxor.u32 $0x7FFFFFFF, v9;
	vm0 =	vlt.s32 v9, $0x0  }
0x111: {  	v8 =	vxor.u32 $0x7FFFFFFF, v10;
	v14 =	vsel vm6, v23, v14;
	vm4 =	vge.s32 v20, v4  }
0x112: {  	v8 =	vsel vm1, v8, v10;
	v10 =	vxor.u32 $0x7FFFFFFF, v12;
	v9 =	vsel vm0, v13, v9  }
0x113: {  	vm1 =	vlt.s32 v12, $0x0;
	v13 =	vxor.u32 $0x7FFFFFFF, v22;
	vm6 =	vge.s32 v14, v4  }
0x114: {  	v16 =	vsel vm4, $0xFFFFFFFF, v1;
	v18 =	vmpcnt.ones.xlane vm4;
	v21 =	vsel vm4, $0x1, v1  }
0x115: {  	vm0 =	vge.s32 v9, v4;
	v10 =	vsel vm1, v10, v12;
	vm1 =	vlt.s32 v15, $0x0;
	(xrf0) =	vadd.scan.msk.s32 $0xffff, v21  }
0x116: {  	v12 =	vxor.u32 $0x7FFFFFFF, v15;
	vm5 =	vge.s32 v8, v4;
	v16 =	vadd.s32 v16, v11  }
0x117: {  	v12 =	vsel vm1, v12, v15;
	v26 =	vadd.s32 v11, v18;
	v11 =	vxor.u32 $0x7FFFFFFF, v19  }
0x118: {  	v13 =	vsel vm7, v13, v22;
	v11 =	vsel vm2, v11, v19;
	vm2 =	vge.s32 v12, v4  }
0x119: {  	v29 =	vmpcnt.ones.xlane vm6;
	vm1 =	vge.s32 v11, v4;
	v18 =	vsel vm2, $0x1, v1  }
0x11a: {  	v25 =	vsel vm0, $0xFFFFFFFF, v1;
	vm3 =	vge.s32 v10, v4;
	v21 =	vsel vm1, $0x1, v1;
	(xrf0) =	vadd.scan.msk.s32 $0xffff, v18  }
0x11b: {  	v15 =	vmpcnt.ones.xlane vm0;
	vm7 =	vge.s32 v13, v4;
	v24 =	vsel vm3, $0x1, v1;
	v22, _, _ =	vpop (xrf0);
	(xrf0) =	vadd.scan.msk.s32 $0xffff, v21  }
0x11c: {  	v30 =	vsel vm5, $0xFFFFFFFF, v1;
	v63 =	vmpcnt.ones.xlane vm5;
	v21 =	vsel vm5, $0x1, v1;
	(xrf0) =	vadd.scan.msk.s32 $0xffff, v24  }
0x11d: {  	v27 =	vmpcnt.ones.xlane vm3;
	v33 =	vsel vm3, $0xFFFFFFFF, v1;
	(xrf0) =	vadd.scan.msk.s32 $0xffff, v21;
	v21 =	vsel vm7, $0x1, v1  }
0x11e: {  	v28 =	vadd.s32 v22, v16;
	v16 =	vmpcnt.ones.xlane vm7;
	v24 =	vsel vm6, $0x1, v1;
	(xrf0) =	vadd.scan.msk.s32 $0xffff, v21  }
0x11f: {  	v35 =	vsel vm7, $0xFFFFFFFF, v1;
	v19 =	vsel vm0, $0x1, v1;
	v22 =	vmpcnt.ones.xlane vm1;
	(xrf0) =	vadd.scan.msk.s32 $0xffff, v24  }
0x120: {  	v32 =	vsel vm2, $0xFFFFFFFF, v1;
	v18 =	vsel vm1, $0xFFFFFFFF, v1;
	v23 =	vadd.s32 v26, v16;
	v31, _, _ =	vpop (xrf0)  }
0x121: {  	v21 =	vmpcnt.ones.xlane vm2;
	v16 =	vsel vm6, $0xFFFFFFFF, v1;
	v22 =	vadd.s32 v23, v22;
	v24, _, _ =	vpop (xrf0)  }
0x122: {  	vm8 =	vlt.s32 v28, $0x800;
	v16 =	vadd.s32 v16, v22;
	v22 =	vadd.s32 v22, v29;
	v34, _, _ =	vpop (xrf0)  }
0x123: {  	vm4 =	vmand vm4, vm8;
	v26 =	vadd.s32 v35, v26;
	v15 =	vadd.s32 v22, v15;
	v36, _, _ =	vpop (xrf0)  }
0x124: {  	v25 =	vadd.s32 v25, v22;
	(xrf0) =	vadd.scan.msk.s32 $0xffff, v19;
	v22 =	vadd.s32 v32, v15;
	v15 =	vadd.s32 v15, v21;
	v19, _, _ =	vpop (xrf0)  }
0x125: {  	v22 =	vadd.s32 v31, v22;
	v30 =	vadd.s32 v30, v15;
	v29 =	vadd.s32 v15, v63;
	v21, _, _ =	vpop (xrf0)  }
0x126: {  	v15 =	vadd.s32 v19, v26;
	v19 =	vadd.s32 v33, v29;
	v21 =	vadd.s32 v21, v16  }
0x127: {  	vm8 =	vlt.s32 v22, $0x800;
	v16 =	vadd.s32 v34, v19;
	vm9 =	vlt.s32 v21, $0x800  }
0x128: {  	v19 =	vadd.s32 v36, v30;
	vm10 =	vlt.s32 v16, $0x800;
	vm6 =	vmand vm6, vm9  }
0x129: {  	[tilespmem:v28+s17+$0x0] =	vst.idx.msk vm4, v20;
	vm9 =	vlt.s32 v15, $0x800;
	vm3 =	vmand vm3, vm10;
	vm10 =	vlt.s32 v19, $0x800  }
0x12a: {  	s4 =	simm.s32 $0x0;
	s2 =	simm.s32 $0xC0;
	s1 =	simm.s32 $0xF0;
	[tilespmem:v28+s18+$0x0] =	vst.idx.msk vm4, v17;
	v17 =	vadd.s32 v29, v27;
	v20, _, _ =	vpop (xrf0);
	vm4 =	vmand vm7, vm9;
	vm5 =	vmand vm5, vm10  }
.LBB2_16:
0x12b: {  	v26 =	vld [tilespmem:s2+$0xFFFFFFC0];
	s10 =	sadd.s32 $0xFFFFFFA0, s1;
	s4 =	sadd.s32 $0x8, s4;
	v18 =	vadd.s32 v18, v23;
	v23 =	vadd.s32 v20, v25;
	vm2 =	vmand vm2, vm8;
	s0 =	simm.s32 $0x18680  }
0x12c: {  	v28 =	vor.u32 s1, v2;
	v25 =	vor.u32 s10, v2;
	v27 =	vld [tilespmem:s2+$0x0];
	p0 =	slt.u32 s4, $0x1860;
	s10 =	sadd.s32 $0xFFFFFFB0, s31;
	vm7 =	vlt.s32 v23, $0x800  }
0x12d: {  	s11 =	sadd.s32 $0xFFFFFFF0, s31;
	v18 =	vadd.s32 v24, v18;
	v29 =	vld [tilespmem:s2+$0x20];
	v24 =	vor.u32 s10, v2;
	s10 =	sadd.s32 $0xFFFFFFC0, s31;
	vm0 =	vmand vm0, vm7  }
0x12e: {  	s13 =	sadd.s32 $0xFFFFFFE0, s31;
	v32 =	vor.u32 s11, v2;
	vm7 =	vlt.s32 v18, $0x800;
	v30 =	vld [tilespmem:s2+$0x30];
	v31 =	vor.u32 s10, v2;
	s10 =	sadd.s32 $0xFFFFFFD0, s31;
	s31 =	smov.u32 s1  }
0x12f: {  	s11 =	sadd.s32 $0xFFFFFF90, s1;
	v34 =	vor.u32 s13, v2;
	vm1 =	vmand vm1, vm7;
	v33 =	vld [tilespmem:s2+$0x10];
	[tilespmem:v21+s17+$0x0] =	vst.idx.msk vm6, v14;
	v14 =	vor.u32 s10, v2  }
0x130: {  	v20 =	vor.u32 s11, v2;
	v35 =	vxor.u32 $0x7FFFFFFF, v26;
	vm7 =	vlt.s32 v26, $0x0;
	v36 =	vld [tilespmem:s2+$0xFFFFFFF0];
	[tilespmem:v15+s17+$0x0] =	vst.idx.msk vm4, v13  }
0x131: {  	v26 =	vsel vm7, v35, v26;
	v13 =	vld [tilespmem:s2+$0xFFFFFFD0];
	v35 =	vxor.u32 $0x7FFFFFFF, v27;
	vm7 =	vlt.s32 v27, $0x0;
	[tilespmem:v22+s17+$0x0] =	vst.idx.msk vm2, v12  }
0x132: {  	vm8 =	vge.s32 v26, v4;
	v12 =	vxor.u32 $0x7FFFFFFF, v29;
	vm9 =	vlt.s32 v29, $0x0;
	[tilespmem:v22+s18+$0x0] =	vst.idx.msk vm2, v34  }
0x133: {  	v22 =	vsel vm8, $0xFFFFFFFF, v1;
	v34 =	vmpcnt.ones.xlane vm8;
	v37 =	vld [tilespmem:s2+$0xFFFFFFE0];
	v12 =	vsel vm9, v12, v29;
	[tilespmem:v23+s17+$0x0] =	vst.idx.msk vm0, v9  }
0x134: {  	v29 =	vsel vm8, $0x1, v1;
	v38 =	vxor.u32 $0x7FFFFFFF, v30;
	v22 =	vadd.s32 v22, v17;
	[tilespmem:v23+s18+$0x0] =	vst.idx.msk vm0, v14  }
0x135: {  	v9 =	vsel vm7, v35, v27;
	v17 =	vadd.s32 v17, v34;
	(xrf0) =	vadd.scan.msk.s32 $0xffff, v29;
	[tilespmem:v18+s17+$0x0] =	vst.idx.msk vm1, v11  }
0x136: {  	vm2 =	vlt.s32 v30, $0x0;
	vm0 =	vge.s32 v9, v4;
	vm9 =	vlt.s32 v36, $0x0;
	[tilespmem:v21+s18+$0x0] =	vst.idx.msk vm6, v31  }
0x137: {  	v23 =	vsel vm2, v38, v30;
	v14 =	vxor.u32 $0x7FFFFFFF, v36;
	v21 =	vsel vm0, $0xFFFFFFFF, v1;
	[tilespmem:v19+s17+$0x0] =	vst.idx.msk vm5, v8;
	v8 =	vmovc v12  }
0x138: {  	vm2 =	vlt.s32 v33, $0x0;
	vm7 =	vge.s32 v23, v4;
	v11 =	vxor.u32 $0x7FFFFFFF, v37;
	[tilespmem:v19+s18+$0x0] =	vst.idx.msk vm5, v32  }
0x139: {  	v27 =	vmpcnt.ones.xlane vm7;
	v12 =	vxor.u32 $0x7FFFFFFF, v33;
	vm5 =	vlt.s32 v37, $0x0;
	[tilespmem:v18+s18+$0x0] =	vst.idx.msk vm1, v24  }
0x13a: {  	v19 =	vxor.u32 $0x7FFFFFFF, v13;
	v12 =	vsel vm2, v12, v33;
	v11 =	vsel vm5, v11, v37;
	[tilespmem:v16+s17+$0x0] =	vst.idx.msk vm3, v10  }
0x13b: {  	v29 =	vmpcnt.ones.xlane vm0;
	vm2 =	vge.s32 v12, v4;
	vm5 =	vge.s32 v8, v4;
	v24, _, _ =	vpop (xrf0);
	[tilespmem:v15+s18+$0x0] =	vst.idx.msk vm4, v5  }
0x13c: {  	vm1 =	vge.s32 v11, v4;
	v30 =	vsel vm2, $0x1, v1;
	v15 =	vsel vm0, $0x1, v1;
	v5 =	vmovc v25;
	[tilespmem:v16+s18+$0x0] =	vst.idx.msk vm3, v7  }
0x13d: {  	v18 =	vsel vm1, $0xFFFFFFFF, v1;
	vm3 =	vlt.s32 v13, $0x0;
	v16 =	vsel vm1, $0x1, v1;
	v7 =	vmovc v28;
	(xrf0) =	vadd.scan.msk.s32 $0xffff, v30  }
0x13e: {  	v10 =	vmovc v23;
	v25 =	vsel vm7, $0x1, v1;
	v13 =	vsel vm3, v19, v13;
	v19 =	vmpcnt.ones.xlane vm1;
	(xrf0) =	vadd.scan.msk.s32 $0xffff, v16  }
0x13f: {  	v14 =	vsel vm9, v14, v36;
	vm4 =	vge.s32 v13, v4;
	v16 =	vsel vm5, $0x1, v1;
	(xrf0) =	vadd.scan.msk.s32 $0xffff, v25  }
0x140: {  	v28 =	vadd.s32 v24, v22;
	vm3 =	vge.s32 v14, v4;
	v32 =	vmpcnt.ones.xlane vm4;
	(xrf0) =	vadd.scan.msk.s32 $0xffff, v16  }
0x141: {  	vm6 =	vlt.s32 v28, $0x800;
	v30 =	vmpcnt.ones.xlane vm2;
	v16 =	vsel vm4, $0x1, v1  }
0x142: {  	vm6 =	vmand vm8, vm6;
	v34 =	vsel vm3, $0x1, v1;
	v23 =	vadd.s32 v17, v32;
	(xrf0) =	vadd.scan.msk.s32 $0xffff, v16  }
0x143: {  	v31 =	vsel vm5, $0xFFFFFFFF, v1;
	v25 =	vmpcnt.ones.xlane vm3;
	v16 =	vsel vm3, $0xFFFFFFFF, v1;
	(xrf0) =	vadd.scan.msk.s32 $0xffff, v34;
	v22, _, _ =	vpop (xrf0)  }
0x144: {  	v33 =	vsel vm7, $0xFFFFFFFF, v1;
	v32 =	vsel vm2, $0xFFFFFFFF, v1;
	v19 =	vadd.s32 v23, v19;
	v24, _, _ =	vpop (xrf0)  }
0x145: {  	v16 =	vadd.s32 v16, v19;
	v19 =	vadd.s32 v19, v25;
	v34 =	vmpcnt.ones.xlane vm5;
	v35, _, _ =	vpop (xrf0)  }
0x146: {  	v36 =	vsel vm4, $0xFFFFFFFF, v1;
	v25 =	vadd.s32 v21, v19;
	v19 =	vadd.s32 v19, v29;
	v29, _, _ =	vpop (xrf0)  }
0x147: {  	v17 =	vadd.s32 v36, v17;
	v21 =	vadd.s32 v32, v19;
	v32 =	vadd.s32 v19, v30;
	(xrf0) =	vadd.scan.msk.s32 $0xffff, v15  }
0x148: {  	v22 =	vadd.s32 v22, v21;
	v30 =	vadd.s32 v31, v32;
	v31 =	vadd.s32 v32, v34;
	v15, _, _ =	vpop (xrf0)  }
.Ltmp7:
0x149: {  	vm8 =	vlt.s32 v22, $0x800;
	[tilespmem:v28+s17+$0x0] =	vst.idx.msk vm6, v26;
	v15 =	vadd.s32 v15, v17;
	v17 =	vadd.s32 v33, v31;
	v19, _, _ =	vpop (xrf0);
	(pc) =	sbr.rel @p0 .LBB2_16-.Ltmp7, $4  }
0x14a: {  	[tilespmem:v28+s18+$0x0] =	vst.idx.msk vm6, v20;
	vm9 =	vlt.s32 v15, $0x800;
	v21 =	vadd.s32 v19, v16;
	v16 =	vadd.s32 v35, v17  }
0x14b: {  	v19 =	vadd.s32 v29, v30;
	vm6 =	vlt.s32 v21, $0x800;
	vm10 =	vlt.s32 v16, $0x800  }
0x14c: {  	vm11 =	vlt.s32 v19, $0x800;
	vm6 =	vmand vm3, vm6;
	vm3 =	vmand vm7, vm10  }
0x14d: {  	s1 =	sadd.s32 $0x80, s1;
	s2 =	sadd.s32 $0x80, s2;
	v17 =	vadd.s32 v31, v27;
	vm4 =	vmand vm4, vm9;
	vm5 =	vmand vm5, vm11;
	v20, _, _ =	vpop (xrf0)  }
0x14e: {  	_ =	sdelay $0x4  }
0x14f: {  	[tilespmem:v21+s17+$0x0] =	vst.idx.msk vm6, v14  }
0x150: {  	[tilespmem:v15+s17+$0x0] =	vst.idx.msk vm4, v13  }
0x151: {  	v20 =	vadd.s32 v20, v25;
	vm2 =	vmand vm2, vm8;
	[tilespmem:v19+s17+$0x0] =	vst.idx.msk vm5, v8  }
0x152: {  	v18 =	vadd.s32 v18, v23;
	[tilespmem:v16+s17+$0x0] =	vst.idx.msk vm3, v10;
	vm7 =	vlt.s32 v20, $0x800  }
0x153: {  	s13 =	sadd.s32 $0xFFFFFFC0, s31;
	v18 =	vadd.s32 v24, v18;
	[tilespmem:v15+s18+$0x0] =	vst.idx.msk vm4, v5;
	vm0 =	vmand vm0, vm7  }
0x154: {  	s22 =	sadd.s32 $0xFFFFFFF0, s31;
	v62 =	vor.u32 s13, v2;
	[tilespmem:v16+s18+$0x0] =	vst.idx.msk vm3, v7;
	vm15 =	vlt.s32 v18, $0x800  }
0x155: {  	v63 =	vor.u32 s22, v2;
	[tilespmem:v21+s18+$0x0] =	vst.idx.msk vm6, v62;
	vm1 =	vmand vm1, vm15  }
0x156: {  	s1 =	sadd.s32 $0xFFFFFFE0, s31;
	[tilespmem:v19+s18+$0x0] =	vst.idx.msk vm5, v63  }
0x157: {  	v60 =	vor.u32 s1, v2;
	[tilespmem:v22+s17+$0x0] =	vst.idx.msk vm2, v12  }
0x158: {  	s11 =	sadd.s32 $0xFFFFFFD0, s31;
	[tilespmem:v22+s18+$0x0] =	vst.idx.msk vm2, v60  }
0x159: {  	v61 =	vor.u32 s11, v2;
	[tilespmem:v20+s17+$0x0] =	vst.idx.msk vm0, v9  }
0x15a: {  	s2 =	sadd.s32 $0xFFFFFFB0, s31;
	[tilespmem:v20+s18+$0x0] =	vst.idx.msk vm0, v61  }
0x15b: {  	v8 =	vor.u32 s2, v2;
	[tilespmem:v18+s17+$0x0] =	vst.idx.msk vm1, v11  }
0x15c: {  	s1 =	simm.s32 $0x18680;
	[tilespmem:v18+s18+$0x0] =	vst.idx.msk vm1, v8  }
.LBB2_18:
0x15d: {  	v5 =	vld [tilespmem:s0+$0x0];
	_ =	sdelay $0x4  }
0x15e: {  	v7 =	vxor.u32 $0x7FFFFFFF, v5;
	vm0 =	vlt.s32 v5, $0x0  }
0x15f: {  	v5 =	vsel vm0, v7, v5  }
0x160: {  	vm0 =	vge.s32 v5, v4  }
0x161: {  	v7 =	vsel vm0, $0x1, v1  }
0x162: {  	(xrf0) =	vadd.scan.msk.s32 $0xffff, v7;
	_ =	sdelay $0x4  }
0x163: {  	v7 =	vsel vm0, $0xFFFFFFFF, v1  }
0x164: {  	v7 =	vadd.s32 v7, v17;
	v8, _, _ =	vpop (xrf0)  }
0x165: {  	v7 =	vadd.s32 v8, v7  }
0x166: {  	vm1 =	vlt.s32 v7, $0x800  }
0x167: {  	vm1 =	vmand vm0, vm1;
	_ =	sdelay $0x1  }
0x168: {  	p0 =	seq.s32 s1, $0x18690  }
.Ltmp8:
0x169: {  	_ = 	snop;
	(pc) =	sbr.rel @!p0 .LBB2_18-.Ltmp8, $4  }
0x16a: {  	_ = 	snop  }
0x16b: {  	v8 =	vmpcnt.ones.xlane vm0  }
0x16c: {  	[tilespmem:v7+s17+$0x0] =	vst.idx.msk vm1, v5;
	v5 =	vor.u32 s1, v2  }
0x16d: {  	s0 =	sadd.s32 $0x10, s0;
	v17 =	vadd.s32 v17, v8;
	s1 =	sadd.s32 $0x10, s1;
	[tilespmem:v7+s18+$0x0] =	vst.idx.msk vm1, v5  }
0x16e: {  	s0 =	simm.s32 $0x18740  }
0x16f: {  	[tilespmem:s0+$0xFFFFFFC0] =	vst v1  }
0x170: {  	[tilespmem:s0+$0x30] =	vst v1  }
0x171: {  	[tilespmem:s0+$0x20] =	vst v1  }
0x172: {  	[tilespmem:s0+$0x10] =	vst v1  }
0x173: {  	[tilespmem:s0+$0x0] =	vst v1  }
0x174: {  	[tilespmem:s0+$0xFFFFFFF0] =	vst v1  }
0x175: {  	s1 =	simm.s32 $0x0;
	[tilespmem:s0+$0xFFFFFFE0] =	vst v1  }
.LBB2_20:
0x176: {  	s1 =	sadd.s32 $0x8, s1;
	[tilespmem:s0+$0xFFFFFFD0] =	vst v1;
	s0 =	sadd.s32 $0x80, s0  }
0x177: {  	[tilespmem:s0+$0xFFFFFFC0] =	vst v1;
	p0 =	slt.u32 s1, $0xF8  }
0x178: {  	[tilespmem:s0+$0x30] =	vst v1  }
.Ltmp9:
0x179: {  	[tilespmem:s0+$0x20] =	vst v1;
	(pc) =	sbr.rel @p0 .LBB2_20-.Ltmp9, $4  }
0x17a: {  	[tilespmem:s0+$0x10] =	vst v1  }
0x17b: {  	[tilespmem:s0+$0x0] =	vst v1  }
0x17c: {  	[tilespmem:s0+$0xFFFFFFF0] =	vst v1  }
0x17d: {  	[tilespmem:s0+$0xFFFFFFE0] =	vst v1  }
0x17e: {  	v4 =	vxor.u32 $0x80000000, v17  }
0x17f: {  	(xrf0) =	vmax.scan.msk.u32 $0xffff, v4;
	_ =	sdelay $0x5  }
0x180: {  	v4, _, _ =	vpop (xrf0)  }
0x181: {  	(v2sf) =	vpush v4, $0xF;
	_ =	sdelay $0xe  }
0x182: {  	s1 =	spop (v2sf)  }
0x183: {  	[tilespmem:s0+$0xFFFFFFD0] =	vst v1;
	s0 =	sxor.u32 $0x80000000, s1;
	s1 =	simm.s32 $0x1A720  }
0x184: {  	v8 =	vld [tilespmem:s1+$0xFFFFFFE0]  }
0x185: {  	p0 =	slt.s32 s0, $0x800;
	v9 =	vld [tilespmem:s1+$0xFFFFFFF0]  }
0x186: {  	v5 =	vmov s26;
	s2 =	simm.s32 $0x0;
	v10 =	vld [tilespmem:s1+$0x0];
	s0 =	simm.s32 @!p0 $0x800  }
0x187: {  	v7 =	vimm.s32 $0x0;
	s4 =	simm.s32 $0x10;
	s5 =	simm.s32 $0x20;
	v12 =	vor.u32 s2, v2;
	v11 =	vld [tilespmem:s1+$0x10];
	v4 =	vmov s0  }
0x188: {  	s22 =	simm.s32 $0x60;
	v13 =	vor.u32 s5, v2;
	vm2 =	vlt.s32 v12, v4;
	v12 =	vor.u32 s4, v2  }
0x189: {  	s6 =	simm.s32 $0x30;
	v16 =	vor.u32 s22, v2;
	vm0 =	vlt.s32 v13, v4;
	vm3 =	vlt.s32 v12, v4  }
0x18a: {  	v12 =	vor.u32 s6, v2;
	v13 =	vshrl.u32 v8, $0x8;
	v14 =	vshrl.u32 v9, $0x8  }
0x18b: {  	vm1 =	vlt.s32 v12, v4;
	v8 =	vshra.s32 v8, $0x14;
	v12 =	vshrl.u32 v10, $0x8  }
0x18c: {  	v15 =	vshrl.u32 v11, $0x8;
	v9 =	vshra.s32 v9, $0x14;
	v10 =	vshra.s32 v10, $0x14  }
0x18d: {  	v11 =	vshra.s32 v11, $0x14;
	v8 =	vadd.s32 $0x800, v8;
	v19 =	vand.u32 $0xFFF, v13  }
0x18e: {  	v22 =	vand.u32 $0xFFF, v14;
	vm4 =	veq.s32 v8, v5;
	vm5 =	vgt.s32 v7, v19  }
0x18f: {  	v10 =	vadd.s32 $0x800, v10;
	vm2 =	vmand vm2, vm4;
	v8 =	vsel vm5, v7, v19  }
0x190: {  	s11 =	simm.s32 $0x40;
	v11 =	vadd.s32 $0x800, v11;
	v13 =	vsel vm2, v8, v7;
	v7 =	vadd.s32 $0x800, v9  }
0x191: {  	v14 =	vor.u32 s11, v2;
	vm15 =	veq.s32 v7, v5;
	vm8 =	vgt.s32 v13, v22  }
0x192: {  	s10 =	simm.s32 $0x1A760;
	vm9 =	veq.s32 v11, v5;
	(xrf1) =	vunique.msk.u32 vm2, v19;
	vm2 =	vmand vm3, vm15;
	v9 =	vsel vm8, v13, v22  }
0x193: {  	vm1 =	vmand vm1, vm9;
	v7 =	vand.u32 $0xFFF, v12;
	v12 =	vld [tilespmem:s10+$0xFFFFFFE0];
	v9 =	vsel vm2, v9, v13  }
0x194: {  	v8 =	vand.u32 $0xFFF, v15;
	(xrf1) =	vunique.msk.u32 vm2, v22;
	v13 =	vld [tilespmem:s10+$0xFFFFFFF0];
	vm2 =	veq.s32 v10, v5;
	vm3 =	vgt.s32 v9, v7  }
0x195: {  	s13 =	simm.s32 $0x50;
	v10 =	vld [tilespmem:s10+$0x0];
	vm0 =	vmand vm0, vm2;
	vm2 =	vlt.s32 v14, v4;
	v11 =	vsel vm3, v9, v7  }
0x196: {  	v14 =	vor.u32 s13, v2;
	v9 =	vsel vm0, v11, v9;
	v11 =	vnsel vm1, $0x0, v8  }
0x197: {  	s31 =	simm.s32 $0x70;
	(xrf1) =	vunique.msk.u32 vm0, v7;
	vm10 =	vlt.s32 v14, v4;
	vm0 =	vlt.s32 v16, v4;
	vm3 =	vgt.s32 v9, v11  }
0x198: {  	(xrf1) =	vunique.msk.u32 vm1, v8;
	v14 =	vshrl.u32 v12, $0x8;
	v11 =	vsel vm3, v9, v11;
	v9 =	vor.u32 s31, v2  }
0x199: {  	v16 =	vshrl.u32 v13, $0x8;
	vm1 =	vlt.s32 v9, v4;
	v9 =	vshra.s32 v12, $0x14  }
0x19a: {  	v17 =	vshrl.u32 v10, $0x8;
	v12 =	vadd.s32 $0x800, v9;
	v9 =	vand.u32 $0xFFF, v14  }
0x19b: {  	v13 =	vshra.s32 v13, $0x14;
	vm3 =	veq.s32 v12, v5;
	vm11 =	vgt.s32 v11, v9  }
0x19c: {  	v15 =	vld [tilespmem:s10+$0x10];
	v14 =	vshra.s32 v10, $0x14;
	vm2 =	vmand vm2, vm3;
	v10 =	vsel vm11, v11, v9  }
0x19d: {  	v12 =	vand.u32 $0xFFF, v16;
	v20 =	vsel vm2, v10, v11;
	v10 =	vadd.s32 $0x800, v13  }
0x19e: {  	vm12 =	veq.s32 v10, v5;
	vm6 =	vgt.s32 v20, v12  }
0x19f: {  	vm5 =	vmand vm10, vm12;
	v13 =	vsel vm6, v20, v12  }
0x1a0: {  	v11 =	vand.u32 $0xFFF, v17;
	_, v21, vm3 =	vpop (xrf1);
	(xrf1) =	vunique.msk.u32 vm2, v9;
	v13 =	vsel vm5, v13, v20  }
0x1a1: {  	v18 =	vshrl.u32 v15, $0x8;
	v14 =	vadd.s32 $0x800, v14;
	vm14 =	vgt.s32 v13, v11  }
0x1a2: {  	s0 =	simm.s32 $0x1A7A0;
	v15 =	vshra.s32 v15, $0x14;
	vm2 =	veq.s32 v14, v5;
	_, v23, vm13 =	vpop (xrf1);
	v14 =	vsel vm14, v13, v11  }
0x1a3: {  	v16 =	vadd.s32 $0x800, v15;
	v15 =	vld [tilespmem:s0+$0xFFFFFFF0];
	(xrf1) =	vunique.msk.u32 vm5, v12  }
0x1a4: {  	vm7 =	veq.s32 v16, v5;
	v16 =	vld [tilespmem:s0+$0x0];
	vm0 =	vmand vm0, vm2  }
0x1a5: {  	s1 =	simm.s32 $0x80;
	v17 =	vld [tilespmem:s0+$0xFFFFFFE0];
	vm1 =	vmand vm1, vm7;
	v10 =	vand.u32 $0xFFF, v18;
	(xrf1) =	vunique.msk.u32 vm0, v11;
	v24 =	vsel vm0, v14, v13;
	_, v13, vm0 =	vpop (xrf1)  }
0x1a6: {  	v18 =	vld [tilespmem:s0+$0x10];
	v25 =	vnsel vm1, $0x0, v10;
	v20 =	vor.u32 s1, v2;
	(xrf1) =	vunique.msk.u32 vm1, v10;
	_, v14, vm1 =	vpop (xrf1)  }
0x1a7: {  	s4 =	simm.s32 $0x90;
	s10 =	simm.s32 $0xA0;
	vm2 =	vlt.s32 v20, v4;
	vm15 =	vgt.s32 v24, v25;
	[tilespmem:v19+s16+$0x0] =	vst.idx.add.s32.msk vm3, v21  }
0x1a8: {  	s2 =	simm.s32 $0x8;
	v20 =	vor.u32 s4, v2;
	s4 =	simm.s32 $0xB0;
	v21 =	vor.u32 s10, v2;
	v19 =	vsel vm15, v24, v25;
	[tilespmem:v22+s16+$0x0] =	vst.idx.add.s32.msk vm13, v23  }
.LBB2_22:
0x1a9: {  	s2 =	sadd.s32 $0x4, s2;
	vm6 =	vlt.s32 v20, v4;
	vm3 =	vlt.s32 v21, v4;
	v20 =	vor.u32 s4, v2;
	v22 =	vmovc v12  }
0x1aa: {  	v12 =	vshrl.u32 v17, $0x8;
	v21 =	vshrl.u32 v15, $0x8;
	p0 =	slt.u32 s2, $0x7C;
	vm4 =	vlt.s32 v20, v4  }
0x1ab: {  	v17 =	vshra.s32 v17, $0x14;
	v20 =	vshrl.u32 v16, $0x8;
	v23 =	vshrl.u32 v18, $0x8;
	[tilespmem:v7+s16+$0x0] =	vst.idx.add.s32.msk vm0, v13;
	v7 =	vmovc v11  }
0x1ac: {  	v24 =	vand.u32 $0xFFF, v12;
	v12 =	vshra.s32 v15, $0x14;
	v11 =	vadd.s32 $0x800, v17;
	[tilespmem:v8+s16+$0x0] =	vst.idx.add.s32.msk vm1, v14;
	v8 =	vmovc v10  }
0x1ad: {  	v13 =	vshra.s32 v16, $0x14;
	vm0 =	veq.s32 v11, v5;
	vm1 =	vgt.s32 v19, v24  }
0x1ae: {  	v14 =	vshra.s32 v18, $0x14;
	vm0 =	vmand vm2, vm0;
	v10 =	vsel vm1, v19, v24;
	_, v25, vm5 =	vpop (xrf1)  }
0x1af: {  	v15 =	vsel vm0, v10, v19;
	v10 =	vadd.s32 $0x800, v12;
	v12 =	vand.u32 $0xFFF, v21;
	(xrf1) =	vunique.msk.u32 vm0, v24  }
0x1b0: {  	v11 =	vand.u32 $0xFFF, v20;
	vm0 =	veq.s32 v10, v5;
	vm1 =	vgt.s32 v15, v12  }
0x1b1: {  	s0 =	sadd.s32 $0x40, s0;
	v10 =	vand.u32 $0xFFF, v23;
	vm0 =	vmand vm6, vm0;
	v16 =	vsel vm1, v15, v12;
	_, v23, vm6 =	vpop (xrf1)  }
0x1b2: {  	v18 =	vadd.s32 $0x800, v13;
	v27 =	vadd.s32 $0x800, v14;
	v19 =	vsel vm0, v16, v15;
	v17 =	vld [tilespmem:s0+$0xFFFFFFE0];
	(xrf1) =	vunique.msk.u32 vm0, v12  }
.Ltmp10:
0x1b3: {  	vm2 =	veq.s32 v27, v5;
	vm0 =	veq.s32 v18, v5;
	vm1 =	vgt.s32 v19, v11;
	v15 =	vld [tilespmem:s0+$0xFFFFFFF0];
	(pc) =	sbr.rel @p0 .LBB2_22-.Ltmp10, $4  }
0x1b4: {  	s1 =	sadd.s32 $0x40, s1;
	vm4 =	vmand vm4, vm2;
	vm3 =	vmand vm3, vm0;
	v21 =	vsel vm1, v19, v11;
	v16 =	vld [tilespmem:s0+$0x0];
	_, v13, vm0 =	vpop (xrf1)  }
0x1b5: {  	v20 =	vor.u32 s1, v2;
	v26 =	vnsel vm4, $0x0, v10;
	v19 =	vsel vm3, v21, v19;
	v18 =	vld [tilespmem:s0+$0x10];
	(xrf1) =	vunique.msk.u32 vm3, v11;
	_, v14, vm1 =	vpop (xrf1)  }
0x1b6: {  	s4 =	sadd.s32 $0x10, s1;
	s10 =	sadd.s32 $0x20, s1;
	vm2 =	vlt.s32 v20, v4;
	vm3 =	vgt.s32 v19, v26;
	(xrf1) =	vunique.msk.u32 vm4, v10;
	[tilespmem:v9+s16+$0x0] =	vst.idx.add.s32.msk vm5, v25  }
0x1b7: {  	v20 =	vor.u32 s4, v2;
	s4 =	sadd.s32 $0x30, s1;
	v21 =	vor.u32 s10, v2;
	v19 =	vsel vm3, v19, v26;
	v9 =	vmovc v24;
	[tilespmem:v22+s16+$0x0] =	vst.idx.add.s32.msk vm6, v23  }
0x1b8: {  	vm3 =	vlt.s32 v20, v4;
	vm4 =	vlt.s32 v21, v4;
	v47 =	vor.u32 s4, v2  }
0x1b9: {  	v48 =	vshrl.u32 v17, $0x8;
	v22 =	vshrl.u32 v15, $0x8;
	v49 =	vshra.s32 v17, $0x14  }
0x1ba: {  	v51 =	vshra.s32 v15, $0x14;
	vm5 =	vlt.s32 v47, v4;
	v50 =	vshrl.u32 v16, $0x8  }
0x1bb: {  	v17 =	vadd.s32 $0x800, v49;
	v21 =	vand.u32 $0xFFF, v48;
	v52 =	vshra.s32 v16, $0x14  }
0x1bc: {  	v15 =	vadd.s32 $0x800, v51;
	vm6 =	veq.s32 v17, v5;
	vm12 =	vgt.s32 v19, v21  }
0x1bd: {  	v55 =	vand.u32 $0xFFF, v22;
	vm2 =	vmand vm2, vm6;
	v53 =	vsel vm12, v19, v21  }
0x1be: {  	v23 =	vshrl.u32 v18, $0x8;
	v54 =	vshra.s32 v18, $0x14;
	v17 =	vsel vm2, v53, v19  }
0x1bf: {  	vm13 =	veq.s32 v15, v5;
	v56 =	vand.u32 $0xFFF, v50;
	vm7 =	vgt.s32 v17, v55  }
0x1c0: {  	v16 =	vadd.s32 $0x800, v52;
	vm3 =	vmand vm3, vm13;
	v57 =	vsel vm7, v17, v55  }
0x1c1: {  	v18 =	vadd.s32 $0x800, v54;
	vm14 =	veq.s32 v16, v5;
	v17 =	vsel vm3, v57, v17  }
0x1c2: {  	v58 =	vand.u32 $0xFFF, v23;
	vm9 =	veq.s32 v18, v5;
	vm15 =	vgt.s32 v17, v56  }
0x1c3: {  	vm4 =	vmand vm4, vm14;
	vm5 =	vmand vm5, vm9;
	v5 =	vsel vm15, v17, v56  }
0x1c4: {  	v59 =	vnsel vm5, $0x0, v58;
	v5 =	vsel vm4, v5, v17  }
0x1c5: {  	vm10 =	vgt.s32 v5, v59  }
0x1c6: {  	v5 =	vsel vm10, v5, v59  }
0x1c7: {  	v5 =	vor.u32 $0x80000000, v5  }
0x1c8: {  	(xrf0) =	vmax.scan.msk.u32 $0xffff, v5;
	_ =	sdelay $0x5  }
0x1c9: {  	v5, _, _ =	vpop (xrf0)  }
0x1ca: {  	(v2sf) =	vpush v5, $0xF;
	_ =	sdelay $0x4  }
0x1cb: {  	(xrf1) =	vunique.msk.u32 vm2, v21  }
0x1cc: {  	(xrf1) =	vunique.msk.u32 vm3, v55  }
0x1cd: {  	(xrf1) =	vunique.msk.u32 vm4, v56  }
0x1ce: {  	(xrf1) =	vunique.msk.u32 vm5, v58;
	_ =	sdelay $0x6  }
0x1cf: {  	_, v5, vm11 =	vpop (xrf1);
	s0 =	spop (v2sf)  }
0x1d0: {  	_, v60, vm12 =	vpop (xrf1);
	s1 =	sxor.u32 $0x80000000, s0  }
0x1d1: {  	_, v61, vm13 =	vpop (xrf1);
	p1 =	sgt.s32 s0, $0xFFFFFFFF;
	s0 =	sand.u32 $0xF, s0;
	p0 =	slt.s32 s1, $0x1  }
0x1d2: {  	_, v62, vm14 =	vpop (xrf1);
	s2 =	sshra.s32 s1, $0x1F;
	p6 =	sne.s32 s0, $0x0;
	p0 =	por p1, p0  }
0x1d3: {  	[tilespmem:v7+s16+$0x0] =	vst.idx.add.s32.msk vm0, v13;
	_, v7, vm0 =	vpop (xrf1);
	s22 =	sshrl.u32 s2, $0x1C;
	p0 =	por !p6, !p0  }
0x1d4: {  	[tilespmem:v8+s16+$0x0] =	vst.idx.add.s32.msk vm1, v14;
	_, v8, vm1 =	vpop (xrf1);
	s0 =	sadd.s32 s22, s1;
	s1 =	simm.s32 $0x1;
	p0 =	por !p0, !p0  }
0x1d5: {  	[tilespmem:v9+s16+$0x0] =	vst.idx.add.s32.msk vm11, v5;
	_, v5, vm2 =	vpop (xrf1);
	s0 =	sshra.s32 s0, $0x4;
	s1 =	simm.s32 @!p0 $0x0  }
0x1d6: {  	[tilespmem:v12+s16+$0x0] =	vst.idx.add.s32.msk vm12, v60;
	_, v63, vm15 =	vpop (xrf1);
	s2 =	ssub.s32 s0, s1  }
0x1d7: {  	[tilespmem:v11+s16+$0x0] =	vst.idx.add.s32.msk vm13, v61;
	p0 =	slt.s32 s2, $0x0  }
.Ltmp11:
0x1d8: {  	[tilespmem:v10+s16+$0x0] =	vst.idx.add.s32.msk vm14, v62;
	(pc) =	sbr.rel @p0 .LBB2_27-.Ltmp11, $4  }
0x1d9: {  	[tilespmem:v21+s16+$0x0] =	vst.idx.add.s32.msk vm0, v7  }
0x1da: {  	[tilespmem:v55+s16+$0x0] =	vst.idx.add.s32.msk vm1, v8  }
0x1db: {  	[tilespmem:v56+s16+$0x0] =	vst.idx.add.s32.msk vm2, v5  }
0x1dc: {  	s31 =	simm.s32 $0x0;
	[tilespmem:v58+s16+$0x0] =	vst.idx.add.s32.msk vm15, v63;
	s1 =	simm.s32 $0x0;
	s0 =	simm.s32 $0x0  }
0x1dd: {  	s0 =	sshll.u32 s2, $0x6;
	s4 =	sshll.u32 s2, $0x4;
	s2 =	ssub.s32 $0x0, s2  }
0x1de: {  	s31 =	simm.s32 $0x0;
	s13 =	simm.s32 $0x0;
	s0 =	sshra.s32 s0, $0x2  }
0x1df: {  	v5 =	vmov s30;
	s4 =	sadd.s32 $0x8000000F, s4;
	s11 =	sadd.s32 $0x18700, s0;
	s0 =	simm.s32 $0x0  }
.LBB2_25:
0x1e0: {  	v7 =	vld [tilespmem:s11+$0x0];
	_ =	sdelay $0x1  }
0x1e1: {  	v8 =	vmul.u32 $0xFFFFFFFF, v2;
	_ =	sdelay $0x1  }
0x1e2: {  	v8 =	vadd.s32 $0xF, v8  }
0x1e3: {  	v7 =	vperm.xlane v7, v8;
	_ =	sdelay $0x1  }
0x1e4: {  	(xrf0) =	vadd.scan.msk.s32 $0xffff, v7;
	_ =	sdelay $0x5  }
0x1e5: {  	v8, _, _ =	vpop (xrf0)  }
0x1e6: {  	v9 =	vadd.s32 s13, v8  }
0x1e7: {  	vm0 =	vge.s32 v9, v5  }
0x1e8: {  	v10 =	vor.u32 $0x80000000, v2;
	v9 =	vsel vm0, $0x1, v1  }
0x1e9: {  	v60 =	vnsel vm0, $0x80000010, v10;
	(xrf0) =	vadd.scan.msk.s32 $0xffff, v9  }
0x1ea: {  	(xrf0) =	vmin.scan.msk.u32 $0xffff, v60;
	_ =	sdelay $0x4  }
0x1eb: {  	v61, _, _ =	vpop (xrf0)  }
0x1ec: {  	(v2sf) =	vpush v61, $0xF;
	v62, _, _ =	vpop (xrf0)  }
0x1ed: {  	(v2sf) =	vpush v62, $0xF;
	_ =	sdelay $0xd  }
0x1ee: {  	s10 =	spop (v2sf)  }
0x1ef: {  	s22 =	spop (v2sf)  }
0x1f0: {  	s5 =	sxor.u32 $0x80000000, s22  }
0x1f1: {  	v63 =	vmov s5  }
0x1f2: {  	vm15 =	veq.s32 v63, v2  }
0x1f3: {  	v9 =	vnsel vm15, $0x0, v8  }
0x1f4: {  	(xrf0) =	vadd.scan.msk.s32 $0xffff, v9  }
0x1f5: {  	v7 =	vnsel vm15, $0x0, v7  }
0x1f6: {  	(xrf0) =	vadd.scan.msk.s32 $0xffff, v7  }
0x1f7: {  	v7 =	vxor.u32 $0x80000000, v8;
	_ =	sdelay $0x2  }
0x1f8: {  	(xrf0) =	vmax.scan.msk.u32 $0xffff, v7;
	v7, _, _ =	vpop (xrf0)  }
0x1f9: {  	(v2sf) =	vpush v7, $0xF  }
0x1fa: {  	v8, _, _ =	vpop (xrf0)  }
0x1fb: {  	(v2sf) =	vpush v8, $0xF;
	_ =	sdelay $0x3  }
0x1fc: {  	v7, _, _ =	vpop (xrf0)  }
0x1fd: {  	(v2sf) =	vpush v7, $0xF;
	_ =	sdelay $0x7  }
0x1fe: {  	s5 =	spop (v2sf)  }
0x1ff: {  	p0 =	seq.s32 s2, $0x0;
	s5 =	sadd.s32 s5, s13  }
0x200: {  	p1 =	sgt.s32 s10, $0x0;
	s6 =	spop (v2sf);
	s5 =	ssub.s32 s30, s5  }
0x201: {  	p2 =	slt.s32 @!p0 s10, $0x1;
	s22 =	ssub.s32 s4, s22;
	s5 =	sadd.s32 s6, s5  }
0x202: {  	s31 =	smov.u32 @p1 s22;
	s0 =	smov.u32 @p1 s5;
	p1 =	por p0, !p2  }
.Ltmp12:
0x203: {  	_ = 	snop;
	(pc) =	sbr.rel @!p1 .LBB2_25-.Ltmp12, $4  }
0x204: {  	_ = 	snop  }
0x205: {  	s6 =	spop (v2sf)  }
0x206: {  	s2 =	sadd.s32 $0x1, s2;
	s6 =	sadd.s32 s6, s13  }
0x207: {  	s11 =	sadd.s32 $0xFFFFFFF0, s11;
	s4 =	sadd.s32 $0xFFFFFFF0, s4;
	s13 =	sadd.s32 $0x80000000, s6  }
0x208: {  	s31 =	smov.u32 @p0 s31;
	s0 =	smov.u32 @p0 s0  }
.LBB2_27:
0x209: {  	p0 =	por $0x1, $0x1  }
.LBB2_28:
0x20a: {  	s1 =	sshra.s32 s1, $0x2  }
0x20b: {  	[tilespmem:s1+$0x18700] =	vst v1  }
0x20c: {  	[tilespmem:s1+$0x18710] =	vst v1  }
0x20d: {  	p1 =	por p0, p0;
	[tilespmem:s1+$0x18720] =	vst v1  }
.Ltmp13:
0x20e: {  	[tilespmem:s1+$0x18730] =	vst v1;
	(pc) =	sbr.rel @p1 .LBB2_28-.Ltmp13, $4  }
0x20f: {  	[tilespmem:s1+$0x18740] =	vst v1  }
0x210: {  	[tilespmem:s1+$0x18750] =	vst v1  }
0x211: {  	[tilespmem:s1+$0x18760] =	vst v1  }
0x212: {  	p0 =	por $0x0, $0x0;
	[tilespmem:s1+$0x18770] =	vst v1;
	s1 =	simm.s32 $0x200  }
0x213: {  	s2 =	simm.s32 $0x1A720  }
0x214: {  	v7 =	vld [tilespmem:s2+$0x10];
	_ =	sdelay $0x2  }
0x215: {  	s1 =	sshra.s32 s29, $0x8  }
0x216: {  	s4 =	simm.s32 $0x30;
	s1 =	sadd.s32 s1, s31;
	v8 =	vld [tilespmem:s2+$0xFFFFFFF0]  }
0x217: {  	v9 =	vld [tilespmem:s2+$0xFFFFFFE0];
	v11 =	vor.u32 s4, v2;
	v5 =	vmov s1;
	v12 =	vshra.s32 v7, $0x8  }
0x218: {  	v10 =	vld [tilespmem:s2+$0x0];
	vm0 =	vlt.s32 v11, v4;
	vm1 =	veq.s32 v12, v5  }
0x219: {  	v17 =	vand.u32 $0xFF, v7;
	vm0 =	vmand vm0, vm1  }
0x21a: {  	s22 =	simm.s32 $0x10;
	(xrf1) =	vunique.msk.u32 vm0, v17  }
0x21b: {  	s13 =	simm.s32 $0x0;
	v11 =	vor.u32 s22, v2  }
0x21c: {  	vm4 =	vlt.s32 v11, v4;
	v7 =	vor.u32 s13, v2  }
0x21d: {  	v13 =	vshra.s32 v9, $0x8;
	v14 =	vshra.s32 v10, $0x8;
	v12 =	vshra.s32 v8, $0x8  }
0x21e: {  	s2 =	simm.s32 $0x1A760;
	vm2 =	veq.s32 v14, v5;
	vm3 =	vlt.s32 v7, v4;
	vm0 =	veq.s32 v13, v5  }
0x21f: {  	v14 =	vld [tilespmem:s2+$0xFFFFFFF0];
	v7 =	vand.u32 $0xFF, v9;
	vm1 =	veq.s32 v12, v5;
	vm0 =	vmand vm3, vm0  }
0x220: {  	s30 =	simm.s32 $0x20;
	v8 =	vand.u32 $0xFF, v8;
	v13 =	vld [tilespmem:s2+$0x10];
	vm1 =	vmand vm4, vm1;
	(xrf1) =	vunique.msk.u32 vm0, v7  }
0x221: {  	v15 =	vor.u32 s30, v2;
	v9 =	vand.u32 $0xFF, v10;
	v10 =	vld [tilespmem:s2+$0xFFFFFFE0];
	(xrf1) =	vunique.msk.u32 vm1, v8  }
0x222: {  	vm3 =	vlt.s32 v15, v4  }
0x223: {  	s4 =	simm.s32 $0x40;
	vm0 =	vmand vm3, vm2  }
0x224: {  	s6 =	simm.s32 $0x70;
	v11 =	vor.u32 s4, v2;
	v19 =	vshra.s32 v14, $0x8;
	(xrf1) =	vunique.msk.u32 vm0, v9  }
0x225: {  	s11 =	simm.s32 $0x1A7A0;
	v18 =	vld [tilespmem:s2+$0x0];
	vm4 =	vlt.s32 v11, v4;
	v15 =	vor.u32 s6, v2;
	v16 =	vshra.s32 v13, $0x8  }
0x226: {  	v23 =	vld [tilespmem:s11+$0x10];
	vm0 =	vlt.s32 v15, v4;
	vm1 =	veq.s32 v16, v5;
	v16 =	vshra.s32 v10, $0x8  }
0x227: {  	s5 =	simm.s32 $0x50;
	v11 =	vand.u32 $0xFF, v13;
	vm0 =	vmand vm0, vm1;
	vm1 =	veq.s32 v16, v5  }
0x228: {  	s10 =	simm.s32 $0x60;
	v12 =	vor.u32 s5, v2;
	vm2 =	veq.s32 v19, v5;
	vm1 =	vmand vm4, vm1;
	_, v19, vm4 =	vpop (xrf1);
	(xrf1) =	vunique.msk.u32 vm0, v11  }
0x229: {  	v20 =	vor.u32 s10, v2;
	s13 =	simm.s32 $0xB0;
	vm5 =	vlt.s32 v12, v4  }
0x22a: {  	v12 =	vld [tilespmem:s11+$0x0];
	v15 =	vshra.s32 v18, $0x8;
	v13 =	vand.u32 $0xFF, v18;
	v18 =	vor.u32 s13, v2  }
0x22b: {  	vm6 =	vlt.s32 v20, v4;
	v20 =	vshra.s32 v23, $0x8;
	v10 =	vand.u32 $0xFF, v10;
	v16 =	vld [tilespmem:s11+$0xFFFFFFE0]  }
0x22c: {  	v14 =	vand.u32 $0xFF, v14;
	vm3 =	veq.s32 v15, v5;
	v15 =	vld [tilespmem:s11+$0xFFFFFFF0];
	vm2 =	vmand vm5, vm2;
	(xrf1) =	vunique.msk.u32 vm1, v10  }
0x22d: {  	vm3 =	vmand vm6, vm3;
	vm0 =	vlt.s32 v18, v4;
	vm1 =	veq.s32 v20, v5;
	(xrf1) =	vunique.msk.u32 vm2, v14  }
0x22e: {  	v20 =	vand.u32 $0xFF, v23;
	vm2 =	vmand vm0, vm1;
	_, v18, vm1 =	vpop (xrf1);
	(xrf1) =	vunique.msk.u32 vm3, v13  }
0x22f: {  	s1 =	simm.s32 $0x80;
	s22 =	simm.s32 $0x90;
	[tilespmem:v17+s16+$0x0] =	vst.idx.add.s32.msk vm4, v19;
	_, v17, vm0 =	vpop (xrf1);
	(xrf1) =	vunique.msk.u32 vm2, v20  }
0x230: {  	v21 =	vor.u32 s1, v2;
	v22 =	vor.u32 s22, v2;
	v26 =	vshra.s32 v16, $0x8  }
0x231: {  	s30 =	simm.s32 $0xA0;
	v25 =	vshra.s32 v12, $0x8;
	v24 =	vshra.s32 v15, $0x8;
	vm5 =	veq.s32 v26, v5  }
0x232: {  	s4 =	simm.s32 $0x1A7E0;
	s2 =	simm.s32 $0x8;
	v23 =	vor.u32 s30, v2;
	vm3 =	veq.s32 v25, v5;
	vm4 =	veq.s32 v24, v5;
	_, v19, vm2 =	vpop (xrf1)  }
.LBB2_30:
0x233: {  	vm6 =	vlt.s32 v21, v4;
	vm7 =	vlt.s32 v22, v4;
	vm8 =	vlt.s32 v23, v4;
	v21 =	vmovc v15  }
0x234: {  	v24 =	vld [tilespmem:s4+$0x10];
	s2 =	sadd.s32 $0x4, s2;
	v23 =	vmovc v8;
	v8 =	vmovc v14;
	v25 =	vmov v9;
	v9 =	vmov v13;
	v26 =	vmov v11  }
0x235: {  	v11 =	vmovc v20;
	v15 =	vld [tilespmem:s4+$0xFFFFFFF0];
	p0 =	slt.u32 s2, $0x7C;
	vm5 =	vmand vm6, vm5;
	vm4 =	vmand vm7, vm4;
	vm6 =	vmand vm8, vm3  }
0x236: {  	v20 =	vand.u32 $0xFF, v16;
	v13 =	vand.u32 $0xFF, v12;
	v14 =	vand.u32 $0xFF, v21;
	v12 =	vld [tilespmem:s4+$0x0];
	_, v27, vm3 =	vpop (xrf1)  }
0x237: {  	s1 =	sadd.s32 $0x40, s1;
	v16 =	vld [tilespmem:s4+$0xFFFFFFE0];
	(xrf1) =	vunique.msk.u32 vm5, v20  }
0x238: {  	v21 =	vor.u32 s1, v2;
	s5 =	sadd.s32 $0x10, s1;
	s6 =	sadd.s32 $0x20, s1;
	s10 =	sadd.s32 $0x30, s1;
	(xrf1) =	vunique.msk.u32 vm4, v14;
	[tilespmem:v7+s16+$0x0] =	vst.idx.add.s32.msk vm1, v18;
	v7 =	vmovc v10;
	v10 =	vmov v20  }
.Ltmp14:
0x239: {  	v22 =	vor.u32 s5, v2;
	v30 =	vor.u32 s10, v2;
	v20 =	vshra.s32 v24, $0x8;
	(xrf1) =	vunique.msk.u32 vm6, v13;
	(pc) =	sbr.rel @p0 .LBB2_30-.Ltmp14, $4  }
0x23a: {  	vm1 =	vlt.s32 v30, v4;
	v28 =	vshra.s32 v15, $0x8;
	vm4 =	veq.s32 v20, v5;
	[tilespmem:v23+s16+$0x0] =	vst.idx.add.s32.msk vm0, v17  }
0x23b: {  	v20 =	vand.u32 $0xFF, v24;
	v29 =	vshra.s32 v12, $0x8;
	vm0 =	vmand vm1, vm4;
	_, v18, vm1 =	vpop (xrf1);
	[tilespmem:v25+s16+$0x0] =	vst.idx.add.s32.msk vm2, v19  }
0x23c: {  	v23 =	vor.u32 s6, v2;
	v24 =	vshra.s32 v16, $0x8;
	(xrf1) =	vunique.msk.u32 vm0, v20;
	[tilespmem:v26+s16+$0x0] =	vst.idx.add.s32.msk vm3, v27;
	_, v17, vm0 =	vpop (xrf1)  }
0x23d: {  	s4 =	sadd.s32 $0x40, s4;
	vm4 =	veq.s32 v28, v5;
	vm3 =	veq.s32 v29, v5;
	vm5 =	veq.s32 v24, v5;
	_, v19, vm2 =	vpop (xrf1)  }
0x23e: {  	vm6 =	vlt.s32 v21, v4  }
0x23f: {  	vm7 =	vlt.s32 v22, v4;
	v5 =	vand.u32 $0xFF, v16;
	vm5 =	vmand vm6, vm5  }
0x240: {  	vm12 =	vlt.s32 v23, v4;
	v15 =	vand.u32 $0xFF, v15;
	vm4 =	vmand vm7, vm4;
	(xrf1) =	vunique.msk.u32 vm5, v5  }
0x241: {  	v12 =	vand.u32 $0xFF, v12;
	vm3 =	vmand vm12, vm3;
	(xrf1) =	vunique.msk.u32 vm4, v15  }
0x242: {  	(xrf1) =	vunique.msk.u32 vm3, v12;
	_ =	sdelay $0x6  }
0x243: {  	_, v61, vm13 =	vpop (xrf1)  }
0x244: {  	_, v62, vm14 =	vpop (xrf1)  }
0x245: {  	_, v63, vm15 =	vpop (xrf1)  }
0x246: {  	[tilespmem:v7+s16+$0x0] =	vst.idx.add.s32.msk vm1, v18;
	_, v7, vm1 =	vpop (xrf1)  }
0x247: {  	[tilespmem:v8+s16+$0x0] =	vst.idx.add.s32.msk vm0, v17;
	_, v8, vm0 =	vpop (xrf1)  }
0x248: {  	[tilespmem:v9+s16+$0x0] =	vst.idx.add.s32.msk vm2, v19;
	_, v9, vm2 =	vpop (xrf1)  }
0x249: {  	[tilespmem:v11+s16+$0x0] =	vst.idx.add.s32.msk vm13, v61;
	_, v11, vm3 =	vpop (xrf1)  }
0x24a: {  	[tilespmem:v10+s16+$0x0] =	vst.idx.add.s32.msk vm14, v62;
	_, v10, vm4 =	vpop (xrf1)  }
0x24b: {  	[tilespmem:v14+s16+$0x0] =	vst.idx.add.s32.msk vm15, v63  }
0x24c: {  	[tilespmem:v13+s16+$0x0] =	vst.idx.add.s32.msk vm1, v7  }
0x24d: {  	[tilespmem:v20+s16+$0x0] =	vst.idx.add.s32.msk vm0, v8  }
0x24e: {  	[tilespmem:v5+s16+$0x0] =	vst.idx.add.s32.msk vm2, v9  }
0x24f: {  	s1 =	simm.s32 $0x0;
	[tilespmem:v15+s16+$0x0] =	vst.idx.add.s32.msk vm3, v11  }
0x250: {  	s2 =	simm.s32 $0x187F0;
	s4 =	simm.s32 $0x0;
	v5 =	vmov s0;
	s0 =	simm.s32 $0x100;
	[tilespmem:v12+s16+$0x0] =	vst.idx.add.s32.msk vm4, v10  }
.LBB2_32:
0x251: {  	v7 =	vld [tilespmem:s2+$0x0];
	_ =	sdelay $0x1  }
0x252: {  	v8 =	vmul.u32 $0xFFFFFFFF, v2;
	_ =	sdelay $0x1  }
0x253: {  	v8 =	vadd.s32 $0xF, v8  }
0x254: {  	v7 =	vperm.xlane v7, v8;
	_ =	sdelay $0x1  }
0x255: {  	(xrf0) =	vadd.scan.msk.s32 $0xffff, v7;
	_ =	sdelay $0x5  }
0x256: {  	v7, _, _ =	vpop (xrf0)  }
0x257: {  	v8 =	vadd.s32 s4, v7  }
0x258: {  	vm0 =	vge.s32 v8, v5  }
0x259: {  	v8 =	vor.u32 $0x80000000, v2;
	v9 =	vsel vm0, $0x1, v1  }
0x25a: {  	(xrf0) =	vadd.scan.msk.s32 $0xffff, v9;
	v9 =	vnsel vm0, $0x80000010, v8  }
0x25b: {  	(xrf0) =	vmin.scan.msk.u32 $0xffff, v9;
	_ =	sdelay $0x1  }
0x25c: {  	v7 =	vxor.u32 $0x80000000, v7;
	_ =	sdelay $0x2  }
0x25d: {  	(xrf0) =	vmax.scan.msk.u32 $0xffff, v7;
	v7, _, _ =	vpop (xrf0)  }
0x25e: {  	v9, _, _ =	vpop (xrf0);
	(v2sf) =	vpush v7, $0xF  }
0x25f: {  	(v2sf) =	vpush v9, $0xF;
	_ =	sdelay $0x4  }
0x260: {  	v7, _, _ =	vpop (xrf0)  }
0x261: {  	(v2sf) =	vpush v7, $0xF;
	_ =	sdelay $0x7  }
0x262: {  	s5 =	spop (v2sf)  }
0x263: {  	s6 =	spop (v2sf)  }
0x264: {  	p0 =	seq.s32 s0, $0x10;
	s6 =	sxor.u32 $0x7FFFFFFF, s6  }
0x265: {  	p1 =	sgt.s32 s5, $0x0;
	p2 =	sgt.s32 @!p0 s5, $0x0;
	s6 =	sadd.s32 s6, s0  }
0x266: {  	s1 =	smov.u32 @p1 s6;
	p1 =	por p0, p2  }
.Ltmp15:
0x267: {  	_ = 	snop;
	(pc) =	sbr.rel @!p1 .LBB2_32-.Ltmp15, $4  }
0x268: {  	_ = 	snop  }
0x269: {  	s10 =	spop (v2sf)  }
0x26a: {  	s30 =	sadd.s32 s10, s4  }
0x26b: {  	s2 =	sadd.s32 $0xFFFFFFF0, s2;
	s0 =	sadd.s32 $0xFFFFFFF0, s0;
	s4 =	sadd.s32 $0x80000000, s30  }
0x26c: {  	s0 =	simm.s32 $0x19740;
	s2 =	simm.s32 $0xFFFFFFF8  }
0x26d: {  	s0 =	simm.s32 @p0 $0x19740;
	s2 =	simm.s32 @p0 $0xFFFFFFF8  }
0x26e: {  	[tilespmem:s0+$0xFFFFFFC0] =	vst v3;
	s2 =	sadd.s32 $0x8, s2  }
0x26f: {  	[tilespmem:s0+$0x30] =	vst v3;
	p0 =	slt.u32 s2, $0xF8  }
.Ltmp16:
0x270: {  	[tilespmem:s0+$0x20] =	vst v3;
	(pc) =	sbr.rel @!p0 .LBB2_35-.Ltmp16, $4  }
0x271: {  	[tilespmem:s0+$0x10] =	vst v3  }
0x272: {  	[tilespmem:s0+$0x0] =	vst v3  }
0x273: {  	[tilespmem:s0+$0xFFFFFFF0] =	vst v3  }
0x274: {  	[tilespmem:s0+$0xFFFFFFE0] =	vst v3  }
.LBB2_34:
0x275: {  	s2 =	sadd.s32 $0x8, s2;
	[tilespmem:s0+$0xFFFFFFD0] =	vst v3;
	s0 =	sadd.s32 $0x80, s0  }
0x276: {  	[tilespmem:s0+$0xFFFFFFC0] =	vst v3;
	p0 =	slt.u32 s2, $0xF8  }
0x277: {  	[tilespmem:s0+$0x30] =	vst v3  }
.Ltmp17:
0x278: {  	[tilespmem:s0+$0x20] =	vst v3;
	(pc) =	sbr.rel @p0 .LBB2_34-.Ltmp17, $4  }
0x279: {  	[tilespmem:s0+$0x10] =	vst v3  }
0x27a: {  	[tilespmem:s0+$0x0] =	vst v3  }
0x27b: {  	[tilespmem:s0+$0xFFFFFFF0] =	vst v3  }
0x27c: {  	[tilespmem:s0+$0xFFFFFFE0] =	vst v3  }
.LBB2_35:
0x27d: {  	[tilespmem:s0+$0xFFFFFFD0] =	vst v3;
	s30 =	sshll.u32 s31, $0x8;
	s31 =	simm.s32 $0x1A720  }
0x27e: {  	v16 =	vld [tilespmem:s31+$0xFFFFFFE0]  }
0x27f: {  	v12 =	vld [tilespmem:s31+$0xFFFFFFF0]  }
0x280: {  	v10 =	vld [tilespmem:s31+$0x0]  }
0x281: {  	v5 =	vmov s28;
	v11 =	vld [tilespmem:s31+$0x10]  }
0x282: {  	v7 =	vxor.u32 $0x7FFFFFFF, v5  }
0x283: {  	vm0 =	vlt.s32 v5, $0x0;
	v14 =	vxor.u32 $0x7FFFFFFF, v16;
	vm12 =	vlt.s32 v16, $0x0  }
0x284: {  	v7 =	vnsel vm0, s28, v7;
	v15 =	vxor.u32 $0x7FFFFFFF, v12;
	v14 =	vsel vm12, v14, v16  }
0x285: {  	vm13 =	vlt.s32 v12, $0x0;
	v17 =	vxor.u32 $0x7FFFFFFF, v10;
	v14 =	vsub.f32 v14, v7  }
0x286: {  	vm14 =	vlt.s32 v10, $0x0;
	v18 =	vxor.u32 $0x7FFFFFFF, v11;
	v15 =	vsel vm13, v15, v12  }
0x287: {  	vm15 =	vlt.s32 v11, $0x0;
	v15 =	vsub.f32 v15, v7;
	v14 =	vmul.f32 $1.442695020e+00, v14  }
0x288: {  	v13 =	vimm.f32 $0.0e+00;
	s0 =	sadd.s32 s29, s30;
	v17 =	vsel vm14, v17, v10;
	v18 =	vsel vm15, v18, v11  }
0x289: {  	s0 =	sadd.s32 s1, s0;
	v17 =	vsub.f32 v17, v7;
	v15 =	vmul.f32 $1.442695020e+00, v15;
	(erf) = vpow2.f32 v14  }
0x28a: {  	v9 =	vmov s0;
	v19 =	vshra.s32 v12, $0x14;
	v21 =	vsub.f32 v18, v7  }
0x28b: {  	v20 =	vmul.f32 $1.442695020e+00, v17;
	v14 =	vshra.s32 v16, $0x14;
	(erf) = vpow2.f32 v15  }
0x28c: {  	v18 =	vshra.s32 v10, $0x14;
	v17 =	vshra.s32 v11, $0x14;
	v14 =	vadd.s32 $0x800, v14  }
0x28d: {  	s2 =	simm.s32 $0x1A760;
	s1 =	simm.s32 $0x0;
	s0 =	simm.s32 $0x0;
	v15 =	vadd.s32 $0x800, v19;
	v19 =	vmul.f32 $1.442695020e+00, v21;
	(erf) = vpow2.f32 v20  }
.LBB2_36:
0x28e: {  	v20 =	vld [tilespmem:s2+$0x0];
	s4 =	sadd.s32 $0x20, s0;
	v18 =	vadd.s32 $0x800, v18;
	v17 =	vadd.s32 $0x800, v17  }
0x28f: {  	v22 =	vor.u32 s0, v2;
	s5 =	sadd.s32 $0x10, s0;
	v21 =	vld [tilespmem:s2+$0xFFFFFFF0];
	v23 =	vor.u32 s4, v2;
	s4 =	sadd.s32 $0x30, s0;
	(erf) = vpow2.f32 v19  }
0x290: {  	vm2 =	vlt.s32 v22, v4;
	v22 =	vor.u32 s5, v2;
	v19 =	vld [tilespmem:s2+$0xFFFFFFE0];
	v24 =	vor.u32 s4, v2  }
0x291: {  	s1 =	sadd.s32 $0x4, s1;
	vm3 =	vge.s32 v16, v9;
	vm1 =	vlt.s32 v23, v4;
	vm0 =	vlt.s32 v24, v4  }
0x292: {  	p0 =	slt.u32 s1, $0x7C;
	vm4 =	vmand vm2, vm3;
	vm5 =	vlt.s32 v22, v4;
	vm3 =	vge.s32 v11, v9;
	v11 =	vpop (erf)  }
0x293: {  	vm6 =	vge.s32 v10, v9;
	v22 =	vnsel vm4, $0x0, v11;
	vm4 =	vge.s32 v12, v9;
	v10 =	vmovc v20  }
0x294: {  	v20 =	vxor.u32 $0x7FFFFFFF, v10;
	v13 =	vadd.f32 v22, v13;
	vm4 =	vmand vm5, vm4;
	v11 =	vpop (erf)  }
0x295: {  	v24 =	vxor.u32 $0x7FFFFFFF, v21;
	v12 =	vmovc v21;
	v23 =	vxor.u32 $0x7FFFFFFF, v19;
	v25 =	vnsel vm4, $0x0, v11;
	v16 =	vmovc v19  }
0x296: {  	vm6 =	vmand vm1, vm6;
	vm4 =	vlt.s32 v16, $0x0;
	v11 =	vld [tilespmem:s2+$0x10];
	v13 =	vadd.f32 v25, v13;
	v19 =	vpop (erf)  }
0x297: {  	v21 =	vsel vm4, v23, v16;
	vm4 =	vlt.s32 v12, $0x0;
	[tilespmem:v14+s19+$0x0] =	vst.idx.add.f32.msk vm2, v22;
	v14 =	vnsel vm6, $0x0, v19  }
0x298: {  	vm2 =	vmand vm0, vm3;
	v19 =	vsub.f32 v21, v7;
	[tilespmem:v15+s19+$0x0] =	vst.idx.add.f32.msk vm5, v25;
	v13 =	vadd.f32 v14, v13;
	v15 =	vpop (erf)  }
0x299: {  	vm3 =	vlt.s32 v10, $0x0;
	v21 =	vsel vm4, v24, v12;
	[tilespmem:v18+s19+$0x0] =	vst.idx.add.f32.msk vm1, v14;
	v14 =	vnsel vm2, $0x0, v15  }
0x29a: {  	v18 =	vsub.f32 v21, v7;
	v15 =	vmul.f32 $1.442695020e+00, v19;
	[tilespmem:v17+s19+$0x0] =	vst.idx.add.f32.msk vm0, v14;
	v13 =	vadd.f32 v14, v13  }
0x29b: {  	v14 =	vsel vm3, v20, v10;
	v17 =	vxor.u32 $0x7FFFFFFF, v11;
	vm0 =	vlt.s32 v11, $0x0  }
.Ltmp18:
0x29c: {  	v18 =	vmul.f32 $1.442695020e+00, v18;
	v14 =	vsub.f32 v14, v7;
	(erf) = vpow2.f32 v15;
	(pc) =	sbr.rel @p0 .LBB2_36-.Ltmp18, $4  }
0x29d: {  	v19 =	vshra.s32 v12, $0x14;
	v15 =	vshra.s32 v16, $0x14;
	v17 =	vsel vm0, v17, v11  }
0x29e: {  	v20 =	vmul.f32 $1.442695020e+00, v14;
	v21 =	vsub.f32 v17, v7;
	(erf) = vpow2.f32 v18  }
0x29f: {  	v14 =	vadd.s32 $0x800, v15;
	v17 =	vshra.s32 v11, $0x14;
	v18 =	vshra.s32 v10, $0x14  }
0x2a0: {  	s0 =	sadd.s32 $0x40, s0;
	s2 =	sadd.s32 $0x40, s2;
	v15 =	vadd.s32 $0x800, v19;
	v19 =	vmul.f32 $1.442695020e+00, v21;
	(erf) = vpow2.f32 v20  }
0x2a1: {  	_ = 	snop  }
0x2a2: {  	(erf) = vpow2.f32 v19  }
0x2a3: {  	v53 =	vor.u32 s0, v2  }
0x2a4: {  	s1 =	sadd.s32 $0x10, s0;
	vm1 =	vge.s32 v16, v9;
	vm0 =	vlt.s32 v53, v4  }
0x2a5: {  	v54 =	vor.u32 s1, v2;
	vm2 =	vmand vm0, vm1;
	v55 =	vpop (erf)  }
0x2a6: {  	s22 =	sadd.s32 $0x20, s0;
	vm12 =	vge.s32 v12, v9;
	vm11 =	vlt.s32 v54, v4;
	v56 =	vnsel vm2, $0x0, v55  }
0x2a7: {  	v57 =	vor.u32 s22, v2;
	vm2 =	vmand vm11, vm12;
	v13 =	vadd.f32 v56, v13;
	v58 =	vpop (erf)  }
0x2a8: {  	s28 =	sadd.s32 $0x30, s0;
	vm4 =	vge.s32 v10, v9;
	vm3 =	vlt.s32 v57, v4;
	v10 =	vnsel vm2, $0x0, v58  }
0x2a9: {  	v59 =	vor.u32 s28, v2;
	vm13 =	vmand vm3, vm4;
	v13 =	vadd.f32 v10, v13;
	v60 =	vpop (erf)  }
0x2aa: {  	vm5 =	vge.s32 v11, v9;
	vm14 =	vlt.s32 v59, v4;
	v11 =	vnsel vm13, $0x0, v60  }
0x2ab: {  	vm15 =	vmand vm14, vm5;
	v61 =	vadd.f32 v11, v13;
	v62 =	vpop (erf)  }
0x2ac: {  	v13 =	vnsel vm15, $0x0, v62  }
0x2ad: {  	v12 =	vadd.f32 v13, v61  }
0x2ae: {  	s29 =	sand.u32 $0xF, s26  }
0x2af: {  	s30 =	sshra.s32 s26, $0x1F;
	p0 =	slt.s32 s26, $0x1;
	p1 =	sne.s32 s29, $0x0;
	(xrf2) =	vadd.scan.msk.f32 $0xffff, v12  }
0x2b0: {  	s31 =	sshrl.u32 s30, $0x1C;
	p0 =	por !p0, !p1  }
0x2b1: {  	s1 =	simm.s32 $0x1;
	s0 =	sadd.s32 s31, s26;
	p0 =	por !p0, !p0  }
0x2b2: {  	s0 =	sshra.s32 s0, $0x4;
	s1 =	simm.s32 @!p0 $0x0  }
0x2b3: {  	v63 =	vadd.s32 $0x800, v18;
	s2 =	ssub.s32 s0, s1  }
0x2b4: {  	v17 =	vadd.s32 $0x800, v17;
	p0 =	sgt.s32 s2, s25  }
.Ltmp19:
0x2b5: {  	_ = 	snop;
	(pc) =	sbr.rel @p0 .LBB2_62-.Ltmp19, $4  }
0x2b6: {  	[tilespmem:v14+s19+$0x0] =	vst.idx.add.f32.msk vm0, v56  }
0x2b7: {  	[tilespmem:v15+s19+$0x0] =	vst.idx.add.f32.msk vm11, v10  }
0x2b8: {  	[tilespmem:v63+s19+$0x0] =	vst.idx.add.f32.msk vm3, v11  }
0x2b9: {  	[tilespmem:v17+s19+$0x0] =	vst.idx.add.f32.msk vm14, v13;
	v10, _, _ =	vpop (xrf2)  }
0x2ba: {  	v6 =	vsub.f32 $1.000000000e+00, v6;
	_ =	sdelay $0x1  }
0x2bb: {  	s0 =	sshll.u32 s2, $0x6;
	v6 =	vmul.f32 v10, v6  }
0x2bc: {  	s1 =	sshll.u32 s2, $0x4;
	s4 =	sshra.s32 s0, $0x2  }
0x2bd: {  	s13 =	simm.f32 $0.0e+00;
	s0 =	sadd.s32 $0x7FFFFFF0, s1;
	s11 =	sadd.s32 $0x19700, s4;
	v6 =	vbroadcast v6, $0xF  }
.LBB2_39:
0x2be: {  	v10 =	vld [tilespmem:s11+$0x0];
	_ =	sdelay $0x4  }
0x2bf: {  	(xrf2) =	vadd.scan.msk.f32 $0xffff, v10;
	_ =	sdelay $0x9  }
0x2c0: {  	v11, _, _ =	vpop (xrf2)  }
0x2c1: {  	v12 =	vadd.f32 s13, v11;
	_ =	sdelay $0x1  }
0x2c2: {  	vm0 =	vgt.f32 v12, v6  }
0x2c3: {  	v12 =	vsel vm0, $0x1, v1  }
0x2c4: {  	(xrf0) =	vadd.scan.msk.s32 $0xffff, v12;
	_ =	sdelay $0x5  }
0x2c5: {  	(xrf0) =	vmax.scan.msk.f32 $0xffff, v11;
	v12, _, _ =	vpop (xrf0)  }
0x2c6: {  	(v2sf) =	vpush v12, $0xF;
	_ =	sdelay $0x4  }
0x2c7: {  	v63, _, _ =	vpop (xrf0)  }
0x2c8: {  	(v2sf) =	vpush v63, $0xF;
	_ =	sdelay $0x8  }
0x2c9: {  	p0 =	sge.s32 s2, s25;
	s4 =	spop (v2sf)  }
0x2ca: {  	p1 =	slt.s32 @!p0 s4, $0x1  }
0x2cb: {  	p0 =	por p0, !p1  }
.Ltmp20:
0x2cc: {  	_ = 	snop;
	(pc) =	sbr.rel @!p0 .LBB2_39-.Ltmp20, $3  }
0x2cd: {  	_ =	sdelay $0x1  }
0x2ce: {  	s2 =	sadd.s32 $0x1, s2;
	s0 =	sadd.s32 $0x10, s0;
	s5 =	spop (v2sf)  }
0x2cf: {  	s11 =	sadd.s32 $0x10, s11;
	s1 =	smov.u32 s13;
	s13 =	sadd.f32 s5, s13  }
0x2d0: {  	v12 =	vnsel vm0, $0x80000010, v8  }
0x2d1: {  	(xrf0) =	vmin.scan.msk.u32 $0xffff, v12;
	_ =	sdelay $0x5  }
0x2d2: {  	v12, _, _ =	vpop (xrf0)  }
0x2d3: {  	(v2sf) =	vpush v12, $0xF;
	_ =	sdelay $0xe  }
0x2d4: {  	s2 =	spop (v2sf)  }
0x2d5: {  	s5 =	sxor.u32 $0x80000000, s2  }
0x2d6: {  	v63 =	vmov s5  }
0x2d7: {  	vm15 =	veq.s32 v63, v2  }
0x2d8: {  	v11 =	vnsel vm15, $0x0, v11  }
0x2d9: {  	v10 =	vnsel vm15, $0x0, v10;
	(xrf2) =	vadd.scan.msk.f32 $0xffff, v11  }
0x2da: {  	(xrf2) =	vadd.scan.msk.f32 $0xffff, v10;
	_ =	sdelay $0x8  }
0x2db: {  	v10, _, _ =	vpop (xrf2)  }
0x2dc: {  	(v2sf) =	vpush v10, $0xF;
	v10, _, _ =	vpop (xrf2)  }
0x2dd: {  	(v2sf) =	vpush v10, $0xF;
	_ =	sdelay $0x9  }
0x2de: {  	p0 =	sgt.s32 s4, $0x0  }
.Ltmp21:
0x2df: {  	_ = 	snop;
	(pc) =	sbr.rel @!p0 .LBB2_62-.Ltmp21, $3  }
0x2e0: {  	_ =	sdelay $0x1  }
0x2e1: {  	s11 =	spop (v2sf)  }
0x2e2: {  	s4 =	spop (v2sf)  }
0x2e3: {  	s26 =	sadd.s32 s0, s2;
	s0 =	simm.s32 $0x19740  }
0x2e4: {  	[tilespmem:s0+$0xFFFFFFC0] =	vst v3  }
0x2e5: {  	[tilespmem:s0+$0x30] =	vst v3  }
0x2e6: {  	[tilespmem:s0+$0x20] =	vst v3  }
0x2e7: {  	[tilespmem:s0+$0x10] =	vst v3  }
0x2e8: {  	s1 =	sadd.f32 s11, s1;
	[tilespmem:s0+$0x0] =	vst v3  }
0x2e9: {  	[tilespmem:s0+$0xFFFFFFF0] =	vst v3  }
0x2ea: {  	[tilespmem:s0+$0xFFFFFFE0] =	vst v3;
	s25 =	ssub.f32 s1, s4;
	s1 =	simm.s32 $0x0  }
.LBB2_42:
0x2eb: {  	s1 =	sadd.s32 $0x8, s1;
	[tilespmem:s0+$0xFFFFFFD0] =	vst v3;
	s0 =	sadd.s32 $0x80, s0  }
0x2ec: {  	[tilespmem:s0+$0xFFFFFFC0] =	vst v3;
	p0 =	slt.u32 s1, $0xF8  }
0x2ed: {  	[tilespmem:s0+$0x30] =	vst v3  }
.Ltmp22:
0x2ee: {  	[tilespmem:s0+$0x20] =	vst v3;
	(pc) =	sbr.rel @p0 .LBB2_42-.Ltmp22, $4  }
0x2ef: {  	[tilespmem:s0+$0x10] =	vst v3  }
0x2f0: {  	[tilespmem:s0+$0x0] =	vst v3  }
0x2f1: {  	[tilespmem:s0+$0xFFFFFFF0] =	vst v3  }
0x2f2: {  	[tilespmem:s0+$0xFFFFFFE0] =	vst v3  }
0x2f3: {  	[tilespmem:s0+$0xFFFFFFD0] =	vst v3;
	s30 =	simm.s32 $0x1A720  }
0x2f4: {  	v14 =	vld [tilespmem:s30+$0xFFFFFFE0]  }
0x2f5: {  	v15 =	vld [tilespmem:s30+$0xFFFFFFF0]  }
0x2f6: {  	v11 =	vld [tilespmem:s30+$0x10]  }
0x2f7: {  	v5 =	vmov s26;
	s2 =	simm.s32 $0x10;
	s4 =	simm.s32 $0x30  }
0x2f8: {  	v17 =	vimm.s32 $0x0;
	s1 =	simm.s32 $0x0;
	s31 =	simm.s32 $0x20;
	v13 =	vor.u32 s2, v2;
	v12 =	vor.u32 s4, v2  }
0x2f9: {  	v10 =	vor.u32 s31, v2;
	v18 =	vor.u32 s1, v2;
	vm4 =	vlt.s32 v12, v4  }
0x2fa: {  	v16 =	vxor.u32 $0x7FFFFFFF, v14;
	vm0 =	vlt.s32 v14, $0x0;
	v19 =	vxor.u32 $0x7FFFFFFF, v15  }
0x2fb: {  	v12 =	vsel vm0, v16, v14;
	v16 =	vxor.u32 $0x7FFFFFFF, v11;
	vm0 =	vlt.s32 v11, $0x0  }
0x2fc: {  	v12 =	vsub.f32 v12, v7;
	v16 =	vsel vm0, v16, v11;
	vm0 =	vlt.s32 v15, $0x0  }
0x2fd: {  	vm6 =	vlt.s32 v13, v4;
	v16 =	vsub.f32 v16, v7;
	v19 =	vsel vm0, v19, v15  }
0x2fe: {  	vm2 =	vlt.s32 v18, v4;
	v20 =	vmul.f32 $1.442695020e+00, v12;
	v13 =	vsub.f32 v19, v7  }
0x2ff: {  	vm7 =	vge.s32 v11, v9;
	v18 =	vshra.s32 v14, $0x14;
	v12 =	vld [tilespmem:s30+$0x0];
	v16 =	vmul.f32 $1.442695020e+00, v16  }
0x300: {  	vm8 =	vge.s32 v14, v9;
	(erf) = vpow2.f32 v20;
	v13 =	vmul.f32 $1.442695020e+00, v13  }
0x301: {  	vm9 =	vge.s32 v15, v9;
	v19 =	vshra.s32 v15, $0x14;
	(erf) = vpow2.f32 v16  }
0x302: {  	v18 =	vadd.s32 $0x800, v18;
	v19 =	vadd.s32 $0x800, v19;
	(erf) = vpow2.f32 v13  }
0x303: {  	vm10 =	vmand vm2, vm8;
	v20 =	vshrl.u32 v14, $0x8;
	vm0 =	veq.s32 v19, v5  }
0x304: {  	v16 =	vshra.s32 v11, $0x14;
	vm1 =	vlt.s32 v12, $0x0;
	v14 =	vxor.u32 $0x7FFFFFFF, v12  }
0x305: {  	v13 =	vand.u32 $0xFFF, v20;
	v16 =	vadd.s32 $0x800, v16;
	v14 =	vsel vm1, v14, v12  }
0x306: {  	v20 =	vshrl.u32 v15, $0x8;
	vm3 =	vgt.s32 v17, v13;
	v15 =	vsub.f32 v14, v7  }
0x307: {  	v19 =	vsel vm3, v17, v13;
	vm3 =	veq.s32 v16, v5;
	vm1 =	vmand vm6, vm0  }
0x308: {  	v16 =	vand.u32 $0xFFF, v20;
	vm0 =	vmand vm4, vm3;
	vm3 =	veq.s32 v18, v5  }
0x309: {  	vm6 =	vmand vm6, vm9;
	vm2 =	vmand vm2, vm3;
	v20 =	vmul.f32 $1.442695020e+00, v15;
	v14 =	vpop (erf)  }
0x30a: {  	vm4 =	vmand vm4, vm7;
	vm3 =	vmand vm7, vm0;
	vm7 =	vmand vm8, vm2;
	v15 =	vpop (erf)  }
0x30b: {  	vm5 =	vmand vm9, vm1;
	v18 =	vsel vm7, v19, v17;
	(erf) = vpow2.f32 v20;
	v21 =	vpop (erf)  }
0x30c: {  	s0 =	simm.s32 $0x0;
	s1 =	simm.s32 $0x40;
	s2 =	simm.s32 $0x1A760;
	v14 =	vnsel vm10, $0x0, v14;
	v15 =	vnsel vm4, $0x0, v15;
	v17 =	vnsel vm6, $0x0, v21  }
.LBB2_44:
0x30d: {  	s4 =	sadd.s32 $0x10, s1;
	s5 =	sadd.s32 $0x30, s1;
	s0 =	sadd.s32 $0x4, s0;
	v19 =	vshra.s32 v12, $0x14;
	v20 =	vshrl.u32 v12, $0x8;
	v21 =	vshrl.u32 v11, $0x8  }
0x30e: {  	v22 =	vor.u32 s4, v2;
	s4 =	sadd.s32 $0x20, s1;
	v23 =	vor.u32 s5, v2;
	p0 =	slt.u32 s0, $0x7C;
	v11 =	vadd.s32 $0x800, v19  }
0x30f: {  	vm4 =	vgt.s32 v18, v16;
	v19 =	vld [tilespmem:s2+$0xFFFFFFE0];
	v24 =	vor.u32 s4, v2;
	vm6 =	veq.s32 v11, v5  }
0x310: {  	vm7 =	vlt.s32 v10, v4;
	v25 =	vsel vm4, v18, v16;
	v21 =	vand.u32 $0xFFF, v21;
	v11 =	vld [tilespmem:s2+$0x10];
	v10 =	vmovc v24  }
0x311: {  	vm8 =	vge.s32 v12, v9;
	v20 =	vand.u32 $0xFFF, v20;
	v18 =	vsel vm5, v25, v18;
	v24 =	vld [tilespmem:s2+$0xFFFFFFF0]  }
0x312: {  	vm4 =	vlt.s32 v23, v4;
	vm9 =	vgt.s32 v18, v20;
	[tilespmem:v16+s19+$0x0] =	vst.idx.add.f32.msk vm1, v17;
	vm1 =	vmand vm7, vm6  }
0x313: {  	vm5 =	vmand vm7, vm8;
	v16 =	vor.u32 s1, v2;
	v17 =	vnsel vm3, $0x0, v21;
	v12 =	vld [tilespmem:s2+$0x0]  }
0x314: {  	vm8 =	vmand vm8, vm1;
	v23 =	vxor.u32 $0x7FFFFFFF, v19;
	vm3 =	vlt.s32 v19, $0x0;
	[tilespmem:v13+s19+$0x0] =	vst.idx.add.f32.msk vm2, v14  }
0x315: {  	vm6 =	vlt.s32 v22, v4;
	v13 =	vxor.u32 $0x7FFFFFFF, v11;
	vm2 =	vlt.s32 v11, $0x0;
	[tilespmem:v21+s19+$0x0] =	vst.idx.add.f32.msk vm0, v15;
	v14 =	vpop (erf)  }
0x316: {  	v15 =	vsel vm3, v23, v19;
	vm7 =	vge.s32 v11, v9;
	v13 =	vsel vm2, v13, v11  }
0x317: {  	v22 =	vsel vm9, v18, v20;
	v15 =	vsub.f32 v15, v7;
	v21 =	vxor.u32 $0x7FFFFFFF, v24  }
0x318: {  	vm2 =	vlt.s32 v16, v4;
	vm0 =	vlt.s32 v24, $0x0;
	v13 =	vsub.f32 v13, v7  }
0x319: {  	v18 =	vsel vm8, v22, v18;
	v16 =	vsel vm0, v21, v24;
	v15 =	vmul.f32 $1.442695020e+00, v15  }
0x31a: {  	v21 =	vshra.s32 v19, $0x14;
	v16 =	vsub.f32 v16, v7;
	v13 =	vmul.f32 $1.442695020e+00, v13  }
0x31b: {  	v22 =	vshrl.u32 v19, $0x8;
	v14 =	vnsel vm5, $0x0, v14;
	(erf) = vpow2.f32 v15  }
0x31c: {  	vm0 =	vgt.s32 v18, v17;
	v16 =	vmul.f32 $1.442695020e+00, v16;
	v15 =	vshra.s32 v24, $0x14  }
0x31d: {  	v17 =	vsel vm0, v18, v17;
	v15 =	vadd.s32 $0x800, v15;
	(erf) = vpow2.f32 v13;
	[tilespmem:v20+s19+$0x0] =	vst.idx.add.f32.msk vm1, v14  }
0x31e: {  	vm0 =	veq.s32 v15, v5;
	v14 =	vshra.s32 v11, $0x14;
	(erf) = vpow2.f32 v16  }
0x31f: {  	v13 =	vand.u32 $0xFFF, v22;
	vm1 =	vlt.s32 v12, $0x0;
	v14 =	vadd.s32 $0x800, v14  }
0x320: {  	vm8 =	vge.s32 v19, v9;
	v15 =	vxor.u32 $0x7FFFFFFF, v12;
	vm3 =	vgt.s32 v17, v13  }
0x321: {  	v16 =	vshrl.u32 v24, $0x8;
	v15 =	vsel vm1, v15, v12;
	v18 =	vsel vm3, v17, v13  }
0x322: {  	vm9 =	vge.s32 v24, v9;
	v19 =	vadd.s32 $0x800, v21;
	vm3 =	veq.s32 v14, v5  }
0x323: {  	vm1 =	vmand vm6, vm0;
	v20 =	vsub.f32 v15, v7;
	vm0 =	vmand vm4, vm3  }
.Ltmp23:
0x324: {  	vm10 =	vmand vm2, vm8;
	vm5 =	vmand vm9, vm1;
	vm3 =	veq.s32 v19, v5;
	v14 =	vpop (erf);
	(pc) =	sbr.rel @p0 .LBB2_44-.Ltmp23, $4  }
0x325: {  	vm2 =	vmand vm2, vm3;
	vm3 =	vmand vm7, vm0;
	v14 =	vnsel vm10, $0x0, v14  }
0x326: {  	v16 =	vand.u32 $0xFFF, v16;
	vm4 =	vmand vm4, vm7;
	v19 =	vmul.f32 $1.442695020e+00, v20;
	v15 =	vpop (erf)  }
0x327: {  	vm6 =	vmand vm6, vm9;
	vm7 =	vmand vm8, vm2;
	v15 =	vnsel vm4, $0x0, v15;
	v20 =	vpop (erf)  }
0x328: {  	s1 =	sadd.s32 $0x40, s1;
	s2 =	sadd.s32 $0x40, s2;
	v18 =	vsel vm7, v18, v17;
	v17 =	vnsel vm6, $0x0, v20;
	(erf) = vpow2.f32 v19  }
0x329: {  	v19 =	vshra.s32 v12, $0x14  }
0x32a: {  	v20 =	vshrl.u32 v12, $0x8;
	vm4 =	vgt.s32 v18, v16;
	v19 =	vadd.s32 $0x800, v19  }
0x32b: {  	v11 =	vshrl.u32 v11, $0x8;
	vm7 =	veq.s32 v19, v5;
	v5 =	vsel vm4, v18, v16  }
0x32c: {  	vm6 =	vlt.s32 v10, v4;
	v10 =	vand.u32 $0xFFF, v20;
	v5 =	vsel vm5, v5, v18  }
0x32d: {  	vm11 =	vge.s32 v12, v9;
	vm12 =	vmand vm6, vm7;
	vm13 =	vgt.s32 v5, v10  }
0x32e: {  	v11 =	vand.u32 $0xFFF, v11;
	vm14 =	vmand vm11, vm12;
	v62 =	vsel vm13, v5, v10  }
0x32f: {  	v63 =	vnsel vm3, $0x0, v11;
	v5 =	vsel vm14, v62, v5  }
0x330: {  	vm3 =	vgt.s32 v5, v63  }
0x331: {  	v5 =	vsel vm3, v5, v63  }
0x332: {  	v5 =	vor.u32 $0x80000000, v5  }
0x333: {  	(xrf0) =	vmax.scan.msk.u32 $0xffff, v5;
	_ =	sdelay $0x5  }
0x334: {  	v5, _, _ =	vpop (xrf0)  }
0x335: {  	(v2sf) =	vpush v5, $0xF;
	_ =	sdelay $0xe  }
0x336: {  	s29 =	spop (v2sf)  }
0x337: {  	s0 =	sxor.u32 $0x80000000, s29  }
0x338: {  	s1 =	sshra.s32 s0, $0x1F  }
0x339: {  	s1 =	sshrl.u32 s1, $0x1C  }
0x33a: {  	s1 =	sadd.s32 s1, s0  }
0x33b: {  	p1 =	sgt.s32 s29, $0xFFFFFFFF;
	p0 =	slt.s32 s0, $0x1;
	s2 =	sand.u32 $0xFFFFFFF0, s1  }
0x33c: {  	p0 =	por p1, p0;
	p6 =	sne.s32 s0, s2  }
0x33d: {  	p0 =	por !p0, !p6  }
0x33e: {  	s2 =	simm.s32 $0x1;
	p0 =	por !p0, !p0  }
0x33f: {  	s1 =	sshra.s32 s1, $0x4;
	s2 =	simm.s32 @!p0 $0x0  }
0x340: {  	s4 =	ssub.s32 s1, s2  }
0x341: {  	p0 =	slt.s32 s4, $0x0  }
.Ltmp24:
0x342: {  	_ = 	snop;
	(pc) =	sbr.rel @p0 .LBB2_76-.Ltmp24, $4  }
0x343: {  	[tilespmem:v16+s19+$0x0] =	vst.idx.add.f32.msk vm1, v17  }
0x344: {  	[tilespmem:v13+s19+$0x0] =	vst.idx.add.f32.msk vm2, v14;
	vm15 =	vmand vm6, vm11;
	v5 =	vpop (erf)  }
0x345: {  	[tilespmem:v11+s19+$0x0] =	vst.idx.add.f32.msk vm0, v15;
	v5 =	vnsel vm15, $0x0, v5  }
0x346: {  	s28 =	simm.f32 $0.0e+00;
	[tilespmem:v10+s19+$0x0] =	vst.idx.add.f32.msk vm12, v5;
	s2 =	simm.s32 $0x0  }
0x347: {  	s11 =	simm.s32 $0x19700  }
0x348: {  	s30 =	simm.s32 $0x80000000;
	s1 =	simm.s32 $0x0;
	s13 =	simm.s32 $0x0  }
.LBB2_47:
0x349: {  	v5 =	vld [tilespmem:s11+$0x0];
	_ =	sdelay $0x4  }
0x34a: {  	(xrf2) =	vadd.scan.msk.f32 $0xffff, v5;
	_ =	sdelay $0x9  }
0x34b: {  	v10, _, _ =	vpop (xrf2)  }
0x34c: {  	v11 =	vadd.f32 s25, v10;
	_ =	sdelay $0x1  }
0x34d: {  	vm0 =	vgt.f32 v11, v6  }
0x34e: {  	v11 =	vsel vm0, $0x1, v1  }
0x34f: {  	(xrf0) =	vadd.scan.msk.s32 $0xffff, v11;
	v11 =	vnsel vm0, $0x80000010, v8  }
0x350: {  	(xrf0) =	vmin.scan.msk.u32 $0xffff, v11;
	_ =	sdelay $0x4  }
0x351: {  	v11, _, _ =	vpop (xrf0)  }
0x352: {  	(v2sf) =	vpush v11, $0xF;
	v11, _, _ =	vpop (xrf0)  }
0x353: {  	(v2sf) =	vpush v11, $0xF;
	_ =	sdelay $0xd  }
0x354: {  	s5 =	spop (v2sf)  }
0x355: {  	s6 =	spop (v2sf)  }
0x356: {  	s10 =	sxor.u32 $0x80000000, s6  }
0x357: {  	v11 =	vmov s10  }
0x358: {  	vm15 =	veq.s32 v11, v2  }
0x359: {  	v11 =	vnsel vm15, $0x0, v10  }
0x35a: {  	(xrf2) =	vadd.scan.msk.f32 $0xffff, v11  }
0x35b: {  	v5 =	vnsel vm15, $0x0, v5  }
0x35c: {  	(xrf2) =	vadd.scan.msk.f32 $0xffff, v5;
	_ =	sdelay $0x5  }
0x35d: {  	(xrf0) =	vmax.scan.msk.f32 $0xffff, v10;
	_ =	sdelay $0x1  }
0x35e: {  	v5, _, _ =	vpop (xrf2)  }
0x35f: {  	(v2sf) =	vpush v5, $0xF  }
0x360: {  	v5, _, _ =	vpop (xrf2)  }
0x361: {  	(v2sf) =	vpush v5, $0xF  }
0x362: {  	v5, _, _ =	vpop (xrf0)  }
0x363: {  	(v2sf) =	vpush v5, $0xF;
	_ =	sdelay $0x8  }
0x364: {  	p1 =	sge.s32 s13, s4  }
0x365: {  	p2 =	slt.s32 @!p1 s5, $0x1  }
0x366: {  	p2 =	por p1, !p2;
	s22 =	spop (v2sf)  }
.Ltmp25:
0x367: {  	s10 =	sadd.f32 s22, s25;
	(pc) =	sbr.rel @!p2 .LBB2_47-.Ltmp25, $4  }
0x368: {  	s13 =	sadd.s32 $0x1, s13;
	s22 =	spop (v2sf)  }
0x369: {  	s11 =	sadd.s32 $0x10, s11;
	p0 =	sgt.s32 s5, $0x0;
	s10 =	ssub.f32 s10, s22  }
0x36a: {  	s6 =	sadd.s32 s30, s6;
	s30 =	sadd.s32 $0x10, s30;
	s31 =	spop (v2sf)  }
0x36b: {  	s1 =	smov.u32 @p0 s6;
	s25 =	sadd.f32 s31, s25;
	s28 =	smov.u32 @p0 s10  }
.Ltmp26:
0x36c: {  	(pc) =	sbr.rel .LBB2_49-.Ltmp26, $3  }
0x36d: {  	_ =	sdelay $0x1  }
0x36e: {  	p0 =	por @!p1 p0, p0  }
0x36f: {  	s1 =	smov.u32 @p1 s1;
	s28 =	smov.u32 @p1 s28;
	s25 =	smov.u32 @p1 s25  }
.LBB2_62:
0x370: {  	s2 =	simm.s32 $0x1A720  }
0x371: {  	v7 =	vld [tilespmem:s2+$0xFFFFFFE0]  }
0x372: {  	s1 =	simm.s32 $0x1AF20  }
0x373: {  	v8 =	vld [tilespmem:s1+$0xFFFFFFE0]  }
0x374: {  	s0 =	simm.s32 $0x0;
	v9 =	vld [tilespmem:s2+$0xFFFFFFF0]  }
0x375: {  	v11 =	vld [tilespmem:s1+$0xFFFFFFF0];
	v12 =	vor.u32 s0, v2  }
0x376: {  	v13 =	vld [tilespmem:s2+$0x0];
	vm0 =	vlt.s32 v12, v4;
	vm1 =	veq.s32 v7, v5  }
0x377: {  	v10 =	vimm.s32 $0xFFFFFFFF;
	s4 =	simm.s32 $0x30;
	s31 =	simm.s32 $0x10;
	v7 =	vld [tilespmem:s1+$0x0];
	vm0 =	vmand vm0, vm1  }
0x378: {  	s5 =	simm.s32 $0x20;
	v6 =	vor.u32 s4, v2;
	v63 =	vor.u32 s31, v2;
	v15 =	vnsel vm0, $0xFFFFFFFF, v8;
	v8 =	vld [tilespmem:s2+$0x10]  }
0x379: {  	v14 =	vor.u32 s5, v2;
	vm1 =	veq.s32 v9, v5;
	vm0 =	vlt.s32 v63, v4  }
0x37a: {  	v9 =	vld [tilespmem:s1+$0x10];
	vm2 =	vgt.s32 v10, v15;
	vm1 =	vmand vm0, vm1;
	vm0 =	vlt.s32 v14, v4  }
0x37b: {  	s4 =	simm.s32 $0x1A760;
	s2 =	simm.s32 $0x0;
	v10 =	vsel vm2, v10, v15;
	v11 =	vnsel vm1, $0xFFFFFFFF, v11;
	vm1 =	veq.s32 v13, v5  }
.LBB2_63:
0x37c: {  	v12 =	vld [tilespmem:s4+$0xFFFFFFE0];
	s2 =	sadd.s32 $0x4, s2;
	vm2 =	vgt.s32 v10, v11;
	vm0 =	vmand vm0, vm1;
	vm1 =	vlt.s32 v6, v4;
	s1 =	sadd.s32 $0x40, s1  }
0x37d: {  	v13 =	vld [tilespmem:s1+$0xFFFFFFE0];
	p0 =	slt.u32 s2, $0x7C;
	v6 =	vsel vm2, v10, v11;
	v7 =	vnsel vm0, $0xFFFFFFFF, v7;
	vm0 =	veq.s32 v8, v5  }
0x37e: {  	s0 =	sadd.s32 $0x40, s0;
	v10 =	vld [tilespmem:s4+$0xFFFFFFF0];
	vm2 =	vgt.s32 v6, v7;
	vm0 =	vmand vm1, vm0  }
0x37f: {  	s5 =	sadd.s32 $0x30, s0;
	v11 =	vld [tilespmem:s1+$0xFFFFFFF0];
	v8 =	vsel vm2, v6, v7;
	v9 =	vnsel vm0, $0xFFFFFFFF, v9  }
0x380: {  	v7 =	vor.u32 s0, v2;
	v6 =	vor.u32 s5, v2;
	v14 =	vld [tilespmem:s4+$0x0];
	vm0 =	vgt.s32 v8, v9  }
.Ltmp27:
0x381: {  	s6 =	sadd.s32 $0x20, s0;
	s5 =	sadd.s32 $0x10, s0;
	vm1 =	vlt.s32 v7, v4;
	vm2 =	veq.s32 v12, v5;
	v7 =	vld [tilespmem:s1+$0x0];
	v12 =	vsel vm0, v8, v9;
	(pc) =	sbr.rel @p0 .LBB2_63-.Ltmp27, $4  }
0x382: {  	v15 =	vor.u32 s6, v2;
	v9 =	vor.u32 s5, v2;
	vm0 =	vmand vm1, vm2;
	v8 =	vld [tilespmem:s4+$0x10]  }
0x383: {  	v13 =	vnsel vm0, $0xFFFFFFFF, v13;
	vm0 =	vlt.s32 v9, v4;
	vm1 =	veq.s32 v10, v5  }
0x384: {  	vm2 =	vgt.s32 v12, v13;
	vm1 =	vmand vm0, vm1;
	vm0 =	vlt.s32 v15, v4;
	v9 =	vld [tilespmem:s1+$0x10]  }
0x385: {  	s4 =	sadd.s32 $0x40, s4;
	v10 =	vsel vm2, v12, v13;
	v11 =	vnsel vm1, $0xFFFFFFFF, v11;
	vm1 =	veq.s32 v14, v5  }
0x386: {  	vm2 =	vgt.s32 v10, v11;
	vm0 =	vmand vm0, vm1;
	vm14 =	vlt.s32 v6, v4  }
0x387: {  	v6 =	vsel vm2, v10, v11;
	v7 =	vnsel vm0, $0xFFFFFFFF, v7;
	vm15 =	veq.s32 v8, v5  }
0x388: {  	vm2 =	vgt.s32 v6, v7;
	vm0 =	vmand vm14, vm15  }
0x389: {  	v6 =	vsel vm2, v6, v7;
	v7 =	vnsel vm0, $0xFFFFFFFF, v9  }
0x38a: {  	vm0 =	vgt.s32 v6, v7  }
0x38b: {  	v6 =	vsel vm0, v6, v7  }
0x38c: {  	v6 =	vxor.u32 $0x80000000, v6  }
0x38d: {  	(xrf0) =	vmax.scan.msk.u32 $0xffff, v6;
	_ =	sdelay $0x5  }
0x38e: {  	v6, _, _ =	vpop (xrf0)  }
0x38f: {  	(v2sf) =	vpush v6, $0xF;
	_ =	sdelay $0xb  }
.Ltmp28:
0x390: {  	_ = 	snop;
	(pc) =	sbr.rel .LBB2_65-.Ltmp28, $3  }
0x391: {  	_ =	sdelay $0x1  }
0x392: {  	s0 =	spop (v2sf)  }
0x393: {  	s11 =	sxor.u32 $0x80000000, s0  }
.LBB2_76:
0x394: {  	p0 =	por $0x0, $0x0;
	s1 =	simm.s32 $0x0  }
.LBB2_49:
0x395: {  	s4 =	sshll.u32 s4, $0x6  }
0x396: {  	s4 =	sshra.s32 s4, $0x2  }
0x397: {  	p1 =	por $0x1, $0x1;
	v5 =	vld [tilespmem:s4+$0x19700]  }
.LBB2_50:
0x398: {  	s2 =	sshra.s32 s2, $0x2  }
0x399: {  	[tilespmem:s2+$0x19700] =	vst v3  }
0x39a: {  	[tilespmem:s2+$0x19710] =	vst v3  }
0x39b: {  	p2 =	por p1, p1;
	[tilespmem:s2+$0x19720] =	vst v3  }
.Ltmp29:
0x39c: {  	[tilespmem:s2+$0x19730] =	vst v3;
	(pc) =	sbr.rel @p2 .LBB2_50-.Ltmp29, $4  }
0x39d: {  	[tilespmem:s2+$0x19740] =	vst v3  }
0x39e: {  	[tilespmem:s2+$0x19750] =	vst v3  }
0x39f: {  	[tilespmem:s2+$0x19760] =	vst v3  }
0x3a0: {  	p1 =	por $0x0, $0x0;
	[tilespmem:s2+$0x19770] =	vst v3;
	s2 =	simm.s32 $0x200  }
0x3a1: {  	s30 =	simm.s32 $0x1A720  }
0x3a2: {  	v15 =	vld [tilespmem:s30+$0xFFFFFFF0]  }
0x3a3: {  	v13 =	vld [tilespmem:s30+$0x10]  }
0x3a4: {  	v16 =	vld [tilespmem:s30+$0xFFFFFFE0]  }
0x3a5: {  	s0 =	smov.u32 @p0 s1;
	s13 =	sshll.u32 s26, $0xC;
	s2 =	simm.s32 $0x30  }
0x3a6: {  	v14 =	vimm.s32 $0x0;
	s4 =	simm.s32 $0x10;
	s31 =	simm.s32 $0x20;
	s0 =	sadd.s32 s0, s13  }
0x3a7: {  	s22 =	simm.s32 $0x0;
	v17 =	vor.u32 s2, v2;
	v18 =	vor.u32 s4, v2;
	v19 =	vor.u32 s31, v2;
	v12 =	vld [tilespmem:s30+$0x0];
	s26 =	sadd.s32 $0xFF800000, s0  }
0x3a8: {  	v63 =	vor.u32 s22, v2;
	v10 =	vmov s26;
	v11 =	vshra.s32 v15, $0x8  }
0x3a9: {  	v20 =	vshra.s32 v13, $0x8;
	vm1 =	vlt.s32 v13, $0x0;
	v58 =	vshra.s32 v16, $0x8  }
0x3aa: {  	vm4 =	vge.s32 v16, v9;
	vm3 =	veq.s32 v11, v10;
	v11 =	vxor.u32 $0x7FFFFFFF, v13  }
0x3ab: {  	v21 =	vxor.u32 $0x7FFFFFFF, v16;
	v22 =	vxor.u32 $0x7FFFFFFF, v15;
	v11 =	vsel vm1, v11, v13  }
0x3ac: {  	vm2 =	vlt.s32 v15, $0x0;
	vm5 =	vlt.s32 v12, $0x0;
	v11 =	vsub.f32 v11, v7  }
0x3ad: {  	v61 =	vxor.u32 $0x7FFFFFFF, v12;
	v62 =	vshra.s32 v12, $0x8;
	vm0 =	veq.s32 v20, v10  }
0x3ae: {  	v59 =	vsel vm2, v22, v15;
	vm1 =	vlt.s32 v16, $0x0;
	v60 =	vmul.f32 $1.442695020e+00, v11  }
0x3af: {  	v20 =	vsub.f32 v59, v7;
	v11 =	vand.u32 $0xFF, v16;
	v16 =	vsel vm1, v21, v16  }
0x3b0: {  	v21 =	vsel vm5, v61, v12;
	v16 =	vsub.f32 v16, v7;
	(erf) = vpow2.f32 v60  }
0x3b1: {  	vm6 =	veq.s32 v58, v10;
	v20 =	vmul.f32 $1.442695020e+00, v20;
	v21 =	vsub.f32 v21, v7  }
0x3b2: {  	vm8 =	veq.s32 v62, v10;
	vm2 =	vge.s32 v13, v9;
	v16 =	vmul.f32 $1.442695020e+00, v16  }
0x3b3: {  	vm1 =	vgt.s32 v14, v11;
	v21 =	vmul.f32 $1.442695020e+00, v21;
	(erf) = vpow2.f32 v20  }
0x3b4: {  	v23 =	vsel vm1, v14, v11;
	vm1 =	vlt.s32 v17, v4;
	(erf) = vpow2.f32 v16  }
0x3b5: {  	vm5 =	vlt.s32 v63, v4;
	vm9 =	vmand vm1, vm0;
	(erf) = vpow2.f32 v21  }
0x3b6: {  	v13 =	vand.u32 $0xFF, v13;
	vm10 =	vmand vm1, vm2;
	vm0 =	vmand vm5, vm6  }
0x3b7: {  	vm6 =	vlt.s32 v18, v4;
	vm1 =	vmand vm2, vm9;
	vm2 =	vmand vm5, vm4  }
0x3b8: {  	vm7 =	vmand vm4, vm0;
	vm4 =	vmand vm6, vm3;
	vm5 =	vlt.s32 v19, v4  }
0x3b9: {  	v16 =	vsel vm7, v23, v14;
	v14 =	vand.u32 $0xFF, v15;
	vm7 =	vge.s32 v15, v9;
	v15 =	vpop (erf)  }
0x3ba: {  	vm3 =	vmand vm5, vm8;
	vm11 =	vgt.s32 v16, v14;
	v18 =	vnsel vm10, $0x0, v15  }
0x3bb: {  	s1 =	simm.s32 $0x40;
	s2 =	simm.s32 $0x1A760;
	s0 =	simm.s32 $0x0;
	vm8 =	vmand vm7, vm4;
	v17 =	vsel vm11, v16, v14;
	v15 =	vand.u32 $0xFF, v12;
	[tilespmem:v13+s19+$0x0] =	vst.idx.add.f32.msk vm9, v18  }
.LBB2_52:
0x3bc: {  	v18 =	vld [tilespmem:s2+$0xFFFFFFF0];
	s4 =	sadd.s32 $0x30, s1;
	s0 =	sadd.s32 $0x4, s0;
	vm6 =	vmand vm6, vm7;
	v16 =	vsel vm8, v17, v16;
	vm7 =	vge.s32 v12, v9;
	v12 =	vpop (erf)  }
0x3bd: {  	v17 =	vld [tilespmem:s2+$0x10];
	v19 =	vor.u32 s4, v2;
	p1 =	slt.u32 s0, $0x7C;
	v21 =	vnsel vm6, $0x0, v12;
	vm6 =	vmand vm7, vm3;
	v20 =	vpop (erf)  }
0x3be: {  	v20 =	vnsel vm2, $0x0, v20;
	[tilespmem:v14+s19+$0x0] =	vst.idx.add.f32.msk vm4, v21;
	vm2 =	vmand vm5, vm7;
	vm4 =	vgt.s32 v16, v15;
	v12 =	vpop (erf)  }
0x3bf: {  	s5 =	sadd.s32 $0x20, s1;
	v13 =	vnsel vm1, $0x0, v13;
	s4 =	sadd.s32 $0x10, s1;
	v14 =	vld [tilespmem:s2+$0xFFFFFFE0];
	v12 =	vnsel vm2, $0x0, v12;
	v21 =	vsel vm4, v16, v15  }
0x3c0: {  	v23 =	vor.u32 s5, v2;
	v22 =	vor.u32 s4, v2;
	[tilespmem:v15+s19+$0x0] =	vst.idx.add.f32.msk vm3, v12;
	v15 =	vsel vm6, v21, v16  }
0x3c1: {  	v16 =	vshra.s32 v18, $0x8;
	v12 =	vld [tilespmem:s2+$0x0];
	vm1 =	vgt.s32 v15, v13  }
0x3c2: {  	vm3 =	veq.s32 v16, v10;
	v16 =	vshra.s32 v17, $0x8;
	[tilespmem:v11+s19+$0x0] =	vst.idx.add.f32.msk vm0, v20;
	v15 =	vsel vm1, v15, v13  }
0x3c3: {  	v11 =	vxor.u32 $0x7FFFFFFF, v17;
	vm1 =	vlt.s32 v17, $0x0;
	vm0 =	veq.s32 v16, v10  }
0x3c4: {  	v11 =	vsel vm1, v11, v17;
	v13 =	vshra.s32 v14, $0x8;
	vm4 =	vge.s32 v14, v9  }
0x3c5: {  	v20 =	vxor.u32 $0x7FFFFFFF, v18;
	v16 =	vxor.u32 $0x7FFFFFFF, v14;
	v11 =	vsub.f32 v11, v7  }
0x3c6: {  	vm5 =	vlt.s32 v18, $0x0;
	vm1 =	vlt.s32 v14, $0x0;
	vm6 =	vlt.s32 v12, $0x0  }
0x3c7: {  	vm2 =	veq.s32 v13, v10;
	v13 =	vsel vm5, v20, v18;
	v20 =	vmul.f32 $1.442695020e+00, v11  }
0x3c8: {  	v11 =	vand.u32 $0xFF, v14;
	v14 =	vsel vm1, v16, v14;
	v13 =	vsub.f32 v13, v7  }
0x3c9: {  	v16 =	vxor.u32 $0x7FFFFFFF, v12;
	v14 =	vsub.f32 v14, v7;
	vm1 =	vgt.s32 v15, v11  }
0x3ca: {  	v16 =	vsel vm6, v16, v12;
	v21 =	vsel vm1, v15, v11;
	(erf) = vpow2.f32 v20  }
0x3cb: {  	v13 =	vmul.f32 $1.442695020e+00, v13;
	v16 =	vsub.f32 v16, v7;
	v20 =	vshra.s32 v12, $0x8  }
0x3cc: {  	v14 =	vmul.f32 $1.442695020e+00, v14;
	vm8 =	veq.s32 v20, v10  }
0x3cd: {  	v16 =	vmul.f32 $1.442695020e+00, v16;
	v20 =	vor.u32 s1, v2;
	(erf) = vpow2.f32 v13  }
0x3ce: {  	vm5 =	vge.s32 v17, v9;
	vm1 =	vlt.s32 v19, v4;
	(erf) = vpow2.f32 v14  }
0x3cf: {  	vm9 =	vmand vm1, vm0;
	vm10 =	vmand vm1, vm5;
	(erf) = vpow2.f32 v16  }
0x3d0: {  	vm1 =	vmand vm5, vm9;
	vm6 =	vlt.s32 v20, v4;
	v13 =	vand.u32 $0xFF, v17  }
.Ltmp30:
0x3d1: {  	vm0 =	vmand vm6, vm2;
	vm2 =	vmand vm6, vm4;
	vm6 =	vlt.s32 v22, v4;
	(pc) =	sbr.rel @p1 .LBB2_52-.Ltmp30, $4  }
0x3d2: {  	vm5 =	vlt.s32 v23, v4;
	vm7 =	vmand vm4, vm0;
	vm4 =	vmand vm6, vm3  }
0x3d3: {  	v14 =	vand.u32 $0xFF, v18;
	v16 =	vsel vm7, v21, v15;
	vm7 =	vge.s32 v18, v9;
	v15 =	vpop (erf)  }
0x3d4: {  	vm3 =	vmand vm5, vm8;
	vm11 =	vgt.s32 v16, v14;
	v18 =	vnsel vm10, $0x0, v15  }
0x3d5: {  	s2 =	sadd.s32 $0x40, s2;
	s1 =	sadd.s32 $0x40, s1;
	vm8 =	vmand vm7, vm4;
	v17 =	vsel vm11, v16, v14;
	v15 =	vand.u32 $0xFF, v12;
	[tilespmem:v13+s19+$0x0] =	vst.idx.add.f32.msk vm9, v18  }
0x3d6: {  	s0 =	sand.u32 $0xF, s29  }
0x3d7: {  	v10 =	vmov s0  }
0x3d8: {  	vm9 =	veq.s32 v10, v2  }
0x3d9: {  	v5 =	vnsel vm9, $0x0, v5  }
0x3da: {  	(xrf2) =	vadd.scan.msk.f32 $0xffff, v5;
	_ =	sdelay $0x9  }
0x3db: {  	v5, _, _ =	vpop (xrf2)  }
0x3dc: {  	(v2sf) =	vpush v5, $0xF;
	_ =	sdelay $0xc  }
0x3dd: {  	vm6 =	vmand vm6, vm7;
	v5 =	vsel vm8, v17, v16  }
0x3de: {  	vm13 =	vge.s32 v12, v9;
	v63 =	vnsel vm1, $0x0, v13;
	v10 =	vpop (erf);
	vm14 =	vgt.s32 v5, v15  }
0x3df: {  	vm15 =	vmand vm13, vm3;
	v9 =	vnsel vm6, $0x0, v10;
	v10 =	vpop (erf);
	v16 =	vsel vm14, v5, v15;
	s31 =	spop (v2sf)  }
0x3e0: {  	vm5 =	vmand vm5, vm13;
	v62 =	vpop (erf);
	[tilespmem:v14+s19+$0x0] =	vst.idx.add.f32.msk vm4, v9;
	v10 =	vnsel vm2, $0x0, v10;
	v5 =	vsel vm15, v16, v5;
	s0 =	ssub.f32 s25, s31  }
0x3e1: {  	s13 =	simm.s32 $0x0;
	v9 =	vnsel vm5, $0x0, v62;
	[tilespmem:v11+s19+$0x0] =	vst.idx.add.f32.msk vm0, v10;
	vm1 =	vgt.s32 v5, v63  }
0x3e2: {  	s4 =	simm.s32 $0x7FFFFFF0;
	s1 =	simm.s32 $0x19700;
	[tilespmem:v15+s19+$0x0] =	vst.idx.add.f32.msk vm3, v9;
	v5 =	vsel vm1, v5, v63;
	s0 =	smov.u32 @p0 s28  }
.LBB2_54:
0x3e3: {  	v9 =	vld [tilespmem:s1+$0x0];
	_ =	sdelay $0x4  }
0x3e4: {  	(xrf2) =	vadd.scan.msk.f32 $0xffff, v9;
	_ =	sdelay $0x9  }
0x3e5: {  	v10, _, _ =	vpop (xrf2)  }
0x3e6: {  	v11 =	vadd.f32 s0, v10;
	_ =	sdelay $0x1  }
0x3e7: {  	vm0 =	vgt.f32 v11, v6  }
0x3e8: {  	v11 =	vsel vm0, $0x1, v1  }
0x3e9: {  	(xrf0) =	vadd.scan.msk.s32 $0xffff, v11;
	_ =	sdelay $0x5  }
0x3ea: {  	(xrf0) =	vmax.scan.msk.f32 $0xffff, v10;
	v11, _, _ =	vpop (xrf0)  }
0x3eb: {  	(v2sf) =	vpush v11, $0xF;
	_ =	sdelay $0x4  }
0x3ec: {  	v11, _, _ =	vpop (xrf0)  }
0x3ed: {  	(v2sf) =	vpush v11, $0xF;
	_ =	sdelay $0x8  }
0x3ee: {  	p0 =	sgt.u32 s13, $0xE;
	s11 =	spop (v2sf)  }
0x3ef: {  	p1 =	slt.s32 @!p0 s11, $0x1  }
0x3f0: {  	p0 =	por p0, !p1  }
.Ltmp31:
0x3f1: {  	_ = 	snop;
	(pc) =	sbr.rel @!p0 .LBB2_54-.Ltmp31, $3  }
0x3f2: {  	_ =	sdelay $0x1  }
0x3f3: {  	s13 =	sadd.s32 $0x1, s13;
	s2 =	smov.u32 s0;
	s31 =	spop (v2sf)  }
0x3f4: {  	s4 =	sadd.s32 $0x10, s4;
	s1 =	sadd.s32 $0x10, s1;
	s0 =	sadd.f32 s31, s2  }
0x3f5: {  	v8 =	vnsel vm0, $0x80000010, v8  }
0x3f6: {  	(xrf0) =	vmin.scan.msk.u32 $0xffff, v8;
	_ =	sdelay $0x5  }
0x3f7: {  	v8, _, _ =	vpop (xrf0)  }
0x3f8: {  	(v2sf) =	vpush v8, $0xF;
	_ =	sdelay $0xe  }
0x3f9: {  	s5 =	spop (v2sf)  }
0x3fa: {  	s1 =	sxor.u32 $0x80000000, s5  }
0x3fb: {  	v8 =	vmov s1  }
0x3fc: {  	vm0 =	veq.s32 v8, v2  }
0x3fd: {  	v8 =	vnsel vm0, $0x0, v10  }
0x3fe: {  	(xrf2) =	vadd.scan.msk.f32 $0xffff, v8;
	v8 =	vnsel vm0, $0x0, v9  }
0x3ff: {  	(xrf2) =	vadd.scan.msk.f32 $0xffff, v8;
	_ =	sdelay $0x3  }
0x400: {  	v5 =	vor.u32 $0x80000000, v5  }
0x401: {  	(xrf0) =	vmax.scan.msk.u32 $0xffff, v5;
	_ =	sdelay $0x3  }
0x402: {  	v5, _, _ =	vpop (xrf2)  }
0x403: {  	(v2sf) =	vpush v5, $0xF;
	v5, _, _ =	vpop (xrf2)  }
0x404: {  	(v2sf) =	vpush v5, $0xF;
	v5, _, _ =	vpop (xrf0)  }
0x405: {  	(v2sf) =	vpush v5, $0xF;
	_ =	sdelay $0xc  }
0x406: {  	s6 =	spop (v2sf)  }
0x407: {  	s10 =	spop (v2sf)  }
0x408: {  	s1 =	spop (v2sf)  }
0x409: {  	s13 =	sxor.u32 $0x80000000, s1  }
0x40a: {  	s22 =	sshra.s32 s13, $0x1F  }
0x40b: {  	s22 =	sshrl.u32 s22, $0x1C  }
0x40c: {  	s22 =	sadd.s32 s22, s13  }
0x40d: {  	s25 =	sand.u32 $0xFFFFFFF0, s22  }
0x40e: {  	p2 =	sne.s32 s13, s25;
	s25 =	simm.s32 $0x1A720  }
0x40f: {  	p1 =	sgt.s32 s1, $0xFFFFFFFF;
	p0 =	slt.s32 s13, $0x1;
	v10 =	vld [tilespmem:s25+$0xFFFFFFE0]  }
0x410: {  	s4 =	sadd.s32 s4, s5;
	p1 =	por p1, p0;
	p0 =	sgt.s32 s11, $0x0  }
0x411: {  	s28 =	sshll.u32 s26, $0x8;
	s13 =	smov.u32 @p0 s4  }
0x412: {  	s29 =	simm.s32 $0x20;
	p1 =	por !p1, !p2;
	v11 =	vld [tilespmem:s25+$0x10];
	s11 =	sadd.s32 s28, s13  }
0x413: {  	s30 =	simm.s32 $0x30;
	s4 =	simm.s32 $0x1;
	v12 =	vld [tilespmem:s25+$0xFFFFFFF0];
	p1 =	por !p1, !p1;
	v5 =	vmov s11  }
0x414: {  	s31 =	simm.s32 $0x10;
	s22 =	sshrl.u32 s22, $0x4;
	s4 =	simm.s32 @!p1 $0x0;
	vm4 =	veq.s32 v10, v5;
	v10 =	vld [tilespmem:s25+$0x0]  }
0x415: {  	v13 =	vor.u32 s29, v2;
	v14 =	vor.u32 s30, v2;
	v15 =	vor.u32 s31, v2;
	s5 =	ssub.s32 s22, s4;
	s4 =	simm.s32 $0x0  }
0x416: {  	vm3 =	vlt.s32 v15, v4;
	vm1 =	vlt.s32 v13, v4;
	s2 =	sadd.f32 s6, s2;
	s5 =	sshll.u32 s5, $0x6;
	v9 =	vor.u32 s4, v2  }
0x417: {  	vm0 =	vlt.s32 v14, v4;
	v8 =	vimm.s32 $0x0;
	s5 =	sshra.s32 s5, $0x2;
	vm2 =	vlt.s32 v9, v4  }
0x418: {  	s2 =	ssub.f32 s2, s10;
	s13 =	simm.s32 $0x1A760;
	s11 =	simm.s32 $0x0;
	v9 =	vld [tilespmem:s5+$0x19700];
	vm5 =	vmand vm2, vm4;
	vm4 =	veq.s32 v12, v5;
	vm2 =	veq.s32 v11, v5  }
.LBB2_56:
0x419: {  	v11 =	vld [tilespmem:s13+$0x10];
	v12 =	vsel vm5, $0x1, v1;
	vm3 =	vmand vm3, vm4;
	vm4 =	veq.s32 v10, v5  }
0x41a: {  	s11 =	sadd.s32 $0x4, s11;
	v13 =	vld [tilespmem:s13+$0xFFFFFFE0];
	v8 =	vadd.s32 v12, v8;
	v10 =	vsel vm3, $0x1, v1;
	vm1 =	vmand vm1, vm4  }
0x41b: {  	vm0 =	vmand vm0, vm2;
	s4 =	sadd.s32 $0x40, s4;
	p1 =	slt.u32 s11, $0x7C;
	v12 =	vld [tilespmem:s13+$0xFFFFFFF0];
	v8 =	vadd.s32 v10, v8;
	v14 =	vsel vm1, $0x1, v1  }
.Ltmp32:
0x41c: {  	v15 =	vor.u32 s4, v2;
	s5 =	sadd.s32 $0x20, s4;
	s6 =	sadd.s32 $0x30, s4;
	v10 =	vld [tilespmem:s13+$0x0];
	v8 =	vadd.s32 v14, v8;
	v14 =	vsel vm0, $0x1, v1;
	(pc) =	sbr.rel @p1 .LBB2_56-.Ltmp32, $4  }
0x41d: {  	s10 =	sadd.s32 $0x10, s4;
	v16 =	vor.u32 s5, v2;
	v17 =	vor.u32 s6, v2;
	v8 =	vadd.s32 v14, v8  }
0x41e: {  	vm2 =	vlt.s32 v15, v4;
	vm0 =	vlt.s32 v17, v4;
	v14 =	vor.u32 s10, v2  }
0x41f: {  	vm1 =	vlt.s32 v16, v4;
	vm3 =	vlt.s32 v14, v4;
	vm4 =	veq.s32 v13, v5  }
0x420: {  	s13 =	sadd.s32 $0x40, s13;
	vm5 =	vmand vm2, vm4;
	vm4 =	veq.s32 v12, v5;
	vm2 =	veq.s32 v11, v5  }
0x421: {  	s1 =	sand.u32 $0xF, s1  }
0x422: {  	v11 =	vmov s1  }
0x423: {  	vm6 =	veq.s32 v11, v2  }
0x424: {  	v9 =	vnsel vm6, $0x0, v9  }
0x425: {  	(xrf2) =	vadd.scan.msk.f32 $0xffff, v9;
	_ =	sdelay $0x6  }
0x426: {  	v57 =	vxor.u32 $0x7FFFFFFF, v5;
	vm14 =	vlt.s32 v5, $0x0  }
0x427: {  	v9 =	vsel vm14, v57, v5  }
0x428: {  	v7 =	vsub.f32 v9, v7  }
0x429: {  	v58, _, _ =	vpop (xrf2)  }
0x42a: {  	v7 =	vmul.f32 $1.442695020e+00, v7;
	(v2sf) =	vpush v58, $0xF;
	_ =	sdelay $0x1  }
0x42b: {  	(erf) = vpow2.f32 v7;
	_ =	sdelay $0x8  }
0x42c: {  	v7 =	vpop (erf)  }
0x42d: {  	(erf) = vrcp.f32 v7;
	_ =	sdelay $0x2  }
0x42e: {  	s31 =	spop (v2sf)  }
0x42f: {  	s0 =	ssub.f32 s0, s31;
	_ =	sdelay $0x1  }
0x430: {  	v59 =	vsel vm5, $0x1, v1;
	vm3 =	vmand vm3, vm4;
	s0 =	smov.u32 @p0 s2  }
0x431: {  	vm15 =	veq.s32 v10, v5;
	v61 =	vsel vm3, $0x1, v1;
	v7 =	vmov s0  }
0x432: {  	vm1 =	vmand vm1, vm15;
	v6 =	vsub.f32 v6, v7;
	v7 =	vadd.s32 v59, v8  }
0x433: {  	vm0 =	vmand vm0, vm2;
	v62 =	vsel vm1, $0x1, v1;
	v60 =	vpop (erf);
	v7 =	vadd.s32 v61, v7  }
0x434: {  	v63 =	vsel vm0, $0x1, v1;
	v6 =	vmul.f32 v6, v60;
	v7 =	vadd.s32 v62, v7  }
0x435: {  	v7 =	vadd.s32 v63, v7  }
0x436: {  	v6 =	vtrunc.f32 v6;
	(xrf0) =	vadd.scan.msk.s32 $0xffff, v7  }
0x437: {  	v6 =	vcvt.f32.s32 v6;
	_ =	sdelay $0x1  }
0x438: {  	v6 =	vadd.s32 $0x80000001, v6;
	_ =	sdelay $0x2  }
0x439: {  	(xrf0) =	vmax.scan.msk.u32 $0xffff, v6;
	v6, _, _ =	vpop (xrf0)  }
0x43a: {  	(v2sf) =	vpush v6, $0xF;
	_ =	sdelay $0x4  }
0x43b: {  	v6, _, _ =	vpop (xrf0)  }
0x43c: {  	(v2sf) =	vpush v6, $0xF;
	_ =	sdelay $0x8  }
0x43d: {  	s1 =	spop (v2sf)  }
0x43e: {  	p0 =	slt.s32 s1, $0x1  }
.Ltmp33:
0x43f: {  	_ = 	snop;
	(pc) =	sbr.rel @p0 .LBB2_65-.Ltmp33, $2  }
0x440: {  	_ =	sdelay $0x2  }
0x441: {  	s11 =	simm.s32 $0xFFFFFFFF;
	s0 =	spop (v2sf)  }
0x442: {  	s0 =	sxor.u32 $0x80000000, s0  }
0x443: {  	p0 =	sgt.s32 s0, $0x1  }
0x444: {  	s0 =	simm.s32 @!p0 $0x1  }
0x445: {  	p0 =	slt.s32 s1, s0  }
0x446: {  	s2 =	simm.s32 $0x0;
	s0 =	smov.u32 @p0 s1;
	s1 =	simm.s32 $0x0  }
.LBB2_59:
0x447: {  	s5 =	simm.s32 $0x1AF20  }
0x448: {  	s4 =	simm.s32 $0x1A720;
	v6 =	vld [tilespmem:s5+$0x10]  }
0x449: {  	v11 =	vld [tilespmem:s4+$0xFFFFFFE0]  }
0x44a: {  	v12 =	vld [tilespmem:s5+$0xFFFFFFE0]  }
0x44b: {  	v13 =	vld [tilespmem:s4+$0xFFFFFFF0]  }
0x44c: {  	v7 =	vmov s11;
	v10 =	vimm.s32 $0x186A0;
	s6 =	simm.s32 $0x30;
	s10 =	simm.s32 $0x10;
	v8 =	vld [tilespmem:s5+$0x0]  }
0x44d: {  	v14 =	vor.u32 s1, v2;
	s31 =	simm.s32 $0x20;
	v15 =	vor.u32 s6, v2;
	v9 =	vld [tilespmem:s5+$0xFFFFFFF0];
	v16 =	vor.u32 s10, v2  }
0x44e: {  	v17 =	vor.u32 s31, v2;
	vm1 =	vlt.s32 v14, v4;
	v14 =	vld [tilespmem:s4+$0x0];
	vm0 =	vlt.s32 v15, v4  }
0x44f: {  	vm4 =	vlt.s32 v16, v4;
	vm2 =	vlt.s32 v17, v4;
	vm3 =	veq.s32 v11, v5  }
0x450: {  	vm5 =	vgt.s32 v12, v7;
	vm6 =	veq.s32 v13, v5;
	v11 =	vld [tilespmem:s4+$0x10];
	vm3 =	vmand vm1, vm3  }
0x451: {  	vm1 =	vgt.s32 v6, v7;
	vm5 =	vmand vm3, vm5;
	vm3 =	vgt.s32 v8, v7  }
0x452: {  	v12 =	vnsel vm5, $0x186A0, v12;
	vm5 =	vmand vm4, vm6;
	vm6 =	vgt.s32 v9, v7  }
0x453: {  	s25 =	simm.s32 $0x0;
	s26 =	simm.s32 $0x1AF60;
	s28 =	simm.s32 $0x0;
	vm4 =	vlt.s32 v10, v12;
	vm5 =	vmand vm5, vm6;
	vm6 =	veq.s32 v14, v5  }
.LBB2_60:
0x454: {  	v13 =	vld [tilespmem:s26+$0x10];
	v10 =	vsel vm4, v10, v12;
	v9 =	vnsel vm5, $0x186A0, v9;
	vm2 =	vmand vm2, vm6  }
0x455: {  	s4 =	sadd.s32 $0x40, s4;
	v12 =	vld [tilespmem:s26+$0x0];
	vm4 =	vlt.s32 v10, v9;
	vm2 =	vmand vm2, vm3;
	vm3 =	veq.s32 v11, v5  }
0x456: {  	s25 =	sadd.s32 $0x4, s25;
	s28 =	sadd.s32 $0x40, s28;
	v11 =	vld [tilespmem:s4+$0xFFFFFFE0];
	v9 =	vsel vm4, v10, v9;
	v8 =	vnsel vm2, $0x186A0, v8;
	vm0 =	vmand vm0, vm3  }
0x457: {  	s5 =	sadd.s32 $0x30, s28;
	p0 =	slt.u32 s25, $0x7C;
	v10 =	vor.u32 s28, v2;
	v14 =	vld [tilespmem:s26+$0xFFFFFFE0];
	vm2 =	vlt.s32 v9, v8;
	vm0 =	vmand vm0, vm1  }
0x458: {  	s6 =	sadd.s32 $0x10, s28;
	s10 =	sadd.s32 $0x20, s28;
	v16 =	vor.u32 s5, v2;
	v15 =	vld [tilespmem:s4+$0xFFFFFFF0];
	v20 =	vsel vm2, v9, v8;
	v17 =	vnsel vm0, $0x186A0, v6  }
0x459: {  	v18 =	vor.u32 s6, v2;
	v19 =	vor.u32 s10, v2;
	v9 =	vld [tilespmem:s26+$0xFFFFFFF0];
	vm1 =	vlt.s32 v20, v17;
	v6 =	vmovc v13  }
0x45a: {  	vm3 =	vlt.s32 v10, v4;
	vm0 =	vlt.s32 v16, v4;
	v13 =	vld [tilespmem:s4+$0x0];
	v10 =	vsel vm1, v20, v17;
	v8 =	vmovc v12  }
.Ltmp34:
0x45b: {  	vm4 =	vlt.s32 v18, v4;
	vm2 =	vlt.s32 v19, v4;
	vm1 =	veq.s32 v11, v5;
	(pc) =	sbr.rel @p0 .LBB2_60-.Ltmp34, $4  }
0x45c: {  	vm3 =	vmand vm3, vm1;
	vm5 =	vgt.s32 v14, v7;
	v11 =	vld [tilespmem:s4+$0x10];
	vm1 =	vgt.s32 v6, v7  }
0x45d: {  	vm5 =	vmand vm3, vm5;
	vm6 =	veq.s32 v15, v5;
	vm3 =	vgt.s32 v8, v7  }
0x45e: {  	v12 =	vnsel vm5, $0x186A0, v14;
	vm5 =	vmand vm4, vm6;
	vm6 =	vgt.s32 v9, v7  }
0x45f: {  	s26 =	sadd.s32 $0x40, s26;
	vm4 =	vlt.s32 v10, v12;
	vm5 =	vmand vm5, vm6;
	vm6 =	veq.s32 v13, v5  }
0x460: {  	v7 =	vsel vm4, v10, v12;
	v9 =	vnsel vm5, $0x186A0, v9;
	vm2 =	vmand vm2, vm6  }
0x461: {  	vm4 =	vlt.s32 v7, v9;
	vm2 =	vmand vm2, vm3;
	vm15 =	veq.s32 v11, v5  }
0x462: {  	v7 =	vsel vm4, v7, v9;
	v8 =	vnsel vm2, $0x186A0, v8;
	vm0 =	vmand vm0, vm15  }
0x463: {  	vm2 =	vlt.s32 v7, v8;
	vm0 =	vmand vm0, vm1  }
0x464: {  	v7 =	vsel vm2, v7, v8;
	v6 =	vnsel vm0, $0x186A0, v6  }
0x465: {  	vm0 =	vlt.s32 v7, v6  }
0x466: {  	v6 =	vsel vm0, v7, v6  }
0x467: {  	v6 =	vxor.u32 $0x80000000, v6  }
0x468: {  	(xrf0) =	vmin.scan.msk.u32 $0xffff, v6;
	_ =	sdelay $0x5  }
0x469: {  	v6, _, _ =	vpop (xrf0)  }
0x46a: {  	(v2sf) =	vpush v6, $0xF;
	_ =	sdelay $0x9  }
0x46b: {  	s2 =	sadd.s32 $0x1, s2  }
0x46c: {  	p0 =	seq.s32 s2, s0  }
.Ltmp35:
0x46d: {  	_ = 	snop;
	(pc) =	sbr.rel @!p0 .LBB2_59-.Ltmp35, $3  }
0x46e: {  	_ =	sdelay $0x1  }
0x46f: {  	s4 =	spop (v2sf)  }
0x470: {  	s11 =	sxor.u32 $0x80000000, s4  }
.LBB2_65:
0x471: {  	s0 =	simm.s32 $0x1A720  }
0x472: {  	s1 =	simm.s32 $0x1AF20;
	v11 =	vld [tilespmem:s0+$0xFFFFFFE0]  }
0x473: {  	v19 =	vld [tilespmem:s1+$0xFFFFFFE0]  }
0x474: {  	v12 =	vld [tilespmem:s0+$0xFFFFFFF0]  }
0x475: {  	v6 =	vmov s11;
	s2 =	simm.s32 $0x0;
	v10 =	vimm.s32 $0x0;
	s25 =	simm.s32 $0x20;
	s4 =	simm.s32 $0x30;
	v20 =	vld [tilespmem:s1+$0xFFFFFFF0]  }
0x476: {  	s22 =	simm.s32 $0x10;
	v13 =	vld [tilespmem:s0+$0x0];
	v7 =	vor.u32 s2, v2;
	v9 =	vor.u32 s25, v2;
	v14 =	vor.u32 s4, v2  }
0x477: {  	v17 =	vld [tilespmem:s0+$0x10];
	vm0 =	vlt.s32 v7, v4;
	v7 =	vor.u32 s22, v2;
	vm6 =	vlt.s32 v9, v4  }
0x478: {  	v8 =	vld [tilespmem:s1+$0x0];
	vm7 =	vlt.s32 v14, v4;
	vm2 =	vlt.s32 v7, v4;
	v15 =	vxor.u32 $0x7FFFFFFF, v11  }
0x479: {  	vm1 =	vlt.s32 v11, $0x0;
	vm3 =	vgt.s32 v11, v5;
	vm4 =	veq.s32 v11, v5  }
0x47a: {  	v7 =	vld [tilespmem:s1+$0x10];
	vm5 =	vge.s32 v19, v6;
	vm8 =	vge.s32 v20, v6;
	vm9 =	vgt.s32 v12, v5  }
0x47b: {  	v28 =	vxor.u32 $0x7FFFFFFF, v12;
	v29 =	vxor.u32 $0x7FFFFFFF, v13;
	vm4 =	vmand vm4, vm5  }
0x47c: {  	v30 =	vxor.u32 $0x7FFFFFFF, v17;
	vm5 =	veq.s32 v12, v5;
	vm3 =	vmor vm3, vm4  }
0x47d: {  	vm4 =	veq.s32 v13, v5;
	vm5 =	vmand vm5, vm8;
	vm8 =	vge.s32 v8, v6  }
0x47e: {  	v31 =	vsel vm1, v15, v11;
	vm8 =	vmand vm4, vm8;
	vm4 =	vmand vm0, vm3  }
0x47f: {  	vm0 =	veq.s32 v17, v5;
	vm3 =	vmor vm9, vm5;
	vm5 =	vge.s32 v7, v6  }
0x480: {  	vm1 =	vlt.s32 v17, $0x0;
	vm0 =	vmand vm0, vm5;
	vm5 =	vgt.s32 v13, v5  }
0x481: {  	s28 =	simm.s32 $0x1AF60;
	vm3 =	vmand vm2, vm3;
	vm2 =	vgt.s32 v17, v5;
	v9 =	vmpcnt.ones.xlane vm4  }
0x482: {  	v11 =	vld [tilespmem:s28+$0xFFFFFFF0];
	v18 =	vsel vm4, $0x1, v1;
	v17 =	vsel vm1, v30, v17;
	vm5 =	vmor vm5, vm8  }
0x483: {  	v14 =	vmpcnt.ones.xlane vm3;
	vm0 =	vmor vm2, vm0;
	v22 =	vsel vm3, $0x1, v1  }
0x484: {  	(xrf0) =	vadd.scan.msk.s32 $0xffff, v18;
	v18 =	vsel vm4, $0xFFFFFFFF, v1;
	vm2 =	vlt.s32 v12, $0x0;
	vm5 =	vmand vm6, vm5  }
0x485: {  	v9 =	vadd.s32 v10, v9;
	vm0 =	vmand vm7, vm0;
	(xrf0) =	vadd.scan.msk.s32 $0xffff, v22;
	v22 =	vsel vm3, $0xFFFFFFFF, v1  }
0x486: {  	vm6 =	vlt.s32 v13, $0x0;
	v28 =	vsel vm2, v28, v12;
	v16 =	vmpcnt.ones.xlane vm5  }
0x487: {  	s0 =	simm.s32 $0x1A760;
	vm8 =	vge.s32 v11, v6;
	v21 =	vadd.s32 v9, v14;
	v22 =	vadd.s32 v22, v9;
	v9 =	vld [tilespmem:s28+$0xFFFFFFE0]  }
0x488: {  	v14 =	vmpcnt.ones.xlane vm0;
	v23 =	vsel vm5, $0x1, v1;
	v24 =	vadd.s32 v21, v16;
	v16 =	vld [tilespmem:s0+$0xFFFFFFE0]  }
0x489: {  	v12 =	vld [tilespmem:s28+$0x0];
	v25 =	vsel vm0, $0x1, v1;
	v26 =	vsel vm5, $0xFFFFFFFF, v1;
	v27 =	vsel vm0, $0xFFFFFFFF, v1  }
0x48a: {  	vm9 =	vmmov vm5;
	v21 =	vadd.s32 v26, v21;
	v26 =	vadd.s32 v18, v10;
	v18 =	vld [tilespmem:s0+$0xFFFFFFF0];
	v15, _, _ =	vpop (xrf0)  }
0x48b: {  	s29 =	simm.s32 $0x40;
	vm5 =	vmmov vm0;
	v29 =	vsel vm6, v29, v13;
	v10 =	vld [tilespmem:s0+$0x0];
	v26 =	vadd.s32 v15, v26;
	v15, _, _ =	vpop (xrf0)  }
0x48c: {  	v13 =	vld [tilespmem:s0+$0x10];
	v14 =	vadd.s32 v24, v14;
	(xrf0) =	vadd.scan.msk.s32 $0xffff, v23;
	v22 =	vadd.s32 v15, v22;
	v15 =	vor.u32 s29, v2  }
0x48d: {  	s26 =	simm.s32 $0x50;
	vm6 =	vge.s32 v9, v6;
	vm1 =	vlt.s32 v15, v4;
	v15 =	vld [tilespmem:s28+$0x10];
	vm2 =	veq.s32 v16, v5  }
0x48e: {  	v23 =	vor.u32 s26, v2;
	vm7 =	vgt.s32 v16, v5;
	vm2 =	vmand vm2, vm6  }
0x48f: {  	vm0 =	vgt.s32 v18, v5;
	vm6 =	veq.s32 v18, v5;
	vm2 =	vmor vm7, vm2  }
0x490: {  	vm7 =	veq.s32 v10, v5;
	vm6 =	vmand vm6, vm8;
	vm8 =	vge.s32 v12, v6  }
0x491: {  	vm7 =	vmand vm7, vm8;
	vm8 =	vmand vm1, vm2;
	vm2 =	veq.s32 v13, v5;
	[tilespmem:v26+s20+$0x0] =	vst.idx.msk vm4, v31  }
0x492: {  	vm6 =	vmor vm0, vm6;
	v63, _, _ =	vpop (xrf0);
	[tilespmem:v26+s21+$0x0] =	vst.idx.msk vm4, v19;
	v19 =	vadd.s32 v27, v24;
	vm0 =	vge.s32 v15, v6  }
0x493: {  	s30 =	simm.s32 $0x60;
	v21 =	vadd.s32 v63, v21;
	vm0 =	vmand vm2, vm0;
	vm2 =	vlt.s32 v23, v4  }
0x494: {  	v23 =	vor.u32 s30, v2;
	vm2 =	vmand vm2, vm6;
	vm6 =	vgt.s32 v10, v5  }
0x495: {  	s31 =	simm.s32 $0x70;
	(xrf0) =	vadd.scan.msk.s32 $0xffff, v25;
	[tilespmem:v22+s20+$0x0] =	vst.idx.msk vm3, v28;
	vm4 =	vmor vm6, vm7;
	vm6 =	vlt.s32 v23, v4  }
0x496: {  	[tilespmem:v22+s21+$0x0] =	vst.idx.msk vm3, v20;
	v20 =	vxor.u32 $0x7FFFFFFF, v16;
	v23 =	vor.u32 s31, v2;
	vm6 =	vmand vm6, vm4  }
0x497: {  	vm4 =	vgt.s32 v13, v5;
	vm7 =	vlt.s32 v23, v4;
	v23 =	vmpcnt.ones.xlane vm8  }
0x498: {  	vm3 =	vlt.s32 v16, $0x0;
	v24 =	vmpcnt.ones.xlane vm2;
	vm4 =	vmor vm4, vm0  }
0x499: {  	[tilespmem:v21+s20+$0x0] =	vst.idx.msk vm9, v29;
	v25 =	vmpcnt.ones.xlane vm6;
	vm7 =	vmand vm7, vm4;
	v22 =	vadd.s32 v14, v23  }
0x49a: {  	[tilespmem:v21+s21+$0x0] =	vst.idx.msk vm9, v8;
	v8 =	vsel vm8, $0x1, v1;
	v23 =	vadd.s32 v22, v24;
	v28 =	vmpcnt.ones.xlane vm7  }
0x49b: {  	s25 =	simm.s32 $0x0;
	v29 =	vsel vm2, $0x1, v1;
	v27 =	vsel vm6, $0x1, v1;
	(xrf0) =	vadd.scan.msk.s32 $0xffff, v8;
	v24 =	vadd.s32 v23, v25  }
0x49c: {  	s2 =	simm.s32 $0x4;
	s1 =	simm.s32 $0x20;
	s26 =	simm.s32 $0x30;
	v21, _, _ =	vpop (xrf0);
	v26 =	vsel vm7, $0x1, v1;
	v25 =	vsel vm8, $0xFFFFFFFF, v1;
	(xrf0) =	vadd.scan.msk.s32 $0xffff, v29;
	v8 =	vadd.s32 v24, v28  }
.LBB2_66:
0x49d: {  	v28 =	vsel vm2, $0xFFFFFFFF, v1;
	v29 =	vsel vm6, $0xFFFFFFFF, v1;
	v30 =	vsel vm7, $0xFFFFFFFF, v1  }
0x49e: {  	(xrf0) =	vadd.scan.msk.s32 $0xffff, v27;
	vm0 =	vmmov vm6;
	v27 =	vimm.s32 $0x0;
	vm1 =	vmmov vm7  }
0x49f: {  	v25 =	vadd.s32 v25, v14;
	vm6 =	vlt.s32 v18, $0x0;
	vm7 =	vlt.s32 v10, $0x0  }
0x4a0: {  	s0 =	sadd.s32 $0x40, s0;
	v60 =	vxor.u32 $0x7FFFFFFF, v13;
	v32 =	vsel vm3, v20, v16;
	vm3 =	vlt.s32 v13, $0x0  }
0x4a1: {  	v33 =	vadd.s32 v21, v19;
	v27 =	vsel vm0, $0xFFFFFFFF, v27;
	vm0 =	vmmov vm5;
	(xrf0) =	vadd.scan.msk.s32 $0xffff, v26;
	v26 =	vld [tilespmem:s0+$0xFFFFFFE0]  }
0x4a2: {  	s28 =	sadd.s32 $0x40, s28;
	v35 =	vimm.s32 $0x0;
	v63 =	vimm.s32 $0x0;
	[tilespmem:$0x1FFD0] =	vst v27;
	v27 =	vimm.s32 $0x0;
	v16, _, _ =	vpop (xrf0)  }
0x4a3: {  	v22 =	vadd.s32 v28, v22;
	v28 =	vld [tilespmem:s28+$0xFFFFFFE0];
	v27 =	vsel vm0, $0xFFFFFFFF, v27;
	v25 =	vadd.s32 v16, v25;
	v16, _, _ =	vpop (xrf0)  }
0x4a4: {  	v23 =	vadd.s32 v29, v23;
	v62 =	vld [tilespmem:s28+$0x10];
	[tilespmem:$0x1FFF0] =	vst v27;
	v27 =	vimm.s32 $0x0;
	v22 =	vadd.s32 v16, v22  }
0x4a5: {  	s29 =	sadd.s32 $0x40, s29;
	v24 =	vadd.s32 v30, v24;
	v29 =	vxor.u32 $0x7FFFFFFF, v10;
	v31 =	vld [tilespmem:s0+$0xFFFFFFF0];
	v27 =	vsel vm1, $0xFFFFFFFF, v27  }
0x4a6: {  	v30 =	vsel vm3, v60, v13;
	s4 =	sadd.s32 $0x10, s29;
	v29 =	vsel vm7, v29, v10;
	v19 =	vmovc v24;
	v24 =	vld [tilespmem:s28+$0xFFFFFFF0];
	[tilespmem:$0x1FFB0] =	vst v27;
	vm1 =	vlt.s32 v26, $0x0  }
0x4a7: {  	v13 =	vld [tilespmem:s0+$0x10];
	v37 =	vor.u32 s4, v2;
	v27 =	vxor.u32 $0x7FFFFFFF, v18;
	v34 =	vsel vm1, $0xFFFFFFFF, v35;
	[tilespmem:v33+s20+$0x0] =	vst.idx.msk vm0, v17  }
0x4a8: {  	s5 =	sadd.s32 $0x30, s29;
	vm7 =	vlt.s32 v37, v4;
	v16, _, _ =	vpop (xrf0);
	vm15 =	vge.s32 v28, v6;
	v27 =	vsel vm6, v27, v18;
	[tilespmem:$0x1FFC0] =	vst v34  }
0x4a9: {  	s31 =	sadd.s32 $0x20, s29;
	v36 =	vor.u32 s5, v2;
	vm5 =	vge.s32 v62, v6;
	v23 =	vadd.s32 v16, v23;
	[tilespmem:v22+s20+$0x0] =	vst.idx.msk vm2, v27  }
0x4aa: {  	v20 =	vxor.u32 $0x7FFFFFFF, v26;
	v16 =	vmovc v26;
	v26 =	vor.u32 s31, v2;
	vm0 =	vlt.s32 v36, v4;
	[tilespmem:v22+s21+$0x0] =	vst.idx.msk vm2, v11;
	v22 =	vld [tilespmem:$0x1FFC0]  }
0x4ab: {  	v61 =	vld [tilespmem:s28+$0x0];
	v18 =	vmovc v31;
	vm3 =	vge.s32 v24, v6;
	vm9 =	vlt.s32 v26, v4;
	v26 =	vsel vm0, $0xFFFFFFFF, v63  }
0x4ac: {  	v10 =	vld [tilespmem:s0+$0x0];
	vm12 =	vgt.s32 v18, v5;
	vm14 =	veq.s32 v16, v5;
	vm0 =	veq.s32 v18, v5  }
0x4ad: {  	vm14 =	vmand vm14, vm15;
	vm15 =	veq.s32 v13, v5;
	vm0 =	vmand vm0, vm3  }
0x4ae: {  	vm10 =	vgt.s32 v13, v5;
	vm0 =	vmor vm12, vm0;
	vm3 =	vmand vm15, vm5  }
0x4af: {  	vm2 =	vmand vm7, vm0;
	vm0 =	vmor vm10, vm3;
	vm3 =	vnez.u8 v22;
	v22 =	vld [tilespmem:$0x1FFD0];
	_ =	sdelay $0x1  }
0x4b0: {  	v38 =	vor.u32 s29, v2;
	vm4 =	veq.s32 v10, v5;
	vm1 =	vge.s32 v61, v6  }
0x4b1: {  	vm13 =	vgt.s32 v10, v5;
	vm11 =	vgt.s32 v16, v5;
	vm1 =	vmand vm4, vm1;
	[tilespmem:v25+s20+$0x0] =	vst.idx.msk vm8, v32  }
0x4b2: {  	vm6 =	vlt.s32 v38, v4;
	vm1 =	vmor vm13, vm1;
	vm11 =	vmor vm11, vm14;
	[tilespmem:v25+s21+$0x0] =	vst.idx.msk vm8, v9;
	v25 =	vld [tilespmem:$0x1FFB0]  }
0x4b3: {  	vm8 =	vmand vm6, vm11;
	vm6 =	vmand vm9, vm1;
	vm1 =	vnez.u8 v22;
	_ =	sdelay $0x3  }
0x4b4: {  	vm5 =	vnez.u8 v25;
	v25 =	vmpcnt.ones.xlane vm8  }
0x4b5: {  	[tilespmem:$0x1FFE0] =	vst v26;
	v11 =	vmov v24;
	v24 =	vmpcnt.ones.xlane vm2  }
0x4b6: {  	v22 =	vadd.s32 v8, v25;
	v25 =	vld [tilespmem:$0x1FFE0];
	[tilespmem:v23+s20+$0x0] =	vst.idx.msk vm1, v29  }
0x4b7: {  	[tilespmem:v23+s21+$0x0] =	vst.idx.msk vm1, v12;
	v23 =	vadd.s32 v22, v24;
	v24 =	vld [tilespmem:$0x1FFF0];
	_ =	sdelay $0x3  }
0x4b8: {  	vm4 =	vnez.u8 v25  }
0x4b9: {  	s2 =	sadd.s32 $0x4, s2;
	vm7 =	vmand vm4, vm0;
	vm0 =	vnez.u8 v24  }
0x4ba: {  	p0 =	slt.u32 s2, $0x7C  }
.Ltmp36:
0x4bb: {  	_ = 	snop;
	(pc) =	sbr.rel @p0 .LBB2_66-.Ltmp36, $4  }
0x4bc: {  	v14 =	vmov v8;
	v21, _, _ =	vpop (xrf0);
	v27 =	vsel vm6, $0x1, v1;
	v8 =	vmpcnt.ones.xlane vm6  }
0x4bd: {  	v17 =	vmovc v30;
	v9 =	vmovc v28;
	v25 =	vsel vm8, $0x1, v1;
	v29 =	vsel vm2, $0x1, v1;
	v28 =	vmpcnt.ones.xlane vm7  }
0x4be: {  	(xrf0) =	vadd.scan.msk.s32 $0xffff, v25;
	v25 =	vsel vm8, $0xFFFFFFFF, v1;
	v12 =	vmovc v61;
	v26 =	vsel vm7, $0x1, v1;
	v24 =	vadd.s32 v23, v8  }
0x4bf: {  	(xrf0) =	vadd.scan.msk.s32 $0xffff, v29;
	v8 =	vadd.s32 v24, v28;
	[tilespmem:v33+s21+$0x0] =	vst.idx.msk vm0, v7;
	v7 =	vmovc v15;
	v15 =	vmov v62  }
0x4c0: {  	_ =	sdelay $0x1  }
0x4c1: {  	(xrf0) =	vadd.scan.msk.s32 $0xffff, v27  }
0x4c2: {  	v19 =	vadd.s32 v21, v19  }
0x4c3: {  	v4 =	vadd.s32 v25, v14;
	v14, _, _ =	vpop (xrf0);
	(xrf0) =	vadd.scan.msk.s32 $0xffff, v26  }
0x4c4: {  	v54 =	vsel vm2, $0xFFFFFFFF, v1;
	v4 =	vadd.s32 v14, v4  }
0x4c5: {  	v14 =	vadd.s32 v54, v22;
	v55, _, _ =	vpop (xrf0)  }
0x4c6: {  	v56 =	vsel vm6, $0xFFFFFFFF, v1;
	v14 =	vadd.s32 v55, v14  }
0x4c7: {  	v59 =	vsel vm7, $0xFFFFFFFF, v1;
	v16 =	vsel vm3, v20, v16;
	v57 =	vadd.s32 v56, v23;
	[tilespmem:v19+s20+$0x0] =	vst.idx.msk vm5, v17;
	v58, _, _ =	vpop (xrf0)  }
0x4c8: {  	vm3 =	vmmov vm7;
	vm4 =	vlt.s32 v18, $0x0;
	[tilespmem:v19+s21+$0x0] =	vst.idx.msk vm5, v7;
	v60 =	vadd.s32 v58, v57  }
0x4c9: {  	vm3 =	vmmov vm3;
	v17 =	vxor.u32 $0x7FFFFFFF, v18;
	[tilespmem:v4+s20+$0x0] =	vst.idx.msk vm8, v16;
	v16 =	vadd.s32 v59, v24;
	v61, _, _ =	vpop (xrf0)  }
0x4ca: {  	v17 =	vsel vm4, v17, v18;
	[tilespmem:v4+s21+$0x0] =	vst.idx.msk vm8, v9;
	v9 =	vadd.s32 v61, v16  }
0x4cb: {  	vm10 =	vlt.s32 v10, $0x0;
	v4 =	vxor.u32 $0x7FFFFFFF, v10;
	[tilespmem:v14+s20+$0x0] =	vst.idx.msk vm2, v17  }
0x4cc: {  	v4 =	vsel vm10, v4, v10;
	[tilespmem:v14+s21+$0x0] =	vst.idx.msk vm2, v11  }
0x4cd: {  	vm2 =	vlt.s32 v13, $0x0;
	[tilespmem:v60+s20+$0x0] =	vst.idx.msk vm6, v4;
	v4 =	vxor.u32 $0x7FFFFFFF, v13  }
0x4ce: {  	[tilespmem:v60+s21+$0x0] =	vst.idx.msk vm6, v12;
	v4 =	vsel vm2, v4, v13  }
0x4cf: {  	[tilespmem:v9+s20+$0x0] =	vst.idx.msk vm3, v4  }
0x4d0: {  	[tilespmem:v9+s21+$0x0] =	vst.idx.msk vm3, v15  }
0x4d1: {  	v12 =	vld [tilespmem:s1+$0x10]  }
0x4d2: {  	v9 =	vld [tilespmem:s1+$0xFFFFFFE0]  }
0x4d3: {  	v10 =	vld [tilespmem:s1+$0xFFFFFFF0]  }
0x4d4: {  	vm0 =	vmmov vm5;
	vm1 =	vmmov vm6;
	s0 =	simm.s32 $0x0;
	s2 =	simm.s32 $0x10;
	v14 =	vor.u32 s26, v2  }
0x4d5: {  	s30 =	simm.s32 $0x0;
	v7 =	vor.u32 s0, v2;
	vm0 =	vge.s32 v14, v8;
	v4 =	vor.u32 s2, v2;
	v11 =	vld [tilespmem:s1+$0x0]  }
0x4d6: {  	s0 =	sand.u32 $0xFFFFFF80, s30;
	v15 =	vand.u32 $0x7F, v14;
	vm3 =	vge.s32 v14, v6;
	vm12 =	vge.s32 v4, v6  }
0x4d7: {  	v15 =	vor.u32 s0, v15;
	v13 =	vxor.u32 $0x7FFFFFFF, v12;
	vm1 =	vlt.s32 v12, $0x0  }
0x4d8: {  	v16 =	vxor.u32 $0x7FFFFFFF, v9;
	v17 =	vxor.u32 $0x7FFFFFFF, v10;
	v13 =	vsel vm1, v13, v12  }
0x4d9: {  	vm1 =	vlt.s32 v9, $0x0;
	vm2 =	veq.s32 v13, v5;
	vm11 =	vgt.s32 v13, v5  }
0x4da: {  	v13 =	vxor.u32 $0x7FFFFFFF, v11;
	v16 =	vsel vm1, v16, v9;
	vm1 =	vlt.s32 v11, $0x0  }
0x4db: {  	vm2 =	vmand vm3, vm2;
	vm3 =	vlt.s32 v10, $0x0;
	v63 =	vsel vm1, v13, v11  }
0x4dc: {  	vm1 =	veq.s32 v16, v5;
	v13 =	vand.u32 $0x4F, v7;
	vm2 =	vmor vm11, vm2  }
0x4dd: {  	s31 =	simm.s32 $0x20;
	v17 =	vsel vm3, v17, v10;
	vm3 =	vge.s32 v7, v6;
	vm13 =	veq.s32 v63, v5  }
0x4de: {  	v62 =	vnsel vm2, $0xFF800000, v12;
	v12 =	vor.u32 s31, v2;
	vm2 =	veq.s32 v17, v5  }
0x4df: {  	vm1 =	vmand vm3, vm1;
	vm3 =	vmand vm12, vm2;
	vm2 =	vge.s32 v12, v6  }
0x4e0: {  	vm14 =	vgt.s32 v16, v5;
	vm15 =	vgt.s32 v17, v5;
	vm5 =	vmand vm2, vm13  }
0x4e1: {  	[tilespmem:v15+s20+$0x0] =	vst.idx.msk vm0, v62;
	vm2 =	vmor vm14, vm1;
	vm1 =	vmor vm15, vm3;
	vm3 =	vgt.s32 v63, v5  }
0x4e2: {  	s1 =	simm.s32 $0x60;
	[tilespmem:v15+s21+$0x0] =	vst.idx.msk vm0, v14;
	v15 =	vand.u32 $0x5F, v4;
	v14 =	vand.u32 $0x6F, v12;
	vm0 =	vmor vm3, vm5  }
.LBB2_68:
0x4e3: {  	v16 =	vld [tilespmem:s1+$0x10];
	v17 =	vnsel vm2, $0xFF800000, v9;
	v18 =	vnsel vm1, $0xFF800000, v10;
	v19 =	vnsel vm0, $0xFF800000, v11  }
0x4e4: {  	vm3 =	vge.s32 v7, v8;
	v13 =	vor.u32 s0, v13;
	vm1 =	vge.s32 v4, v8;
	v9 =	vld [tilespmem:s1+$0xFFFFFFE0]  }
0x4e5: {  	v15 =	vor.u32 s0, v15;
	vm0 =	vge.s32 v12, v8;
	v14 =	vor.u32 s0, v14;
	s26 =	sadd.s32 $0x40, s26;
	v10 =	vld [tilespmem:s1+$0xFFFFFFF0]  }
0x4e6: {  	s25 =	sadd.s32 $0x4, s25;
	s0 =	sadd.s32 $0xFFFFFFD0, s26;
	s2 =	sadd.s32 $0xFFFFFFE0, s26;
	v20 =	vor.u32 s26, v2;
	v11 =	vld [tilespmem:s1+$0x0]  }
0x4e7: {  	p0 =	slt.u32 s25, $0x7C;
	v21 =	vor.u32 s0, v2;
	s0 =	sshll.u32 s25, $0x4;
	v22 =	vor.u32 s2, v2;
	s2 =	sadd.s32 $0xFFFFFFF0, s26;
	vm2 =	vge.s32 v20, v8  }
0x4e8: {  	v24 =	vand.u32 $0x7F, v20;
	s0 =	sand.u32 $0xFFFFFF80, s0;
	v23 =	vxor.u32 $0x7FFFFFFF, v16;
	vm4 =	vlt.s32 v16, $0x0  }
0x4e9: {  	v24 =	vor.u32 s0, v24;
	v25 =	vxor.u32 $0x7FFFFFFF, v9;
	v23 =	vsel vm4, v23, v16  }
0x4ea: {  	vm6 =	vge.s32 v20, v6;
	vm4 =	vlt.s32 v9, $0x0;
	vm5 =	veq.s32 v23, v5;
	[tilespmem:v13+s20+$0x0] =	vst.idx.msk vm3, v17  }
0x4eb: {  	v17 =	vxor.u32 $0x7FFFFFFF, v10;
	vm7 =	vgt.s32 v23, v5;
	vm5 =	vmand vm6, vm5;
	[tilespmem:v13+s21+$0x0] =	vst.idx.msk vm3, v7;
	v7 =	vmovc v21  }
0x4ec: {  	vm3 =	vlt.s32 v10, $0x0;
	v13 =	vxor.u32 $0x7FFFFFFF, v11;
	vm5 =	vmor vm7, vm5;
	[tilespmem:v15+s20+$0x0] =	vst.idx.msk vm1, v18  }
0x4ed: {  	v18 =	vsel vm4, v25, v9;
	vm4 =	vlt.s32 v11, $0x0;
	v16 =	vnsel vm5, $0xFF800000, v16;
	[tilespmem:v15+s21+$0x0] =	vst.idx.msk vm1, v4;
	v4 =	vmovc v22  }
0x4ee: {  	v15 =	vsel vm3, v17, v10;
	v17 =	vor.u32 s2, v2;
	v21 =	vsel vm4, v13, v11;
	[tilespmem:v24+s20+$0x0] =	vst.idx.msk vm2, v16  }
0x4ef: {  	vm1 =	veq.s32 v18, v5;
	v13 =	vand.u32 $0x4F, v7;
	vm3 =	veq.s32 v15, v5;
	[tilespmem:v24+s21+$0x0] =	vst.idx.msk vm2, v20  }
.Ltmp37:
0x4f0: {  	vm4 =	vge.s32 v4, v6;
	vm5 =	veq.s32 v21, v5;
	vm2 =	vge.s32 v7, v6;
	(pc) =	sbr.rel @p0 .LBB2_68-.Ltmp37, $4  }
0x4f1: {  	vm3 =	vmand vm4, vm3;
	vm1 =	vmand vm2, vm1;
	vm2 =	vge.s32 v17, v6;
	[tilespmem:v14+s20+$0x0] =	vst.idx.msk vm0, v19  }
0x4f2: {  	vm6 =	vgt.s32 v15, v5;
	vm4 =	vgt.s32 v18, v5;
	vm5 =	vmand vm2, vm5;
	[tilespmem:v14+s21+$0x0] =	vst.idx.msk vm0, v12  }
0x4f3: {  	vm2 =	vmor vm4, vm1;
	vm1 =	vmor vm6, vm3;
	vm0 =	vgt.s32 v21, v5;
	v12 =	vmovc v17  }
0x4f4: {  	s1 =	sadd.s32 $0x40, s1;
	v15 =	vand.u32 $0x5F, v4;
	vm0 =	vmor vm0, vm5;
	v14 =	vand.u32 $0x6F, v12  }
0x4f5: {  	vm3 =	vge.s32 v7, v8  }
0x4f6: {  	v13 =	vor.u32 s0, v13  }
0x4f7: {  	vm4 =	vge.s32 v4, v8  }
0x4f8: {  	v15 =	vor.u32 s0, v15  }
0x4f9: {  	vm5 =	vge.s32 v12, v8  }
0x4fa: {  	v8 =	vnsel vm2, $0xFF800000, v9;
	v9 =	vor.u32 s0, v14  }
0x4fb: {  	[tilespmem:v13+s20+$0x0] =	vst.idx.msk vm3, v8  }
0x4fc: {  	v8 =	vnsel vm1, $0xFF800000, v10;
	[tilespmem:v13+s21+$0x0] =	vst.idx.msk vm3, v7  }
0x4fd: {  	[tilespmem:v15+s20+$0x0] =	vst.idx.msk vm4, v8  }
0x4fe: {  	v7 =	vnsel vm0, $0xFF800000, v11;
	[tilespmem:v15+s21+$0x0] =	vst.idx.msk vm4, v4  }
0x4ff: {  	[tilespmem:v9+s20+$0x0] =	vst.idx.msk vm5, v7  }
0x500: {  	[tilespmem:v9+s21+$0x0] =	vst.idx.msk vm5, v12  }
0x501: {  	v4 =	vld [tilespmem:$0x18680];
	_ =	sdelay $0x4  }
0x502: {  	v7 =	vxor.u32 $0x7FFFFFFF, v4;
	vm0 =	vlt.s32 v4, $0x0  }
0x503: {  	v8 =	vadd.s32 $0x18681, v2;
	v9 =	vor.u32 $0x7E0, v2;
	v7 =	vsel vm0, v7, v4  }
0x504: {  	vm1 =	vlt.s32 v6, v8;
	vm0 =	veq.s32 v7, v5  }
0x505: {  	vm2 =	vgt.s32 v7, v5;
	vm0 =	vmand vm1, vm0  }
0x506: {  	vm0 =	vmor vm2, vm0  }
0x507: {  	v4 =	vnsel vm0, $0xFF800000, v4  }
0x508: {  	[tilespmem:v9+s20+$0x0] =	vst.idx.msk $0xffff, v4;
	v4 =	vor.u32 $0x18680, v2  }
0x509: {  	[tilespmem:v9+s21+$0x0] =	vst.idx.msk $0xffff, v4  }
0x50a: {  	v4 =	vld [tilespmem:$0x18690];
	_ =	sdelay $0x4  }
0x50b: {  	v7 =	vxor.u32 $0x7FFFFFFF, v4;
	vm0 =	vlt.s32 v4, $0x0  }
0x50c: {  	v8 =	vadd.s32 $0x18691, v2;
	v9 =	vor.u32 $0x7F0, v2;
	v7 =	vsel vm0, v7, v4  }
0x50d: {  	vm1 =	vlt.s32 v6, v8;
	vm0 =	veq.s32 v7, v5  }
0x50e: {  	vm2 =	vgt.s32 v7, v5;
	vm0 =	vmand vm1, vm0  }
0x50f: {  	vm0 =	vmor vm2, vm0  }
0x510: {  	v4 =	vnsel vm0, $0xFF800000, v4  }
0x511: {  	[tilespmem:v9+s20+$0x0] =	vst.idx.msk $0xffff, v4;
	v4 =	vor.u32 $0x18690, v2  }
0x512: {  	s0 =	simm.s32 $0x40;
	[tilespmem:v9+s21+$0x0] =	vst.idx.msk $0xffff, v4  }
0x513: {  	v13 =	vld [tilespmem:s0+$0x30]  }
0x514: {  	v11 =	vld [tilespmem:s0+$0xFFFFFFC0]  }
0x515: {  	v12 =	vld [tilespmem:s0+$0xFFFFFFD0]  }
0x516: {  	s25 =	simm.s32 $0x70;
	s1 =	simm.s32 $0x0;
	v4 =	vld [tilespmem:s0+$0xFFFFFFF0]  }
0x517: {  	s2 =	simm.s32 $0x10;
	s4 =	simm.s32 $0x20;
	s5 =	simm.s32 $0x30;
	v16 =	vor.u32 s25, v2;
	v22 =	vor.u32 s1, v2;
	v7 =	vld [tilespmem:s0+$0x0]  }
0x518: {  	s30 =	simm.s32 $0x40;
	s6 =	simm.s32 $0x50;
	s31 =	simm.s32 $0x60;
	v62 =	vor.u32 s2, v2;
	v23 =	vor.u32 s4, v2;
	v24 =	vor.u32 s5, v2;
	v9 =	vld [tilespmem:s0+$0x10]  }
0x519: {  	v25 =	vor.u32 s30, v2;
	v26 =	vor.u32 s6, v2;
	v63 =	vor.u32 s31, v2  }
0x51a: {  	vm10 =	vge.s32 v24, v6;
	vm11 =	vge.s32 v25, v6;
	vm12 =	vge.s32 v26, v6  }
0x51b: {  	vm13 =	vge.s32 v63, v6;
	vm2 =	vge.s32 v16, v6;
	v8 =	vld [tilespmem:s0+$0xFFFFFFE0];
	v10 =	vxor.u32 $0x7FFFFFFF, v13  }
0x51c: {  	vm0 =	vlt.s32 v13, $0x0;
	v14 =	vxor.u32 $0x7FFFFFFF, v11;
	v61 =	vxor.u32 $0x7FFFFFFF, v12  }
0x51d: {  	v17 =	vxor.u32 $0x7FFFFFFF, v4;
	vm4 =	vlt.s32 v7, $0x0;
	v19 =	vxor.u32 $0x7FFFFFFF, v9  }
0x51e: {  	vm5 =	vlt.s32 v9, $0x0;
	v15 =	vsel vm0, v10, v13;
	vm0 =	vlt.s32 v11, $0x0  }
0x51f: {  	v10 =	vld [tilespmem:s0+$0x20];
	v19 =	vsel vm5, v19, v9;
	vm5 =	vge.s32 v62, v6;
	vm1 =	veq.s32 v15, v5  }
0x520: {  	vm3 =	vgt.s32 v15, v5;
	v15 =	vxor.u32 $0x7FFFFFFF, v8;
	v14 =	vsel vm0, v14, v11  }
0x521: {  	vm9 =	veq.s32 v19, v5;
	vm1 =	vmand vm2, vm1;
	vm2 =	vlt.s32 v12, $0x0  }
0x522: {  	vm1 =	vmor vm3, vm1;
	vm3 =	vlt.s32 v8, $0x0;
	v16 =	vsel vm2, v61, v12  }
0x523: {  	v18 =	vnsel vm1, $0xFF800000, v13;
	vm1 =	vlt.s32 v4, $0x0;
	v13 =	vxor.u32 $0x7FFFFFFF, v7  }
0x524: {  	v15 =	vsel vm3, v15, v8;
	vm3 =	veq.s32 v16, v5;
	v20 =	vxor.u32 $0x7FFFFFFF, v10  }
0x525: {  	vm0 =	vlt.s32 v10, $0x0;
	v17 =	vsel vm1, v17, v4;
	v21 =	vsel vm4, v13, v7  }
0x526: {  	vm1 =	veq.s32 v14, v5;
	vm4 =	veq.s32 v15, v5;
	vm6 =	vmand vm5, vm3  }
0x527: {  	v13 =	vsel vm0, v20, v10;
	vm0 =	vge.s32 v22, v6;
	vm7 =	veq.s32 v17, v5  }
0x528: {  	vm8 =	veq.s32 v21, v5;
	vm2 =	vmand vm0, vm1;
	vm0 =	veq.s32 v13, v5  }
0x529: {  	vm1 =	vge.s32 v23, v6;
	vm3 =	vmand vm11, vm8;
	vm11 =	vgt.s32 v14, v5  }
0x52a: {  	vm8 =	vgt.s32 v21, v5;
	vm5 =	vmand vm1, vm4;
	vm4 =	vmand vm10, vm7  }
0x52b: {  	vm1 =	vmand vm12, vm9;
	vm0 =	vmand vm13, vm0;
	vm12 =	vgt.s32 v16, v5  }
0x52c: {  	s1 =	simm.s32 $0x0;
	s2 =	simm.s32 $0xC0;
	[tilespmem:s0+$0x30] =	vst v18;
	vm9 =	vgt.s32 v15, v5;
	vm10 =	vgt.s32 v17, v5;
	vm7 =	vgt.s32 v19, v5  }
.LBB2_70:
0x52d: {  	v14 =	vld [tilespmem:s2+$0x30];
	s1 =	sadd.s32 $0x8, s1;
	vm2 =	vmor vm11, vm2;
	vm6 =	vmor vm12, vm6;
	vm11 =	vgt.s32 v13, v5  }
0x52e: {  	vm5 =	vmor vm9, vm5;
	vm4 =	vmor vm10, vm4;
	vm3 =	vmor vm8, vm3;
	v13 =	vld [tilespmem:s2+$0xFFFFFFC0];
	p0 =	slt.u32 s1, $0x1860  }
0x52f: {  	vm1 =	vmor vm7, vm1;
	v11 =	vnsel vm2, $0xFF800000, v11;
	vm0 =	vmor vm11, vm0;
	v15 =	vld [tilespmem:s2+$0xFFFFFFD0]  }
0x530: {  	v16 =	vnsel vm4, $0xFF800000, v4;
	[tilespmem:s0+$0xFFFFFFC0] =	vst v11;
	v11 =	vnsel vm6, $0xFF800000, v12;
	v12 =	vnsel vm5, $0xFF800000, v8;
	v8 =	vld [tilespmem:s2+$0xFFFFFFE0]  }
0x531: {  	v17 =	vnsel vm3, $0xFF800000, v7;
	v18 =	vnsel vm1, $0xFF800000, v9;
	v19 =	vnsel vm0, $0xFF800000, v10;
	v4 =	vld [tilespmem:s2+$0xFFFFFFF0];
	[tilespmem:s0+$0xFFFFFFD0] =	vst v11  }
0x532: {  	s25 =	sadd.s32 $0x80, s25;
	v7 =	vld [tilespmem:s2+$0x0];
	v10 =	vxor.u32 $0x7FFFFFFF, v14;
	vm0 =	vlt.s32 v14, $0x0;
	[tilespmem:s0+$0xFFFFFFE0] =	vst v12  }
0x533: {  	s5 =	sadd.s32 $0xFFFFFFA0, s25;
	s6 =	sadd.s32 $0xFFFFFFB0, s25;
	v22 =	vor.u32 s25, v2;
	v20 =	vxor.u32 $0x7FFFFFFF, v13;
	v9 =	vld [tilespmem:s2+$0x10];
	v21 =	vsel vm0, v10, v14;
	[tilespmem:s0+$0xFFFFFFF0] =	vst v16;
	v11 =	vmovc v13  }
0x534: {  	s10 =	sadd.s32 $0xFFFFFFC0, s25;
	s11 =	sadd.s32 $0xFFFFFFD0, s25;
	s13 =	sadd.s32 $0xFFFFFFE0, s25;
	vm2 =	vge.s32 v22, v6;
	vm0 =	vlt.s32 v11, $0x0;
	v10 =	vld [tilespmem:s2+$0x20];
	vm1 =	veq.s32 v21, v5;
	[tilespmem:s0+$0x0] =	vst v17;
	v12 =	vmovc v15  }
0x535: {  	s22 =	sadd.s32 $0xFFFFFF90, s25;
	s26 =	sadd.s32 $0xFFFFFFF0, s25;
	vm3 =	vgt.s32 v21, v5;
	v13 =	vxor.u32 $0x7FFFFFFF, v12;
	vm1 =	vmand vm2, vm1;
	[tilespmem:s0+$0x10] =	vst v18  }
0x536: {  	vm2 =	vlt.s32 v12, $0x0;
	v15 =	vxor.u32 $0x7FFFFFFF, v8;
	vm1 =	vmor vm3, vm1;
	[tilespmem:s0+$0x20] =	vst v19;
	s0 =	smov.u32 s2  }
0x537: {  	vm3 =	vlt.s32 v8, $0x0;
	v16 =	vxor.u32 $0x7FFFFFFF, v4;
	v14 =	vnsel vm1, $0xFF800000, v14  }
0x538: {  	s4 =	simm.s32 $0x18680;
	vm1 =	vlt.s32 v4, $0x0;
	v17 =	vxor.u32 $0x7FFFFFFF, v7;
	vm4 =	vlt.s32 v7, $0x0;
	[tilespmem:s2+$0x30] =	vst v14  }
0x539: {  	v14 =	vxor.u32 $0x7FFFFFFF, v9;
	vm5 =	vlt.s32 v9, $0x0;
	v18 =	vxor.u32 $0x7FFFFFFF, v10  }
0x53a: {  	v19 =	vsel vm0, v20, v11;
	v20 =	vsel vm2, v13, v12;
	vm0 =	vlt.s32 v10, $0x0  }
0x53b: {  	v15 =	vsel vm3, v15, v8;
	v16 =	vsel vm1, v16, v4;
	v17 =	vsel vm4, v17, v7  }
0x53c: {  	v21 =	vor.u32 s22, v2;
	v14 =	vsel vm5, v14, v9;
	v13 =	vsel vm0, v18, v10  }
0x53d: {  	v22 =	vor.u32 s6, v2;
	v23 =	vor.u32 s10, v2;
	v18 =	vor.u32 s5, v2  }
0x53e: {  	v24 =	vor.u32 s11, v2;
	v25 =	vor.u32 s13, v2;
	v26 =	vor.u32 s26, v2  }
0x53f: {  	vm1 =	veq.s32 v20, v5;
	vm3 =	veq.s32 v15, v5;
	vm0 =	veq.s32 v19, v5  }
0x540: {  	vm4 =	veq.s32 v16, v5;
	vm7 =	veq.s32 v17, v5;
	vm8 =	veq.s32 v14, v5  }
0x541: {  	vm2 =	vge.s32 v21, v6;
	vm5 =	vge.s32 v18, v6;
	vm9 =	veq.s32 v13, v5  }
0x542: {  	vm10 =	vge.s32 v22, v6;
	vm11 =	vge.s32 v23, v6;
	vm12 =	vge.s32 v24, v6  }
.Ltmp38:
0x543: {  	vm13 =	vge.s32 v26, v6;
	vm2 =	vmand vm2, vm0;
	vm0 =	vge.s32 v25, v6;
	(pc) =	sbr.rel @p0 .LBB2_70-.Ltmp38, $4  }
0x544: {  	vm4 =	vmand vm11, vm4;
	vm6 =	vmand vm5, vm1;
	vm5 =	vmand vm10, vm3  }
0x545: {  	vm3 =	vmand vm12, vm7;
	vm1 =	vmand vm0, vm8;
	vm0 =	vmand vm13, vm9  }
0x546: {  	vm11 =	vgt.s32 v19, v5;
	vm12 =	vgt.s32 v20, v5;
	vm9 =	vgt.s32 v15, v5  }
0x547: {  	s2 =	sadd.s32 $0x80, s2;
	vm10 =	vgt.s32 v16, v5;
	vm8 =	vgt.s32 v17, v5;
	vm7 =	vgt.s32 v14, v5  }
0x548: {  	vm2 =	vmor vm11, vm2  }
0x549: {  	vm6 =	vmor vm12, vm6;
	v11 =	vnsel vm2, $0xFF800000, v11  }
0x54a: {  	vm13 =	vmor vm9, vm5;
	v63 =	vnsel vm6, $0xFF800000, v12;
	[tilespmem:s0+$0xFFFFFFC0] =	vst v11  }
0x54b: {  	vm4 =	vmor vm10, vm4;
	v8 =	vnsel vm13, $0xFF800000, v8;
	[tilespmem:s0+$0xFFFFFFD0] =	vst v63  }
0x54c: {  	vm14 =	vmor vm8, vm3;
	v4 =	vnsel vm4, $0xFF800000, v4;
	[tilespmem:s0+$0xFFFFFFE0] =	vst v8  }
0x54d: {  	vm15 =	vgt.s32 v13, v5;
	vm1 =	vmor vm7, vm1;
	v7 =	vnsel vm14, $0xFF800000, v7;
	[tilespmem:s0+$0xFFFFFFF0] =	vst v4  }
0x54e: {  	vm0 =	vmor vm15, vm0;
	v4 =	vnsel vm1, $0xFF800000, v9;
	[tilespmem:s0+$0x0] =	vst v7  }
0x54f: {  	v7 =	vnsel vm0, $0xFF800000, v10;
	[tilespmem:s0+$0x10] =	vst v4  }
0x550: {  	[tilespmem:s0+$0x20] =	vst v7;
	s0 =	simm.s32 $0x18680  }
.LBB2_72:
0x551: {  	v4 =	vld [tilespmem:s4+$0x0];
	_ =	sdelay $0x4  }
0x552: {  	v7 =	vxor.u32 $0x7FFFFFFF, v4;
	vm0 =	vlt.s32 v4, $0x0  }
0x553: {  	v8 =	vor.u32 s0, v2;
	p0 =	sne.s32 s0, $0x18690;
	v7 =	vsel vm0, v7, v4  }
.Ltmp39:
0x554: {  	vm1 =	vge.s32 v8, v6;
	vm0 =	veq.s32 v7, v5;
	(pc) =	sbr.rel @p0 .LBB2_72-.Ltmp39, $4  }
0x555: {  	vm2 =	vgt.s32 v7, v5;
	vm0 =	vmand vm1, vm0  }
0x556: {  	vm0 =	vmor vm2, vm0  }
0x557: {  	v4 =	vnsel vm0, $0xFF800000, v4  }
0x558: {  	s0 =	sadd.s32 $0x10, s0;
	[tilespmem:s4+$0x0] =	vst v4;
	s4 =	sadd.s32 $0x10, s4  }
0x559: {  	s23 =	sadd.s32 $0x1, s23  }
0x55a: {  	s0 =	rddreg [dreg:$0x5];
	p0 =	sne.s32 s23, $0x4  }
.Ltmp40:
0x55b: {  	s0 =	sadd.s32 s0, s24;
	(pc) =	sbr.rel @p0 .LBB2_4-.Ltmp40, $4  }
0x55c: {  	[hbm4b:s0+s14] =	stream.strided.scatter [tilespmem:s3], [sflag:$0x1], $0x18700, s15, s14, $0x38;
	[tilespmem:$0x1FA00] =	vst v63  }
0x55d: {  	_ =	swait.ge [sflag:s12], $0x18700  }
0x55e: {  	[sflag:s12] =	ssyncset.done $0x0  }
0x55f: {  	[sflag:s12] =	ssyncadd.s32 $0xFFFE7900  }
0x560: {  	s1 =	rddreg [dreg:$0x7]  }
0x561: {  	s0 =	rddreg [dreg:$0x6];
	s1 =	sadd.s32 $0x1, s1  }
0x562: {  	p0 =	sne.s32 s1, s0  }
.Ltmp41:
0x563: {  	_ = 	snop;
	(pc) =	sbr.rel @p0 .LBB2_1-.Ltmp41, $1  }
0x564: {  	_ =	sdelay $0x3  }
0x565: {  	_ =	sfence.sel $0x180000  }
0x566: {  	[bflag:$0x0] =	sbarrier.arrive $0xFFFF  }
0x567: {  	_ =	strace $0x90000047  }
0x568: {  	s0 =	stileid.u32;
	[bflag:$0x2] =	sbarrier.arrive $0xFFFF  }
0x569: {  	p0 =	sne.s32 s0, $0x0;
	s0 =	rddreg [dreg:$0x3]  }
0x56a: {  	s0 =	sadd.s32 @!p0 $0x100000, s0  }
0x56b: {  	[sflag:s0] =	ssyncadd.tile.s32 @!p0 $0x1;
	_ =	shalt  }
.Lfunc_end2:
_tile_overlayer_lowered:
.L_overlay_start_2:
0x56c: {  	(tag) =	ssettag $0x2  }
0x56d: {  	s0 =	rddreg [dreg:$0x0];
	s2 =	stileid.u32  }
0x56e: {  	s1 =	rddreg [dreg:$0x1];
	p0 =	sne.s32 s2, $0x0  }
0x56f: {  	s3 =	rddreg [dreg:$0x2];
	[bflag:$0x3] =	sbarrier.arrive $0xFFFF;
	s2 =	simm.s32 @!p0 $0x1C01  }
0x570: {  	[timem:s3], [sflag:s2] =	dma.local @!p0 [hbm:s0], s1  }
0x571: {  	s0 =	simm.s32 @!p0 $0x1  }
0x572: {  	_ =	swait.ge @!p0 [sflag:s0], s1  }
0x573: {  	s1 =	ssub.s32 @!p0 $0x0, s1;
	[sflag:s0] =	ssyncset.done @!p0 $0x0  }
0x574: {  	[sflag:s0] =	ssyncadd.s32 @!p0 s1  }
0x575: {  	[bflag:$0x3] =	sbarrier.arrive $0xFFFF  }
0x576: {  	_ =	shalt  }

</sc_bundles>
